<compile_context>
chip_gen: v7x
topology: tpu7x:2x2x1
jax: 0.10.2.dev20260603
libtpu: 0.0.44.dev20260713+nightly
codegen_flags: <defaults>
</compile_context>

<pallas_src>
import functools

import jax
import jax.numpy as jnp
from jax import lax
from jax.experimental import pallas as pl
from jax.experimental.pallas import tpu as pltpu
from jax.experimental.pallas import tpu_sc as plsc

_F = 26
_V1 = 1001
_D = 128
_B = 16384
_R = _B * _F
_NC = 2
_NS = 16
_NW = _NC * _NS
_RPW = _R // _NW
_BPW = _B // _NW
_C = 104
_CB = _C // _F
_NCHUNK = _RPW // _C
_L = 16

_NSLOT = 4
_SC = 2 * _C
_NPAIR = _NCHUNK // 2
_LAGP = 3
_NG = _NPAIR // _NSLOT
_GROUP_SLICES = _NSLOT * _SC // _L

_mesh = plsc.VectorSubcoreMesh(core_axis_name="c", subcore_axis_name="s")


@functools.partial(
    pl.kernel,
    mesh=_mesh,
    out_type=jax.ShapeDtypeStruct((_B, _F * _D), jnp.float32),
    scratch_types=[
        pltpu.VMEM((_RPW,), jnp.int32),
        pltpu.VMEM((_NSLOT * _SC, _D), jnp.float32),
    ] + [pltpu.SemaphoreType.DMA] * (2 * _NSLOT),
)
def _gather_kernel(tab_hbm, lab_hbm, out_hbm, idx_v, big, *sems):
    gsem = sems[:_NSLOT]
    osem = sems[_NSLOT:]

    wid = lax.axis_index("s") * _NC + lax.axis_index("c")
    base = wid * _RPW
    bbase = wid * _BPW
    pltpu.sync_copy(lab_hbm.at[pl.ds(base, _RPW)], idx_v)

    lanes = lax.iota(jnp.int32, _L)

    def compute_idx_group(p):
        for k in range(_GROUP_SLICES):
            off = p * (_NSLOT * _SC) + k * _L
            c = (k * _L) % _F
            v = lanes + c
            field = jnp.where(v >= _F, v - _F, v)
            lv = idx_v[pl.ds(off, _L)]
            idx_v[pl.ds(off, _L)] = (
                field * _V1 + jnp.where(lv == -1, _V1 - 1, lv))

    def gather_copies(k, j):
        lo = pltpu.make_async_copy(
            tab_hbm.at[idx_v.at[pl.ds(2 * k * _C, _C)]],
            big.at[pl.ds(j * _SC, _C)], gsem[j])
        hi = pltpu.make_async_copy(
            tab_hbm.at[idx_v.at[pl.ds((2 * k + 1) * _C, _C)]],
            big.at[pl.ds(j * _SC + _C, _C)], gsem[j])
        return lo, hi

    def out_copy(k, j):
        return pltpu.make_async_copy(
            big.at[pl.ds(j * _SC, _SC)].reshape(2 * _CB, _F * _D),
            out_hbm.at[pl.ds(bbase + k * (2 * _CB), 2 * _CB)], osem[j])

    def start_pair(k, j):
        lo, hi = gather_copies(k, j)
        lo.start()
        hi.start()

    def wait_pair(k, j):
        lo, hi = gather_copies(k, j)
        lo.wait()
        hi.wait()

    compute_idx_group(0)
    for j in range(_NSLOT):
        start_pair(j, j)
        if j >= _LAGP:
            j2 = j - _LAGP
            wait_pair(j2, j2)
            out_copy(j2, j2).start()

    def group_body(p, carry):
        compute_idx_group(p)
        for j in range(_NSLOT):
            k = p * _NSLOT + j
            out_copy(k - _NSLOT, j).wait()
            start_pair(k, j)
            j2 = (j - _LAGP) % _NSLOT
            wait_pair(k - _LAGP, j2)
            out_copy(k - _LAGP, j2).start()
        return carry

    lax.fori_loop(1, _NG, group_body, 0)

    last = _NPAIR - _LAGP
    for i in range(_LAGP):
        k = last + i
        wait_pair(k, k % _NSLOT)
        out_copy(k, k % _NSLOT).start()
    for j in range(_NSLOT):
        out_copy(_NPAIR - _NSLOT + j, j).wait()


def kernel(label, tables):
    lab_flat = label.reshape(_R)
    tab_flat = tables.reshape(_F * _V1, _D)
    return _gather_kernel(tab_flat, lab_flat)

# --- scband reference (transcript-rebuilt; emitter-appended) ---
"""Pipeline reference for scband-condition-encoder-33775622816199 (READ-ONLY COPY).

The authoritative reference and input builder live on the scoring server;
editing this copy changes nothing except your own understanding.
"""

import jax, jax.numpy as jnp
import numpy as np

NUM_FIELDS = 26
ATTR_NUM = [1000] * NUM_FIELDS
EMBED_DIM = 128
BATCH = 16384


def setup_inputs(seed: int = 0) -> dict:
    key = jax.random.key(seed)
    k1, k2 = jax.random.split(key)
    label = jax.random.randint(k1, (BATCH, NUM_FIELDS), 0, 1000, dtype=jnp.int32)
    # Embedding tables: one per field, each (attr_num[i] + 1, embed_dim).
    # All attr_num equal, so stack into a single [F, V+1, D] tensor.
    tables = jax.random.normal(k2, (NUM_FIELDS, ATTR_NUM[0] + 1, EMBED_DIM), dtype=jnp.float32) * 0.02
    return {"label": label, "tables": tables}


def reference(label, tables):
    # Faithful translation of ConditionEncoder.forward with type='1d':
    # for each field i: idx = where(label[:, i] == -1, attr_num[i], label[:, i]);
    # embed via table_i[idx]; concatenate along dim=1.
    outs = []
    for i in range(NUM_FIELDS):
        li = label[:, i]
        idx = jnp.where(li == -1, ATTR_NUM[i], li)
        outs.append(jnp.take(tables[i], idx, axis=0))
    return jnp.concatenate(outs, axis=1)

if __name__ == "__main__":
    import jax
    _d = setup_inputs()
    print(jax.jit(kernel)(*tuple(_d.values())))

</pallas_src>

<mosaic_0001>
#map = affine_map<(d0, d1) -> (0, 0)>
#map1 = affine_map<(d0, d1) -> (0)>
module attributes {stable_mosaic.version = 14 : i64} {
  func.func @_gather_kernel(%arg0: i32, %arg1: i32, %arg2: memref<26026x128xf32, #tpu.memory_space<hbm>>, %arg3: memref<425984xi32, #tpu.memory_space<hbm>>, %arg4: memref<16384x3328xf32, #tpu.memory_space<hbm>>, %arg5: memref<13312xi32, #tpu.memory_space<vmem>>, %arg6: memref<832x128xf32, #tpu.memory_space<vmem>>, %arg7: memref<!tpu.dma_semaphore, #tpu.memory_space<semaphore_mem>>, %arg8: memref<!tpu.dma_semaphore, #tpu.memory_space<semaphore_mem>>, %arg9: memref<!tpu.dma_semaphore, #tpu.memory_space<semaphore_mem>>, %arg10: memref<!tpu.dma_semaphore, #tpu.memory_space<semaphore_mem>>, %arg11: memref<!tpu.dma_semaphore, #tpu.memory_space<semaphore_mem>>, %arg12: memref<!tpu.dma_semaphore, #tpu.memory_space<semaphore_mem>>, %arg13: memref<!tpu.dma_semaphore, #tpu.memory_space<semaphore_mem>>, %arg14: memref<!tpu.dma_semaphore, #tpu.memory_space<semaphore_mem>>) attributes {dimension_semantics = [#tpu.dimension_semantics<core_parallel>, #tpu.dimension_semantics<subcore_parallel>], iteration_bounds = array<i64: 2, 16>, scalar_prefetch = 0 : i64, scratch_operands = 10 : i64, tpu.core_type = #tpu.core_type<sc_vector_subcore>, window_params = [{transform_indices = #map}, {transform_indices = #map1}, {transform_indices = #map}]} {
    %mul3A = arith.constant 2 : i32
    %mul3A_0 = arith.muli %arg1, %mul3A : i32
    %add3A = arith.addi %mul3A_0, %arg0 : i32
    %mul3A_1 = arith.constant 13312 : i32
    %mul3A_2 = arith.muli %add3A, %mul3A_1 : i32
    %mul3A_3 = arith.constant 512 : i32
    %mul3A_4 = arith.muli %add3A, %mul3A_3 : i32
    "tpu.region"() ({
      %run_scoped3A = tpu.sem_alloc : memref<!tpu.dma_semaphore, #tpu.memory_space<semaphore_mem>>
      %dma_start3A_1644 = tpu.memref_slice %arg3[%mul3A_2] : memref<425984xi32, #tpu.memory_space<hbm>> -> memref<13312xi32, #tpu.memory_space<hbm>>
      %dma_start3A_1645 = tpu.memref_slice %arg3[%mul3A_2] : memref<425984xi32, #tpu.memory_space<hbm>> -> memref<13312xi32, #tpu.memory_space<hbm>>
      tpu.enqueue_dma source(%dma_start3A_1645 : memref<13312xi32, #tpu.memory_space<hbm>>) target(%arg5 : memref<13312xi32, #tpu.memory_space<vmem>>) target_semaphore(%run_scoped3A : memref<!tpu.dma_semaphore, #tpu.memory_space<semaphore_mem>>)
      %dma_wait3A_1646 = tpu.memref_slice %arg3[%mul3A_2] : memref<425984xi32, #tpu.memory_space<hbm>> -> memref<13312xi32, #tpu.memory_space<hbm>>
      %dma_wait3A_1647 = tpu.memref_slice %arg3[%mul3A_2] : memref<425984xi32, #tpu.memory_space<hbm>> -> memref<13312xi32, #tpu.memory_space<hbm>>
      tpu.wait_dma2 semaphore(%run_scoped3A : memref<!tpu.dma_semaphore, #tpu.memory_space<semaphore_mem>>) src(%dma_wait3A_1647 : memref<13312xi32, #tpu.memory_space<hbm>>) dst(%arg5 : memref<13312xi32, #tpu.memory_space<vmem>>)
      tpu.yield
    }) : () -> ()
    %iota3A = tpu.iota {dimensions = array<i32: 0>} : vector<16xi32>
    %add3A_5 = arith.constant 0 : i32
    %add3A_6 = vector.broadcast %add3A_5 : i32 to vector<16xi32>
    %add3A_7 = arith.addi %iota3A, %add3A_6 : vector<16xi32>
    %ge3A = arith.constant 26 : i32
    %ge3A_8 = vector.broadcast %ge3A : i32 to vector<16xi32>
    %ge3A_9 = arith.cmpi sge, %add3A_7, %ge3A_8 : vector<16xi32>
    %sub3A = arith.constant 26 : i32
    %sub3A_10 = vector.broadcast %sub3A : i32 to vector<16xi32>
    %sub3A_11 = arith.subi %add3A_7, %sub3A_10 : vector<16xi32>
    %select_n3A = arith.select %ge3A_9, %sub3A_11, %add3A_7 : vector<16xi1>, vector<16xi32>
    %get3A = arith.constant 0 : index
    %get3A_12 = tpu.vector_load %arg5[%get3A] {strides = array<i32>} : memref<13312xi32, #tpu.memory_space<vmem>>, vector<16xi32>,
    %get3A_13 = vector.shape_cast %get3A_12 : vector<16xi32> to vector<16xi32>
    %mul3A_14 = arith.constant 1001 : i32
    %mul3A_15 = vector.broadcast %mul3A_14 : i32 to vector<16xi32>
    %mul3A_16 = arith.muli %select_n3A, %mul3A_15 : vector<16xi32>
    %eq3A = arith.constant -1 : i32
    %eq3A_17 = vector.broadcast %eq3A : i32 to vector<16xi32>
    %eq3A_18 = arith.cmpi eq, %get3A_13, %eq3A_17 : vector<16xi32>
    %jit3A = arith.constant 1000 : i32
    %broadcast_in_dim3A = vector.broadcast %jit3A : i32 to vector<16xi32>
    %select_n3A_19 = arith.select %eq3A_18, %broadcast_in_dim3A, %get3A_13 : vector<16xi1>, vector<16xi32>
    %add3A_20 = arith.addi %mul3A_16, %select_n3A_19 : vector<16xi32>
    %swap3A = arith.constant 0 : index
    %swap3A_21 = tpu.vector_load %arg5[%swap3A] {strides = array<i32>} : memref<13312xi32, #tpu.memory_space<vmem>>, vector<16xi32>,
    %swap3A_22 = vector.shape_cast %swap3A_21 : vector<16xi32> to vector<16xi32>
    %swap3A_23 = vector.shape_cast %add3A_20 : vector<16xi32> to vector<16xi32>
    tpu.vector_store %arg5[%swap3A], %swap3A_23 {strides = array<i32>} : memref<13312xi32, #tpu.memory_space<vmem>>, vector<16xi32>,
    %add3A_24 = arith.constant 16 : i32
    %add3A_25 = vector.broadcast %add3A_24 : i32 to vector<16xi32>
    %add3A_26 = arith.addi %iota3A, %add3A_25 : vector<16xi32>
    %ge3A_27 = arith.constant 26 : i32
    %ge3A_28 = vector.broadcast %ge3A_27 : i32 to vector<16xi32>
    %ge3A_29 = arith.cmpi sge, %add3A_26, %ge3A_28 : vector<16xi32>
    %sub3A_30 = arith.constant 26 : i32
    %sub3A_31 = vector.broadcast %sub3A_30 : i32 to vector<16xi32>
    %sub3A_32 = arith.subi %add3A_26, %sub3A_31 : vector<16xi32>
    %select_n3A_33 = arith.select %ge3A_29, %sub3A_32, %add3A_26 : vector<16xi1>, vector<16xi32>
    %get3A_34 = arith.constant 16 : index
    %get3A_35 = tpu.vector_load %arg5[%get3A_34] {strides = array<i32>} : memref<13312xi32, #tpu.memory_space<vmem>>, vector<16xi32>,
    %get3A_36 = vector.shape_cast %get3A_35 : vector<16xi32> to vector<16xi32>
    %mul3A_37 = arith.constant 1001 : i32
    %mul3A_38 = vector.broadcast %mul3A_37 : i32 to vector<16xi32>
    %mul3A_39 = arith.muli %select_n3A_33, %mul3A_38 : vector<16xi32>
    %eq3A_40 = arith.constant -1 : i32
    %eq3A_41 = vector.broadcast %eq3A_40 : i32 to vector<16xi32>
    %eq3A_42 = arith.cmpi eq, %get3A_36, %eq3A_41 : vector<16xi32>
    %jit3A_43 = arith.constant 1000 : i32
    %broadcast_in_dim3A_44 = vector.broadcast %jit3A_43 : i32 to vector<16xi32>
    %select_n3A_45 = arith.select %eq3A_42, %broadcast_in_dim3A_44, %get3A_36 : vector<16xi1>, vector<16xi32>
    %add3A_46 = arith.addi %mul3A_39, %select_n3A_45 : vector<16xi32>
    %swap3A_47 = arith.constant 16 : index
    %swap3A_48 = tpu.vector_load %arg5[%swap3A_47] {strides = array<i32>} : memref<13312xi32, #tpu.memory_space<vmem>>, vector<16xi32>,
    %swap3A_49 = vector.shape_cast %swap3A_48 : vector<16xi32> to vector<16xi32>
    %swap3A_50 = vector.shape_cast %add3A_46 : vector<16xi32> to vector<16xi32>
    tpu.vector_store %arg5[%swap3A_47], %swap3A_50 {strides = array<i32>} : memref<13312xi32, #tpu.memory_space<vmem>>, vector<16xi32>,
    %add3A_51 = arith.constant 6 : i32
    %add3A_52 = vector.broadcast %add3A_51 : i32 to vector<16xi32>
    %add3A_53 = arith.addi %iota3A, %add3A_52 : vector<16xi32>
    %ge3A_54 = arith.constant 26 : i32
    %ge3A_55 = vector.broadcast %ge3A_54 : i32 to vector<16xi32>
    %ge3A_56 = arith.cmpi sge, %add3A_53, %ge3A_55 : vector<16xi32>
    %sub3A_57 = arith.constant 26 : i32
    %sub3A_58 = vector.broadcast %sub3A_57 : i32 to vector<16xi32>
    %sub3A_59 = arith.subi %add3A_53, %sub3A_58 : vector<16xi32>
    %select_n3A_60 = arith.select %ge3A_56, %sub3A_59, %add3A_53 : vector<16xi1>, vector<16xi32>
    %get3A_61 = arith.constant 32 : index
    %get3A_62 = tpu.vector_load %arg5[%get3A_61] {strides = array<i32>} : memref<13312xi32, #tpu.memory_space<vmem>>, vector<16xi32>,
    %get3A_63 = vector.shape_cast %get3A_62 : vector<16xi32> to vector<16xi32>
    %mul3A_64 = arith.constant 1001 : i32
    %mul3A_65 = vector.broadcast %mul3A_64 : i32 to vector<16xi32>
    %mul3A_66 = arith.muli %select_n3A_60, %mul3A_65 : vector<16xi32>
    %eq3A_67 = arith.constant -1 : i32
    %eq3A_68 = vector.broadcast %eq3A_67 : i32 to vector<16xi32>
    %eq3A_69 = arith.cmpi eq, %get3A_63, %eq3A_68 : vector<16xi32>
    %jit3A_70 = arith.constant 1000 : i32
    %broadcast_in_dim3A_71 = vector.broadcast %jit3A_70 : i32 to vector<16xi32>
    %select_n3A_72 = arith.select %eq3A_69, %broadcast_in_dim3A_71, %get3A_63 : vector<16xi1>, vector<16xi32>
    %add3A_73 = arith.addi %mul3A_66, %select_n3A_72 : vector<16xi32>
    %swap3A_74 = arith.constant 32 : index
    %swap3A_75 = tpu.vector_load %arg5[%swap3A_74] {strides = array<i32>} : memref<13312xi32, #tpu.memory_space<vmem>>, vector<16xi32>,
    %swap3A_76 = vector.shape_cast %swap3A_75 : vector<16xi32> to vector<16xi32>
    %swap3A_77 = vector.shape_cast %add3A_73 : vector<16xi32> to vector<16xi32>
    tpu.vector_store %arg5[%swap3A_74], %swap3A_77 {strides = array<i32>} : memref<13312xi32, #tpu.memory_space<vmem>>, vector<16xi32>,
    %add3A_78 = arith.constant 22 : i32
    %add3A_79 = vector.broadcast %add3A_78 : i32 to vector<16xi32>
    %add3A_80 = arith.addi %iota3A, %add3A_79 : vector<16xi32>
    %ge3A_81 = arith.constant 26 : i32
    %ge3A_82 = vector.broadcast %ge3A_81 : i32 to vector<16xi32>
    %ge3A_83 = arith.cmpi sge, %add3A_80, %ge3A_82 : vector<16xi32>
    %sub3A_84 = arith.constant 26 : i32
    %sub3A_85 = vector.broadcast %sub3A_84 : i32 to vector<16xi32>
    %sub3A_86 = arith.subi %add3A_80, %sub3A_85 : vector<16xi32>
    %select_n3A_87 = arith.select %ge3A_83, %sub3A_86, %add3A_80 : vector<16xi1>, vector<16xi32>
    %get3A_88 = arith.constant 48 : index
    %get3A_89 = tpu.vector_load %arg5[%get3A_88] {strides = array<i32>} : memref<13312xi32, #tpu.memory_space<vmem>>, vector<16xi32>,
    %get3A_90 = vector.shape_cast %get3A_89 : vector<16xi32> to vector<16xi32>
    %mul3A_91 = arith.constant 1001 : i32
    %mul3A_92 = vector.broadcast %mul3A_91 : i32 to vector<16xi32>
    %mul3A_93 = arith.muli %select_n3A_87, %mul3A_92 : vector<16xi32>
    %eq3A_94 = arith.constant -1 : i32
    %eq3A_95 = vector.broadcast %eq3A_94 : i32 to vector<16xi32>
    %eq3A_96 = arith.cmpi eq, %get3A_90, %eq3A_95 : vector<16xi32>
    %jit3A_97 = arith.constant 1000 : i32
    %broadcast_in_dim3A_98 = vector.broadcast %jit3A_97 : i32 to vector<16xi32>
    %select_n3A_99 = arith.select %eq3A_96, %broadcast_in_dim3A_98, %get3A_90 : vector<16xi1>, vector<16xi32>
    %add3A_100 = arith.addi %mul3A_93, %select_n3A_99 : vector<16xi32>
    %swap3A_101 = arith.constant 48 : index
    %swap3A_102 = tpu.vector_load %arg5[%swap3A_101] {strides = array<i32>} : memref<13312xi32, #tpu.memory_space<vmem>>, vector<16xi32>,
    %swap3A_103 = vector.shape_cast %swap3A_102 : vector<16xi32> to vector<16xi32>
    %swap3A_104 = vector.shape_cast %add3A_100 : vector<16xi32> to vector<16xi32>
    tpu.vector_store %arg5[%swap3A_101], %swap3A_104 {strides = array<i32>} : memref<13312xi32, #tpu.memory_space<vmem>>, vector<16xi32>,
    %add3A_105 = arith.constant 12 : i32
    %add3A_106 = vector.broadcast %add3A_105 : i32 to vector<16xi32>
    %add3A_107 = arith.addi %iota3A, %add3A_106 : vector<16xi32>
    %ge3A_108 = arith.constant 26 : i32
    %ge3A_109 = vector.broadcast %ge3A_108 : i32 to vector<16xi32>
    %ge3A_110 = arith.cmpi sge, %add3A_107, %ge3A_109 : vector<16xi32>
    %sub3A_111 = arith.constant 26 : i32
    %sub3A_112 = vector.broadcast %sub3A_111 : i32 to vector<16xi32>
    %sub3A_113 = arith.subi %add3A_107, %sub3A_112 : vector<16xi32>
    %select_n3A_114 = arith.select %ge3A_110, %sub3A_113, %add3A_107 : vector<16xi1>, vector<16xi32>
    %get3A_115 = arith.constant 64 : index
    %get3A_116 = tpu.vector_load %arg5[%get3A_115] {strides = array<i32>} : memref<13312xi32, #tpu.memory_space<vmem>>, vector<16xi32>,
    %get3A_117 = vector.shape_cast %get3A_116 : vector<16xi32> to vector<16xi32>
    %mul3A_118 = arith.constant 1001 : i32
    %mul3A_119 = vector.broadcast %mul3A_118 : i32 to vector<16xi32>
    %mul3A_120 = arith.muli %select_n3A_114, %mul3A_119 : vector<16xi32>
    %eq3A_121 = arith.constant -1 : i32
    %eq3A_122 = vector.broadcast %eq3A_121 : i32 to vector<16xi32>
    %eq3A_123 = arith.cmpi eq, %get3A_117, %eq3A_122 : vector<16xi32>
    %jit3A_124 = arith.constant 1000 : i32
    %broadcast_in_dim3A_125 = vector.broadcast %jit3A_124 : i32 to vector<16xi32>
    %select_n3A_126 = arith.select %eq3A_123, %broadcast_in_dim3A_125, %get3A_117 : vector<16xi1>, vector<16xi32>
    %add3A_127 = arith.addi %mul3A_120, %select_n3A_126 : vector<16xi32>
    %swap3A_128 = arith.constant 64 : index
    %swap3A_129 = tpu.vector_load %arg5[%swap3A_128] {strides = array<i32>} : memref<13312xi32, #tpu.memory_space<vmem>>, vector<16xi32>,
    %swap3A_130 = vector.shape_cast %swap3A_129 : vector<16xi32> to vector<16xi32>
    %swap3A_131 = vector.shape_cast %add3A_127 : vector<16xi32> to vector<16xi32>
    tpu.vector_store %arg5[%swap3A_128], %swap3A_131 {strides = array<i32>} : memref<13312xi32, #tpu.memory_space<vmem>>, vector<16xi32>,
    %add3A_132 = arith.constant 2 : i32
    %add3A_133 = vector.broadcast %add3A_132 : i32 to vector<16xi32>
    %add3A_134 = arith.addi %iota3A, %add3A_133 : vector<16xi32>
    %ge3A_135 = arith.constant 26 : i32
    %ge3A_136 = vector.broadcast %ge3A_135 : i32 to vector<16xi32>
    %ge3A_137 = arith.cmpi sge, %add3A_134, %ge3A_136 : vector<16xi32>
    %sub3A_138 = arith.constant 26 : i32
    %sub3A_139 = vector.broadcast %sub3A_138 : i32 to vector<16xi32>
    %sub3A_140 = arith.subi %add3A_134, %sub3A_139 : vector<16xi32>
    %select_n3A_141 = arith.select %ge3A_137, %sub3A_140, %add3A_134 : vector<16xi1>, vector<16xi32>
    %get3A_142 = arith.constant 80 : index
    %get3A_143 = tpu.vector_load %arg5[%get3A_142] {strides = array<i32>} : memref<13312xi32, #tpu.memory_space<vmem>>, vector<16xi32>,
    %get3A_144 = vector.shape_cast %get3A_143 : vector<16xi32> to vector<16xi32>
    %mul3A_145 = arith.constant 1001 : i32
    %mul3A_146 = vector.broadcast %mul3A_145 : i32 to vector<16xi32>
    %mul3A_147 = arith.muli %select_n3A_141, %mul3A_146 : vector<16xi32>
    %eq3A_148 = arith.constant -1 : i32
    %eq3A_149 = vector.broadcast %eq3A_148 : i32 to vector<16xi32>
    %eq3A_150 = arith.cmpi eq, %get3A_144, %eq3A_149 : vector<16xi32>
    %jit3A_151 = arith.constant 1000 : i32
    %broadcast_in_dim3A_152 = vector.broadcast %jit3A_151 : i32 to vector<16xi32>
    %select_n3A_153 = arith.select %eq3A_150, %broadcast_in_dim3A_152, %get3A_144 : vector<16xi1>, vector<16xi32>
    %add3A_154 = arith.addi %mul3A_147, %select_n3A_153 : vector<16xi32>
    %swap3A_155 = arith.constant 80 : index
    %swap3A_156 = tpu.vector_load %arg5[%swap3A_155] {strides = array<i32>} : memref<13312xi32, #tpu.memory_space<vmem>>, vector<16xi32>,
    %swap3A_157 = vector.shape_cast %swap3A_156 : vector<16xi32> to vector<16xi32>
    %swap3A_158 = vector.shape_cast %add3A_154 : vector<16xi32> to vector<16xi32>
    tpu.vector_store %arg5[%swap3A_155], %swap3A_158 {strides = array<i32>} : memref<13312xi32, #tpu.memory_space<vmem>>, vector<16xi32>,
    %add3A_159 = arith.constant 18 : i32
    %add3A_160 = vector.broadcast %add3A_159 : i32 to vector<16xi32>
    %add3A_161 = arith.addi %iota3A, %add3A_160 : vector<16xi32>
    %ge3A_162 = arith.constant 26 : i32
    %ge3A_163 = vector.broadcast %ge3A_162 : i32 to vector<16xi32>
    %ge3A_164 = arith.cmpi sge, %add3A_161, %ge3A_163 : vector<16xi32>
    %sub3A_165 = arith.constant 26 : i32
    %sub3A_166 = vector.broadcast %sub3A_165 : i32 to vector<16xi32>
    %sub3A_167 = arith.subi %add3A_161, %sub3A_166 : vector<16xi32>
    %select_n3A_168 = arith.select %ge3A_164, %sub3A_167, %add3A_161 : vector<16xi1>, vector<16xi32>
    %get3A_169 = arith.constant 96 : index
    %get3A_170 = tpu.vector_load %arg5[%get3A_169] {strides = array<i32>} : memref<13312xi32, #tpu.memory_space<vmem>>, vector<16xi32>,
    %get3A_171 = vector.shape_cast %get3A_170 : vector<16xi32> to vector<16xi32>
    %mul3A_172 = arith.constant 1001 : i32
    %mul3A_173 = vector.broadcast %mul3A_172 : i32 to vector<16xi32>
    %mul3A_174 = arith.muli %select_n3A_168, %mul3A_173 : vector<16xi32>
    %eq3A_175 = arith.constant -1 : i32
    %eq3A_176 = vector.broadcast %eq3A_175 : i32 to vector<16xi32>
    %eq3A_177 = arith.cmpi eq, %get3A_171, %eq3A_176 : vector<16xi32>
    %jit3A_178 = arith.constant 1000 : i32
    %broadcast_in_dim3A_179 = vector.broadcast %jit3A_178 : i32 to vector<16xi32>
    %select_n3A_180 = arith.select %eq3A_177, %broadcast_in_dim3A_179, %get3A_171 : vector<16xi1>, vector<16xi32>
    %add3A_181 = arith.addi %mul3A_174, %select_n3A_180 : vector<16xi32>
    %swap3A_182 = arith.constant 96 : index
    %swap3A_183 = tpu.vector_load %arg5[%swap3A_182] {strides = array<i32>} : memref<13312xi32, #tpu.memory_space<vmem>>, vector<16xi32>,
    %swap3A_184 = vector.shape_cast %swap3A_183 : vector<16xi32> to vector<16xi32>
    %swap3A_185 = vector.shape_cast %add3A_181 : vector<16xi32> to vector<16xi32>
    tpu.vector_store %arg5[%swap3A_182], %swap3A_185 {strides = array<i32>} : memref<13312xi32, #tpu.memory_space<vmem>>, vector<16xi32>,
    %add3A_186 = arith.constant 8 : i32
    %add3A_187 = vector.broadcast %add3A_186 : i32 to vector<16xi32>
    %add3A_188 = arith.addi %iota3A, %add3A_187 : vector<16xi32>
    %ge3A_189 = arith.constant 26 : i32
    %ge3A_190 = vector.broadcast %ge3A_189 : i32 to vector<16xi32>
    %ge3A_191 = arith.cmpi sge, %add3A_188, %ge3A_190 : vector<16xi32>
    %sub3A_192 = arith.constant 26 : i32
    %sub3A_193 = vector.broadcast %sub3A_192 : i32 to vector<16xi32>
    %sub3A_194 = arith.subi %add3A_188, %sub3A_193 : vector<16xi32>
    %select_n3A_195 = arith.select %ge3A_191, %sub3A_194, %add3A_188 : vector<16xi1>, vector<16xi32>
    %get3A_196 = arith.constant 112 : index
    %get3A_197 = tpu.vector_load %arg5[%get3A_196] {strides = array<i32>} : memref<13312xi32, #tpu.memory_space<vmem>>, vector<16xi32>,
    %get3A_198 = vector.shape_cast %get3A_197 : vector<16xi32> to vector<16xi32>
    %mul3A_199 = arith.constant 1001 : i32
    %mul3A_200 = vector.broadcast %mul3A_199 : i32 to vector<16xi32>
    %mul3A_201 = arith.muli %select_n3A_195, %mul3A_200 : vector<16xi32>
    %eq3A_202 = arith.constant -1 : i32
    %eq3A_203 = vector.broadcast %eq3A_202 : i32 to vector<16xi32>
    %eq3A_204 = arith.cmpi eq, %get3A_198, %eq3A_203 : vector<16xi32>
    %jit3A_205 = arith.constant 1000 : i32
    %broadcast_in_dim3A_206 = vector.broadcast %jit3A_205 : i32 to vector<16xi32>
    %select_n3A_207 = arith.select %eq3A_204, %broadcast_in_dim3A_206, %get3A_198 : vector<16xi1>, vector<16xi32>
    %add3A_208 = arith.addi %mul3A_201, %select_n3A_207 : vector<16xi32>
    %swap3A_209 = arith.constant 112 : index
    %swap3A_210 = tpu.vector_load %arg5[%swap3A_209] {strides = array<i32>} : memref<13312xi32, #tpu.memory_space<vmem>>, vector<16xi32>,
    %swap3A_211 = vector.shape_cast %swap3A_210 : vector<16xi32> to vector<16xi32>
    %swap3A_212 = vector.shape_cast %add3A_208 : vector<16xi32> to vector<16xi32>
    tpu.vector_store %arg5[%swap3A_209], %swap3A_212 {strides = array<i32>} : memref<13312xi32, #tpu.memory_space<vmem>>, vector<16xi32>,
    %add3A_213 = arith.constant 24 : i32
    %add3A_214 = vector.broadcast %add3A_213 : i32 to vector<16xi32>
    %add3A_215 = arith.addi %iota3A, %add3A_214 : vector<16xi32>
    %ge3A_216 = arith.constant 26 : i32
    %ge3A_217 = vector.broadcast %ge3A_216 : i32 to vector<16xi32>
    %ge3A_218 = arith.cmpi sge, %add3A_215, %ge3A_217 : vector<16xi32>
    %sub3A_219 = arith.constant 26 : i32
    %sub3A_220 = vector.broadcast %sub3A_219 : i32 to vector<16xi32>
    %sub3A_221 = arith.subi %add3A_215, %sub3A_220 : vector<16xi32>
    %select_n3A_222 = arith.select %ge3A_218, %sub3A_221, %add3A_215 : vector<16xi1>, vector<16xi32>
    %get3A_223 = arith.constant 128 : index
    %get3A_224 = tpu.vector_load %arg5[%get3A_223] {strides = array<i32>} : memref<13312xi32, #tpu.memory_space<vmem>>, vector<16xi32>,
    %get3A_225 = vector.shape_cast %get3A_224 : vector<16xi32> to vector<16xi32>
    %mul3A_226 = arith.constant 1001 : i32
    %mul3A_227 = vector.broadcast %mul3A_226 : i32 to vector<16xi32>
    %mul3A_228 = arith.muli %select_n3A_222, %mul3A_227 : vector<16xi32>
    %eq3A_229 = arith.constant -1 : i32
    %eq3A_230 = vector.broadcast %eq3A_229 : i32 to vector<16xi32>
    %eq3A_231 = arith.cmpi eq, %get3A_225, %eq3A_230 : vector<16xi32>
    %jit3A_232 = arith.constant 1000 : i32
    %broadcast_in_dim3A_233 = vector.broadcast %jit3A_232 : i32 to vector<16xi32>
    %select_n3A_234 = arith.select %eq3A_231, %broadcast_in_dim3A_233, %get3A_225 : vector<16xi1>, vector<16xi32>
    %add3A_235 = arith.addi %mul3A_228, %select_n3A_234 : vector<16xi32>
    %swap3A_236 = arith.constant 128 : index
    %swap3A_237 = tpu.vector_load %arg5[%swap3A_236] {strides = array<i32>} : memref<13312xi32, #tpu.memory_space<vmem>>, vector<16xi32>,
    %swap3A_238 = vector.shape_cast %swap3A_237 : vector<16xi32> to vector<16xi32>
    %swap3A_239 = vector.shape_cast %add3A_235 : vector<16xi32> to vector<16xi32>
    tpu.vector_store %arg5[%swap3A_236], %swap3A_239 {strides = array<i32>} : memref<13312xi32, #tpu.memory_space<vmem>>, vector<16xi32>,
    %add3A_240 = arith.constant 14 : i32
    %add3A_241 = vector.broadcast %add3A_240 : i32 to vector<16xi32>
    %add3A_242 = arith.addi %iota3A, %add3A_241 : vector<16xi32>
    %ge3A_243 = arith.constant 26 : i32
    %ge3A_244 = vector.broadcast %ge3A_243 : i32 to vector<16xi32>
    %ge3A_245 = arith.cmpi sge, %add3A_242, %ge3A_244 : vector<16xi32>
    %sub3A_246 = arith.constant 26 : i32
    %sub3A_247 = vector.broadcast %sub3A_246 : i32 to vector<16xi32>
    %sub3A_248 = arith.subi %add3A_242, %sub3A_247 : vector<16xi32>
    %select_n3A_249 = arith.select %ge3A_245, %sub3A_248, %add3A_242 : vector<16xi1>, vector<16xi32>
    %get3A_250 = arith.constant 144 : index
    %get3A_251 = tpu.vector_load %arg5[%get3A_250] {strides = array<i32>} : memref<13312xi32, #tpu.memory_space<vmem>>, vector<16xi32>,
    %get3A_252 = vector.shape_cast %get3A_251 : vector<16xi32> to vector<16xi32>
    %mul3A_253 = arith.constant 1001 : i32
    %mul3A_254 = vector.broadcast %mul3A_253 : i32 to vector<16xi32>
    %mul3A_255 = arith.muli %select_n3A_249, %mul3A_254 : vector<16xi32>
    %eq3A_256 = arith.constant -1 : i32
    %eq3A_257 = vector.broadcast %eq3A_256 : i32 to vector<16xi32>
    %eq3A_258 = arith.cmpi eq, %get3A_252, %eq3A_257 : vector<16xi32>
    %jit3A_259 = arith.constant 1000 : i32
    %broadcast_in_dim3A_260 = vector.broadcast %jit3A_259 : i32 to vector<16xi32>
    %select_n3A_261 = arith.select %eq3A_258, %broadcast_in_dim3A_260, %get3A_252 : vector<16xi1>, vector<16xi32>
    %add3A_262 = arith.addi %mul3A_255, %select_n3A_261 : vector<16xi32>
    %swap3A_263 = arith.constant 144 : index
    %swap3A_264 = tpu.vector_load %arg5[%swap3A_263] {strides = array<i32>} : memref<13312xi32, #tpu.memory_space<vmem>>, vector<16xi32>,
    %swap3A_265 = vector.shape_cast %swap3A_264 : vector<16xi32> to vector<16xi32>
    %swap3A_266 = vector.shape_cast %add3A_262 : vector<16xi32> to vector<16xi32>
    tpu.vector_store %arg5[%swap3A_263], %swap3A_266 {strides = array<i32>} : memref<13312xi32, #tpu.memory_space<vmem>>, vector<16xi32>,
    %add3A_267 = arith.constant 4 : i32
    %add3A_268 = vector.broadcast %add3A_267 : i32 to vector<16xi32>
    %add3A_269 = arith.addi %iota3A, %add3A_268 : vector<16xi32>
    %ge3A_270 = arith.constant 26 : i32
    %ge3A_271 = vector.broadcast %ge3A_270 : i32 to vector<16xi32>
    %ge3A_272 = arith.cmpi sge, %add3A_269, %ge3A_271 : vector<16xi32>
    %sub3A_273 = arith.constant 26 : i32
    %sub3A_274 = vector.broadcast %sub3A_273 : i32 to vector<16xi32>
    %sub3A_275 = arith.subi %add3A_269, %sub3A_274 : vector<16xi32>
    %select_n3A_276 = arith.select %ge3A_272, %sub3A_275, %add3A_269 : vector<16xi1>, vector<16xi32>
    %get3A_277 = arith.constant 160 : index
    %get3A_278 = tpu.vector_load %arg5[%get3A_277] {strides = array<i32>} : memref<13312xi32, #tpu.memory_space<vmem>>, vector<16xi32>,
    %get3A_279 = vector.shape_cast %get3A_278 : vector<16xi32> to vector<16xi32>
    %mul3A_280 = arith.constant 1001 : i32
    %mul3A_281 = vector.broadcast %mul3A_280 : i32 to vector<16xi32>
    %mul3A_282 = arith.muli %select_n3A_276, %mul3A_281 : vector<16xi32>
    %eq3A_283 = arith.constant -1 : i32
    %eq3A_284 = vector.broadcast %eq3A_283 : i32 to vector<16xi32>
    %eq3A_285 = arith.cmpi eq, %get3A_279, %eq3A_284 : vector<16xi32>
    %jit3A_286 = arith.constant 1000 : i32
    %broadcast_in_dim3A_287 = vector.broadcast %jit3A_286 : i32 to vector<16xi32>
    %select_n3A_288 = arith.select %eq3A_285, %broadcast_in_dim3A_287, %get3A_279 : vector<16xi1>, vector<16xi32>
    %add3A_289 = arith.addi %mul3A_282, %select_n3A_288 : vector<16xi32>
    %swap3A_290 = arith.constant 160 : index
    %swap3A_291 = tpu.vector_load %arg5[%swap3A_290] {strides = array<i32>} : memref<13312xi32, #tpu.memory_space<vmem>>, vector<16xi32>,
    %swap3A_292 = vector.shape_cast %swap3A_291 : vector<16xi32> to vector<16xi32>
    %swap3A_293 = vector.shape_cast %add3A_289 : vector<16xi32> to vector<16xi32>
    tpu.vector_store %arg5[%swap3A_290], %swap3A_293 {strides = array<i32>} : memref<13312xi32, #tpu.memory_space<vmem>>, vector<16xi32>,
    %add3A_294 = arith.constant 20 : i32
    %add3A_295 = vector.broadcast %add3A_294 : i32 to vector<16xi32>
    %add3A_296 = arith.addi %iota3A, %add3A_295 : vector<16xi32>
    %ge3A_297 = arith.constant 26 : i32
    %ge3A_298 = vector.broadcast %ge3A_297 : i32 to vector<16xi32>
    %ge3A_299 = arith.cmpi sge, %add3A_296, %ge3A_298 : vector<16xi32>
    %sub3A_300 = arith.constant 26 : i32
    %sub3A_301 = vector.broadcast %sub3A_300 : i32 to vector<16xi32>
    %sub3A_302 = arith.subi %add3A_296, %sub3A_301 : vector<16xi32>
    %select_n3A_303 = arith.select %ge3A_299, %sub3A_302, %add3A_296 : vector<16xi1>, vector<16xi32>
    %get3A_304 = arith.constant 176 : index
    %get3A_305 = tpu.vector_load %arg5[%get3A_304] {strides = array<i32>} : memref<13312xi32, #tpu.memory_space<vmem>>, vector<16xi32>,
    %get3A_306 = vector.shape_cast %get3A_305 : vector<16xi32> to vector<16xi32>
    %mul3A_307 = arith.constant 1001 : i32
    %mul3A_308 = vector.broadcast %mul3A_307 : i32 to vector<16xi32>
    %mul3A_309 = arith.muli %select_n3A_303, %mul3A_308 : vector<16xi32>
    %eq3A_310 = arith.constant -1 : i32
    %eq3A_311 = vector.broadcast %eq3A_310 : i32 to vector<16xi32>
    %eq3A_312 = arith.cmpi eq, %get3A_306, %eq3A_311 : vector<16xi32>
    %jit3A_313 = arith.constant 1000 : i32
    %broadcast_in_dim3A_314 = vector.broadcast %jit3A_313 : i32 to vector<16xi32>
    %select_n3A_315 = arith.select %eq3A_312, %broadcast_in_dim3A_314, %get3A_306 : vector<16xi1>, vector<16xi32>
    %add3A_316 = arith.addi %mul3A_309, %select_n3A_315 : vector<16xi32>
    %swap3A_317 = arith.constant 176 : index
    %swap3A_318 = tpu.vector_load %arg5[%swap3A_317] {strides = array<i32>} : memref<13312xi32, #tpu.memory_space<vmem>>, vector<16xi32>,
    %swap3A_319 = vector.shape_cast %swap3A_318 : vector<16xi32> to vector<16xi32>
    %swap3A_320 = vector.shape_cast %add3A_316 : vector<16xi32> to vector<16xi32>
    tpu.vector_store %arg5[%swap3A_317], %swap3A_320 {strides = array<i32>} : memref<13312xi32, #tpu.memory_space<vmem>>, vector<16xi32>,
    %add3A_321 = arith.constant 10 : i32
    %add3A_322 = vector.broadcast %add3A_321 : i32 to vector<16xi32>
    %add3A_323 = arith.addi %iota3A, %add3A_322 : vector<16xi32>
    %ge3A_324 = arith.constant 26 : i32
    %ge3A_325 = vector.broadcast %ge3A_324 : i32 to vector<16xi32>
    %ge3A_326 = arith.cmpi sge, %add3A_323, %ge3A_325 : vector<16xi32>
    %sub3A_327 = arith.constant 26 : i32
    %sub3A_328 = vector.broadcast %sub3A_327 : i32 to vector<16xi32>
    %sub3A_329 = arith.subi %add3A_323, %sub3A_328 : vector<16xi32>
    %select_n3A_330 = arith.select %ge3A_326, %sub3A_329, %add3A_323 : vector<16xi1>, vector<16xi32>
    %get3A_331 = arith.constant 192 : index
    %get3A_332 = tpu.vector_load %arg5[%get3A_331] {strides = array<i32>} : memref<13312xi32, #tpu.memory_space<vmem>>, vector<16xi32>,
    %get3A_333 = vector.shape_cast %get3A_332 : vector<16xi32> to vector<16xi32>
    %mul3A_334 = arith.constant 1001 : i32
    %mul3A_335 = vector.broadcast %mul3A_334 : i32 to vector<16xi32>
    %mul3A_336 = arith.muli %select_n3A_330, %mul3A_335 : vector<16xi32>
    %eq3A_337 = arith.constant -1 : i32
    %eq3A_338 = vector.broadcast %eq3A_337 : i32 to vector<16xi32>
    %eq3A_339 = arith.cmpi eq, %get3A_333, %eq3A_338 : vector<16xi32>
    %jit3A_340 = arith.constant 1000 : i32
    %broadcast_in_dim3A_341 = vector.broadcast %jit3A_340 : i32 to vector<16xi32>
    %select_n3A_342 = arith.select %eq3A_339, %broadcast_in_dim3A_341, %get3A_333 : vector<16xi1>, vector<16xi32>
    %add3A_343 = arith.addi %mul3A_336, %select_n3A_342 : vector<16xi32>
    %swap3A_344 = arith.constant 192 : index
    %swap3A_345 = tpu.vector_load %arg5[%swap3A_344] {strides = array<i32>} : memref<13312xi32, #tpu.memory_space<vmem>>, vector<16xi32>,
    %swap3A_346 = vector.shape_cast %swap3A_345 : vector<16xi32> to vector<16xi32>
    %swap3A_347 = vector.shape_cast %add3A_343 : vector<16xi32> to vector<16xi32>
    tpu.vector_store %arg5[%swap3A_344], %swap3A_347 {strides = array<i32>} : memref<13312xi32, #tpu.memory_space<vmem>>, vector<16xi32>,
    %add3A_348 = arith.constant 0 : i32
    %add3A_349 = vector.broadcast %add3A_348 : i32 to vector<16xi32>
    %add3A_350 = arith.addi %iota3A, %add3A_349 : vector<16xi32>
    %ge3A_351 = arith.constant 26 : i32
    %ge3A_352 = vector.broadcast %ge3A_351 : i32 to vector<16xi32>
    %ge3A_353 = arith.cmpi sge, %add3A_350, %ge3A_352 : vector<16xi32>
    %sub3A_354 = arith.constant 26 : i32
    %sub3A_355 = vector.broadcast %sub3A_354 : i32 to vector<16xi32>
    %sub3A_356 = arith.subi %add3A_350, %sub3A_355 : vector<16xi32>
    %select_n3A_357 = arith.select %ge3A_353, %sub3A_356, %add3A_350 : vector<16xi1>, vector<16xi32>
    %get3A_358 = arith.constant 208 : index
    %get3A_359 = tpu.vector_load %arg5[%get3A_358] {strides = array<i32>} : memref<13312xi32, #tpu.memory_space<vmem>>, vector<16xi32>,
    %get3A_360 = vector.shape_cast %get3A_359 : vector<16xi32> to vector<16xi32>
    %mul3A_361 = arith.constant 1001 : i32
    %mul3A_362 = vector.broadcast %mul3A_361 : i32 to vector<16xi32>
    %mul3A_363 = arith.muli %select_n3A_357, %mul3A_362 : vector<16xi32>
    %eq3A_364 = arith.constant -1 : i32
    %eq3A_365 = vector.broadcast %eq3A_364 : i32 to vector<16xi32>
    %eq3A_366 = arith.cmpi eq, %get3A_360, %eq3A_365 : vector<16xi32>
    %jit3A_367 = arith.constant 1000 : i32
    %broadcast_in_dim3A_368 = vector.broadcast %jit3A_367 : i32 to vector<16xi32>
    %select_n3A_369 = arith.select %eq3A_366, %broadcast_in_dim3A_368, %get3A_360 : vector<16xi1>, vector<16xi32>
    %add3A_370 = arith.addi %mul3A_363, %select_n3A_369 : vector<16xi32>
    %swap3A_371 = arith.constant 208 : index
    %swap3A_372 = tpu.vector_load %arg5[%swap3A_371] {strides = array<i32>} : memref<13312xi32, #tpu.memory_space<vmem>>, vector<16xi32>,
    %swap3A_373 = vector.shape_cast %swap3A_372 : vector<16xi32> to vector<16xi32>
    %swap3A_374 = vector.shape_cast %add3A_370 : vector<16xi32> to vector<16xi32>
    tpu.vector_store %arg5[%swap3A_371], %swap3A_374 {strides = array<i32>} : memref<13312xi32, #tpu.memory_space<vmem>>, vector<16xi32>,
    %add3A_375 = arith.constant 16 : i32
    %add3A_376 = vector.broadcast %add3A_375 : i32 to vector<16xi32>
    %add3A_377 = arith.addi %iota3A, %add3A_376 : vector<16xi32>
    %ge3A_378 = arith.constant 26 : i32
    %ge3A_379 = vector.broadcast %ge3A_378 : i32 to vector<16xi32>
    %ge3A_380 = arith.cmpi sge, %add3A_377, %ge3A_379 : vector<16xi32>
    %sub3A_381 = arith.constant 26 : i32
    %sub3A_382 = vector.broadcast %sub3A_381 : i32 to vector<16xi32>
    %sub3A_383 = arith.subi %add3A_377, %sub3A_382 : vector<16xi32>
    %select_n3A_384 = arith.select %ge3A_380, %sub3A_383, %add3A_377 : vector<16xi1>, vector<16xi32>
    %get3A_385 = arith.constant 224 : index
    %get3A_386 = tpu.vector_load %arg5[%get3A_385] {strides = array<i32>} : memref<13312xi32, #tpu.memory_space<vmem>>, vector<16xi32>,
    %get3A_387 = vector.shape_cast %get3A_386 : vector<16xi32> to vector<16xi32>
    %mul3A_388 = arith.constant 1001 : i32
    %mul3A_389 = vector.broadcast %mul3A_388 : i32 to vector<16xi32>
    %mul3A_390 = arith.muli %select_n3A_384, %mul3A_389 : vector<16xi32>
    %eq3A_391 = arith.constant -1 : i32
    %eq3A_392 = vector.broadcast %eq3A_391 : i32 to vector<16xi32>
    %eq3A_393 = arith.cmpi eq, %get3A_387, %eq3A_392 : vector<16xi32>
    %jit3A_394 = arith.constant 1000 : i32
    %broadcast_in_dim3A_395 = vector.broadcast %jit3A_394 : i32 to vector<16xi32>
    %select_n3A_396 = arith.select %eq3A_393, %broadcast_in_dim3A_395, %get3A_387 : vector<16xi1>, vector<16xi32>
    %add3A_397 = arith.addi %mul3A_390, %select_n3A_396 : vector<16xi32>
    %swap3A_398 = arith.constant 224 : index
    %swap3A_399 = tpu.vector_load %arg5[%swap3A_398] {strides = array<i32>} : memref<13312xi32, #tpu.memory_space<vmem>>, vector<16xi32>,
    %swap3A_400 = vector.shape_cast %swap3A_399 : vector<16xi32> to vector<16xi32>
    %swap3A_401 = vector.shape_cast %add3A_397 : vector<16xi32> to vector<16xi32>
    tpu.vector_store %arg5[%swap3A_398], %swap3A_401 {strides = array<i32>} : memref<13312xi32, #tpu.memory_space<vmem>>, vector<16xi32>,
    %add3A_402 = arith.constant 6 : i32
    %add3A_403 = vector.broadcast %add3A_402 : i32 to vector<16xi32>
    %add3A_404 = arith.addi %iota3A, %add3A_403 : vector<16xi32>
    %ge3A_405 = arith.constant 26 : i32
    %ge3A_406 = vector.broadcast %ge3A_405 : i32 to vector<16xi32>
    %ge3A_407 = arith.cmpi sge, %add3A_404, %ge3A_406 : vector<16xi32>
    %sub3A_408 = arith.constant 26 : i32
    %sub3A_409 = vector.broadcast %sub3A_408 : i32 to vector<16xi32>
    %sub3A_410 = arith.subi %add3A_404, %sub3A_409 : vector<16xi32>
    %select_n3A_411 = arith.select %ge3A_407, %sub3A_410, %add3A_404 : vector<16xi1>, vector<16xi32>
    %get3A_412 = arith.constant 240 : index
    %get3A_413 = tpu.vector_load %arg5[%get3A_412] {strides = array<i32>} : memref<13312xi32, #tpu.memory_space<vmem>>, vector<16xi32>,
    %get3A_414 = vector.shape_cast %get3A_413 : vector<16xi32> to vector<16xi32>
    %mul3A_415 = arith.constant 1001 : i32
    %mul3A_416 = vector.broadcast %mul3A_415 : i32 to vector<16xi32>
    %mul3A_417 = arith.muli %select_n3A_411, %mul3A_416 : vector<16xi32>
    %eq3A_418 = arith.constant -1 : i32
    %eq3A_419 = vector.broadcast %eq3A_418 : i32 to vector<16xi32>
    %eq3A_420 = arith.cmpi eq, %get3A_414, %eq3A_419 : vector<16xi32>
    %jit3A_421 = arith.constant 1000 : i32
    %broadcast_in_dim3A_422 = vector.broadcast %jit3A_421 : i32 to vector<16xi32>
    %select_n3A_423 = arith.select %eq3A_420, %broadcast_in_dim3A_422, %get3A_414 : vector<16xi1>, vector<16xi32>
    %add3A_424 = arith.addi %mul3A_417, %select_n3A_423 : vector<16xi32>
    %swap3A_425 = arith.constant 240 : index
    %swap3A_426 = tpu.vector_load %arg5[%swap3A_425] {strides = array<i32>} : memref<13312xi32, #tpu.memory_space<vmem>>, vector<16xi32>,
    %swap3A_427 = vector.shape_cast %swap3A_426 : vector<16xi32> to vector<16xi32>
    %swap3A_428 = vector.shape_cast %add3A_424 : vector<16xi32> to vector<16xi32>
    tpu.vector_store %arg5[%swap3A_425], %swap3A_428 {strides = array<i32>} : memref<13312xi32, #tpu.memory_space<vmem>>, vector<16xi32>,
    %add3A_429 = arith.constant 22 : i32
    %add3A_430 = vector.broadcast %add3A_429 : i32 to vector<16xi32>
    %add3A_431 = arith.addi %iota3A, %add3A_430 : vector<16xi32>
    %ge3A_432 = arith.constant 26 : i32
    %ge3A_433 = vector.broadcast %ge3A_432 : i32 to vector<16xi32>
    %ge3A_434 = arith.cmpi sge, %add3A_431, %ge3A_433 : vector<16xi32>
    %sub3A_435 = arith.constant 26 : i32
    %sub3A_436 = vector.broadcast %sub3A_435 : i32 to vector<16xi32>
    %sub3A_437 = arith.subi %add3A_431, %sub3A_436 : vector<16xi32>
    %select_n3A_438 = arith.select %ge3A_434, %sub3A_437, %add3A_431 : vector<16xi1>, vector<16xi32>
    %get3A_439 = arith.constant 256 : index
    %get3A_440 = tpu.vector_load %arg5[%get3A_439] {strides = array<i32>} : memref<13312xi32, #tpu.memory_space<vmem>>, vector<16xi32>,
    %get3A_441 = vector.shape_cast %get3A_440 : vector<16xi32> to vector<16xi32>
    %mul3A_442 = arith.constant 1001 : i32
    %mul3A_443 = vector.broadcast %mul3A_442 : i32 to vector<16xi32>
    %mul3A_444 = arith.muli %select_n3A_438, %mul3A_443 : vector<16xi32>
    %eq3A_445 = arith.constant -1 : i32
    %eq3A_446 = vector.broadcast %eq3A_445 : i32 to vector<16xi32>
    %eq3A_447 = arith.cmpi eq, %get3A_441, %eq3A_446 : vector<16xi32>
    %jit3A_448 = arith.constant 1000 : i32
    %broadcast_in_dim3A_449 = vector.broadcast %jit3A_448 : i32 to vector<16xi32>
    %select_n3A_450 = arith.select %eq3A_447, %broadcast_in_dim3A_449, %get3A_441 : vector<16xi1>, vector<16xi32>
    %add3A_451 = arith.addi %mul3A_444, %select_n3A_450 : vector<16xi32>
    %swap3A_452 = arith.constant 256 : index
    %swap3A_453 = tpu.vector_load %arg5[%swap3A_452] {strides = array<i32>} : memref<13312xi32, #tpu.memory_space<vmem>>, vector<16xi32>,
    %swap3A_454 = vector.shape_cast %swap3A_453 : vector<16xi32> to vector<16xi32>
    %swap3A_455 = vector.shape_cast %add3A_451 : vector<16xi32> to vector<16xi32>
    tpu.vector_store %arg5[%swap3A_452], %swap3A_455 {strides = array<i32>} : memref<13312xi32, #tpu.memory_space<vmem>>, vector<16xi32>,
    %add3A_456 = arith.constant 12 : i32
    %add3A_457 = vector.broadcast %add3A_456 : i32 to vector<16xi32>
    %add3A_458 = arith.addi %iota3A, %add3A_457 : vector<16xi32>
    %ge3A_459 = arith.constant 26 : i32
    %ge3A_460 = vector.broadcast %ge3A_459 : i32 to vector<16xi32>
    %ge3A_461 = arith.cmpi sge, %add3A_458, %ge3A_460 : vector<16xi32>
    %sub3A_462 = arith.constant 26 : i32
    %sub3A_463 = vector.broadcast %sub3A_462 : i32 to vector<16xi32>
    %sub3A_464 = arith.subi %add3A_458, %sub3A_463 : vector<16xi32>
    %select_n3A_465 = arith.select %ge3A_461, %sub3A_464, %add3A_458 : vector<16xi1>, vector<16xi32>
    %get3A_466 = arith.constant 272 : index
    %get3A_467 = tpu.vector_load %arg5[%get3A_466] {strides = array<i32>} : memref<13312xi32, #tpu.memory_space<vmem>>, vector<16xi32>,
    %get3A_468 = vector.shape_cast %get3A_467 : vector<16xi32> to vector<16xi32>
    %mul3A_469 = arith.constant 1001 : i32
    %mul3A_470 = vector.broadcast %mul3A_469 : i32 to vector<16xi32>
    %mul3A_471 = arith.muli %select_n3A_465, %mul3A_470 : vector<16xi32>
    %eq3A_472 = arith.constant -1 : i32
    %eq3A_473 = vector.broadcast %eq3A_472 : i32 to vector<16xi32>
    %eq3A_474 = arith.cmpi eq, %get3A_468, %eq3A_473 : vector<16xi32>
    %jit3A_475 = arith.constant 1000 : i32
    %broadcast_in_dim3A_476 = vector.broadcast %jit3A_475 : i32 to vector<16xi32>
    %select_n3A_477 = arith.select %eq3A_474, %broadcast_in_dim3A_476, %get3A_468 : vector<16xi1>, vector<16xi32>
    %add3A_478 = arith.addi %mul3A_471, %select_n3A_477 : vector<16xi32>
    %swap3A_479 = arith.constant 272 : index
    %swap3A_480 = tpu.vector_load %arg5[%swap3A_479] {strides = array<i32>} : memref<13312xi32, #tpu.memory_space<vmem>>, vector<16xi32>,
    %swap3A_481 = vector.shape_cast %swap3A_480 : vector<16xi32> to vector<16xi32>
    %swap3A_482 = vector.shape_cast %add3A_478 : vector<16xi32> to vector<16xi32>
    tpu.vector_store %arg5[%swap3A_479], %swap3A_482 {strides = array<i32>} : memref<13312xi32, #tpu.memory_space<vmem>>, vector<16xi32>,
    %add3A_483 = arith.constant 2 : i32
    %add3A_484 = vector.broadcast %add3A_483 : i32 to vector<16xi32>
    %add3A_485 = arith.addi %iota3A, %add3A_484 : vector<16xi32>
    %ge3A_486 = arith.constant 26 : i32
    %ge3A_487 = vector.broadcast %ge3A_486 : i32 to vector<16xi32>
    %ge3A_488 = arith.cmpi sge, %add3A_485, %ge3A_487 : vector<16xi32>
    %sub3A_489 = arith.constant 26 : i32
    %sub3A_490 = vector.broadcast %sub3A_489 : i32 to vector<16xi32>
    %sub3A_491 = arith.subi %add3A_485, %sub3A_490 : vector<16xi32>
    %select_n3A_492 = arith.select %ge3A_488, %sub3A_491, %add3A_485 : vector<16xi1>, vector<16xi32>
    %get3A_493 = arith.constant 288 : index
    %get3A_494 = tpu.vector_load %arg5[%get3A_493] {strides = array<i32>} : memref<13312xi32, #tpu.memory_space<vmem>>, vector<16xi32>,
    %get3A_495 = vector.shape_cast %get3A_494 : vector<16xi32> to vector<16xi32>
    %mul3A_496 = arith.constant 1001 : i32
    %mul3A_497 = vector.broadcast %mul3A_496 : i32 to vector<16xi32>
    %mul3A_498 = arith.muli %select_n3A_492, %mul3A_497 : vector<16xi32>
    %eq3A_499 = arith.constant -1 : i32
    %eq3A_500 = vector.broadcast %eq3A_499 : i32 to vector<16xi32>
    %eq3A_501 = arith.cmpi eq, %get3A_495, %eq3A_500 : vector<16xi32>
    %jit3A_502 = arith.constant 1000 : i32
    %broadcast_in_dim3A_503 = vector.broadcast %jit3A_502 : i32 to vector<16xi32>
    %select_n3A_504 = arith.select %eq3A_501, %broadcast_in_dim3A_503, %get3A_495 : vector<16xi1>, vector<16xi32>
    %add3A_505 = arith.addi %mul3A_498, %select_n3A_504 : vector<16xi32>
    %swap3A_506 = arith.constant 288 : index
    %swap3A_507 = tpu.vector_load %arg5[%swap3A_506] {strides = array<i32>} : memref<13312xi32, #tpu.memory_space<vmem>>, vector<16xi32>,
    %swap3A_508 = vector.shape_cast %swap3A_507 : vector<16xi32> to vector<16xi32>
    %swap3A_509 = vector.shape_cast %add3A_505 : vector<16xi32> to vector<16xi32>
    tpu.vector_store %arg5[%swap3A_506], %swap3A_509 {strides = array<i32>} : memref<13312xi32, #tpu.memory_space<vmem>>, vector<16xi32>,
    %add3A_510 = arith.constant 18 : i32
    %add3A_511 = vector.broadcast %add3A_510 : i32 to vector<16xi32>
    %add3A_512 = arith.addi %iota3A, %add3A_511 : vector<16xi32>
    %ge3A_513 = arith.constant 26 : i32
    %ge3A_514 = vector.broadcast %ge3A_513 : i32 to vector<16xi32>
    %ge3A_515 = arith.cmpi sge, %add3A_512, %ge3A_514 : vector<16xi32>
    %sub3A_516 = arith.constant 26 : i32
    %sub3A_517 = vector.broadcast %sub3A_516 : i32 to vector<16xi32>
    %sub3A_518 = arith.subi %add3A_512, %sub3A_517 : vector<16xi32>
    %select_n3A_519 = arith.select %ge3A_515, %sub3A_518, %add3A_512 : vector<16xi1>, vector<16xi32>
    %get3A_520 = arith.constant 304 : index
    %get3A_521 = tpu.vector_load %arg5[%get3A_520] {strides = array<i32>} : memref<13312xi32, #tpu.memory_space<vmem>>, vector<16xi32>,
    %get3A_522 = vector.shape_cast %get3A_521 : vector<16xi32> to vector<16xi32>
    %mul3A_523 = arith.constant 1001 : i32
    %mul3A_524 = vector.broadcast %mul3A_523 : i32 to vector<16xi32>
    %mul3A_525 = arith.muli %select_n3A_519, %mul3A_524 : vector<16xi32>
    %eq3A_526 = arith.constant -1 : i32
    %eq3A_527 = vector.broadcast %eq3A_526 : i32 to vector<16xi32>
    %eq3A_528 = arith.cmpi eq, %get3A_522, %eq3A_527 : vector<16xi32>
    %jit3A_529 = arith.constant 1000 : i32
    %broadcast_in_dim3A_530 = vector.broadcast %jit3A_529 : i32 to vector<16xi32>
    %select_n3A_531 = arith.select %eq3A_528, %broadcast_in_dim3A_530, %get3A_522 : vector<16xi1>, vector<16xi32>
    %add3A_532 = arith.addi %mul3A_525, %select_n3A_531 : vector<16xi32>
    %swap3A_533 = arith.constant 304 : index
    %swap3A_534 = tpu.vector_load %arg5[%swap3A_533] {strides = array<i32>} : memref<13312xi32, #tpu.memory_space<vmem>>, vector<16xi32>,
    %swap3A_535 = vector.shape_cast %swap3A_534 : vector<16xi32> to vector<16xi32>
    %swap3A_536 = vector.shape_cast %add3A_532 : vector<16xi32> to vector<16xi32>
    tpu.vector_store %arg5[%swap3A_533], %swap3A_536 {strides = array<i32>} : memref<13312xi32, #tpu.memory_space<vmem>>, vector<16xi32>,
    %add3A_537 = arith.constant 8 : i32
    %add3A_538 = vector.broadcast %add3A_537 : i32 to vector<16xi32>
    %add3A_539 = arith.addi %iota3A, %add3A_538 : vector<16xi32>
    %ge3A_540 = arith.constant 26 : i32
    %ge3A_541 = vector.broadcast %ge3A_540 : i32 to vector<16xi32>
    %ge3A_542 = arith.cmpi sge, %add3A_539, %ge3A_541 : vector<16xi32>
    %sub3A_543 = arith.constant 26 : i32
    %sub3A_544 = vector.broadcast %sub3A_543 : i32 to vector<16xi32>
    %sub3A_545 = arith.subi %add3A_539, %sub3A_544 : vector<16xi32>
    %select_n3A_546 = arith.select %ge3A_542, %sub3A_545, %add3A_539 : vector<16xi1>, vector<16xi32>
    %get3A_547 = arith.constant 320 : index
    %get3A_548 = tpu.vector_load %arg5[%get3A_547] {strides = array<i32>} : memref<13312xi32, #tpu.memory_space<vmem>>, vector<16xi32>,
    %get3A_549 = vector.shape_cast %get3A_548 : vector<16xi32> to vector<16xi32>
    %mul3A_550 = arith.constant 1001 : i32
    %mul3A_551 = vector.broadcast %mul3A_550 : i32 to vector<16xi32>
    %mul3A_552 = arith.muli %select_n3A_546, %mul3A_551 : vector<16xi32>
    %eq3A_553 = arith.constant -1 : i32
    %eq3A_554 = vector.broadcast %eq3A_553 : i32 to vector<16xi32>
    %eq3A_555 = arith.cmpi eq, %get3A_549, %eq3A_554 : vector<16xi32>
    %jit3A_556 = arith.constant 1000 : i32
    %broadcast_in_dim3A_557 = vector.broadcast %jit3A_556 : i32 to vector<16xi32>
    %select_n3A_558 = arith.select %eq3A_555, %broadcast_in_dim3A_557, %get3A_549 : vector<16xi1>, vector<16xi32>
    %add3A_559 = arith.addi %mul3A_552, %select_n3A_558 : vector<16xi32>
    %swap3A_560 = arith.constant 320 : index
    %swap3A_561 = tpu.vector_load %arg5[%swap3A_560] {strides = array<i32>} : memref<13312xi32, #tpu.memory_space<vmem>>, vector<16xi32>,
    %swap3A_562 = vector.shape_cast %swap3A_561 : vector<16xi32> to vector<16xi32>
    %swap3A_563 = vector.shape_cast %add3A_559 : vector<16xi32> to vector<16xi32>
    tpu.vector_store %arg5[%swap3A_560], %swap3A_563 {strides = array<i32>} : memref<13312xi32, #tpu.memory_space<vmem>>, vector<16xi32>,
    %add3A_564 = arith.constant 24 : i32
    %add3A_565 = vector.broadcast %add3A_564 : i32 to vector<16xi32>
    %add3A_566 = arith.addi %iota3A, %add3A_565 : vector<16xi32>
    %ge3A_567 = arith.constant 26 : i32
    %ge3A_568 = vector.broadcast %ge3A_567 : i32 to vector<16xi32>
    %ge3A_569 = arith.cmpi sge, %add3A_566, %ge3A_568 : vector<16xi32>
    %sub3A_570 = arith.constant 26 : i32
    %sub3A_571 = vector.broadcast %sub3A_570 : i32 to vector<16xi32>
    %sub3A_572 = arith.subi %add3A_566, %sub3A_571 : vector<16xi32>
    %select_n3A_573 = arith.select %ge3A_569, %sub3A_572, %add3A_566 : vector<16xi1>, vector<16xi32>
    %get3A_574 = arith.constant 336 : index
    %get3A_575 = tpu.vector_load %arg5[%get3A_574] {strides = array<i32>} : memref<13312xi32, #tpu.memory_space<vmem>>, vector<16xi32>,
    %get3A_576 = vector.shape_cast %get3A_575 : vector<16xi32> to vector<16xi32>
    %mul3A_577 = arith.constant 1001 : i32
    %mul3A_578 = vector.broadcast %mul3A_577 : i32 to vector<16xi32>
    %mul3A_579 = arith.muli %select_n3A_573, %mul3A_578 : vector<16xi32>
    %eq3A_580 = arith.constant -1 : i32
    %eq3A_581 = vector.broadcast %eq3A_580 : i32 to vector<16xi32>
    %eq3A_582 = arith.cmpi eq, %get3A_576, %eq3A_581 : vector<16xi32>
    %jit3A_583 = arith.constant 1000 : i32
    %broadcast_in_dim3A_584 = vector.broadcast %jit3A_583 : i32 to vector<16xi32>
    %select_n3A_585 = arith.select %eq3A_582, %broadcast_in_dim3A_584, %get3A_576 : vector<16xi1>, vector<16xi32>
    %add3A_586 = arith.addi %mul3A_579, %select_n3A_585 : vector<16xi32>
    %swap3A_587 = arith.constant 336 : index
    %swap3A_588 = tpu.vector_load %arg5[%swap3A_587] {strides = array<i32>} : memref<13312xi32, #tpu.memory_space<vmem>>, vector<16xi32>,
    %swap3A_589 = vector.shape_cast %swap3A_588 : vector<16xi32> to vector<16xi32>
    %swap3A_590 = vector.shape_cast %add3A_586 : vector<16xi32> to vector<16xi32>
    tpu.vector_store %arg5[%swap3A_587], %swap3A_590 {strides = array<i32>} : memref<13312xi32, #tpu.memory_space<vmem>>, vector<16xi32>,
    %add3A_591 = arith.constant 14 : i32
    %add3A_592 = vector.broadcast %add3A_591 : i32 to vector<16xi32>
    %add3A_593 = arith.addi %iota3A, %add3A_592 : vector<16xi32>
    %ge3A_594 = arith.constant 26 : i32
    %ge3A_595 = vector.broadcast %ge3A_594 : i32 to vector<16xi32>
    %ge3A_596 = arith.cmpi sge, %add3A_593, %ge3A_595 : vector<16xi32>
    %sub3A_597 = arith.constant 26 : i32
    %sub3A_598 = vector.broadcast %sub3A_597 : i32 to vector<16xi32>
    %sub3A_599 = arith.subi %add3A_593, %sub3A_598 : vector<16xi32>
    %select_n3A_600 = arith.select %ge3A_596, %sub3A_599, %add3A_593 : vector<16xi1>, vector<16xi32>
    %get3A_601 = arith.constant 352 : index
    %get3A_602 = tpu.vector_load %arg5[%get3A_601] {strides = array<i32>} : memref<13312xi32, #tpu.memory_space<vmem>>, vector<16xi32>,
    %get3A_603 = vector.shape_cast %get3A_602 : vector<16xi32> to vector<16xi32>
    %mul3A_604 = arith.constant 1001 : i32
    %mul3A_605 = vector.broadcast %mul3A_604 : i32 to vector<16xi32>
    %mul3A_606 = arith.muli %select_n3A_600, %mul3A_605 : vector<16xi32>
    %eq3A_607 = arith.constant -1 : i32
    %eq3A_608 = vector.broadcast %eq3A_607 : i32 to vector<16xi32>
    %eq3A_609 = arith.cmpi eq, %get3A_603, %eq3A_608 : vector<16xi32>
    %jit3A_610 = arith.constant 1000 : i32
    %broadcast_in_dim3A_611 = vector.broadcast %jit3A_610 : i32 to vector<16xi32>
    %select_n3A_612 = arith.select %eq3A_609, %broadcast_in_dim3A_611, %get3A_603 : vector<16xi1>, vector<16xi32>
    %add3A_613 = arith.addi %mul3A_606, %select_n3A_612 : vector<16xi32>
    %swap3A_614 = arith.constant 352 : index
    %swap3A_615 = tpu.vector_load %arg5[%swap3A_614] {strides = array<i32>} : memref<13312xi32, #tpu.memory_space<vmem>>, vector<16xi32>,
    %swap3A_616 = vector.shape_cast %swap3A_615 : vector<16xi32> to vector<16xi32>
    %swap3A_617 = vector.shape_cast %add3A_613 : vector<16xi32> to vector<16xi32>
    tpu.vector_store %arg5[%swap3A_614], %swap3A_617 {strides = array<i32>} : memref<13312xi32, #tpu.memory_space<vmem>>, vector<16xi32>,
    %add3A_618 = arith.constant 4 : i32
    %add3A_619 = vector.broadcast %add3A_618 : i32 to vector<16xi32>
    %add3A_620 = arith.addi %iota3A, %add3A_619 : vector<16xi32>
    %ge3A_621 = arith.constant 26 : i32
    %ge3A_622 = vector.broadcast %ge3A_621 : i32 to vector<16xi32>
    %ge3A_623 = arith.cmpi sge, %add3A_620, %ge3A_622 : vector<16xi32>
    %sub3A_624 = arith.constant 26 : i32
    %sub3A_625 = vector.broadcast %sub3A_624 : i32 to vector<16xi32>
    %sub3A_626 = arith.subi %add3A_620, %sub3A_625 : vector<16xi32>
    %select_n3A_627 = arith.select %ge3A_623, %sub3A_626, %add3A_620 : vector<16xi1>, vector<16xi32>
    %get3A_628 = arith.constant 368 : index
    %get3A_629 = tpu.vector_load %arg5[%get3A_628] {strides = array<i32>} : memref<13312xi32, #tpu.memory_space<vmem>>, vector<16xi32>,
    %get3A_630 = vector.shape_cast %get3A_629 : vector<16xi32> to vector<16xi32>
    %mul3A_631 = arith.constant 1001 : i32
    %mul3A_632 = vector.broadcast %mul3A_631 : i32 to vector<16xi32>
    %mul3A_633 = arith.muli %select_n3A_627, %mul3A_632 : vector<16xi32>
    %eq3A_634 = arith.constant -1 : i32
    %eq3A_635 = vector.broadcast %eq3A_634 : i32 to vector<16xi32>
    %eq3A_636 = arith.cmpi eq, %get3A_630, %eq3A_635 : vector<16xi32>
    %jit3A_637 = arith.constant 1000 : i32
    %broadcast_in_dim3A_638 = vector.broadcast %jit3A_637 : i32 to vector<16xi32>
    %select_n3A_639 = arith.select %eq3A_636, %broadcast_in_dim3A_638, %get3A_630 : vector<16xi1>, vector<16xi32>
    %add3A_640 = arith.addi %mul3A_633, %select_n3A_639 : vector<16xi32>
    %swap3A_641 = arith.constant 368 : index
    %swap3A_642 = tpu.vector_load %arg5[%swap3A_641] {strides = array<i32>} : memref<13312xi32, #tpu.memory_space<vmem>>, vector<16xi32>,
    %swap3A_643 = vector.shape_cast %swap3A_642 : vector<16xi32> to vector<16xi32>
    %swap3A_644 = vector.shape_cast %add3A_640 : vector<16xi32> to vector<16xi32>
    tpu.vector_store %arg5[%swap3A_641], %swap3A_644 {strides = array<i32>} : memref<13312xi32, #tpu.memory_space<vmem>>, vector<16xi32>,
    %add3A_645 = arith.constant 20 : i32
    %add3A_646 = vector.broadcast %add3A_645 : i32 to vector<16xi32>
    %add3A_647 = arith.addi %iota3A, %add3A_646 : vector<16xi32>
    %ge3A_648 = arith.constant 26 : i32
    %ge3A_649 = vector.broadcast %ge3A_648 : i32 to vector<16xi32>
    %ge3A_650 = arith.cmpi sge, %add3A_647, %ge3A_649 : vector<16xi32>
    %sub3A_651 = arith.constant 26 : i32
    %sub3A_652 = vector.broadcast %sub3A_651 : i32 to vector<16xi32>
    %sub3A_653 = arith.subi %add3A_647, %sub3A_652 : vector<16xi32>
    %select_n3A_654 = arith.select %ge3A_650, %sub3A_653, %add3A_647 : vector<16xi1>, vector<16xi32>
    %get3A_655 = arith.constant 384 : index
    %get3A_656 = tpu.vector_load %arg5[%get3A_655] {strides = array<i32>} : memref<13312xi32, #tpu.memory_space<vmem>>, vector<16xi32>,
    %get3A_657 = vector.shape_cast %get3A_656 : vector<16xi32> to vector<16xi32>
    %mul3A_658 = arith.constant 1001 : i32
    %mul3A_659 = vector.broadcast %mul3A_658 : i32 to vector<16xi32>
    %mul3A_660 = arith.muli %select_n3A_654, %mul3A_659 : vector<16xi32>
    %eq3A_661 = arith.constant -1 : i32
    %eq3A_662 = vector.broadcast %eq3A_661 : i32 to vector<16xi32>
    %eq3A_663 = arith.cmpi eq, %get3A_657, %eq3A_662 : vector<16xi32>
    %jit3A_664 = arith.constant 1000 : i32
    %broadcast_in_dim3A_665 = vector.broadcast %jit3A_664 : i32 to vector<16xi32>
    %select_n3A_666 = arith.select %eq3A_663, %broadcast_in_dim3A_665, %get3A_657 : vector<16xi1>, vector<16xi32>
    %add3A_667 = arith.addi %mul3A_660, %select_n3A_666 : vector<16xi32>
    %swap3A_668 = arith.constant 384 : index
    %swap3A_669 = tpu.vector_load %arg5[%swap3A_668] {strides = array<i32>} : memref<13312xi32, #tpu.memory_space<vmem>>, vector<16xi32>,
    %swap3A_670 = vector.shape_cast %swap3A_669 : vector<16xi32> to vector<16xi32>
    %swap3A_671 = vector.shape_cast %add3A_667 : vector<16xi32> to vector<16xi32>
    tpu.vector_store %arg5[%swap3A_668], %swap3A_671 {strides = array<i32>} : memref<13312xi32, #tpu.memory_space<vmem>>, vector<16xi32>,
    %add3A_672 = arith.constant 10 : i32
    %add3A_673 = vector.broadcast %add3A_672 : i32 to vector<16xi32>
    %add3A_674 = arith.addi %iota3A, %add3A_673 : vector<16xi32>
    %ge3A_675 = arith.constant 26 : i32
    %ge3A_676 = vector.broadcast %ge3A_675 : i32 to vector<16xi32>
    %ge3A_677 = arith.cmpi sge, %add3A_674, %ge3A_676 : vector<16xi32>
    %sub3A_678 = arith.constant 26 : i32
    %sub3A_679 = vector.broadcast %sub3A_678 : i32 to vector<16xi32>
    %sub3A_680 = arith.subi %add3A_674, %sub3A_679 : vector<16xi32>
    %select_n3A_681 = arith.select %ge3A_677, %sub3A_680, %add3A_674 : vector<16xi1>, vector<16xi32>
    %get3A_682 = arith.constant 400 : index
    %get3A_683 = tpu.vector_load %arg5[%get3A_682] {strides = array<i32>} : memref<13312xi32, #tpu.memory_space<vmem>>, vector<16xi32>,
    %get3A_684 = vector.shape_cast %get3A_683 : vector<16xi32> to vector<16xi32>
    %mul3A_685 = arith.constant 1001 : i32
    %mul3A_686 = vector.broadcast %mul3A_685 : i32 to vector<16xi32>
    %mul3A_687 = arith.muli %select_n3A_681, %mul3A_686 : vector<16xi32>
    %eq3A_688 = arith.constant -1 : i32
    %eq3A_689 = vector.broadcast %eq3A_688 : i32 to vector<16xi32>
    %eq3A_690 = arith.cmpi eq, %get3A_684, %eq3A_689 : vector<16xi32>
    %jit3A_691 = arith.constant 1000 : i32
    %broadcast_in_dim3A_692 = vector.broadcast %jit3A_691 : i32 to vector<16xi32>
    %select_n3A_693 = arith.select %eq3A_690, %broadcast_in_dim3A_692, %get3A_684 : vector<16xi1>, vector<16xi32>
    %add3A_694 = arith.addi %mul3A_687, %select_n3A_693 : vector<16xi32>
    %swap3A_695 = arith.constant 400 : index
    %swap3A_696 = tpu.vector_load %arg5[%swap3A_695] {strides = array<i32>} : memref<13312xi32, #tpu.memory_space<vmem>>, vector<16xi32>,
    %swap3A_697 = vector.shape_cast %swap3A_696 : vector<16xi32> to vector<16xi32>
    %swap3A_698 = vector.shape_cast %add3A_694 : vector<16xi32> to vector<16xi32>
    tpu.vector_store %arg5[%swap3A_695], %swap3A_698 {strides = array<i32>} : memref<13312xi32, #tpu.memory_space<vmem>>, vector<16xi32>,
    %add3A_699 = arith.constant 0 : i32
    %add3A_700 = vector.broadcast %add3A_699 : i32 to vector<16xi32>
    %add3A_701 = arith.addi %iota3A, %add3A_700 : vector<16xi32>
    %ge3A_702 = arith.constant 26 : i32
    %ge3A_703 = vector.broadcast %ge3A_702 : i32 to vector<16xi32>
    %ge3A_704 = arith.cmpi sge, %add3A_701, %ge3A_703 : vector<16xi32>
    %sub3A_705 = arith.constant 26 : i32
    %sub3A_706 = vector.broadcast %sub3A_705 : i32 to vector<16xi32>
    %sub3A_707 = arith.subi %add3A_701, %sub3A_706 : vector<16xi32>
    %select_n3A_708 = arith.select %ge3A_704, %sub3A_707, %add3A_701 : vector<16xi1>, vector<16xi32>
    %get3A_709 = arith.constant 416 : index
    %get3A_710 = tpu.vector_load %arg5[%get3A_709] {strides = array<i32>} : memref<13312xi32, #tpu.memory_space<vmem>>, vector<16xi32>,
    %get3A_711 = vector.shape_cast %get3A_710 : vector<16xi32> to vector<16xi32>
    %mul3A_712 = arith.constant 1001 : i32
    %mul3A_713 = vector.broadcast %mul3A_712 : i32 to vector<16xi32>
    %mul3A_714 = arith.muli %select_n3A_708, %mul3A_713 : vector<16xi32>
    %eq3A_715 = arith.constant -1 : i32
    %eq3A_716 = vector.broadcast %eq3A_715 : i32 to vector<16xi32>
    %eq3A_717 = arith.cmpi eq, %get3A_711, %eq3A_716 : vector<16xi32>
    %jit3A_718 = arith.constant 1000 : i32
    %broadcast_in_dim3A_719 = vector.broadcast %jit3A_718 : i32 to vector<16xi32>
    %select_n3A_720 = arith.select %eq3A_717, %broadcast_in_dim3A_719, %get3A_711 : vector<16xi1>, vector<16xi32>
    %add3A_721 = arith.addi %mul3A_714, %select_n3A_720 : vector<16xi32>
    %swap3A_722 = arith.constant 416 : index
    %swap3A_723 = tpu.vector_load %arg5[%swap3A_722] {strides = array<i32>} : memref<13312xi32, #tpu.memory_space<vmem>>, vector<16xi32>,
    %swap3A_724 = vector.shape_cast %swap3A_723 : vector<16xi32> to vector<16xi32>
    %swap3A_725 = vector.shape_cast %add3A_721 : vector<16xi32> to vector<16xi32>
    tpu.vector_store %arg5[%swap3A_722], %swap3A_725 {strides = array<i32>} : memref<13312xi32, #tpu.memory_space<vmem>>, vector<16xi32>,
    %add3A_726 = arith.constant 16 : i32
    %add3A_727 = vector.broadcast %add3A_726 : i32 to vector<16xi32>
    %add3A_728 = arith.addi %iota3A, %add3A_727 : vector<16xi32>
    %ge3A_729 = arith.constant 26 : i32
    %ge3A_730 = vector.broadcast %ge3A_729 : i32 to vector<16xi32>
    %ge3A_731 = arith.cmpi sge, %add3A_728, %ge3A_730 : vector<16xi32>
    %sub3A_732 = arith.constant 26 : i32
    %sub3A_733 = vector.broadcast %sub3A_732 : i32 to vector<16xi32>
    %sub3A_734 = arith.subi %add3A_728, %sub3A_733 : vector<16xi32>
    %select_n3A_735 = arith.select %ge3A_731, %sub3A_734, %add3A_728 : vector<16xi1>, vector<16xi32>
    %get3A_736 = arith.constant 432 : index
    %get3A_737 = tpu.vector_load %arg5[%get3A_736] {strides = array<i32>} : memref<13312xi32, #tpu.memory_space<vmem>>, vector<16xi32>,
    %get3A_738 = vector.shape_cast %get3A_737 : vector<16xi32> to vector<16xi32>
    %mul3A_739 = arith.constant 1001 : i32
    %mul3A_740 = vector.broadcast %mul3A_739 : i32 to vector<16xi32>
    %mul3A_741 = arith.muli %select_n3A_735, %mul3A_740 : vector<16xi32>
    %eq3A_742 = arith.constant -1 : i32
    %eq3A_743 = vector.broadcast %eq3A_742 : i32 to vector<16xi32>
    %eq3A_744 = arith.cmpi eq, %get3A_738, %eq3A_743 : vector<16xi32>
    %jit3A_745 = arith.constant 1000 : i32
    %broadcast_in_dim3A_746 = vector.broadcast %jit3A_745 : i32 to vector<16xi32>
    %select_n3A_747 = arith.select %eq3A_744, %broadcast_in_dim3A_746, %get3A_738 : vector<16xi1>, vector<16xi32>
    %add3A_748 = arith.addi %mul3A_741, %select_n3A_747 : vector<16xi32>
    %swap3A_749 = arith.constant 432 : index
    %swap3A_750 = tpu.vector_load %arg5[%swap3A_749] {strides = array<i32>} : memref<13312xi32, #tpu.memory_space<vmem>>, vector<16xi32>,
    %swap3A_751 = vector.shape_cast %swap3A_750 : vector<16xi32> to vector<16xi32>
    %swap3A_752 = vector.shape_cast %add3A_748 : vector<16xi32> to vector<16xi32>
    tpu.vector_store %arg5[%swap3A_749], %swap3A_752 {strides = array<i32>} : memref<13312xi32, #tpu.memory_space<vmem>>, vector<16xi32>,
    %add3A_753 = arith.constant 6 : i32
    %add3A_754 = vector.broadcast %add3A_753 : i32 to vector<16xi32>
    %add3A_755 = arith.addi %iota3A, %add3A_754 : vector<16xi32>
    %ge3A_756 = arith.constant 26 : i32
    %ge3A_757 = vector.broadcast %ge3A_756 : i32 to vector<16xi32>
    %ge3A_758 = arith.cmpi sge, %add3A_755, %ge3A_757 : vector<16xi32>
    %sub3A_759 = arith.constant 26 : i32
    %sub3A_760 = vector.broadcast %sub3A_759 : i32 to vector<16xi32>
    %sub3A_761 = arith.subi %add3A_755, %sub3A_760 : vector<16xi32>
    %select_n3A_762 = arith.select %ge3A_758, %sub3A_761, %add3A_755 : vector<16xi1>, vector<16xi32>
    %get3A_763 = arith.constant 448 : index
    %get3A_764 = tpu.vector_load %arg5[%get3A_763] {strides = array<i32>} : memref<13312xi32, #tpu.memory_space<vmem>>, vector<16xi32>,
    %get3A_765 = vector.shape_cast %get3A_764 : vector<16xi32> to vector<16xi32>
    %mul3A_766 = arith.constant 1001 : i32
    %mul3A_767 = vector.broadcast %mul3A_766 : i32 to vector<16xi32>
    %mul3A_768 = arith.muli %select_n3A_762, %mul3A_767 : vector<16xi32>
    %eq3A_769 = arith.constant -1 : i32
    %eq3A_770 = vector.broadcast %eq3A_769 : i32 to vector<16xi32>
    %eq3A_771 = arith.cmpi eq, %get3A_765, %eq3A_770 : vector<16xi32>
    %jit3A_772 = arith.constant 1000 : i32
    %broadcast_in_dim3A_773 = vector.broadcast %jit3A_772 : i32 to vector<16xi32>
    %select_n3A_774 = arith.select %eq3A_771, %broadcast_in_dim3A_773, %get3A_765 : vector<16xi1>, vector<16xi32>
    %add3A_775 = arith.addi %mul3A_768, %select_n3A_774 : vector<16xi32>
    %swap3A_776 = arith.constant 448 : index
    %swap3A_777 = tpu.vector_load %arg5[%swap3A_776] {strides = array<i32>} : memref<13312xi32, #tpu.memory_space<vmem>>, vector<16xi32>,
    %swap3A_778 = vector.shape_cast %swap3A_777 : vector<16xi32> to vector<16xi32>
    %swap3A_779 = vector.shape_cast %add3A_775 : vector<16xi32> to vector<16xi32>
    tpu.vector_store %arg5[%swap3A_776], %swap3A_779 {strides = array<i32>} : memref<13312xi32, #tpu.memory_space<vmem>>, vector<16xi32>,
    %add3A_780 = arith.constant 22 : i32
    %add3A_781 = vector.broadcast %add3A_780 : i32 to vector<16xi32>
    %add3A_782 = arith.addi %iota3A, %add3A_781 : vector<16xi32>
    %ge3A_783 = arith.constant 26 : i32
    %ge3A_784 = vector.broadcast %ge3A_783 : i32 to vector<16xi32>
    %ge3A_785 = arith.cmpi sge, %add3A_782, %ge3A_784 : vector<16xi32>
    %sub3A_786 = arith.constant 26 : i32
    %sub3A_787 = vector.broadcast %sub3A_786 : i32 to vector<16xi32>
    %sub3A_788 = arith.subi %add3A_782, %sub3A_787 : vector<16xi32>
    %select_n3A_789 = arith.select %ge3A_785, %sub3A_788, %add3A_782 : vector<16xi1>, vector<16xi32>
    %get3A_790 = arith.constant 464 : index
    %get3A_791 = tpu.vector_load %arg5[%get3A_790] {strides = array<i32>} : memref<13312xi32, #tpu.memory_space<vmem>>, vector<16xi32>,
    %get3A_792 = vector.shape_cast %get3A_791 : vector<16xi32> to vector<16xi32>
    %mul3A_793 = arith.constant 1001 : i32
    %mul3A_794 = vector.broadcast %mul3A_793 : i32 to vector<16xi32>
    %mul3A_795 = arith.muli %select_n3A_789, %mul3A_794 : vector<16xi32>
    %eq3A_796 = arith.constant -1 : i32
    %eq3A_797 = vector.broadcast %eq3A_796 : i32 to vector<16xi32>
    %eq3A_798 = arith.cmpi eq, %get3A_792, %eq3A_797 : vector<16xi32>
    %jit3A_799 = arith.constant 1000 : i32
    %broadcast_in_dim3A_800 = vector.broadcast %jit3A_799 : i32 to vector<16xi32>
    %select_n3A_801 = arith.select %eq3A_798, %broadcast_in_dim3A_800, %get3A_792 : vector<16xi1>, vector<16xi32>
    %add3A_802 = arith.addi %mul3A_795, %select_n3A_801 : vector<16xi32>
    %swap3A_803 = arith.constant 464 : index
    %swap3A_804 = tpu.vector_load %arg5[%swap3A_803] {strides = array<i32>} : memref<13312xi32, #tpu.memory_space<vmem>>, vector<16xi32>,
    %swap3A_805 = vector.shape_cast %swap3A_804 : vector<16xi32> to vector<16xi32>
    %swap3A_806 = vector.shape_cast %add3A_802 : vector<16xi32> to vector<16xi32>
    tpu.vector_store %arg5[%swap3A_803], %swap3A_806 {strides = array<i32>} : memref<13312xi32, #tpu.memory_space<vmem>>, vector<16xi32>,
    %add3A_807 = arith.constant 12 : i32
    %add3A_808 = vector.broadcast %add3A_807 : i32 to vector<16xi32>
    %add3A_809 = arith.addi %iota3A, %add3A_808 : vector<16xi32>
    %ge3A_810 = arith.constant 26 : i32
    %ge3A_811 = vector.broadcast %ge3A_810 : i32 to vector<16xi32>
    %ge3A_812 = arith.cmpi sge, %add3A_809, %ge3A_811 : vector<16xi32>
    %sub3A_813 = arith.constant 26 : i32
    %sub3A_814 = vector.broadcast %sub3A_813 : i32 to vector<16xi32>
    %sub3A_815 = arith.subi %add3A_809, %sub3A_814 : vector<16xi32>
    %select_n3A_816 = arith.select %ge3A_812, %sub3A_815, %add3A_809 : vector<16xi1>, vector<16xi32>
    %get3A_817 = arith.constant 480 : index
    %get3A_818 = tpu.vector_load %arg5[%get3A_817] {strides = array<i32>} : memref<13312xi32, #tpu.memory_space<vmem>>, vector<16xi32>,
    %get3A_819 = vector.shape_cast %get3A_818 : vector<16xi32> to vector<16xi32>
    %mul3A_820 = arith.constant 1001 : i32
    %mul3A_821 = vector.broadcast %mul3A_820 : i32 to vector<16xi32>
    %mul3A_822 = arith.muli %select_n3A_816, %mul3A_821 : vector<16xi32>
    %eq3A_823 = arith.constant -1 : i32
    %eq3A_824 = vector.broadcast %eq3A_823 : i32 to vector<16xi32>
    %eq3A_825 = arith.cmpi eq, %get3A_819, %eq3A_824 : vector<16xi32>
    %jit3A_826 = arith.constant 1000 : i32
    %broadcast_in_dim3A_827 = vector.broadcast %jit3A_826 : i32 to vector<16xi32>
    %select_n3A_828 = arith.select %eq3A_825, %broadcast_in_dim3A_827, %get3A_819 : vector<16xi1>, vector<16xi32>
    %add3A_829 = arith.addi %mul3A_822, %select_n3A_828 : vector<16xi32>
    %swap3A_830 = arith.constant 480 : index
    %swap3A_831 = tpu.vector_load %arg5[%swap3A_830] {strides = array<i32>} : memref<13312xi32, #tpu.memory_space<vmem>>, vector<16xi32>,
    %swap3A_832 = vector.shape_cast %swap3A_831 : vector<16xi32> to vector<16xi32>
    %swap3A_833 = vector.shape_cast %add3A_829 : vector<16xi32> to vector<16xi32>
    tpu.vector_store %arg5[%swap3A_830], %swap3A_833 {strides = array<i32>} : memref<13312xi32, #tpu.memory_space<vmem>>, vector<16xi32>,
    %add3A_834 = arith.constant 2 : i32
    %add3A_835 = vector.broadcast %add3A_834 : i32 to vector<16xi32>
    %add3A_836 = arith.addi %iota3A, %add3A_835 : vector<16xi32>
    %ge3A_837 = arith.constant 26 : i32
    %ge3A_838 = vector.broadcast %ge3A_837 : i32 to vector<16xi32>
    %ge3A_839 = arith.cmpi sge, %add3A_836, %ge3A_838 : vector<16xi32>
    %sub3A_840 = arith.constant 26 : i32
    %sub3A_841 = vector.broadcast %sub3A_840 : i32 to vector<16xi32>
    %sub3A_842 = arith.subi %add3A_836, %sub3A_841 : vector<16xi32>
    %select_n3A_843 = arith.select %ge3A_839, %sub3A_842, %add3A_836 : vector<16xi1>, vector<16xi32>
    %get3A_844 = arith.constant 496 : index
    %get3A_845 = tpu.vector_load %arg5[%get3A_844] {strides = array<i32>} : memref<13312xi32, #tpu.memory_space<vmem>>, vector<16xi32>,
    %get3A_846 = vector.shape_cast %get3A_845 : vector<16xi32> to vector<16xi32>
    %mul3A_847 = arith.constant 1001 : i32
    %mul3A_848 = vector.broadcast %mul3A_847 : i32 to vector<16xi32>
    %mul3A_849 = arith.muli %select_n3A_843, %mul3A_848 : vector<16xi32>
    %eq3A_850 = arith.constant -1 : i32
    %eq3A_851 = vector.broadcast %eq3A_850 : i32 to vector<16xi32>
    %eq3A_852 = arith.cmpi eq, %get3A_846, %eq3A_851 : vector<16xi32>
    %jit3A_853 = arith.constant 1000 : i32
    %broadcast_in_dim3A_854 = vector.broadcast %jit3A_853 : i32 to vector<16xi32>
    %select_n3A_855 = arith.select %eq3A_852, %broadcast_in_dim3A_854, %get3A_846 : vector<16xi1>, vector<16xi32>
    %add3A_856 = arith.addi %mul3A_849, %select_n3A_855 : vector<16xi32>
    %swap3A_857 = arith.constant 496 : index
    %swap3A_858 = tpu.vector_load %arg5[%swap3A_857] {strides = array<i32>} : memref<13312xi32, #tpu.memory_space<vmem>>, vector<16xi32>,
    %swap3A_859 = vector.shape_cast %swap3A_858 : vector<16xi32> to vector<16xi32>
    %swap3A_860 = vector.shape_cast %add3A_856 : vector<16xi32> to vector<16xi32>
    tpu.vector_store %arg5[%swap3A_857], %swap3A_860 {strides = array<i32>} : memref<13312xi32, #tpu.memory_space<vmem>>, vector<16xi32>,
    %add3A_861 = arith.constant 18 : i32
    %add3A_862 = vector.broadcast %add3A_861 : i32 to vector<16xi32>
    %add3A_863 = arith.addi %iota3A, %add3A_862 : vector<16xi32>
    %ge3A_864 = arith.constant 26 : i32
    %ge3A_865 = vector.broadcast %ge3A_864 : i32 to vector<16xi32>
    %ge3A_866 = arith.cmpi sge, %add3A_863, %ge3A_865 : vector<16xi32>
    %sub3A_867 = arith.constant 26 : i32
    %sub3A_868 = vector.broadcast %sub3A_867 : i32 to vector<16xi32>
    %sub3A_869 = arith.subi %add3A_863, %sub3A_868 : vector<16xi32>
    %select_n3A_870 = arith.select %ge3A_866, %sub3A_869, %add3A_863 : vector<16xi1>, vector<16xi32>
    %get3A_871 = arith.constant 512 : index
    %get3A_872 = tpu.vector_load %arg5[%get3A_871] {strides = array<i32>} : memref<13312xi32, #tpu.memory_space<vmem>>, vector<16xi32>,
    %get3A_873 = vector.shape_cast %get3A_872 : vector<16xi32> to vector<16xi32>
    %mul3A_874 = arith.constant 1001 : i32
    %mul3A_875 = vector.broadcast %mul3A_874 : i32 to vector<16xi32>
    %mul3A_876 = arith.muli %select_n3A_870, %mul3A_875 : vector<16xi32>
    %eq3A_877 = arith.constant -1 : i32
    %eq3A_878 = vector.broadcast %eq3A_877 : i32 to vector<16xi32>
    %eq3A_879 = arith.cmpi eq, %get3A_873, %eq3A_878 : vector<16xi32>
    %jit3A_880 = arith.constant 1000 : i32
    %broadcast_in_dim3A_881 = vector.broadcast %jit3A_880 : i32 to vector<16xi32>
    %select_n3A_882 = arith.select %eq3A_879, %broadcast_in_dim3A_881, %get3A_873 : vector<16xi1>, vector<16xi32>
    %add3A_883 = arith.addi %mul3A_876, %select_n3A_882 : vector<16xi32>
    %swap3A_884 = arith.constant 512 : index
    %swap3A_885 = tpu.vector_load %arg5[%swap3A_884] {strides = array<i32>} : memref<13312xi32, #tpu.memory_space<vmem>>, vector<16xi32>,
    %swap3A_886 = vector.shape_cast %swap3A_885 : vector<16xi32> to vector<16xi32>
    %swap3A_887 = vector.shape_cast %add3A_883 : vector<16xi32> to vector<16xi32>
    tpu.vector_store %arg5[%swap3A_884], %swap3A_887 {strides = array<i32>} : memref<13312xi32, #tpu.memory_space<vmem>>, vector<16xi32>,
    %add3A_888 = arith.constant 8 : i32
    %add3A_889 = vector.broadcast %add3A_888 : i32 to vector<16xi32>
    %add3A_890 = arith.addi %iota3A, %add3A_889 : vector<16xi32>
    %ge3A_891 = arith.constant 26 : i32
    %ge3A_892 = vector.broadcast %ge3A_891 : i32 to vector<16xi32>
    %ge3A_893 = arith.cmpi sge, %add3A_890, %ge3A_892 : vector<16xi32>
    %sub3A_894 = arith.constant 26 : i32
    %sub3A_895 = vector.broadcast %sub3A_894 : i32 to vector<16xi32>
    %sub3A_896 = arith.subi %add3A_890, %sub3A_895 : vector<16xi32>
    %select_n3A_897 = arith.select %ge3A_893, %sub3A_896, %add3A_890 : vector<16xi1>, vector<16xi32>
    %get3A_898 = arith.constant 528 : index
    %get3A_899 = tpu.vector_load %arg5[%get3A_898] {strides = array<i32>} : memref<13312xi32, #tpu.memory_space<vmem>>, vector<16xi32>,
    %get3A_900 = vector.shape_cast %get3A_899 : vector<16xi32> to vector<16xi32>
    %mul3A_901 = arith.constant 1001 : i32
    %mul3A_902 = vector.broadcast %mul3A_901 : i32 to vector<16xi32>
    %mul3A_903 = arith.muli %select_n3A_897, %mul3A_902 : vector<16xi32>
    %eq3A_904 = arith.constant -1 : i32
    %eq3A_905 = vector.broadcast %eq3A_904 : i32 to vector<16xi32>
    %eq3A_906 = arith.cmpi eq, %get3A_900, %eq3A_905 : vector<16xi32>
    %jit3A_907 = arith.constant 1000 : i32
    %broadcast_in_dim3A_908 = vector.broadcast %jit3A_907 : i32 to vector<16xi32>
    %select_n3A_909 = arith.select %eq3A_906, %broadcast_in_dim3A_908, %get3A_900 : vector<16xi1>, vector<16xi32>
    %add3A_910 = arith.addi %mul3A_903, %select_n3A_909 : vector<16xi32>
    %swap3A_911 = arith.constant 528 : index
    %swap3A_912 = tpu.vector_load %arg5[%swap3A_911] {strides = array<i32>} : memref<13312xi32, #tpu.memory_space<vmem>>, vector<16xi32>,
    %swap3A_913 = vector.shape_cast %swap3A_912 : vector<16xi32> to vector<16xi32>
    %swap3A_914 = vector.shape_cast %add3A_910 : vector<16xi32> to vector<16xi32>
    tpu.vector_store %arg5[%swap3A_911], %swap3A_914 {strides = array<i32>} : memref<13312xi32, #tpu.memory_space<vmem>>, vector<16xi32>,
    %add3A_915 = arith.constant 24 : i32
    %add3A_916 = vector.broadcast %add3A_915 : i32 to vector<16xi32>
    %add3A_917 = arith.addi %iota3A, %add3A_916 : vector<16xi32>
    %ge3A_918 = arith.constant 26 : i32
    %ge3A_919 = vector.broadcast %ge3A_918 : i32 to vector<16xi32>
    %ge3A_920 = arith.cmpi sge, %add3A_917, %ge3A_919 : vector<16xi32>
    %sub3A_921 = arith.constant 26 : i32
    %sub3A_922 = vector.broadcast %sub3A_921 : i32 to vector<16xi32>
    %sub3A_923 = arith.subi %add3A_917, %sub3A_922 : vector<16xi32>
    %select_n3A_924 = arith.select %ge3A_920, %sub3A_923, %add3A_917 : vector<16xi1>, vector<16xi32>
    %get3A_925 = arith.constant 544 : index
    %get3A_926 = tpu.vector_load %arg5[%get3A_925] {strides = array<i32>} : memref<13312xi32, #tpu.memory_space<vmem>>, vector<16xi32>,
    %get3A_927 = vector.shape_cast %get3A_926 : vector<16xi32> to vector<16xi32>
    %mul3A_928 = arith.constant 1001 : i32
    %mul3A_929 = vector.broadcast %mul3A_928 : i32 to vector<16xi32>
    %mul3A_930 = arith.muli %select_n3A_924, %mul3A_929 : vector<16xi32>
    %eq3A_931 = arith.constant -1 : i32
    %eq3A_932 = vector.broadcast %eq3A_931 : i32 to vector<16xi32>
    %eq3A_933 = arith.cmpi eq, %get3A_927, %eq3A_932 : vector<16xi32>
    %jit3A_934 = arith.constant 1000 : i32
    %broadcast_in_dim3A_935 = vector.broadcast %jit3A_934 : i32 to vector<16xi32>
    %select_n3A_936 = arith.select %eq3A_933, %broadcast_in_dim3A_935, %get3A_927 : vector<16xi1>, vector<16xi32>
    %add3A_937 = arith.addi %mul3A_930, %select_n3A_936 : vector<16xi32>
    %swap3A_938 = arith.constant 544 : index
    %swap3A_939 = tpu.vector_load %arg5[%swap3A_938] {strides = array<i32>} : memref<13312xi32, #tpu.memory_space<vmem>>, vector<16xi32>,
    %swap3A_940 = vector.shape_cast %swap3A_939 : vector<16xi32> to vector<16xi32>
    %swap3A_941 = vector.shape_cast %add3A_937 : vector<16xi32> to vector<16xi32>
    tpu.vector_store %arg5[%swap3A_938], %swap3A_941 {strides = array<i32>} : memref<13312xi32, #tpu.memory_space<vmem>>, vector<16xi32>,
    %add3A_942 = arith.constant 14 : i32
    %add3A_943 = vector.broadcast %add3A_942 : i32 to vector<16xi32>
    %add3A_944 = arith.addi %iota3A, %add3A_943 : vector<16xi32>
    %ge3A_945 = arith.constant 26 : i32
    %ge3A_946 = vector.broadcast %ge3A_945 : i32 to vector<16xi32>
    %ge3A_947 = arith.cmpi sge, %add3A_944, %ge3A_946 : vector<16xi32>
    %sub3A_948 = arith.constant 26 : i32
    %sub3A_949 = vector.broadcast %sub3A_948 : i32 to vector<16xi32>
    %sub3A_950 = arith.subi %add3A_944, %sub3A_949 : vector<16xi32>
    %select_n3A_951 = arith.select %ge3A_947, %sub3A_950, %add3A_944 : vector<16xi1>, vector<16xi32>
    %get3A_952 = arith.constant 560 : index
    %get3A_953 = tpu.vector_load %arg5[%get3A_952] {strides = array<i32>} : memref<13312xi32, #tpu.memory_space<vmem>>, vector<16xi32>,
    %get3A_954 = vector.shape_cast %get3A_953 : vector<16xi32> to vector<16xi32>
    %mul3A_955 = arith.constant 1001 : i32
    %mul3A_956 = vector.broadcast %mul3A_955 : i32 to vector<16xi32>
    %mul3A_957 = arith.muli %select_n3A_951, %mul3A_956 : vector<16xi32>
    %eq3A_958 = arith.constant -1 : i32
    %eq3A_959 = vector.broadcast %eq3A_958 : i32 to vector<16xi32>
    %eq3A_960 = arith.cmpi eq, %get3A_954, %eq3A_959 : vector<16xi32>
    %jit3A_961 = arith.constant 1000 : i32
    %broadcast_in_dim3A_962 = vector.broadcast %jit3A_961 : i32 to vector<16xi32>
    %select_n3A_963 = arith.select %eq3A_960, %broadcast_in_dim3A_962, %get3A_954 : vector<16xi1>, vector<16xi32>
    %add3A_964 = arith.addi %mul3A_957, %select_n3A_963 : vector<16xi32>
    %swap3A_965 = arith.constant 560 : index
    %swap3A_966 = tpu.vector_load %arg5[%swap3A_965] {strides = array<i32>} : memref<13312xi32, #tpu.memory_space<vmem>>, vector<16xi32>,
    %swap3A_967 = vector.shape_cast %swap3A_966 : vector<16xi32> to vector<16xi32>
    %swap3A_968 = vector.shape_cast %add3A_964 : vector<16xi32> to vector<16xi32>
    tpu.vector_store %arg5[%swap3A_965], %swap3A_968 {strides = array<i32>} : memref<13312xi32, #tpu.memory_space<vmem>>, vector<16xi32>,
    %add3A_969 = arith.constant 4 : i32
    %add3A_970 = vector.broadcast %add3A_969 : i32 to vector<16xi32>
    %add3A_971 = arith.addi %iota3A, %add3A_970 : vector<16xi32>
    %ge3A_972 = arith.constant 26 : i32
    %ge3A_973 = vector.broadcast %ge3A_972 : i32 to vector<16xi32>
    %ge3A_974 = arith.cmpi sge, %add3A_971, %ge3A_973 : vector<16xi32>
    %sub3A_975 = arith.constant 26 : i32
    %sub3A_976 = vector.broadcast %sub3A_975 : i32 to vector<16xi32>
    %sub3A_977 = arith.subi %add3A_971, %sub3A_976 : vector<16xi32>
    %select_n3A_978 = arith.select %ge3A_974, %sub3A_977, %add3A_971 : vector<16xi1>, vector<16xi32>
    %get3A_979 = arith.constant 576 : index
    %get3A_980 = tpu.vector_load %arg5[%get3A_979] {strides = array<i32>} : memref<13312xi32, #tpu.memory_space<vmem>>, vector<16xi32>,
    %get3A_981 = vector.shape_cast %get3A_980 : vector<16xi32> to vector<16xi32>
    %mul3A_982 = arith.constant 1001 : i32
    %mul3A_983 = vector.broadcast %mul3A_982 : i32 to vector<16xi32>
    %mul3A_984 = arith.muli %select_n3A_978, %mul3A_983 : vector<16xi32>
    %eq3A_985 = arith.constant -1 : i32
    %eq3A_986 = vector.broadcast %eq3A_985 : i32 to vector<16xi32>
    %eq3A_987 = arith.cmpi eq, %get3A_981, %eq3A_986 : vector<16xi32>
    %jit3A_988 = arith.constant 1000 : i32
    %broadcast_in_dim3A_989 = vector.broadcast %jit3A_988 : i32 to vector<16xi32>
    %select_n3A_990 = arith.select %eq3A_987, %broadcast_in_dim3A_989, %get3A_981 : vector<16xi1>, vector<16xi32>
    %add3A_991 = arith.addi %mul3A_984, %select_n3A_990 : vector<16xi32>
    %swap3A_992 = arith.constant 576 : index
    %swap3A_993 = tpu.vector_load %arg5[%swap3A_992] {strides = array<i32>} : memref<13312xi32, #tpu.memory_space<vmem>>, vector<16xi32>,
    %swap3A_994 = vector.shape_cast %swap3A_993 : vector<16xi32> to vector<16xi32>
    %swap3A_995 = vector.shape_cast %add3A_991 : vector<16xi32> to vector<16xi32>
    tpu.vector_store %arg5[%swap3A_992], %swap3A_995 {strides = array<i32>} : memref<13312xi32, #tpu.memory_space<vmem>>, vector<16xi32>,
    %add3A_996 = arith.constant 20 : i32
    %add3A_997 = vector.broadcast %add3A_996 : i32 to vector<16xi32>
    %add3A_998 = arith.addi %iota3A, %add3A_997 : vector<16xi32>
    %ge3A_999 = arith.constant 26 : i32
    %ge3A_1000 = vector.broadcast %ge3A_999 : i32 to vector<16xi32>
    %ge3A_1001 = arith.cmpi sge, %add3A_998, %ge3A_1000 : vector<16xi32>
    %sub3A_1002 = arith.constant 26 : i32
    %sub3A_1003 = vector.broadcast %sub3A_1002 : i32 to vector<16xi32>
    %sub3A_1004 = arith.subi %add3A_998, %sub3A_1003 : vector<16xi32>
    %select_n3A_1005 = arith.select %ge3A_1001, %sub3A_1004, %add3A_998 : vector<16xi1>, vector<16xi32>
    %get3A_1006 = arith.constant 592 : index
    %get3A_1007 = tpu.vector_load %arg5[%get3A_1006] {strides = array<i32>} : memref<13312xi32, #tpu.memory_space<vmem>>, vector<16xi32>,
    %get3A_1008 = vector.shape_cast %get3A_1007 : vector<16xi32> to vector<16xi32>
    %mul3A_1009 = arith.constant 1001 : i32
    %mul3A_1010 = vector.broadcast %mul3A_1009 : i32 to vector<16xi32>
    %mul3A_1011 = arith.muli %select_n3A_1005, %mul3A_1010 : vector<16xi32>
    %eq3A_1012 = arith.constant -1 : i32
    %eq3A_1013 = vector.broadcast %eq3A_1012 : i32 to vector<16xi32>
    %eq3A_1014 = arith.cmpi eq, %get3A_1008, %eq3A_1013 : vector<16xi32>
    %jit3A_1015 = arith.constant 1000 : i32
    %broadcast_in_dim3A_1016 = vector.broadcast %jit3A_1015 : i32 to vector<16xi32>
    %select_n3A_1017 = arith.select %eq3A_1014, %broadcast_in_dim3A_1016, %get3A_1008 : vector<16xi1>, vector<16xi32>
    %add3A_1018 = arith.addi %mul3A_1011, %select_n3A_1017 : vector<16xi32>
    %swap3A_1019 = arith.constant 592 : index
    %swap3A_1020 = tpu.vector_load %arg5[%swap3A_1019] {strides = array<i32>} : memref<13312xi32, #tpu.memory_space<vmem>>, vector<16xi32>,
    %swap3A_1021 = vector.shape_cast %swap3A_1020 : vector<16xi32> to vector<16xi32>
    %swap3A_1022 = vector.shape_cast %add3A_1018 : vector<16xi32> to vector<16xi32>
    tpu.vector_store %arg5[%swap3A_1019], %swap3A_1022 {strides = array<i32>} : memref<13312xi32, #tpu.memory_space<vmem>>, vector<16xi32>,
    %add3A_1023 = arith.constant 10 : i32
    %add3A_1024 = vector.broadcast %add3A_1023 : i32 to vector<16xi32>
    %add3A_1025 = arith.addi %iota3A, %add3A_1024 : vector<16xi32>
    %ge3A_1026 = arith.constant 26 : i32
    %ge3A_1027 = vector.broadcast %ge3A_1026 : i32 to vector<16xi32>
    %ge3A_1028 = arith.cmpi sge, %add3A_1025, %ge3A_1027 : vector<16xi32>
    %sub3A_1029 = arith.constant 26 : i32
    %sub3A_1030 = vector.broadcast %sub3A_1029 : i32 to vector<16xi32>
    %sub3A_1031 = arith.subi %add3A_1025, %sub3A_1030 : vector<16xi32>
    %select_n3A_1032 = arith.select %ge3A_1028, %sub3A_1031, %add3A_1025 : vector<16xi1>, vector<16xi32>
    %get3A_1033 = arith.constant 608 : index
    %get3A_1034 = tpu.vector_load %arg5[%get3A_1033] {strides = array<i32>} : memref<13312xi32, #tpu.memory_space<vmem>>, vector<16xi32>,
    %get3A_1035 = vector.shape_cast %get3A_1034 : vector<16xi32> to vector<16xi32>
    %mul3A_1036 = arith.constant 1001 : i32
    %mul3A_1037 = vector.broadcast %mul3A_1036 : i32 to vector<16xi32>
    %mul3A_1038 = arith.muli %select_n3A_1032, %mul3A_1037 : vector<16xi32>
    %eq3A_1039 = arith.constant -1 : i32
    %eq3A_1040 = vector.broadcast %eq3A_1039 : i32 to vector<16xi32>
    %eq3A_1041 = arith.cmpi eq, %get3A_1035, %eq3A_1040 : vector<16xi32>
    %jit3A_1042 = arith.constant 1000 : i32
    %broadcast_in_dim3A_1043 = vector.broadcast %jit3A_1042 : i32 to vector<16xi32>
    %select_n3A_1044 = arith.select %eq3A_1041, %broadcast_in_dim3A_1043, %get3A_1035 : vector<16xi1>, vector<16xi32>
    %add3A_1045 = arith.addi %mul3A_1038, %select_n3A_1044 : vector<16xi32>
    %swap3A_1046 = arith.constant 608 : index
    %swap3A_1047 = tpu.vector_load %arg5[%swap3A_1046] {strides = array<i32>} : memref<13312xi32, #tpu.memory_space<vmem>>, vector<16xi32>,
    %swap3A_1048 = vector.shape_cast %swap3A_1047 : vector<16xi32> to vector<16xi32>
    %swap3A_1049 = vector.shape_cast %add3A_1045 : vector<16xi32> to vector<16xi32>
    tpu.vector_store %arg5[%swap3A_1046], %swap3A_1049 {strides = array<i32>} : memref<13312xi32, #tpu.memory_space<vmem>>, vector<16xi32>,
    %add3A_1050 = arith.constant 0 : i32
    %add3A_1051 = vector.broadcast %add3A_1050 : i32 to vector<16xi32>
    %add3A_1052 = arith.addi %iota3A, %add3A_1051 : vector<16xi32>
    %ge3A_1053 = arith.constant 26 : i32
    %ge3A_1054 = vector.broadcast %ge3A_1053 : i32 to vector<16xi32>
    %ge3A_1055 = arith.cmpi sge, %add3A_1052, %ge3A_1054 : vector<16xi32>
    %sub3A_1056 = arith.constant 26 : i32
    %sub3A_1057 = vector.broadcast %sub3A_1056 : i32 to vector<16xi32>
    %sub3A_1058 = arith.subi %add3A_1052, %sub3A_1057 : vector<16xi32>
    %select_n3A_1059 = arith.select %ge3A_1055, %sub3A_1058, %add3A_1052 : vector<16xi1>, vector<16xi32>
    %get3A_1060 = arith.constant 624 : index
    %get3A_1061 = tpu.vector_load %arg5[%get3A_1060] {strides = array<i32>} : memref<13312xi32, #tpu.memory_space<vmem>>, vector<16xi32>,
    %get3A_1062 = vector.shape_cast %get3A_1061 : vector<16xi32> to vector<16xi32>
    %mul3A_1063 = arith.constant 1001 : i32
    %mul3A_1064 = vector.broadcast %mul3A_1063 : i32 to vector<16xi32>
    %mul3A_1065 = arith.muli %select_n3A_1059, %mul3A_1064 : vector<16xi32>
    %eq3A_1066 = arith.constant -1 : i32
    %eq3A_1067 = vector.broadcast %eq3A_1066 : i32 to vector<16xi32>
    %eq3A_1068 = arith.cmpi eq, %get3A_1062, %eq3A_1067 : vector<16xi32>
    %jit3A_1069 = arith.constant 1000 : i32
    %broadcast_in_dim3A_1070 = vector.broadcast %jit3A_1069 : i32 to vector<16xi32>
    %select_n3A_1071 = arith.select %eq3A_1068, %broadcast_in_dim3A_1070, %get3A_1062 : vector<16xi1>, vector<16xi32>
    %add3A_1072 = arith.addi %mul3A_1065, %select_n3A_1071 : vector<16xi32>
    %swap3A_1073 = arith.constant 624 : index
    %swap3A_1074 = tpu.vector_load %arg5[%swap3A_1073] {strides = array<i32>} : memref<13312xi32, #tpu.memory_space<vmem>>, vector<16xi32>,
    %swap3A_1075 = vector.shape_cast %swap3A_1074 : vector<16xi32> to vector<16xi32>
    %swap3A_1076 = vector.shape_cast %add3A_1072 : vector<16xi32> to vector<16xi32>
    tpu.vector_store %arg5[%swap3A_1073], %swap3A_1076 {strides = array<i32>} : memref<13312xi32, #tpu.memory_space<vmem>>, vector<16xi32>,
    %add3A_1077 = arith.constant 16 : i32
    %add3A_1078 = vector.broadcast %add3A_1077 : i32 to vector<16xi32>
    %add3A_1079 = arith.addi %iota3A, %add3A_1078 : vector<16xi32>
    %ge3A_1080 = arith.constant 26 : i32
    %ge3A_1081 = vector.broadcast %ge3A_1080 : i32 to vector<16xi32>
    %ge3A_1082 = arith.cmpi sge, %add3A_1079, %ge3A_1081 : vector<16xi32>
    %sub3A_1083 = arith.constant 26 : i32
    %sub3A_1084 = vector.broadcast %sub3A_1083 : i32 to vector<16xi32>
    %sub3A_1085 = arith.subi %add3A_1079, %sub3A_1084 : vector<16xi32>
    %select_n3A_1086 = arith.select %ge3A_1082, %sub3A_1085, %add3A_1079 : vector<16xi1>, vector<16xi32>
    %get3A_1087 = arith.constant 640 : index
    %get3A_1088 = tpu.vector_load %arg5[%get3A_1087] {strides = array<i32>} : memref<13312xi32, #tpu.memory_space<vmem>>, vector<16xi32>,
    %get3A_1089 = vector.shape_cast %get3A_1088 : vector<16xi32> to vector<16xi32>
    %mul3A_1090 = arith.constant 1001 : i32
    %mul3A_1091 = vector.broadcast %mul3A_1090 : i32 to vector<16xi32>
    %mul3A_1092 = arith.muli %select_n3A_1086, %mul3A_1091 : vector<16xi32>
    %eq3A_1093 = arith.constant -1 : i32
    %eq3A_1094 = vector.broadcast %eq3A_1093 : i32 to vector<16xi32>
    %eq3A_1095 = arith.cmpi eq, %get3A_1089, %eq3A_1094 : vector<16xi32>
    %jit3A_1096 = arith.constant 1000 : i32
    %broadcast_in_dim3A_1097 = vector.broadcast %jit3A_1096 : i32 to vector<16xi32>
    %select_n3A_1098 = arith.select %eq3A_1095, %broadcast_in_dim3A_1097, %get3A_1089 : vector<16xi1>, vector<16xi32>
    %add3A_1099 = arith.addi %mul3A_1092, %select_n3A_1098 : vector<16xi32>
    %swap3A_1100 = arith.constant 640 : index
    %swap3A_1101 = tpu.vector_load %arg5[%swap3A_1100] {strides = array<i32>} : memref<13312xi32, #tpu.memory_space<vmem>>, vector<16xi32>,
    %swap3A_1102 = vector.shape_cast %swap3A_1101 : vector<16xi32> to vector<16xi32>
    %swap3A_1103 = vector.shape_cast %add3A_1099 : vector<16xi32> to vector<16xi32>
    tpu.vector_store %arg5[%swap3A_1100], %swap3A_1103 {strides = array<i32>} : memref<13312xi32, #tpu.memory_space<vmem>>, vector<16xi32>,
    %add3A_1104 = arith.constant 6 : i32
    %add3A_1105 = vector.broadcast %add3A_1104 : i32 to vector<16xi32>
    %add3A_1106 = arith.addi %iota3A, %add3A_1105 : vector<16xi32>
    %ge3A_1107 = arith.constant 26 : i32
    %ge3A_1108 = vector.broadcast %ge3A_1107 : i32 to vector<16xi32>
    %ge3A_1109 = arith.cmpi sge, %add3A_1106, %ge3A_1108 : vector<16xi32>
    %sub3A_1110 = arith.constant 26 : i32
    %sub3A_1111 = vector.broadcast %sub3A_1110 : i32 to vector<16xi32>
    %sub3A_1112 = arith.subi %add3A_1106, %sub3A_1111 : vector<16xi32>
    %select_n3A_1113 = arith.select %ge3A_1109, %sub3A_1112, %add3A_1106 : vector<16xi1>, vector<16xi32>
    %get3A_1114 = arith.constant 656 : index
    %get3A_1115 = tpu.vector_load %arg5[%get3A_1114] {strides = array<i32>} : memref<13312xi32, #tpu.memory_space<vmem>>, vector<16xi32>,
    %get3A_1116 = vector.shape_cast %get3A_1115 : vector<16xi32> to vector<16xi32>
    %mul3A_1117 = arith.constant 1001 : i32
    %mul3A_1118 = vector.broadcast %mul3A_1117 : i32 to vector<16xi32>
    %mul3A_1119 = arith.muli %select_n3A_1113, %mul3A_1118 : vector<16xi32>
    %eq3A_1120 = arith.constant -1 : i32
    %eq3A_1121 = vector.broadcast %eq3A_1120 : i32 to vector<16xi32>
    %eq3A_1122 = arith.cmpi eq, %get3A_1116, %eq3A_1121 : vector<16xi32>
    %jit3A_1123 = arith.constant 1000 : i32
    %broadcast_in_dim3A_1124 = vector.broadcast %jit3A_1123 : i32 to vector<16xi32>
    %select_n3A_1125 = arith.select %eq3A_1122, %broadcast_in_dim3A_1124, %get3A_1116 : vector<16xi1>, vector<16xi32>
    %add3A_1126 = arith.addi %mul3A_1119, %select_n3A_1125 : vector<16xi32>
    %swap3A_1127 = arith.constant 656 : index
    %swap3A_1128 = tpu.vector_load %arg5[%swap3A_1127] {strides = array<i32>} : memref<13312xi32, #tpu.memory_space<vmem>>, vector<16xi32>,
    %swap3A_1129 = vector.shape_cast %swap3A_1128 : vector<16xi32> to vector<16xi32>
    %swap3A_1130 = vector.shape_cast %add3A_1126 : vector<16xi32> to vector<16xi32>
    tpu.vector_store %arg5[%swap3A_1127], %swap3A_1130 {strides = array<i32>} : memref<13312xi32, #tpu.memory_space<vmem>>, vector<16xi32>,
    %add3A_1131 = arith.constant 22 : i32
    %add3A_1132 = vector.broadcast %add3A_1131 : i32 to vector<16xi32>
    %add3A_1133 = arith.addi %iota3A, %add3A_1132 : vector<16xi32>
    %ge3A_1134 = arith.constant 26 : i32
    %ge3A_1135 = vector.broadcast %ge3A_1134 : i32 to vector<16xi32>
    %ge3A_1136 = arith.cmpi sge, %add3A_1133, %ge3A_1135 : vector<16xi32>
    %sub3A_1137 = arith.constant 26 : i32
    %sub3A_1138 = vector.broadcast %sub3A_1137 : i32 to vector<16xi32>
    %sub3A_1139 = arith.subi %add3A_1133, %sub3A_1138 : vector<16xi32>
    %select_n3A_1140 = arith.select %ge3A_1136, %sub3A_1139, %add3A_1133 : vector<16xi1>, vector<16xi32>
    %get3A_1141 = arith.constant 672 : index
    %get3A_1142 = tpu.vector_load %arg5[%get3A_1141] {strides = array<i32>} : memref<13312xi32, #tpu.memory_space<vmem>>, vector<16xi32>,
    %get3A_1143 = vector.shape_cast %get3A_1142 : vector<16xi32> to vector<16xi32>
    %mul3A_1144 = arith.constant 1001 : i32
    %mul3A_1145 = vector.broadcast %mul3A_1144 : i32 to vector<16xi32>
    %mul3A_1146 = arith.muli %select_n3A_1140, %mul3A_1145 : vector<16xi32>
    %eq3A_1147 = arith.constant -1 : i32
    %eq3A_1148 = vector.broadcast %eq3A_1147 : i32 to vector<16xi32>
    %eq3A_1149 = arith.cmpi eq, %get3A_1143, %eq3A_1148 : vector<16xi32>
    %jit3A_1150 = arith.constant 1000 : i32
    %broadcast_in_dim3A_1151 = vector.broadcast %jit3A_1150 : i32 to vector<16xi32>
    %select_n3A_1152 = arith.select %eq3A_1149, %broadcast_in_dim3A_1151, %get3A_1143 : vector<16xi1>, vector<16xi32>
    %add3A_1153 = arith.addi %mul3A_1146, %select_n3A_1152 : vector<16xi32>
    %swap3A_1154 = arith.constant 672 : index
    %swap3A_1155 = tpu.vector_load %arg5[%swap3A_1154] {strides = array<i32>} : memref<13312xi32, #tpu.memory_space<vmem>>, vector<16xi32>,
    %swap3A_1156 = vector.shape_cast %swap3A_1155 : vector<16xi32> to vector<16xi32>
    %swap3A_1157 = vector.shape_cast %add3A_1153 : vector<16xi32> to vector<16xi32>
    tpu.vector_store %arg5[%swap3A_1154], %swap3A_1157 {strides = array<i32>} : memref<13312xi32, #tpu.memory_space<vmem>>, vector<16xi32>,
    %add3A_1158 = arith.constant 12 : i32
    %add3A_1159 = vector.broadcast %add3A_1158 : i32 to vector<16xi32>
    %add3A_1160 = arith.addi %iota3A, %add3A_1159 : vector<16xi32>
    %ge3A_1161 = arith.constant 26 : i32
    %ge3A_1162 = vector.broadcast %ge3A_1161 : i32 to vector<16xi32>
    %ge3A_1163 = arith.cmpi sge, %add3A_1160, %ge3A_1162 : vector<16xi32>
    %sub3A_1164 = arith.constant 26 : i32
    %sub3A_1165 = vector.broadcast %sub3A_1164 : i32 to vector<16xi32>
    %sub3A_1166 = arith.subi %add3A_1160, %sub3A_1165 : vector<16xi32>
    %select_n3A_1167 = arith.select %ge3A_1163, %sub3A_1166, %add3A_1160 : vector<16xi1>, vector<16xi32>
    %get3A_1168 = arith.constant 688 : index
    %get3A_1169 = tpu.vector_load %arg5[%get3A_1168] {strides = array<i32>} : memref<13312xi32, #tpu.memory_space<vmem>>, vector<16xi32>,
    %get3A_1170 = vector.shape_cast %get3A_1169 : vector<16xi32> to vector<16xi32>
    %mul3A_1171 = arith.constant 1001 : i32
    %mul3A_1172 = vector.broadcast %mul3A_1171 : i32 to vector<16xi32>
    %mul3A_1173 = arith.muli %select_n3A_1167, %mul3A_1172 : vector<16xi32>
    %eq3A_1174 = arith.constant -1 : i32
    %eq3A_1175 = vector.broadcast %eq3A_1174 : i32 to vector<16xi32>
    %eq3A_1176 = arith.cmpi eq, %get3A_1170, %eq3A_1175 : vector<16xi32>
    %jit3A_1177 = arith.constant 1000 : i32
    %broadcast_in_dim3A_1178 = vector.broadcast %jit3A_1177 : i32 to vector<16xi32>
    %select_n3A_1179 = arith.select %eq3A_1176, %broadcast_in_dim3A_1178, %get3A_1170 : vector<16xi1>, vector<16xi32>
    %add3A_1180 = arith.addi %mul3A_1173, %select_n3A_1179 : vector<16xi32>
    %swap3A_1181 = arith.constant 688 : index
    %swap3A_1182 = tpu.vector_load %arg5[%swap3A_1181] {strides = array<i32>} : memref<13312xi32, #tpu.memory_space<vmem>>, vector<16xi32>,
    %swap3A_1183 = vector.shape_cast %swap3A_1182 : vector<16xi32> to vector<16xi32>
    %swap3A_1184 = vector.shape_cast %add3A_1180 : vector<16xi32> to vector<16xi32>
    tpu.vector_store %arg5[%swap3A_1181], %swap3A_1184 {strides = array<i32>} : memref<13312xi32, #tpu.memory_space<vmem>>, vector<16xi32>,
    %add3A_1185 = arith.constant 2 : i32
    %add3A_1186 = vector.broadcast %add3A_1185 : i32 to vector<16xi32>
    %add3A_1187 = arith.addi %iota3A, %add3A_1186 : vector<16xi32>
    %ge3A_1188 = arith.constant 26 : i32
    %ge3A_1189 = vector.broadcast %ge3A_1188 : i32 to vector<16xi32>
    %ge3A_1190 = arith.cmpi sge, %add3A_1187, %ge3A_1189 : vector<16xi32>
    %sub3A_1191 = arith.constant 26 : i32
    %sub3A_1192 = vector.broadcast %sub3A_1191 : i32 to vector<16xi32>
    %sub3A_1193 = arith.subi %add3A_1187, %sub3A_1192 : vector<16xi32>
    %select_n3A_1194 = arith.select %ge3A_1190, %sub3A_1193, %add3A_1187 : vector<16xi1>, vector<16xi32>
    %get3A_1195 = arith.constant 704 : index
    %get3A_1196 = tpu.vector_load %arg5[%get3A_1195] {strides = array<i32>} : memref<13312xi32, #tpu.memory_space<vmem>>, vector<16xi32>,
    %get3A_1197 = vector.shape_cast %get3A_1196 : vector<16xi32> to vector<16xi32>
    %mul3A_1198 = arith.constant 1001 : i32
    %mul3A_1199 = vector.broadcast %mul3A_1198 : i32 to vector<16xi32>
    %mul3A_1200 = arith.muli %select_n3A_1194, %mul3A_1199 : vector<16xi32>
    %eq3A_1201 = arith.constant -1 : i32
    %eq3A_1202 = vector.broadcast %eq3A_1201 : i32 to vector<16xi32>
    %eq3A_1203 = arith.cmpi eq, %get3A_1197, %eq3A_1202 : vector<16xi32>
    %jit3A_1204 = arith.constant 1000 : i32
    %broadcast_in_dim3A_1205 = vector.broadcast %jit3A_1204 : i32 to vector<16xi32>
    %select_n3A_1206 = arith.select %eq3A_1203, %broadcast_in_dim3A_1205, %get3A_1197 : vector<16xi1>, vector<16xi32>
    %add3A_1207 = arith.addi %mul3A_1200, %select_n3A_1206 : vector<16xi32>
    %swap3A_1208 = arith.constant 704 : index
    %swap3A_1209 = tpu.vector_load %arg5[%swap3A_1208] {strides = array<i32>} : memref<13312xi32, #tpu.memory_space<vmem>>, vector<16xi32>,
    %swap3A_1210 = vector.shape_cast %swap3A_1209 : vector<16xi32> to vector<16xi32>
    %swap3A_1211 = vector.shape_cast %add3A_1207 : vector<16xi32> to vector<16xi32>
    tpu.vector_store %arg5[%swap3A_1208], %swap3A_1211 {strides = array<i32>} : memref<13312xi32, #tpu.memory_space<vmem>>, vector<16xi32>,
    %add3A_1212 = arith.constant 18 : i32
    %add3A_1213 = vector.broadcast %add3A_1212 : i32 to vector<16xi32>
    %add3A_1214 = arith.addi %iota3A, %add3A_1213 : vector<16xi32>
    %ge3A_1215 = arith.constant 26 : i32
    %ge3A_1216 = vector.broadcast %ge3A_1215 : i32 to vector<16xi32>
    %ge3A_1217 = arith.cmpi sge, %add3A_1214, %ge3A_1216 : vector<16xi32>
    %sub3A_1218 = arith.constant 26 : i32
    %sub3A_1219 = vector.broadcast %sub3A_1218 : i32 to vector<16xi32>
    %sub3A_1220 = arith.subi %add3A_1214, %sub3A_1219 : vector<16xi32>
    %select_n3A_1221 = arith.select %ge3A_1217, %sub3A_1220, %add3A_1214 : vector<16xi1>, vector<16xi32>
    %get3A_1222 = arith.constant 720 : index
    %get3A_1223 = tpu.vector_load %arg5[%get3A_1222] {strides = array<i32>} : memref<13312xi32, #tpu.memory_space<vmem>>, vector<16xi32>,
    %get3A_1224 = vector.shape_cast %get3A_1223 : vector<16xi32> to vector<16xi32>
    %mul3A_1225 = arith.constant 1001 : i32
    %mul3A_1226 = vector.broadcast %mul3A_1225 : i32 to vector<16xi32>
    %mul3A_1227 = arith.muli %select_n3A_1221, %mul3A_1226 : vector<16xi32>
    %eq3A_1228 = arith.constant -1 : i32
    %eq3A_1229 = vector.broadcast %eq3A_1228 : i32 to vector<16xi32>
    %eq3A_1230 = arith.cmpi eq, %get3A_1224, %eq3A_1229 : vector<16xi32>
    %jit3A_1231 = arith.constant 1000 : i32
    %broadcast_in_dim3A_1232 = vector.broadcast %jit3A_1231 : i32 to vector<16xi32>
    %select_n3A_1233 = arith.select %eq3A_1230, %broadcast_in_dim3A_1232, %get3A_1224 : vector<16xi1>, vector<16xi32>
    %add3A_1234 = arith.addi %mul3A_1227, %select_n3A_1233 : vector<16xi32>
    %swap3A_1235 = arith.constant 720 : index
    %swap3A_1236 = tpu.vector_load %arg5[%swap3A_1235] {strides = array<i32>} : memref<13312xi32, #tpu.memory_space<vmem>>, vector<16xi32>,
    %swap3A_1237 = vector.shape_cast %swap3A_1236 : vector<16xi32> to vector<16xi32>
    %swap3A_1238 = vector.shape_cast %add3A_1234 : vector<16xi32> to vector<16xi32>
    tpu.vector_store %arg5[%swap3A_1235], %swap3A_1238 {strides = array<i32>} : memref<13312xi32, #tpu.memory_space<vmem>>, vector<16xi32>,
    %add3A_1239 = arith.constant 8 : i32
    %add3A_1240 = vector.broadcast %add3A_1239 : i32 to vector<16xi32>
    %add3A_1241 = arith.addi %iota3A, %add3A_1240 : vector<16xi32>
    %ge3A_1242 = arith.constant 26 : i32
    %ge3A_1243 = vector.broadcast %ge3A_1242 : i32 to vector<16xi32>
    %ge3A_1244 = arith.cmpi sge, %add3A_1241, %ge3A_1243 : vector<16xi32>
    %sub3A_1245 = arith.constant 26 : i32
    %sub3A_1246 = vector.broadcast %sub3A_1245 : i32 to vector<16xi32>
    %sub3A_1247 = arith.subi %add3A_1241, %sub3A_1246 : vector<16xi32>
    %select_n3A_1248 = arith.select %ge3A_1244, %sub3A_1247, %add3A_1241 : vector<16xi1>, vector<16xi32>
    %get3A_1249 = arith.constant 736 : index
    %get3A_1250 = tpu.vector_load %arg5[%get3A_1249] {strides = array<i32>} : memref<13312xi32, #tpu.memory_space<vmem>>, vector<16xi32>,
    %get3A_1251 = vector.shape_cast %get3A_1250 : vector<16xi32> to vector<16xi32>
    %mul3A_1252 = arith.constant 1001 : i32
    %mul3A_1253 = vector.broadcast %mul3A_1252 : i32 to vector<16xi32>
    %mul3A_1254 = arith.muli %select_n3A_1248, %mul3A_1253 : vector<16xi32>
    %eq3A_1255 = arith.constant -1 : i32
    %eq3A_1256 = vector.broadcast %eq3A_1255 : i32 to vector<16xi32>
    %eq3A_1257 = arith.cmpi eq, %get3A_1251, %eq3A_1256 : vector<16xi32>
    %jit3A_1258 = arith.constant 1000 : i32
    %broadcast_in_dim3A_1259 = vector.broadcast %jit3A_1258 : i32 to vector<16xi32>
    %select_n3A_1260 = arith.select %eq3A_1257, %broadcast_in_dim3A_1259, %get3A_1251 : vector<16xi1>, vector<16xi32>
    %add3A_1261 = arith.addi %mul3A_1254, %select_n3A_1260 : vector<16xi32>
    %swap3A_1262 = arith.constant 736 : index
    %swap3A_1263 = tpu.vector_load %arg5[%swap3A_1262] {strides = array<i32>} : memref<13312xi32, #tpu.memory_space<vmem>>, vector<16xi32>,
    %swap3A_1264 = vector.shape_cast %swap3A_1263 : vector<16xi32> to vector<16xi32>
    %swap3A_1265 = vector.shape_cast %add3A_1261 : vector<16xi32> to vector<16xi32>
    tpu.vector_store %arg5[%swap3A_1262], %swap3A_1265 {strides = array<i32>} : memref<13312xi32, #tpu.memory_space<vmem>>, vector<16xi32>,
    %add3A_1266 = arith.constant 24 : i32
    %add3A_1267 = vector.broadcast %add3A_1266 : i32 to vector<16xi32>
    %add3A_1268 = arith.addi %iota3A, %add3A_1267 : vector<16xi32>
    %ge3A_1269 = arith.constant 26 : i32
    %ge3A_1270 = vector.broadcast %ge3A_1269 : i32 to vector<16xi32>
    %ge3A_1271 = arith.cmpi sge, %add3A_1268, %ge3A_1270 : vector<16xi32>
    %sub3A_1272 = arith.constant 26 : i32
    %sub3A_1273 = vector.broadcast %sub3A_1272 : i32 to vector<16xi32>
    %sub3A_1274 = arith.subi %add3A_1268, %sub3A_1273 : vector<16xi32>
    %select_n3A_1275 = arith.select %ge3A_1271, %sub3A_1274, %add3A_1268 : vector<16xi1>, vector<16xi32>
    %get3A_1276 = arith.constant 752 : index
    %get3A_1277 = tpu.vector_load %arg5[%get3A_1276] {strides = array<i32>} : memref<13312xi32, #tpu.memory_space<vmem>>, vector<16xi32>,
    %get3A_1278 = vector.shape_cast %get3A_1277 : vector<16xi32> to vector<16xi32>
    %mul3A_1279 = arith.constant 1001 : i32
    %mul3A_1280 = vector.broadcast %mul3A_1279 : i32 to vector<16xi32>
    %mul3A_1281 = arith.muli %select_n3A_1275, %mul3A_1280 : vector<16xi32>
    %eq3A_1282 = arith.constant -1 : i32
    %eq3A_1283 = vector.broadcast %eq3A_1282 : i32 to vector<16xi32>
    %eq3A_1284 = arith.cmpi eq, %get3A_1278, %eq3A_1283 : vector<16xi32>
    %jit3A_1285 = arith.constant 1000 : i32
    %broadcast_in_dim3A_1286 = vector.broadcast %jit3A_1285 : i32 to vector<16xi32>
    %select_n3A_1287 = arith.select %eq3A_1284, %broadcast_in_dim3A_1286, %get3A_1278 : vector<16xi1>, vector<16xi32>
    %add3A_1288 = arith.addi %mul3A_1281, %select_n3A_1287 : vector<16xi32>
    %swap3A_1289 = arith.constant 752 : index
    %swap3A_1290 = tpu.vector_load %arg5[%swap3A_1289] {strides = array<i32>} : memref<13312xi32, #tpu.memory_space<vmem>>, vector<16xi32>,
    %swap3A_1291 = vector.shape_cast %swap3A_1290 : vector<16xi32> to vector<16xi32>
    %swap3A_1292 = vector.shape_cast %add3A_1288 : vector<16xi32> to vector<16xi32>
    tpu.vector_store %arg5[%swap3A_1289], %swap3A_1292 {strides = array<i32>} : memref<13312xi32, #tpu.memory_space<vmem>>, vector<16xi32>,
    %add3A_1293 = arith.constant 14 : i32
    %add3A_1294 = vector.broadcast %add3A_1293 : i32 to vector<16xi32>
    %add3A_1295 = arith.addi %iota3A, %add3A_1294 : vector<16xi32>
    %ge3A_1296 = arith.constant 26 : i32
    %ge3A_1297 = vector.broadcast %ge3A_1296 : i32 to vector<16xi32>
    %ge3A_1298 = arith.cmpi sge, %add3A_1295, %ge3A_1297 : vector<16xi32>
    %sub3A_1299 = arith.constant 26 : i32
    %sub3A_1300 = vector.broadcast %sub3A_1299 : i32 to vector<16xi32>
    %sub3A_1301 = arith.subi %add3A_1295, %sub3A_1300 : vector<16xi32>
    %select_n3A_1302 = arith.select %ge3A_1298, %sub3A_1301, %add3A_1295 : vector<16xi1>, vector<16xi32>
    %get3A_1303 = arith.constant 768 : index
    %get3A_1304 = tpu.vector_load %arg5[%get3A_1303] {strides = array<i32>} : memref<13312xi32, #tpu.memory_space<vmem>>, vector<16xi32>,
    %get3A_1305 = vector.shape_cast %get3A_1304 : vector<16xi32> to vector<16xi32>
    %mul3A_1306 = arith.constant 1001 : i32
    %mul3A_1307 = vector.broadcast %mul3A_1306 : i32 to vector<16xi32>
    %mul3A_1308 = arith.muli %select_n3A_1302, %mul3A_1307 : vector<16xi32>
    %eq3A_1309 = arith.constant -1 : i32
    %eq3A_1310 = vector.broadcast %eq3A_1309 : i32 to vector<16xi32>
    %eq3A_1311 = arith.cmpi eq, %get3A_1305, %eq3A_1310 : vector<16xi32>
    %jit3A_1312 = arith.constant 1000 : i32
    %broadcast_in_dim3A_1313 = vector.broadcast %jit3A_1312 : i32 to vector<16xi32>
    %select_n3A_1314 = arith.select %eq3A_1311, %broadcast_in_dim3A_1313, %get3A_1305 : vector<16xi1>, vector<16xi32>
    %add3A_1315 = arith.addi %mul3A_1308, %select_n3A_1314 : vector<16xi32>
    %swap3A_1316 = arith.constant 768 : index
    %swap3A_1317 = tpu.vector_load %arg5[%swap3A_1316] {strides = array<i32>} : memref<13312xi32, #tpu.memory_space<vmem>>, vector<16xi32>,
    %swap3A_1318 = vector.shape_cast %swap3A_1317 : vector<16xi32> to vector<16xi32>
    %swap3A_1319 = vector.shape_cast %add3A_1315 : vector<16xi32> to vector<16xi32>
    tpu.vector_store %arg5[%swap3A_1316], %swap3A_1319 {strides = array<i32>} : memref<13312xi32, #tpu.memory_space<vmem>>, vector<16xi32>,
    %add3A_1320 = arith.constant 4 : i32
    %add3A_1321 = vector.broadcast %add3A_1320 : i32 to vector<16xi32>
    %add3A_1322 = arith.addi %iota3A, %add3A_1321 : vector<16xi32>
    %ge3A_1323 = arith.constant 26 : i32
    %ge3A_1324 = vector.broadcast %ge3A_1323 : i32 to vector<16xi32>
    %ge3A_1325 = arith.cmpi sge, %add3A_1322, %ge3A_1324 : vector<16xi32>
    %sub3A_1326 = arith.constant 26 : i32
    %sub3A_1327 = vector.broadcast %sub3A_1326 : i32 to vector<16xi32>
    %sub3A_1328 = arith.subi %add3A_1322, %sub3A_1327 : vector<16xi32>
    %select_n3A_1329 = arith.select %ge3A_1325, %sub3A_1328, %add3A_1322 : vector<16xi1>, vector<16xi32>
    %get3A_1330 = arith.constant 784 : index
    %get3A_1331 = tpu.vector_load %arg5[%get3A_1330] {strides = array<i32>} : memref<13312xi32, #tpu.memory_space<vmem>>, vector<16xi32>,
    %get3A_1332 = vector.shape_cast %get3A_1331 : vector<16xi32> to vector<16xi32>
    %mul3A_1333 = arith.constant 1001 : i32
    %mul3A_1334 = vector.broadcast %mul3A_1333 : i32 to vector<16xi32>
    %mul3A_1335 = arith.muli %select_n3A_1329, %mul3A_1334 : vector<16xi32>
    %eq3A_1336 = arith.constant -1 : i32
    %eq3A_1337 = vector.broadcast %eq3A_1336 : i32 to vector<16xi32>
    %eq3A_1338 = arith.cmpi eq, %get3A_1332, %eq3A_1337 : vector<16xi32>
    %jit3A_1339 = arith.constant 1000 : i32
    %broadcast_in_dim3A_1340 = vector.broadcast %jit3A_1339 : i32 to vector<16xi32>
    %select_n3A_1341 = arith.select %eq3A_1338, %broadcast_in_dim3A_1340, %get3A_1332 : vector<16xi1>, vector<16xi32>
    %add3A_1342 = arith.addi %mul3A_1335, %select_n3A_1341 : vector<16xi32>
    %swap3A_1343 = arith.constant 784 : index
    %swap3A_1344 = tpu.vector_load %arg5[%swap3A_1343] {strides = array<i32>} : memref<13312xi32, #tpu.memory_space<vmem>>, vector<16xi32>,
    %swap3A_1345 = vector.shape_cast %swap3A_1344 : vector<16xi32> to vector<16xi32>
    %swap3A_1346 = vector.shape_cast %add3A_1342 : vector<16xi32> to vector<16xi32>
    tpu.vector_store %arg5[%swap3A_1343], %swap3A_1346 {strides = array<i32>} : memref<13312xi32, #tpu.memory_space<vmem>>, vector<16xi32>,
    %add3A_1347 = arith.constant 20 : i32
    %add3A_1348 = vector.broadcast %add3A_1347 : i32 to vector<16xi32>
    %add3A_1349 = arith.addi %iota3A, %add3A_1348 : vector<16xi32>
    %ge3A_1350 = arith.constant 26 : i32
    %ge3A_1351 = vector.broadcast %ge3A_1350 : i32 to vector<16xi32>
    %ge3A_1352 = arith.cmpi sge, %add3A_1349, %ge3A_1351 : vector<16xi32>
    %sub3A_1353 = arith.constant 26 : i32
    %sub3A_1354 = vector.broadcast %sub3A_1353 : i32 to vector<16xi32>
    %sub3A_1355 = arith.subi %add3A_1349, %sub3A_1354 : vector<16xi32>
    %select_n3A_1356 = arith.select %ge3A_1352, %sub3A_1355, %add3A_1349 : vector<16xi1>, vector<16xi32>
    %get3A_1357 = arith.constant 800 : index
    %get3A_1358 = tpu.vector_load %arg5[%get3A_1357] {strides = array<i32>} : memref<13312xi32, #tpu.memory_space<vmem>>, vector<16xi32>,
    %get3A_1359 = vector.shape_cast %get3A_1358 : vector<16xi32> to vector<16xi32>
    %mul3A_1360 = arith.constant 1001 : i32
    %mul3A_1361 = vector.broadcast %mul3A_1360 : i32 to vector<16xi32>
    %mul3A_1362 = arith.muli %select_n3A_1356, %mul3A_1361 : vector<16xi32>
    %eq3A_1363 = arith.constant -1 : i32
    %eq3A_1364 = vector.broadcast %eq3A_1363 : i32 to vector<16xi32>
    %eq3A_1365 = arith.cmpi eq, %get3A_1359, %eq3A_1364 : vector<16xi32>
    %jit3A_1366 = arith.constant 1000 : i32
    %broadcast_in_dim3A_1367 = vector.broadcast %jit3A_1366 : i32 to vector<16xi32>
    %select_n3A_1368 = arith.select %eq3A_1365, %broadcast_in_dim3A_1367, %get3A_1359 : vector<16xi1>, vector<16xi32>
    %add3A_1369 = arith.addi %mul3A_1362, %select_n3A_1368 : vector<16xi32>
    %swap3A_1370 = arith.constant 800 : index
    %swap3A_1371 = tpu.vector_load %arg5[%swap3A_1370] {strides = array<i32>} : memref<13312xi32, #tpu.memory_space<vmem>>, vector<16xi32>,
    %swap3A_1372 = vector.shape_cast %swap3A_1371 : vector<16xi32> to vector<16xi32>
    %swap3A_1373 = vector.shape_cast %add3A_1369 : vector<16xi32> to vector<16xi32>
    tpu.vector_store %arg5[%swap3A_1370], %swap3A_1373 {strides = array<i32>} : memref<13312xi32, #tpu.memory_space<vmem>>, vector<16xi32>,
    %add3A_1374 = arith.constant 10 : i32
    %add3A_1375 = vector.broadcast %add3A_1374 : i32 to vector<16xi32>
    %add3A_1376 = arith.addi %iota3A, %add3A_1375 : vector<16xi32>
    %ge3A_1377 = arith.constant 26 : i32
    %ge3A_1378 = vector.broadcast %ge3A_1377 : i32 to vector<16xi32>
    %ge3A_1379 = arith.cmpi sge, %add3A_1376, %ge3A_1378 : vector<16xi32>
    %sub3A_1380 = arith.constant 26 : i32
    %sub3A_1381 = vector.broadcast %sub3A_1380 : i32 to vector<16xi32>
    %sub3A_1382 = arith.subi %add3A_1376, %sub3A_1381 : vector<16xi32>
    %select_n3A_1383 = arith.select %ge3A_1379, %sub3A_1382, %add3A_1376 : vector<16xi1>, vector<16xi32>
    %get3A_1384 = arith.constant 816 : index
    %get3A_1385 = tpu.vector_load %arg5[%get3A_1384] {strides = array<i32>} : memref<13312xi32, #tpu.memory_space<vmem>>, vector<16xi32>,
    %get3A_1386 = vector.shape_cast %get3A_1385 : vector<16xi32> to vector<16xi32>
    %mul3A_1387 = arith.constant 1001 : i32
    %mul3A_1388 = vector.broadcast %mul3A_1387 : i32 to vector<16xi32>
    %mul3A_1389 = arith.muli %select_n3A_1383, %mul3A_1388 : vector<16xi32>
    %eq3A_1390 = arith.constant -1 : i32
    %eq3A_1391 = vector.broadcast %eq3A_1390 : i32 to vector<16xi32>
    %eq3A_1392 = arith.cmpi eq, %get3A_1386, %eq3A_1391 : vector<16xi32>
    %jit3A_1393 = arith.constant 1000 : i32
    %broadcast_in_dim3A_1394 = vector.broadcast %jit3A_1393 : i32 to vector<16xi32>
    %select_n3A_1395 = arith.select %eq3A_1392, %broadcast_in_dim3A_1394, %get3A_1386 : vector<16xi1>, vector<16xi32>
    %add3A_1396 = arith.addi %mul3A_1389, %select_n3A_1395 : vector<16xi32>
    %swap3A_1397 = arith.constant 816 : index
    %swap3A_1398 = tpu.vector_load %arg5[%swap3A_1397] {strides = array<i32>} : memref<13312xi32, #tpu.memory_space<vmem>>, vector<16xi32>,
    %swap3A_1399 = vector.shape_cast %swap3A_1398 : vector<16xi32> to vector<16xi32>
    %swap3A_1400 = vector.shape_cast %add3A_1396 : vector<16xi32> to vector<16xi32>
    tpu.vector_store %arg5[%swap3A_1397], %swap3A_1400 {strides = array<i32>} : memref<13312xi32, #tpu.memory_space<vmem>>, vector<16xi32>,
    %dma_start3A = arith.constant 0 : i32
    %dma_start3A_1401 = arith.constant 0 : i32
    %dma_start3A_1402 = tpu.memref_slice %arg6[%dma_start3A, %dma_start3A_1401] : memref<832x128xf32, #tpu.memory_space<vmem>> -> memref<104x128xf32, #tpu.memory_space<vmem>>
    %dma_start3A_1403 = arith.constant 0 : i32
    %dma_start3A_1404 = tpu.memref_slice %arg5[%dma_start3A_1403] : memref<13312xi32, #tpu.memory_space<vmem>> -> memref<104xi32, #tpu.memory_space<vmem>>
    %dma_start3A_1405 = arith.constant 0 : i32
    %dma_start3A_1406 = arith.constant 0 : i32
    %dma_start3A_1407 = tpu.memref_slice %arg2[%dma_start3A_1405, %dma_start3A_1406] : memref<26026x128xf32, #tpu.memory_space<hbm>> -> memref<26026x128xf32, #tpu.memory_space<hbm>>
    tpu.enqueue_indirect_dma source(%dma_start3A_1407 : memref<26026x128xf32, #tpu.memory_space<hbm>>) target(%dma_start3A_1402 : memref<104x128xf32, #tpu.memory_space<vmem>>) offsets(%dma_start3A_1404 : memref<104xi32, #tpu.memory_space<vmem>>) semaphore(%arg7 : memref<!tpu.dma_semaphore, #tpu.memory_space<semaphore_mem>>)
    %dma_start3A_1408 = arith.constant 104 : i32
    %dma_start3A_1409 = arith.constant 0 : i32
    %dma_start3A_1410 = tpu.memref_slice %arg6[%dma_start3A_1408, %dma_start3A_1409] : memref<832x128xf32, #tpu.memory_space<vmem>> -> memref<104x128xf32, #tpu.memory_space<vmem>>
    %dma_start3A_1411 = arith.constant 104 : i32
    %dma_start3A_1412 = tpu.memref_slice %arg5[%dma_start3A_1411] : memref<13312xi32, #tpu.memory_space<vmem>> -> memref<104xi32, #tpu.memory_space<vmem>>
    %dma_start3A_1413 = arith.constant 0 : i32
    %dma_start3A_1414 = arith.constant 0 : i32
    %dma_start3A_1415 = tpu.memref_slice %arg2[%dma_start3A_1413, %dma_start3A_1414] : memref<26026x128xf32, #tpu.memory_space<hbm>> -> memref<26026x128xf32, #tpu.memory_space<hbm>>
    tpu.enqueue_indirect_dma source(%dma_start3A_1415 : memref<26026x128xf32, #tpu.memory_space<hbm>>) target(%dma_start3A_1410 : memref<104x128xf32, #tpu.memory_space<vmem>>) offsets(%dma_start3A_1412 : memref<104xi32, #tpu.memory_space<vmem>>) semaphore(%arg7 : memref<!tpu.dma_semaphore, #tpu.memory_space<semaphore_mem>>)
    %dma_start3A_1416 = arith.constant 208 : i32
    %dma_start3A_1417 = arith.constant 0 : i32
    %dma_start3A_1418 = tpu.memref_slice %arg6[%dma_start3A_1416, %dma_start3A_1417] : memref<832x128xf32, #tpu.memory_space<vmem>> -> memref<104x128xf32, #tpu.memory_space<vmem>>
    %dma_start3A_1419 = arith.constant 208 : i32
    %dma_start3A_1420 = tpu.memref_slice %arg5[%dma_start3A_1419] : memref<13312xi32, #tpu.memory_space<vmem>> -> memref<104xi32, #tpu.memory_space<vmem>>
    %dma_start3A_1421 = arith.constant 0 : i32
    %dma_start3A_1422 = arith.constant 0 : i32
    %dma_start3A_1423 = tpu.memref_slice %arg2[%dma_start3A_1421, %dma_start3A_1422] : memref<26026x128xf32, #tpu.memory_space<hbm>> -> memref<26026x128xf32, #tpu.memory_space<hbm>>
    tpu.enqueue_indirect_dma source(%dma_start3A_1423 : memref<26026x128xf32, #tpu.memory_space<hbm>>) target(%dma_start3A_1418 : memref<104x128xf32, #tpu.memory_space<vmem>>) offsets(%dma_start3A_1420 : memref<104xi32, #tpu.memory_space<vmem>>) semaphore(%arg8 : memref<!tpu.dma_semaphore, #tpu.memory_space<semaphore_mem>>)
    %dma_start3A_1424 = arith.constant 312 : i32
    %dma_start3A_1425 = arith.constant 0 : i32
    %dma_start3A_1426 = tpu.memref_slice %arg6[%dma_start3A_1424, %dma_start3A_1425] : memref<832x128xf32, #tpu.memory_space<vmem>> -> memref<104x128xf32, #tpu.memory_space<vmem>>
    %dma_start3A_1427 = arith.constant 312 : i32
    %dma_start3A_1428 = tpu.memref_slice %arg5[%dma_start3A_1427] : memref<13312xi32, #tpu.memory_space<vmem>> -> memref<104xi32, #tpu.memory_space<vmem>>
    %dma_start3A_1429 = arith.constant 0 : i32
    %dma_start3A_1430 = arith.constant 0 : i32
    %dma_start3A_1431 = tpu.memref_slice %arg2[%dma_start3A_1429, %dma_start3A_1430] : memref<26026x128xf32, #tpu.memory_space<hbm>> -> memref<26026x128xf32, #tpu.memory_space<hbm>>
    tpu.enqueue_indirect_dma source(%dma_start3A_1431 : memref<26026x128xf32, #tpu.memory_space<hbm>>) target(%dma_start3A_1426 : memref<104x128xf32, #tpu.memory_space<vmem>>) offsets(%dma_start3A_1428 : memref<104xi32, #tpu.memory_space<vmem>>) semaphore(%arg8 : memref<!tpu.dma_semaphore, #tpu.memory_space<semaphore_mem>>)
    %dma_start3A_1432 = arith.constant 416 : i32
    %dma_start3A_1433 = arith.constant 0 : i32
    %dma_start3A_1434 = tpu.memref_slice %arg6[%dma_start3A_1432, %dma_start3A_1433] : memref<832x128xf32, #tpu.memory_space<vmem>> -> memref<104x128xf32, #tpu.memory_space<vmem>>
    %dma_start3A_1435 = arith.constant 416 : i32
    %dma_start3A_1436 = tpu.memref_slice %arg5[%dma_start3A_1435] : memref<13312xi32, #tpu.memory_space<vmem>> -> memref<104xi32, #tpu.memory_space<vmem>>
    %dma_start3A_1437 = arith.constant 0 : i32
    %dma_start3A_1438 = arith.constant 0 : i32
    %dma_start3A_1439 = tpu.memref_slice %arg2[%dma_start3A_1437, %dma_start3A_1438] : memref<26026x128xf32, #tpu.memory_space<hbm>> -> memref<26026x128xf32, #tpu.memory_space<hbm>>
    tpu.enqueue_indirect_dma source(%dma_start3A_1439 : memref<26026x128xf32, #tpu.memory_space<hbm>>) target(%dma_start3A_1434 : memref<104x128xf32, #tpu.memory_space<vmem>>) offsets(%dma_start3A_1436 : memref<104xi32, #tpu.memory_space<vmem>>) semaphore(%arg9 : memref<!tpu.dma_semaphore, #tpu.memory_space<semaphore_mem>>)
    %dma_start3A_1440 = arith.constant 520 : i32
    %dma_start3A_1441 = arith.constant 0 : i32
    %dma_start3A_1442 = tpu.memref_slice %arg6[%dma_start3A_1440, %dma_start3A_1441] : memref<832x128xf32, #tpu.memory_space<vmem>> -> memref<104x128xf32, #tpu.memory_space<vmem>>
    %dma_start3A_1443 = arith.constant 520 : i32
    %dma_start3A_1444 = tpu.memref_slice %arg5[%dma_start3A_1443] : memref<13312xi32, #tpu.memory_space<vmem>> -> memref<104xi32, #tpu.memory_space<vmem>>
    %dma_start3A_1445 = arith.constant 0 : i32
    %dma_start3A_1446 = arith.constant 0 : i32
    %dma_start3A_1447 = tpu.memref_slice %arg2[%dma_start3A_1445, %dma_start3A_1446] : memref<26026x128xf32, #tpu.memory_space<hbm>> -> memref<26026x128xf32, #tpu.memory_space<hbm>>
    tpu.enqueue_indirect_dma source(%dma_start3A_1447 : memref<26026x128xf32, #tpu.memory_space<hbm>>) target(%dma_start3A_1442 : memref<104x128xf32, #tpu.memory_space<vmem>>) offsets(%dma_start3A_1444 : memref<104xi32, #tpu.memory_space<vmem>>) semaphore(%arg9 : memref<!tpu.dma_semaphore, #tpu.memory_space<semaphore_mem>>)
    %dma_start3A_1448 = arith.constant 624 : i32
    %dma_start3A_1449 = arith.constant 0 : i32
    %dma_start3A_1450 = tpu.memref_slice %arg6[%dma_start3A_1448, %dma_start3A_1449] : memref<832x128xf32, #tpu.memory_space<vmem>> -> memref<104x128xf32, #tpu.memory_space<vmem>>
    %dma_start3A_1451 = arith.constant 624 : i32
    %dma_start3A_1452 = tpu.memref_slice %arg5[%dma_start3A_1451] : memref<13312xi32, #tpu.memory_space<vmem>> -> memref<104xi32, #tpu.memory_space<vmem>>
    %dma_start3A_1453 = arith.constant 0 : i32
    %dma_start3A_1454 = arith.constant 0 : i32
    %dma_start3A_1455 = tpu.memref_slice %arg2[%dma_start3A_1453, %dma_start3A_1454] : memref<26026x128xf32, #tpu.memory_space<hbm>> -> memref<26026x128xf32, #tpu.memory_space<hbm>>
    tpu.enqueue_indirect_dma source(%dma_start3A_1455 : memref<26026x128xf32, #tpu.memory_space<hbm>>) target(%dma_start3A_1450 : memref<104x128xf32, #tpu.memory_space<vmem>>) offsets(%dma_start3A_1452 : memref<104xi32, #tpu.memory_space<vmem>>) semaphore(%arg10 : memref<!tpu.dma_semaphore, #tpu.memory_space<semaphore_mem>>)
    %dma_start3A_1456 = arith.constant 728 : i32
    %dma_start3A_1457 = arith.constant 0 : i32
    %dma_start3A_1458 = tpu.memref_slice %arg6[%dma_start3A_1456, %dma_start3A_1457] : memref<832x128xf32, #tpu.memory_space<vmem>> -> memref<104x128xf32, #tpu.memory_space<vmem>>
    %dma_start3A_1459 = arith.constant 728 : i32
    %dma_start3A_1460 = tpu.memref_slice %arg5[%dma_start3A_1459] : memref<13312xi32, #tpu.memory_space<vmem>> -> memref<104xi32, #tpu.memory_space<vmem>>
    %dma_start3A_1461 = arith.constant 0 : i32
    %dma_start3A_1462 = arith.constant 0 : i32
    %dma_start3A_1463 = tpu.memref_slice %arg2[%dma_start3A_1461, %dma_start3A_1462] : memref<26026x128xf32, #tpu.memory_space<hbm>> -> memref<26026x128xf32, #tpu.memory_space<hbm>>
    tpu.enqueue_indirect_dma source(%dma_start3A_1463 : memref<26026x128xf32, #tpu.memory_space<hbm>>) target(%dma_start3A_1458 : memref<104x128xf32, #tpu.memory_space<vmem>>) offsets(%dma_start3A_1460 : memref<104xi32, #tpu.memory_space<vmem>>) semaphore(%arg10 : memref<!tpu.dma_semaphore, #tpu.memory_space<semaphore_mem>>)
    %dma_wait3A = arith.constant 0 : i32
    %dma_wait3A_1464 = arith.constant 0 : i32
    %dma_wait3A_1465 = tpu.memref_slice %arg6[%dma_wait3A, %dma_wait3A_1464] : memref<832x128xf32, #tpu.memory_space<vmem>> -> memref<104x128xf32, #tpu.memory_space<vmem>>
    %dma_wait3A_1466 = arith.constant 0 : i32
    %dma_wait3A_1467 = tpu.memref_slice %arg5[%dma_wait3A_1466] : memref<13312xi32, #tpu.memory_space<vmem>> -> memref<104xi32, #tpu.memory_space<vmem>>
    %dma_wait3A_1468 = arith.constant 0 : i32
    %dma_wait3A_1469 = arith.constant 0 : i32
    %dma_wait3A_1470 = tpu.memref_slice %arg2[%dma_wait3A_1468, %dma_wait3A_1469] : memref<26026x128xf32, #tpu.memory_space<hbm>> -> memref<26026x128xf32, #tpu.memory_space<hbm>>
    tpu.wait_indirect_dma semaphore(%arg7 : memref<!tpu.dma_semaphore, #tpu.memory_space<semaphore_mem>>) src(%dma_wait3A_1470 : memref<26026x128xf32, #tpu.memory_space<hbm>>) dst(%dma_wait3A_1465 : memref<104x128xf32, #tpu.memory_space<vmem>>)
    %dma_wait3A_1471 = arith.constant 104 : i32
    %dma_wait3A_1472 = arith.constant 0 : i32
    %dma_wait3A_1473 = tpu.memref_slice %arg6[%dma_wait3A_1471, %dma_wait3A_1472] : memref<832x128xf32, #tpu.memory_space<vmem>> -> memref<104x128xf32, #tpu.memory_space<vmem>>
    %dma_wait3A_1474 = arith.constant 104 : i32
    %dma_wait3A_1475 = tpu.memref_slice %arg5[%dma_wait3A_1474] : memref<13312xi32, #tpu.memory_space<vmem>> -> memref<104xi32, #tpu.memory_space<vmem>>
    %dma_wait3A_1476 = arith.constant 0 : i32
    %dma_wait3A_1477 = arith.constant 0 : i32
    %dma_wait3A_1478 = tpu.memref_slice %arg2[%dma_wait3A_1476, %dma_wait3A_1477] : memref<26026x128xf32, #tpu.memory_space<hbm>> -> memref<26026x128xf32, #tpu.memory_space<hbm>>
    tpu.wait_indirect_dma semaphore(%arg7 : memref<!tpu.dma_semaphore, #tpu.memory_space<semaphore_mem>>) src(%dma_wait3A_1478 : memref<26026x128xf32, #tpu.memory_space<hbm>>) dst(%dma_wait3A_1473 : memref<104x128xf32, #tpu.memory_space<vmem>>)
    %add3A_1479 = arith.constant 0 : i32
    %add3A_1480 = arith.addi %mul3A_4, %add3A_1479 : i32
    %dma_start3A_1481 = arith.constant 0 : i32
    %dma_start3A_1482 = arith.constant 0 : i32
    %dma_start3A_1483 = tpu.memref_slice %arg6[%dma_start3A_1481, %dma_start3A_1482] : memref<832x128xf32, #tpu.memory_space<vmem>> -> memref<208x128xf32, #tpu.memory_space<vmem>>
    %dma_start3A_1484 = tpu.memref_reshape %dma_start3A_1483 : memref<208x128xf32, #tpu.memory_space<vmem>> -> memref<8x3328xf32, #tpu.memory_space<vmem>>
    %dma_start3A_1485 = arith.constant 0 : i32
    %dma_start3A_1486 = tpu.memref_slice %arg4[%add3A_1480, %dma_start3A_1485] : memref<16384x3328xf32, #tpu.memory_space<hbm>> -> memref<8x3328xf32, #tpu.memory_space<hbm>>
    %dma_start3A_1487 = arith.constant 0 : i32
    %dma_start3A_1488 = tpu.memref_slice %arg4[%add3A_1480, %dma_start3A_1487] : memref<16384x3328xf32, #tpu.memory_space<hbm>> -> memref<8x3328xf32, #tpu.memory_space<hbm>>
    %dma_start3A_1489 = arith.constant 0 : i32
    %dma_start3A_1490 = arith.constant 0 : i32
    %dma_start3A_1491 = tpu.memref_slice %arg6[%dma_start3A_1489, %dma_start3A_1490] : memref<832x128xf32, #tpu.memory_space<vmem>> -> memref<208x128xf32, #tpu.memory_space<vmem>>
    %dma_start3A_1492 = tpu.memref_reshape %dma_start3A_1491 : memref<208x128xf32, #tpu.memory_space<vmem>> -> memref<8x3328xf32, #tpu.memory_space<vmem>>
    tpu.enqueue_dma source(%dma_start3A_1492 : memref<8x3328xf32, #tpu.memory_space<vmem>>) target(%dma_start3A_1488 : memref<8x3328xf32, #tpu.memory_space<hbm>>) target_semaphore(%arg11 : memref<!tpu.dma_semaphore, #tpu.memory_space<semaphore_mem>>)
    %scan3A = arith.constant 0 : i32
    %scan3A_1493 = arith.constant 1 : i32
    %scan3A_1494 = arith.constant 15 : i32
    %scan3A_1495 = arith.addi %scan3A_1493, %scan3A_1494 : i32
    %scan3A_1496 = arith.constant 1 : i32
    scf.for %scan3A_1644 = %scan3A_1493 to %scan3A_1495 step %scan3A_1496  : i32 {
      %mul3A_1645 = arith.constant 832 : i32
      %mul3A_1646 = arith.muli %scan3A_1644, %mul3A_1645 : i32
      %add3A_1647 = arith.constant 0 : i32
      %add3A_1648 = arith.addi %mul3A_1646, %add3A_1647 : i32
      %add3A_1649 = arith.constant 0 : i32
      %add3A_1650 = vector.broadcast %add3A_1649 : i32 to vector<16xi32>
      %add3A_1651 = arith.addi %iota3A, %add3A_1650 : vector<16xi32>
      %ge3A_1652 = arith.constant 26 : i32
      %ge3A_1653 = vector.broadcast %ge3A_1652 : i32 to vector<16xi32>
      %ge3A_1654 = arith.cmpi sge, %add3A_1651, %ge3A_1653 : vector<16xi32>
      %sub3A_1655 = arith.constant 26 : i32
      %sub3A_1656 = vector.broadcast %sub3A_1655 : i32 to vector<16xi32>
      %sub3A_1657 = arith.subi %add3A_1651, %sub3A_1656 : vector<16xi32>
      %select_n3A_1658 = arith.select %ge3A_1654, %sub3A_1657, %add3A_1651 : vector<16xi1>, vector<16xi32>
      %get3A_1659 = arith.index_cast %add3A_1648 : i32 to index
      %get3A_1660 = tpu.vector_load %arg5[%get3A_1659] {strides = array<i32>} : memref<13312xi32, #tpu.memory_space<vmem>>, vector<16xi32>,
      %get3A_1661 = vector.shape_cast %get3A_1660 : vector<16xi32> to vector<16xi32>
      %mul3A_1662 = arith.constant 1001 : i32
      %mul3A_1663 = vector.broadcast %mul3A_1662 : i32 to vector<16xi32>
      %mul3A_1664 = arith.muli %select_n3A_1658, %mul3A_1663 : vector<16xi32>
      %eq3A_1665 = arith.constant -1 : i32
      %eq3A_1666 = vector.broadcast %eq3A_1665 : i32 to vector<16xi32>
      %eq3A_1667 = arith.cmpi eq, %get3A_1661, %eq3A_1666 : vector<16xi32>
      %jit3A_1668 = arith.constant 1000 : i32
      %broadcast_in_dim3A_1669 = vector.broadcast %jit3A_1668 : i32 to vector<16xi32>
      %select_n3A_1670 = arith.select %eq3A_1667, %broadcast_in_dim3A_1669, %get3A_1661 : vector<16xi1>, vector<16xi32>
      %add3A_1671 = arith.addi %mul3A_1664, %select_n3A_1670 : vector<16xi32>
      %swap3A_1672 = arith.index_cast %add3A_1648 : i32 to index
      %swap3A_1673 = tpu.vector_load %arg5[%swap3A_1672] {strides = array<i32>} : memref<13312xi32, #tpu.memory_space<vmem>>, vector<16xi32>,
      %swap3A_1674 = vector.shape_cast %swap3A_1673 : vector<16xi32> to vector<16xi32>
      %swap3A_1675 = vector.shape_cast %add3A_1671 : vector<16xi32> to vector<16xi32>
      tpu.vector_store %arg5[%swap3A_1672], %swap3A_1675 {strides = array<i32>} : memref<13312xi32, #tpu.memory_space<vmem>>, vector<16xi32>,
      %mul3A_1676 = arith.constant 832 : i32
      %mul3A_1677 = arith.muli %scan3A_1644, %mul3A_1676 : i32
      %add3A_1678 = arith.constant 16 : i32
      %add3A_1679 = arith.addi %mul3A_1677, %add3A_1678 : i32
      %add3A_1680 = arith.constant 16 : i32
      %add3A_1681 = vector.broadcast %add3A_1680 : i32 to vector<16xi32>
      %add3A_1682 = arith.addi %iota3A, %add3A_1681 : vector<16xi32>
      %ge3A_1683 = arith.constant 26 : i32
      %ge3A_1684 = vector.broadcast %ge3A_1683 : i32 to vector<16xi32>
      %ge3A_1685 = arith.cmpi sge, %add3A_1682, %ge3A_1684 : vector<16xi32>
      %sub3A_1686 = arith.constant 26 : i32
      %sub3A_1687 = vector.broadcast %sub3A_1686 : i32 to vector<16xi32>
      %sub3A_1688 = arith.subi %add3A_1682, %sub3A_1687 : vector<16xi32>
      %select_n3A_1689 = arith.select %ge3A_1685, %sub3A_1688, %add3A_1682 : vector<16xi1>, vector<16xi32>
      %get3A_1690 = arith.index_cast %add3A_1679 : i32 to index
      %get3A_1691 = tpu.vector_load %arg5[%get3A_1690] {strides = array<i32>} : memref<13312xi32, #tpu.memory_space<vmem>>, vector<16xi32>,
      %get3A_1692 = vector.shape_cast %get3A_1691 : vector<16xi32> to vector<16xi32>
      %mul3A_1693 = arith.constant 1001 : i32
      %mul3A_1694 = vector.broadcast %mul3A_1693 : i32 to vector<16xi32>
      %mul3A_1695 = arith.muli %select_n3A_1689, %mul3A_1694 : vector<16xi32>
      %eq3A_1696 = arith.constant -1 : i32
      %eq3A_1697 = vector.broadcast %eq3A_1696 : i32 to vector<16xi32>
      %eq3A_1698 = arith.cmpi eq, %get3A_1692, %eq3A_1697 : vector<16xi32>
      %jit3A_1699 = arith.constant 1000 : i32
      %broadcast_in_dim3A_1700 = vector.broadcast %jit3A_1699 : i32 to vector<16xi32>
      %select_n3A_1701 = arith.select %eq3A_1698, %broadcast_in_dim3A_1700, %get3A_1692 : vector<16xi1>, vector<16xi32>
      %add3A_1702 = arith.addi %mul3A_1695, %select_n3A_1701 : vector<16xi32>
      %swap3A_1703 = arith.index_cast %add3A_1679 : i32 to index
      %swap3A_1704 = tpu.vector_load %arg5[%swap3A_1703] {strides = array<i32>} : memref<13312xi32, #tpu.memory_space<vmem>>, vector<16xi32>,
      %swap3A_1705 = vector.shape_cast %swap3A_1704 : vector<16xi32> to vector<16xi32>
      %swap3A_1706 = vector.shape_cast %add3A_1702 : vector<16xi32> to vector<16xi32>
      tpu.vector_store %arg5[%swap3A_1703], %swap3A_1706 {strides = array<i32>} : memref<13312xi32, #tpu.memory_space<vmem>>, vector<16xi32>,
      %mul3A_1707 = arith.constant 832 : i32
      %mul3A_1708 = arith.muli %scan3A_1644, %mul3A_1707 : i32
      %add3A_1709 = arith.constant 32 : i32
      %add3A_1710 = arith.addi %mul3A_1708, %add3A_1709 : i32
      %add3A_1711 = arith.constant 6 : i32
      %add3A_1712 = vector.broadcast %add3A_1711 : i32 to vector<16xi32>
      %add3A_1713 = arith.addi %iota3A, %add3A_1712 : vector<16xi32>
      %ge3A_1714 = arith.constant 26 : i32
      %ge3A_1715 = vector.broadcast %ge3A_1714 : i32 to vector<16xi32>
      %ge3A_1716 = arith.cmpi sge, %add3A_1713, %ge3A_1715 : vector<16xi32>
      %sub3A_1717 = arith.constant 26 : i32
      %sub3A_1718 = vector.broadcast %sub3A_1717 : i32 to vector<16xi32>
      %sub3A_1719 = arith.subi %add3A_1713, %sub3A_1718 : vector<16xi32>
      %select_n3A_1720 = arith.select %ge3A_1716, %sub3A_1719, %add3A_1713 : vector<16xi1>, vector<16xi32>
      %get3A_1721 = arith.index_cast %add3A_1710 : i32 to index
      %get3A_1722 = tpu.vector_load %arg5[%get3A_1721] {strides = array<i32>} : memref<13312xi32, #tpu.memory_space<vmem>>, vector<16xi32>,
      %get3A_1723 = vector.shape_cast %get3A_1722 : vector<16xi32> to vector<16xi32>
      %mul3A_1724 = arith.constant 1001 : i32
      %mul3A_1725 = vector.broadcast %mul3A_1724 : i32 to vector<16xi32>
      %mul3A_1726 = arith.muli %select_n3A_1720, %mul3A_1725 : vector<16xi32>
      %eq3A_1727 = arith.constant -1 : i32
      %eq3A_1728 = vector.broadcast %eq3A_1727 : i32 to vector<16xi32>
      %eq3A_1729 = arith.cmpi eq, %get3A_1723, %eq3A_1728 : vector<16xi32>
      %jit3A_1730 = arith.constant 1000 : i32
      %broadcast_in_dim3A_1731 = vector.broadcast %jit3A_1730 : i32 to vector<16xi32>
      %select_n3A_1732 = arith.select %eq3A_1729, %broadcast_in_dim3A_1731, %get3A_1723 : vector<16xi1>, vector<16xi32>
      %add3A_1733 = arith.addi %mul3A_1726, %select_n3A_1732 : vector<16xi32>
      %swap3A_1734 = arith.index_cast %add3A_1710 : i32 to index
      %swap3A_1735 = tpu.vector_load %arg5[%swap3A_1734] {strides = array<i32>} : memref<13312xi32, #tpu.memory_space<vmem>>, vector<16xi32>,
      %swap3A_1736 = vector.shape_cast %swap3A_1735 : vector<16xi32> to vector<16xi32>
      %swap3A_1737 = vector.shape_cast %add3A_1733 : vector<16xi32> to vector<16xi32>
      tpu.vector_store %arg5[%swap3A_1734], %swap3A_1737 {strides = array<i32>} : memref<13312xi32, #tpu.memory_space<vmem>>, vector<16xi32>,
      %mul3A_1738 = arith.constant 832 : i32
      %mul3A_1739 = arith.muli %scan3A_1644, %mul3A_1738 : i32
      %add3A_1740 = arith.constant 48 : i32
      %add3A_1741 = arith.addi %mul3A_1739, %add3A_1740 : i32
      %add3A_1742 = arith.constant 22 : i32
      %add3A_1743 = vector.broadcast %add3A_1742 : i32 to vector<16xi32>
      %add3A_1744 = arith.addi %iota3A, %add3A_1743 : vector<16xi32>
      %ge3A_1745 = arith.constant 26 : i32
      %ge3A_1746 = vector.broadcast %ge3A_1745 : i32 to vector<16xi32>
      %ge3A_1747 = arith.cmpi sge, %add3A_1744, %ge3A_1746 : vector<16xi32>
      %sub3A_1748 = arith.constant 26 : i32
      %sub3A_1749 = vector.broadcast %sub3A_1748 : i32 to vector<16xi32>
      %sub3A_1750 = arith.subi %add3A_1744, %sub3A_1749 : vector<16xi32>
      %select_n3A_1751 = arith.select %ge3A_1747, %sub3A_1750, %add3A_1744 : vector<16xi1>, vector<16xi32>
      %get3A_1752 = arith.index_cast %add3A_1741 : i32 to index
      %get3A_1753 = tpu.vector_load %arg5[%get3A_1752] {strides = array<i32>} : memref<13312xi32, #tpu.memory_space<vmem>>, vector<16xi32>,
      %get3A_1754 = vector.shape_cast %get3A_1753 : vector<16xi32> to vector<16xi32>
      %mul3A_1755 = arith.constant 1001 : i32
      %mul3A_1756 = vector.broadcast %mul3A_1755 : i32 to vector<16xi32>
      %mul3A_1757 = arith.muli %select_n3A_1751, %mul3A_1756 : vector<16xi32>
      %eq3A_1758 = arith.constant -1 : i32
      %eq3A_1759 = vector.broadcast %eq3A_1758 : i32 to vector<16xi32>
      %eq3A_1760 = arith.cmpi eq, %get3A_1754, %eq3A_1759 : vector<16xi32>
      %jit3A_1761 = arith.constant 1000 : i32
      %broadcast_in_dim3A_1762 = vector.broadcast %jit3A_1761 : i32 to vector<16xi32>
      %select_n3A_1763 = arith.select %eq3A_1760, %broadcast_in_dim3A_1762, %get3A_1754 : vector<16xi1>, vector<16xi32>
      %add3A_1764 = arith.addi %mul3A_1757, %select_n3A_1763 : vector<16xi32>
      %swap3A_1765 = arith.index_cast %add3A_1741 : i32 to index
      %swap3A_1766 = tpu.vector_load %arg5[%swap3A_1765] {strides = array<i32>} : memref<13312xi32, #tpu.memory_space<vmem>>, vector<16xi32>,
      %swap3A_1767 = vector.shape_cast %swap3A_1766 : vector<16xi32> to vector<16xi32>
      %swap3A_1768 = vector.shape_cast %add3A_1764 : vector<16xi32> to vector<16xi32>
      tpu.vector_store %arg5[%swap3A_1765], %swap3A_1768 {strides = array<i32>} : memref<13312xi32, #tpu.memory_space<vmem>>, vector<16xi32>,
      %mul3A_1769 = arith.constant 832 : i32
      %mul3A_1770 = arith.muli %scan3A_1644, %mul3A_1769 : i32
      %add3A_1771 = arith.constant 64 : i32
      %add3A_1772 = arith.addi %mul3A_1770, %add3A_1771 : i32
      %add3A_1773 = arith.constant 12 : i32
      %add3A_1774 = vector.broadcast %add3A_1773 : i32 to vector<16xi32>
      %add3A_1775 = arith.addi %iota3A, %add3A_1774 : vector<16xi32>
      %ge3A_1776 = arith.constant 26 : i32
      %ge3A_1777 = vector.broadcast %ge3A_1776 : i32 to vector<16xi32>
      %ge3A_1778 = arith.cmpi sge, %add3A_1775, %ge3A_1777 : vector<16xi32>
      %sub3A_1779 = arith.constant 26 : i32
      %sub3A_1780 = vector.broadcast %sub3A_1779 : i32 to vector<16xi32>
      %sub3A_1781 = arith.subi %add3A_1775, %sub3A_1780 : vector<16xi32>
      %select_n3A_1782 = arith.select %ge3A_1778, %sub3A_1781, %add3A_1775 : vector<16xi1>, vector<16xi32>
      %get3A_1783 = arith.index_cast %add3A_1772 : i32 to index
      %get3A_1784 = tpu.vector_load %arg5[%get3A_1783] {strides = array<i32>} : memref<13312xi32, #tpu.memory_space<vmem>>, vector<16xi32>,
      %get3A_1785 = vector.shape_cast %get3A_1784 : vector<16xi32> to vector<16xi32>
      %mul3A_1786 = arith.constant 1001 : i32
      %mul3A_1787 = vector.broadcast %mul3A_1786 : i32 to vector<16xi32>
      %mul3A_1788 = arith.muli %select_n3A_1782, %mul3A_1787 : vector<16xi32>
      %eq3A_1789 = arith.constant -1 : i32
      %eq3A_1790 = vector.broadcast %eq3A_1789 : i32 to vector<16xi32>
      %eq3A_1791 = arith.cmpi eq, %get3A_1785, %eq3A_1790 : vector<16xi32>
      %jit3A_1792 = arith.constant 1000 : i32
      %broadcast_in_dim3A_1793 = vector.broadcast %jit3A_1792 : i32 to vector<16xi32>
      %select_n3A_1794 = arith.select %eq3A_1791, %broadcast_in_dim3A_1793, %get3A_1785 : vector<16xi1>, vector<16xi32>
      %add3A_1795 = arith.addi %mul3A_1788, %select_n3A_1794 : vector<16xi32>
      %swap3A_1796 = arith.index_cast %add3A_1772 : i32 to index
      %swap3A_1797 = tpu.vector_load %arg5[%swap3A_1796] {strides = array<i32>} : memref<13312xi32, #tpu.memory_space<vmem>>, vector<16xi32>,
      %swap3A_1798 = vector.shape_cast %swap3A_1797 : vector<16xi32> to vector<16xi32>
      %swap3A_1799 = vector.shape_cast %add3A_1795 : vector<16xi32> to vector<16xi32>
      tpu.vector_store %arg5[%swap3A_1796], %swap3A_1799 {strides = array<i32>} : memref<13312xi32, #tpu.memory_space<vmem>>, vector<16xi32>,
      %mul3A_1800 = arith.constant 832 : i32
      %mul3A_1801 = arith.muli %scan3A_1644, %mul3A_1800 : i32
      %add3A_1802 = arith.constant 80 : i32
      %add3A_1803 = arith.addi %mul3A_1801, %add3A_1802 : i32
      %add3A_1804 = arith.constant 2 : i32
      %add3A_1805 = vector.broadcast %add3A_1804 : i32 to vector<16xi32>
      %add3A_1806 = arith.addi %iota3A, %add3A_1805 : vector<16xi32>
      %ge3A_1807 = arith.constant 26 : i32
      %ge3A_1808 = vector.broadcast %ge3A_1807 : i32 to vector<16xi32>
      %ge3A_1809 = arith.cmpi sge, %add3A_1806, %ge3A_1808 : vector<16xi32>
      %sub3A_1810 = arith.constant 26 : i32
      %sub3A_1811 = vector.broadcast %sub3A_1810 : i32 to vector<16xi32>
      %sub3A_1812 = arith.subi %add3A_1806, %sub3A_1811 : vector<16xi32>
      %select_n3A_1813 = arith.select %ge3A_1809, %sub3A_1812, %add3A_1806 : vector<16xi1>, vector<16xi32>
      %get3A_1814 = arith.index_cast %add3A_1803 : i32 to index
      %get3A_1815 = tpu.vector_load %arg5[%get3A_1814] {strides = array<i32>} : memref<13312xi32, #tpu.memory_space<vmem>>, vector<16xi32>,
      %get3A_1816 = vector.shape_cast %get3A_1815 : vector<16xi32> to vector<16xi32>
      %mul3A_1817 = arith.constant 1001 : i32
      %mul3A_1818 = vector.broadcast %mul3A_1817 : i32 to vector<16xi32>
      %mul3A_1819 = arith.muli %select_n3A_1813, %mul3A_1818 : vector<16xi32>
      %eq3A_1820 = arith.constant -1 : i32
      %eq3A_1821 = vector.broadcast %eq3A_1820 : i32 to vector<16xi32>
      %eq3A_1822 = arith.cmpi eq, %get3A_1816, %eq3A_1821 : vector<16xi32>
      %jit3A_1823 = arith.constant 1000 : i32
      %broadcast_in_dim3A_1824 = vector.broadcast %jit3A_1823 : i32 to vector<16xi32>
      %select_n3A_1825 = arith.select %eq3A_1822, %broadcast_in_dim3A_1824, %get3A_1816 : vector<16xi1>, vector<16xi32>
      %add3A_1826 = arith.addi %mul3A_1819, %select_n3A_1825 : vector<16xi32>
      %swap3A_1827 = arith.index_cast %add3A_1803 : i32 to index
      %swap3A_1828 = tpu.vector_load %arg5[%swap3A_1827] {strides = array<i32>} : memref<13312xi32, #tpu.memory_space<vmem>>, vector<16xi32>,
      %swap3A_1829 = vector.shape_cast %swap3A_1828 : vector<16xi32> to vector<16xi32>
      %swap3A_1830 = vector.shape_cast %add3A_1826 : vector<16xi32> to vector<16xi32>
      tpu.vector_store %arg5[%swap3A_1827], %swap3A_1830 {strides = array<i32>} : memref<13312xi32, #tpu.memory_space<vmem>>, vector<16xi32>,
      %mul3A_1831 = arith.constant 832 : i32
      %mul3A_1832 = arith.muli %scan3A_1644, %mul3A_1831 : i32
      %add3A_1833 = arith.constant 96 : i32
      %add3A_1834 = arith.addi %mul3A_1832, %add3A_1833 : i32
      %add3A_1835 = arith.constant 18 : i32
      %add3A_1836 = vector.broadcast %add3A_1835 : i32 to vector<16xi32>
      %add3A_1837 = arith.addi %iota3A, %add3A_1836 : vector<16xi32>
      %ge3A_1838 = arith.constant 26 : i32
      %ge3A_1839 = vector.broadcast %ge3A_1838 : i32 to vector<16xi32>
      %ge3A_1840 = arith.cmpi sge, %add3A_1837, %ge3A_1839 : vector<16xi32>
      %sub3A_1841 = arith.constant 26 : i32
      %sub3A_1842 = vector.broadcast %sub3A_1841 : i32 to vector<16xi32>
      %sub3A_1843 = arith.subi %add3A_1837, %sub3A_1842 : vector<16xi32>
      %select_n3A_1844 = arith.select %ge3A_1840, %sub3A_1843, %add3A_1837 : vector<16xi1>, vector<16xi32>
      %get3A_1845 = arith.index_cast %add3A_1834 : i32 to index
      %get3A_1846 = tpu.vector_load %arg5[%get3A_1845] {strides = array<i32>} : memref<13312xi32, #tpu.memory_space<vmem>>, vector<16xi32>,
      %get3A_1847 = vector.shape_cast %get3A_1846 : vector<16xi32> to vector<16xi32>
      %mul3A_1848 = arith.constant 1001 : i32
      %mul3A_1849 = vector.broadcast %mul3A_1848 : i32 to vector<16xi32>
      %mul3A_1850 = arith.muli %select_n3A_1844, %mul3A_1849 : vector<16xi32>
      %eq3A_1851 = arith.constant -1 : i32
      %eq3A_1852 = vector.broadcast %eq3A_1851 : i32 to vector<16xi32>
      %eq3A_1853 = arith.cmpi eq, %get3A_1847, %eq3A_1852 : vector<16xi32>
      %jit3A_1854 = arith.constant 1000 : i32
      %broadcast_in_dim3A_1855 = vector.broadcast %jit3A_1854 : i32 to vector<16xi32>
      %select_n3A_1856 = arith.select %eq3A_1853, %broadcast_in_dim3A_1855, %get3A_1847 : vector<16xi1>, vector<16xi32>
      %add3A_1857 = arith.addi %mul3A_1850, %select_n3A_1856 : vector<16xi32>
      %swap3A_1858 = arith.index_cast %add3A_1834 : i32 to index
      %swap3A_1859 = tpu.vector_load %arg5[%swap3A_1858] {strides = array<i32>} : memref<13312xi32, #tpu.memory_space<vmem>>, vector<16xi32>,
      %swap3A_1860 = vector.shape_cast %swap3A_1859 : vector<16xi32> to vector<16xi32>
      %swap3A_1861 = vector.shape_cast %add3A_1857 : vector<16xi32> to vector<16xi32>
      tpu.vector_store %arg5[%swap3A_1858], %swap3A_1861 {strides = array<i32>} : memref<13312xi32, #tpu.memory_space<vmem>>, vector<16xi32>,
      %mul3A_1862 = arith.constant 832 : i32
      %mul3A_1863 = arith.muli %scan3A_1644, %mul3A_1862 : i32
      %add3A_1864 = arith.constant 112 : i32
      %add3A_1865 = arith.addi %mul3A_1863, %add3A_1864 : i32
      %add3A_1866 = arith.constant 8 : i32
      %add3A_1867 = vector.broadcast %add3A_1866 : i32 to vector<16xi32>
      %add3A_1868 = arith.addi %iota3A, %add3A_1867 : vector<16xi32>
      %ge3A_1869 = arith.constant 26 : i32
      %ge3A_1870 = vector.broadcast %ge3A_1869 : i32 to vector<16xi32>
      %ge3A_1871 = arith.cmpi sge, %add3A_1868, %ge3A_1870 : vector<16xi32>
      %sub3A_1872 = arith.constant 26 : i32
      %sub3A_1873 = vector.broadcast %sub3A_1872 : i32 to vector<16xi32>
      %sub3A_1874 = arith.subi %add3A_1868, %sub3A_1873 : vector<16xi32>
      %select_n3A_1875 = arith.select %ge3A_1871, %sub3A_1874, %add3A_1868 : vector<16xi1>, vector<16xi32>
      %get3A_1876 = arith.index_cast %add3A_1865 : i32 to index
      %get3A_1877 = tpu.vector_load %arg5[%get3A_1876] {strides = array<i32>} : memref<13312xi32, #tpu.memory_space<vmem>>, vector<16xi32>,
      %get3A_1878 = vector.shape_cast %get3A_1877 : vector<16xi32> to vector<16xi32>
      %mul3A_1879 = arith.constant 1001 : i32
      %mul3A_1880 = vector.broadcast %mul3A_1879 : i32 to vector<16xi32>
      %mul3A_1881 = arith.muli %select_n3A_1875, %mul3A_1880 : vector<16xi32>
      %eq3A_1882 = arith.constant -1 : i32
      %eq3A_1883 = vector.broadcast %eq3A_1882 : i32 to vector<16xi32>
      %eq3A_1884 = arith.cmpi eq, %get3A_1878, %eq3A_1883 : vector<16xi32>
      %jit3A_1885 = arith.constant 1000 : i32
      %broadcast_in_dim3A_1886 = vector.broadcast %jit3A_1885 : i32 to vector<16xi32>
      %select_n3A_1887 = arith.select %eq3A_1884, %broadcast_in_dim3A_1886, %get3A_1878 : vector<16xi1>, vector<16xi32>
      %add3A_1888 = arith.addi %mul3A_1881, %select_n3A_1887 : vector<16xi32>
      %swap3A_1889 = arith.index_cast %add3A_1865 : i32 to index
      %swap3A_1890 = tpu.vector_load %arg5[%swap3A_1889] {strides = array<i32>} : memref<13312xi32, #tpu.memory_space<vmem>>, vector<16xi32>,
      %swap3A_1891 = vector.shape_cast %swap3A_1890 : vector<16xi32> to vector<16xi32>
      %swap3A_1892 = vector.shape_cast %add3A_1888 : vector<16xi32> to vector<16xi32>
      tpu.vector_store %arg5[%swap3A_1889], %swap3A_1892 {strides = array<i32>} : memref<13312xi32, #tpu.memory_space<vmem>>, vector<16xi32>,
      %mul3A_1893 = arith.constant 832 : i32
      %mul3A_1894 = arith.muli %scan3A_1644, %mul3A_1893 : i32
      %add3A_1895 = arith.constant 128 : i32
      %add3A_1896 = arith.addi %mul3A_1894, %add3A_1895 : i32
      %add3A_1897 = arith.constant 24 : i32
      %add3A_1898 = vector.broadcast %add3A_1897 : i32 to vector<16xi32>
      %add3A_1899 = arith.addi %iota3A, %add3A_1898 : vector<16xi32>
      %ge3A_1900 = arith.constant 26 : i32
      %ge3A_1901 = vector.broadcast %ge3A_1900 : i32 to vector<16xi32>
      %ge3A_1902 = arith.cmpi sge, %add3A_1899, %ge3A_1901 : vector<16xi32>
      %sub3A_1903 = arith.constant 26 : i32
      %sub3A_1904 = vector.broadcast %sub3A_1903 : i32 to vector<16xi32>
      %sub3A_1905 = arith.subi %add3A_1899, %sub3A_1904 : vector<16xi32>
      %select_n3A_1906 = arith.select %ge3A_1902, %sub3A_1905, %add3A_1899 : vector<16xi1>, vector<16xi32>
      %get3A_1907 = arith.index_cast %add3A_1896 : i32 to index
      %get3A_1908 = tpu.vector_load %arg5[%get3A_1907] {strides = array<i32>} : memref<13312xi32, #tpu.memory_space<vmem>>, vector<16xi32>,
      %get3A_1909 = vector.shape_cast %get3A_1908 : vector<16xi32> to vector<16xi32>
      %mul3A_1910 = arith.constant 1001 : i32
      %mul3A_1911 = vector.broadcast %mul3A_1910 : i32 to vector<16xi32>
      %mul3A_1912 = arith.muli %select_n3A_1906, %mul3A_1911 : vector<16xi32>
      %eq3A_1913 = arith.constant -1 : i32
      %eq3A_1914 = vector.broadcast %eq3A_1913 : i32 to vector<16xi32>
      %eq3A_1915 = arith.cmpi eq, %get3A_1909, %eq3A_1914 : vector<16xi32>
      %jit3A_1916 = arith.constant 1000 : i32
      %broadcast_in_dim3A_1917 = vector.broadcast %jit3A_1916 : i32 to vector<16xi32>
      %select_n3A_1918 = arith.select %eq3A_1915, %broadcast_in_dim3A_1917, %get3A_1909 : vector<16xi1>, vector<16xi32>
      %add3A_1919 = arith.addi %mul3A_1912, %select_n3A_1918 : vector<16xi32>
      %swap3A_1920 = arith.index_cast %add3A_1896 : i32 to index
      %swap3A_1921 = tpu.vector_load %arg5[%swap3A_1920] {strides = array<i32>} : memref<13312xi32, #tpu.memory_space<vmem>>, vector<16xi32>,
      %swap3A_1922 = vector.shape_cast %swap3A_1921 : vector<16xi32> to vector<16xi32>
      %swap3A_1923 = vector.shape_cast %add3A_1919 : vector<16xi32> to vector<16xi32>
      tpu.vector_store %arg5[%swap3A_1920], %swap3A_1923 {strides = array<i32>} : memref<13312xi32, #tpu.memory_space<vmem>>, vector<16xi32>,
      %mul3A_1924 = arith.constant 832 : i32
      %mul3A_1925 = arith.muli %scan3A_1644, %mul3A_1924 : i32
      %add3A_1926 = arith.constant 144 : i32
      %add3A_1927 = arith.addi %mul3A_1925, %add3A_1926 : i32
      %add3A_1928 = arith.constant 14 : i32
      %add3A_1929 = vector.broadcast %add3A_1928 : i32 to vector<16xi32>
      %add3A_1930 = arith.addi %iota3A, %add3A_1929 : vector<16xi32>
      %ge3A_1931 = arith.constant 26 : i32
      %ge3A_1932 = vector.broadcast %ge3A_1931 : i32 to vector<16xi32>
      %ge3A_1933 = arith.cmpi sge, %add3A_1930, %ge3A_1932 : vector<16xi32>
      %sub3A_1934 = arith.constant 26 : i32
      %sub3A_1935 = vector.broadcast %sub3A_1934 : i32 to vector<16xi32>
      %sub3A_1936 = arith.subi %add3A_1930, %sub3A_1935 : vector<16xi32>
      %select_n3A_1937 = arith.select %ge3A_1933, %sub3A_1936, %add3A_1930 : vector<16xi1>, vector<16xi32>
      %get3A_1938 = arith.index_cast %add3A_1927 : i32 to index
      %get3A_1939 = tpu.vector_load %arg5[%get3A_1938] {strides = array<i32>} : memref<13312xi32, #tpu.memory_space<vmem>>, vector<16xi32>,
      %get3A_1940 = vector.shape_cast %get3A_1939 : vector<16xi32> to vector<16xi32>
      %mul3A_1941 = arith.constant 1001 : i32
      %mul3A_1942 = vector.broadcast %mul3A_1941 : i32 to vector<16xi32>
      %mul3A_1943 = arith.muli %select_n3A_1937, %mul3A_1942 : vector<16xi32>
      %eq3A_1944 = arith.constant -1 : i32
      %eq3A_1945 = vector.broadcast %eq3A_1944 : i32 to vector<16xi32>
      %eq3A_1946 = arith.cmpi eq, %get3A_1940, %eq3A_1945 : vector<16xi32>
      %jit3A_1947 = arith.constant 1000 : i32
      %broadcast_in_dim3A_1948 = vector.broadcast %jit3A_1947 : i32 to vector<16xi32>
      %select_n3A_1949 = arith.select %eq3A_1946, %broadcast_in_dim3A_1948, %get3A_1940 : vector<16xi1>, vector<16xi32>
      %add3A_1950 = arith.addi %mul3A_1943, %select_n3A_1949 : vector<16xi32>
      %swap3A_1951 = arith.index_cast %add3A_1927 : i32 to index
      %swap3A_1952 = tpu.vector_load %arg5[%swap3A_1951] {strides = array<i32>} : memref<13312xi32, #tpu.memory_space<vmem>>, vector<16xi32>,
      %swap3A_1953 = vector.shape_cast %swap3A_1952 : vector<16xi32> to vector<16xi32>
      %swap3A_1954 = vector.shape_cast %add3A_1950 : vector<16xi32> to vector<16xi32>
      tpu.vector_store %arg5[%swap3A_1951], %swap3A_1954 {strides = array<i32>} : memref<13312xi32, #tpu.memory_space<vmem>>, vector<16xi32>,
      %mul3A_1955 = arith.constant 832 : i32
      %mul3A_1956 = arith.muli %scan3A_1644, %mul3A_1955 : i32
      %add3A_1957 = arith.constant 160 : i32
      %add3A_1958 = arith.addi %mul3A_1956, %add3A_1957 : i32
      %add3A_1959 = arith.constant 4 : i32
      %add3A_1960 = vector.broadcast %add3A_1959 : i32 to vector<16xi32>
      %add3A_1961 = arith.addi %iota3A, %add3A_1960 : vector<16xi32>
      %ge3A_1962 = arith.constant 26 : i32
      %ge3A_1963 = vector.broadcast %ge3A_1962 : i32 to vector<16xi32>
      %ge3A_1964 = arith.cmpi sge, %add3A_1961, %ge3A_1963 : vector<16xi32>
      %sub3A_1965 = arith.constant 26 : i32
      %sub3A_1966 = vector.broadcast %sub3A_1965 : i32 to vector<16xi32>
      %sub3A_1967 = arith.subi %add3A_1961, %sub3A_1966 : vector<16xi32>
      %select_n3A_1968 = arith.select %ge3A_1964, %sub3A_1967, %add3A_1961 : vector<16xi1>, vector<16xi32>
      %get3A_1969 = arith.index_cast %add3A_1958 : i32 to index
      %get3A_1970 = tpu.vector_load %arg5[%get3A_1969] {strides = array<i32>} : memref<13312xi32, #tpu.memory_space<vmem>>, vector<16xi32>,
      %get3A_1971 = vector.shape_cast %get3A_1970 : vector<16xi32> to vector<16xi32>
      %mul3A_1972 = arith.constant 1001 : i32
      %mul3A_1973 = vector.broadcast %mul3A_1972 : i32 to vector<16xi32>
      %mul3A_1974 = arith.muli %select_n3A_1968, %mul3A_1973 : vector<16xi32>
      %eq3A_1975 = arith.constant -1 : i32
      %eq3A_1976 = vector.broadcast %eq3A_1975 : i32 to vector<16xi32>
      %eq3A_1977 = arith.cmpi eq, %get3A_1971, %eq3A_1976 : vector<16xi32>
      %jit3A_1978 = arith.constant 1000 : i32
      %broadcast_in_dim3A_1979 = vector.broadcast %jit3A_1978 : i32 to vector<16xi32>
      %select_n3A_1980 = arith.select %eq3A_1977, %broadcast_in_dim3A_1979, %get3A_1971 : vector<16xi1>, vector<16xi32>
      %add3A_1981 = arith.addi %mul3A_1974, %select_n3A_1980 : vector<16xi32>
      %swap3A_1982 = arith.index_cast %add3A_1958 : i32 to index
      %swap3A_1983 = tpu.vector_load %arg5[%swap3A_1982] {strides = array<i32>} : memref<13312xi32, #tpu.memory_space<vmem>>, vector<16xi32>,
      %swap3A_1984 = vector.shape_cast %swap3A_1983 : vector<16xi32> to vector<16xi32>
      %swap3A_1985 = vector.shape_cast %add3A_1981 : vector<16xi32> to vector<16xi32>
      tpu.vector_store %arg5[%swap3A_1982], %swap3A_1985 {strides = array<i32>} : memref<13312xi32, #tpu.memory_space<vmem>>, vector<16xi32>,
      %mul3A_1986 = arith.constant 832 : i32
      %mul3A_1987 = arith.muli %scan3A_1644, %mul3A_1986 : i32
      %add3A_1988 = arith.constant 176 : i32
      %add3A_1989 = arith.addi %mul3A_1987, %add3A_1988 : i32
      %add3A_1990 = arith.constant 20 : i32
      %add3A_1991 = vector.broadcast %add3A_1990 : i32 to vector<16xi32>
      %add3A_1992 = arith.addi %iota3A, %add3A_1991 : vector<16xi32>
      %ge3A_1993 = arith.constant 26 : i32
      %ge3A_1994 = vector.broadcast %ge3A_1993 : i32 to vector<16xi32>
      %ge3A_1995 = arith.cmpi sge, %add3A_1992, %ge3A_1994 : vector<16xi32>
      %sub3A_1996 = arith.constant 26 : i32
      %sub3A_1997 = vector.broadcast %sub3A_1996 : i32 to vector<16xi32>
      %sub3A_1998 = arith.subi %add3A_1992, %sub3A_1997 : vector<16xi32>
      %select_n3A_1999 = arith.select %ge3A_1995, %sub3A_1998, %add3A_1992 : vector<16xi1>, vector<16xi32>
      %get3A_2000 = arith.index_cast %add3A_1989 : i32 to index
      %get3A_2001 = tpu.vector_load %arg5[%get3A_2000] {strides = array<i32>} : memref<13312xi32, #tpu.memory_space<vmem>>, vector<16xi32>,
      %get3A_2002 = vector.shape_cast %get3A_2001 : vector<16xi32> to vector<16xi32>
      %mul3A_2003 = arith.constant 1001 : i32
      %mul3A_2004 = vector.broadcast %mul3A_2003 : i32 to vector<16xi32>
      %mul3A_2005 = arith.muli %select_n3A_1999, %mul3A_2004 : vector<16xi32>
      %eq3A_2006 = arith.constant -1 : i32
      %eq3A_2007 = vector.broadcast %eq3A_2006 : i32 to vector<16xi32>
      %eq3A_2008 = arith.cmpi eq, %get3A_2002, %eq3A_2007 : vector<16xi32>
      %jit3A_2009 = arith.constant 1000 : i32
      %broadcast_in_dim3A_2010 = vector.broadcast %jit3A_2009 : i32 to vector<16xi32>
      %select_n3A_2011 = arith.select %eq3A_2008, %broadcast_in_dim3A_2010, %get3A_2002 : vector<16xi1>, vector<16xi32>
      %add3A_2012 = arith.addi %mul3A_2005, %select_n3A_2011 : vector<16xi32>
      %swap3A_2013 = arith.index_cast %add3A_1989 : i32 to index
      %swap3A_2014 = tpu.vector_load %arg5[%swap3A_2013] {strides = array<i32>} : memref<13312xi32, #tpu.memory_space<vmem>>, vector<16xi32>,
      %swap3A_2015 = vector.shape_cast %swap3A_2014 : vector<16xi32> to vector<16xi32>
      %swap3A_2016 = vector.shape_cast %add3A_2012 : vector<16xi32> to vector<16xi32>
      tpu.vector_store %arg5[%swap3A_2013], %swap3A_2016 {strides = array<i32>} : memref<13312xi32, #tpu.memory_space<vmem>>, vector<16xi32>,
      %mul3A_2017 = arith.constant 832 : i32
      %mul3A_2018 = arith.muli %scan3A_1644, %mul3A_2017 : i32
      %add3A_2019 = arith.constant 192 : i32
      %add3A_2020 = arith.addi %mul3A_2018, %add3A_2019 : i32
      %add3A_2021 = arith.constant 10 : i32
      %add3A_2022 = vector.broadcast %add3A_2021 : i32 to vector<16xi32>
      %add3A_2023 = arith.addi %iota3A, %add3A_2022 : vector<16xi32>
      %ge3A_2024 = arith.constant 26 : i32
      %ge3A_2025 = vector.broadcast %ge3A_2024 : i32 to vector<16xi32>
      %ge3A_2026 = arith.cmpi sge, %add3A_2023, %ge3A_2025 : vector<16xi32>
      %sub3A_2027 = arith.constant 26 : i32
      %sub3A_2028 = vector.broadcast %sub3A_2027 : i32 to vector<16xi32>
      %sub3A_2029 = arith.subi %add3A_2023, %sub3A_2028 : vector<16xi32>
      %select_n3A_2030 = arith.select %ge3A_2026, %sub3A_2029, %add3A_2023 : vector<16xi1>, vector<16xi32>
      %get3A_2031 = arith.index_cast %add3A_2020 : i32 to index
      %get3A_2032 = tpu.vector_load %arg5[%get3A_2031] {strides = array<i32>} : memref<13312xi32, #tpu.memory_space<vmem>>, vector<16xi32>,
      %get3A_2033 = vector.shape_cast %get3A_2032 : vector<16xi32> to vector<16xi32>
      %mul3A_2034 = arith.constant 1001 : i32
      %mul3A_2035 = vector.broadcast %mul3A_2034 : i32 to vector<16xi32>
      %mul3A_2036 = arith.muli %select_n3A_2030, %mul3A_2035 : vector<16xi32>
      %eq3A_2037 = arith.constant -1 : i32
      %eq3A_2038 = vector.broadcast %eq3A_2037 : i32 to vector<16xi32>
      %eq3A_2039 = arith.cmpi eq, %get3A_2033, %eq3A_2038 : vector<16xi32>
      %jit3A_2040 = arith.constant 1000 : i32
      %broadcast_in_dim3A_2041 = vector.broadcast %jit3A_2040 : i32 to vector<16xi32>
      %select_n3A_2042 = arith.select %eq3A_2039, %broadcast_in_dim3A_2041, %get3A_2033 : vector<16xi1>, vector<16xi32>
      %add3A_2043 = arith.addi %mul3A_2036, %select_n3A_2042 : vector<16xi32>
      %swap3A_2044 = arith.index_cast %add3A_2020 : i32 to index
      %swap3A_2045 = tpu.vector_load %arg5[%swap3A_2044] {strides = array<i32>} : memref<13312xi32, #tpu.memory_space<vmem>>, vector<16xi32>,
      %swap3A_2046 = vector.shape_cast %swap3A_2045 : vector<16xi32> to vector<16xi32>
      %swap3A_2047 = vector.shape_cast %add3A_2043 : vector<16xi32> to vector<16xi32>
      tpu.vector_store %arg5[%swap3A_2044], %swap3A_2047 {strides = array<i32>} : memref<13312xi32, #tpu.memory_space<vmem>>, vector<16xi32>,
      %mul3A_2048 = arith.constant 832 : i32
      %mul3A_2049 = arith.muli %scan3A_1644, %mul3A_2048 : i32
      %add3A_2050 = arith.constant 208 : i32
      %add3A_2051 = arith.addi %mul3A_2049, %add3A_2050 : i32
      %add3A_2052 = arith.constant 0 : i32
      %add3A_2053 = vector.broadcast %add3A_2052 : i32 to vector<16xi32>
      %add3A_2054 = arith.addi %iota3A, %add3A_2053 : vector<16xi32>
      %ge3A_2055 = arith.constant 26 : i32
      %ge3A_2056 = vector.broadcast %ge3A_2055 : i32 to vector<16xi32>
      %ge3A_2057 = arith.cmpi sge, %add3A_2054, %ge3A_2056 : vector<16xi32>
      %sub3A_2058 = arith.constant 26 : i32
      %sub3A_2059 = vector.broadcast %sub3A_2058 : i32 to vector<16xi32>
      %sub3A_2060 = arith.subi %add3A_2054, %sub3A_2059 : vector<16xi32>
      %select_n3A_2061 = arith.select %ge3A_2057, %sub3A_2060, %add3A_2054 : vector<16xi1>, vector<16xi32>
      %get3A_2062 = arith.index_cast %add3A_2051 : i32 to index
      %get3A_2063 = tpu.vector_load %arg5[%get3A_2062] {strides = array<i32>} : memref<13312xi32, #tpu.memory_space<vmem>>, vector<16xi32>,
      %get3A_2064 = vector.shape_cast %get3A_2063 : vector<16xi32> to vector<16xi32>
      %mul3A_2065 = arith.constant 1001 : i32
      %mul3A_2066 = vector.broadcast %mul3A_2065 : i32 to vector<16xi32>
      %mul3A_2067 = arith.muli %select_n3A_2061, %mul3A_2066 : vector<16xi32>
      %eq3A_2068 = arith.constant -1 : i32
      %eq3A_2069 = vector.broadcast %eq3A_2068 : i32 to vector<16xi32>
      %eq3A_2070 = arith.cmpi eq, %get3A_2064, %eq3A_2069 : vector<16xi32>
      %jit3A_2071 = arith.constant 1000 : i32
      %broadcast_in_dim3A_2072 = vector.broadcast %jit3A_2071 : i32 to vector<16xi32>
      %select_n3A_2073 = arith.select %eq3A_2070, %broadcast_in_dim3A_2072, %get3A_2064 : vector<16xi1>, vector<16xi32>
      %add3A_2074 = arith.addi %mul3A_2067, %select_n3A_2073 : vector<16xi32>
      %swap3A_2075 = arith.index_cast %add3A_2051 : i32 to index
      %swap3A_2076 = tpu.vector_load %arg5[%swap3A_2075] {strides = array<i32>} : memref<13312xi32, #tpu.memory_space<vmem>>, vector<16xi32>,
      %swap3A_2077 = vector.shape_cast %swap3A_2076 : vector<16xi32> to vector<16xi32>
      %swap3A_2078 = vector.shape_cast %add3A_2074 : vector<16xi32> to vector<16xi32>
      tpu.vector_store %arg5[%swap3A_2075], %swap3A_2078 {strides = array<i32>} : memref<13312xi32, #tpu.memory_space<vmem>>, vector<16xi32>,
      %mul3A_2079 = arith.constant 832 : i32
      %mul3A_2080 = arith.muli %scan3A_1644, %mul3A_2079 : i32
      %add3A_2081 = arith.constant 224 : i32
      %add3A_2082 = arith.addi %mul3A_2080, %add3A_2081 : i32
      %add3A_2083 = arith.constant 16 : i32
      %add3A_2084 = vector.broadcast %add3A_2083 : i32 to vector<16xi32>
      %add3A_2085 = arith.addi %iota3A, %add3A_2084 : vector<16xi32>
      %ge3A_2086 = arith.constant 26 : i32
      %ge3A_2087 = vector.broadcast %ge3A_2086 : i32 to vector<16xi32>
      %ge3A_2088 = arith.cmpi sge, %add3A_2085, %ge3A_2087 : vector<16xi32>
      %sub3A_2089 = arith.constant 26 : i32
      %sub3A_2090 = vector.broadcast %sub3A_2089 : i32 to vector<16xi32>
      %sub3A_2091 = arith.subi %add3A_2085, %sub3A_2090 : vector<16xi32>
      %select_n3A_2092 = arith.select %ge3A_2088, %sub3A_2091, %add3A_2085 : vector<16xi1>, vector<16xi32>
      %get3A_2093 = arith.index_cast %add3A_2082 : i32 to index
      %get3A_2094 = tpu.vector_load %arg5[%get3A_2093] {strides = array<i32>} : memref<13312xi32, #tpu.memory_space<vmem>>, vector<16xi32>,
      %get3A_2095 = vector.shape_cast %get3A_2094 : vector<16xi32> to vector<16xi32>
      %mul3A_2096 = arith.constant 1001 : i32
      %mul3A_2097 = vector.broadcast %mul3A_2096 : i32 to vector<16xi32>
      %mul3A_2098 = arith.muli %select_n3A_2092, %mul3A_2097 : vector<16xi32>
      %eq3A_2099 = arith.constant -1 : i32
      %eq3A_2100 = vector.broadcast %eq3A_2099 : i32 to vector<16xi32>
      %eq3A_2101 = arith.cmpi eq, %get3A_2095, %eq3A_2100 : vector<16xi32>
      %jit3A_2102 = arith.constant 1000 : i32
      %broadcast_in_dim3A_2103 = vector.broadcast %jit3A_2102 : i32 to vector<16xi32>
      %select_n3A_2104 = arith.select %eq3A_2101, %broadcast_in_dim3A_2103, %get3A_2095 : vector<16xi1>, vector<16xi32>
      %add3A_2105 = arith.addi %mul3A_2098, %select_n3A_2104 : vector<16xi32>
      %swap3A_2106 = arith.index_cast %add3A_2082 : i32 to index
      %swap3A_2107 = tpu.vector_load %arg5[%swap3A_2106] {strides = array<i32>} : memref<13312xi32, #tpu.memory_space<vmem>>, vector<16xi32>,
      %swap3A_2108 = vector.shape_cast %swap3A_2107 : vector<16xi32> to vector<16xi32>
      %swap3A_2109 = vector.shape_cast %add3A_2105 : vector<16xi32> to vector<16xi32>
      tpu.vector_store %arg5[%swap3A_2106], %swap3A_2109 {strides = array<i32>} : memref<13312xi32, #tpu.memory_space<vmem>>, vector<16xi32>,
      %mul3A_2110 = arith.constant 832 : i32
      %mul3A_2111 = arith.muli %scan3A_1644, %mul3A_2110 : i32
      %add3A_2112 = arith.constant 240 : i32
      %add3A_2113 = arith.addi %mul3A_2111, %add3A_2112 : i32
      %add3A_2114 = arith.constant 6 : i32
      %add3A_2115 = vector.broadcast %add3A_2114 : i32 to vector<16xi32>
      %add3A_2116 = arith.addi %iota3A, %add3A_2115 : vector<16xi32>
      %ge3A_2117 = arith.constant 26 : i32
      %ge3A_2118 = vector.broadcast %ge3A_2117 : i32 to vector<16xi32>
      %ge3A_2119 = arith.cmpi sge, %add3A_2116, %ge3A_2118 : vector<16xi32>
      %sub3A_2120 = arith.constant 26 : i32
      %sub3A_2121 = vector.broadcast %sub3A_2120 : i32 to vector<16xi32>
      %sub3A_2122 = arith.subi %add3A_2116, %sub3A_2121 : vector<16xi32>
      %select_n3A_2123 = arith.select %ge3A_2119, %sub3A_2122, %add3A_2116 : vector<16xi1>, vector<16xi32>
      %get3A_2124 = arith.index_cast %add3A_2113 : i32 to index
      %get3A_2125 = tpu.vector_load %arg5[%get3A_2124] {strides = array<i32>} : memref<13312xi32, #tpu.memory_space<vmem>>, vector<16xi32>,
      %get3A_2126 = vector.shape_cast %get3A_2125 : vector<16xi32> to vector<16xi32>
      %mul3A_2127 = arith.constant 1001 : i32
      %mul3A_2128 = vector.broadcast %mul3A_2127 : i32 to vector<16xi32>
      %mul3A_2129 = arith.muli %select_n3A_2123, %mul3A_2128 : vector<16xi32>
      %eq3A_2130 = arith.constant -1 : i32
      %eq3A_2131 = vector.broadcast %eq3A_2130 : i32 to vector<16xi32>
      %eq3A_2132 = arith.cmpi eq, %get3A_2126, %eq3A_2131 : vector<16xi32>
      %jit3A_2133 = arith.constant 1000 : i32
      %broadcast_in_dim3A_2134 = vector.broadcast %jit3A_2133 : i32 to vector<16xi32>
      %select_n3A_2135 = arith.select %eq3A_2132, %broadcast_in_dim3A_2134, %get3A_2126 : vector<16xi1>, vector<16xi32>
      %add3A_2136 = arith.addi %mul3A_2129, %select_n3A_2135 : vector<16xi32>
      %swap3A_2137 = arith.index_cast %add3A_2113 : i32 to index
      %swap3A_2138 = tpu.vector_load %arg5[%swap3A_2137] {strides = array<i32>} : memref<13312xi32, #tpu.memory_space<vmem>>, vector<16xi32>,
      %swap3A_2139 = vector.shape_cast %swap3A_2138 : vector<16xi32> to vector<16xi32>
      %swap3A_2140 = vector.shape_cast %add3A_2136 : vector<16xi32> to vector<16xi32>
      tpu.vector_store %arg5[%swap3A_2137], %swap3A_2140 {strides = array<i32>} : memref<13312xi32, #tpu.memory_space<vmem>>, vector<16xi32>,
      %mul3A_2141 = arith.constant 832 : i32
      %mul3A_2142 = arith.muli %scan3A_1644, %mul3A_2141 : i32
      %add3A_2143 = arith.constant 256 : i32
      %add3A_2144 = arith.addi %mul3A_2142, %add3A_2143 : i32
      %add3A_2145 = arith.constant 22 : i32
      %add3A_2146 = vector.broadcast %add3A_2145 : i32 to vector<16xi32>
      %add3A_2147 = arith.addi %iota3A, %add3A_2146 : vector<16xi32>
      %ge3A_2148 = arith.constant 26 : i32
      %ge3A_2149 = vector.broadcast %ge3A_2148 : i32 to vector<16xi32>
      %ge3A_2150 = arith.cmpi sge, %add3A_2147, %ge3A_2149 : vector<16xi32>
      %sub3A_2151 = arith.constant 26 : i32
      %sub3A_2152 = vector.broadcast %sub3A_2151 : i32 to vector<16xi32>
      %sub3A_2153 = arith.subi %add3A_2147, %sub3A_2152 : vector<16xi32>
      %select_n3A_2154 = arith.select %ge3A_2150, %sub3A_2153, %add3A_2147 : vector<16xi1>, vector<16xi32>
      %get3A_2155 = arith.index_cast %add3A_2144 : i32 to index
      %get3A_2156 = tpu.vector_load %arg5[%get3A_2155] {strides = array<i32>} : memref<13312xi32, #tpu.memory_space<vmem>>, vector<16xi32>,
      %get3A_2157 = vector.shape_cast %get3A_2156 : vector<16xi32> to vector<16xi32>
      %mul3A_2158 = arith.constant 1001 : i32
      %mul3A_2159 = vector.broadcast %mul3A_2158 : i32 to vector<16xi32>
      %mul3A_2160 = arith.muli %select_n3A_2154, %mul3A_2159 : vector<16xi32>
      %eq3A_2161 = arith.constant -1 : i32
      %eq3A_2162 = vector.broadcast %eq3A_2161 : i32 to vector<16xi32>
      %eq3A_2163 = arith.cmpi eq, %get3A_2157, %eq3A_2162 : vector<16xi32>
      %jit3A_2164 = arith.constant 1000 : i32
      %broadcast_in_dim3A_2165 = vector.broadcast %jit3A_2164 : i32 to vector<16xi32>
      %select_n3A_2166 = arith.select %eq3A_2163, %broadcast_in_dim3A_2165, %get3A_2157 : vector<16xi1>, vector<16xi32>
      %add3A_2167 = arith.addi %mul3A_2160, %select_n3A_2166 : vector<16xi32>
      %swap3A_2168 = arith.index_cast %add3A_2144 : i32 to index
      %swap3A_2169 = tpu.vector_load %arg5[%swap3A_2168] {strides = array<i32>} : memref<13312xi32, #tpu.memory_space<vmem>>, vector<16xi32>,
      %swap3A_2170 = vector.shape_cast %swap3A_2169 : vector<16xi32> to vector<16xi32>
      %swap3A_2171 = vector.shape_cast %add3A_2167 : vector<16xi32> to vector<16xi32>
      tpu.vector_store %arg5[%swap3A_2168], %swap3A_2171 {strides = array<i32>} : memref<13312xi32, #tpu.memory_space<vmem>>, vector<16xi32>,
      %mul3A_2172 = arith.constant 832 : i32
      %mul3A_2173 = arith.muli %scan3A_1644, %mul3A_2172 : i32
      %add3A_2174 = arith.constant 272 : i32
      %add3A_2175 = arith.addi %mul3A_2173, %add3A_2174 : i32
      %add3A_2176 = arith.constant 12 : i32
      %add3A_2177 = vector.broadcast %add3A_2176 : i32 to vector<16xi32>
      %add3A_2178 = arith.addi %iota3A, %add3A_2177 : vector<16xi32>
      %ge3A_2179 = arith.constant 26 : i32
      %ge3A_2180 = vector.broadcast %ge3A_2179 : i32 to vector<16xi32>
      %ge3A_2181 = arith.cmpi sge, %add3A_2178, %ge3A_2180 : vector<16xi32>
      %sub3A_2182 = arith.constant 26 : i32
      %sub3A_2183 = vector.broadcast %sub3A_2182 : i32 to vector<16xi32>
      %sub3A_2184 = arith.subi %add3A_2178, %sub3A_2183 : vector<16xi32>
      %select_n3A_2185 = arith.select %ge3A_2181, %sub3A_2184, %add3A_2178 : vector<16xi1>, vector<16xi32>
      %get3A_2186 = arith.index_cast %add3A_2175 : i32 to index
      %get3A_2187 = tpu.vector_load %arg5[%get3A_2186] {strides = array<i32>} : memref<13312xi32, #tpu.memory_space<vmem>>, vector<16xi32>,
      %get3A_2188 = vector.shape_cast %get3A_2187 : vector<16xi32> to vector<16xi32>
      %mul3A_2189 = arith.constant 1001 : i32
      %mul3A_2190 = vector.broadcast %mul3A_2189 : i32 to vector<16xi32>
      %mul3A_2191 = arith.muli %select_n3A_2185, %mul3A_2190 : vector<16xi32>
      %eq3A_2192 = arith.constant -1 : i32
      %eq3A_2193 = vector.broadcast %eq3A_2192 : i32 to vector<16xi32>
      %eq3A_2194 = arith.cmpi eq, %get3A_2188, %eq3A_2193 : vector<16xi32>
      %jit3A_2195 = arith.constant 1000 : i32
      %broadcast_in_dim3A_2196 = vector.broadcast %jit3A_2195 : i32 to vector<16xi32>
      %select_n3A_2197 = arith.select %eq3A_2194, %broadcast_in_dim3A_2196, %get3A_2188 : vector<16xi1>, vector<16xi32>
      %add3A_2198 = arith.addi %mul3A_2191, %select_n3A_2197 : vector<16xi32>
      %swap3A_2199 = arith.index_cast %add3A_2175 : i32 to index
      %swap3A_2200 = tpu.vector_load %arg5[%swap3A_2199] {strides = array<i32>} : memref<13312xi32, #tpu.memory_space<vmem>>, vector<16xi32>,
      %swap3A_2201 = vector.shape_cast %swap3A_2200 : vector<16xi32> to vector<16xi32>
      %swap3A_2202 = vector.shape_cast %add3A_2198 : vector<16xi32> to vector<16xi32>
      tpu.vector_store %arg5[%swap3A_2199], %swap3A_2202 {strides = array<i32>} : memref<13312xi32, #tpu.memory_space<vmem>>, vector<16xi32>,
      %mul3A_2203 = arith.constant 832 : i32
      %mul3A_2204 = arith.muli %scan3A_1644, %mul3A_2203 : i32
      %add3A_2205 = arith.constant 288 : i32
      %add3A_2206 = arith.addi %mul3A_2204, %add3A_2205 : i32
      %add3A_2207 = arith.constant 2 : i32
      %add3A_2208 = vector.broadcast %add3A_2207 : i32 to vector<16xi32>
      %add3A_2209 = arith.addi %iota3A, %add3A_2208 : vector<16xi32>
      %ge3A_2210 = arith.constant 26 : i32
      %ge3A_2211 = vector.broadcast %ge3A_2210 : i32 to vector<16xi32>
      %ge3A_2212 = arith.cmpi sge, %add3A_2209, %ge3A_2211 : vector<16xi32>
      %sub3A_2213 = arith.constant 26 : i32
      %sub3A_2214 = vector.broadcast %sub3A_2213 : i32 to vector<16xi32>
      %sub3A_2215 = arith.subi %add3A_2209, %sub3A_2214 : vector<16xi32>
      %select_n3A_2216 = arith.select %ge3A_2212, %sub3A_2215, %add3A_2209 : vector<16xi1>, vector<16xi32>
      %get3A_2217 = arith.index_cast %add3A_2206 : i32 to index
      %get3A_2218 = tpu.vector_load %arg5[%get3A_2217] {strides = array<i32>} : memref<13312xi32, #tpu.memory_space<vmem>>, vector<16xi32>,
      %get3A_2219 = vector.shape_cast %get3A_2218 : vector<16xi32> to vector<16xi32>
      %mul3A_2220 = arith.constant 1001 : i32
      %mul3A_2221 = vector.broadcast %mul3A_2220 : i32 to vector<16xi32>
      %mul3A_2222 = arith.muli %select_n3A_2216, %mul3A_2221 : vector<16xi32>
      %eq3A_2223 = arith.constant -1 : i32
      %eq3A_2224 = vector.broadcast %eq3A_2223 : i32 to vector<16xi32>
      %eq3A_2225 = arith.cmpi eq, %get3A_2219, %eq3A_2224 : vector<16xi32>
      %jit3A_2226 = arith.constant 1000 : i32
      %broadcast_in_dim3A_2227 = vector.broadcast %jit3A_2226 : i32 to vector<16xi32>
      %select_n3A_2228 = arith.select %eq3A_2225, %broadcast_in_dim3A_2227, %get3A_2219 : vector<16xi1>, vector<16xi32>
      %add3A_2229 = arith.addi %mul3A_2222, %select_n3A_2228 : vector<16xi32>
      %swap3A_2230 = arith.index_cast %add3A_2206 : i32 to index
      %swap3A_2231 = tpu.vector_load %arg5[%swap3A_2230] {strides = array<i32>} : memref<13312xi32, #tpu.memory_space<vmem>>, vector<16xi32>,
      %swap3A_2232 = vector.shape_cast %swap3A_2231 : vector<16xi32> to vector<16xi32>
      %swap3A_2233 = vector.shape_cast %add3A_2229 : vector<16xi32> to vector<16xi32>
      tpu.vector_store %arg5[%swap3A_2230], %swap3A_2233 {strides = array<i32>} : memref<13312xi32, #tpu.memory_space<vmem>>, vector<16xi32>,
      %mul3A_2234 = arith.constant 832 : i32
      %mul3A_2235 = arith.muli %scan3A_1644, %mul3A_2234 : i32
      %add3A_2236 = arith.constant 304 : i32
      %add3A_2237 = arith.addi %mul3A_2235, %add3A_2236 : i32
      %add3A_2238 = arith.constant 18 : i32
      %add3A_2239 = vector.broadcast %add3A_2238 : i32 to vector<16xi32>
      %add3A_2240 = arith.addi %iota3A, %add3A_2239 : vector<16xi32>
      %ge3A_2241 = arith.constant 26 : i32
      %ge3A_2242 = vector.broadcast %ge3A_2241 : i32 to vector<16xi32>
      %ge3A_2243 = arith.cmpi sge, %add3A_2240, %ge3A_2242 : vector<16xi32>
      %sub3A_2244 = arith.constant 26 : i32
      %sub3A_2245 = vector.broadcast %sub3A_2244 : i32 to vector<16xi32>
      %sub3A_2246 = arith.subi %add3A_2240, %sub3A_2245 : vector<16xi32>
      %select_n3A_2247 = arith.select %ge3A_2243, %sub3A_2246, %add3A_2240 : vector<16xi1>, vector<16xi32>
      %get3A_2248 = arith.index_cast %add3A_2237 : i32 to index
      %get3A_2249 = tpu.vector_load %arg5[%get3A_2248] {strides = array<i32>} : memref<13312xi32, #tpu.memory_space<vmem>>, vector<16xi32>,
      %get3A_2250 = vector.shape_cast %get3A_2249 : vector<16xi32> to vector<16xi32>
      %mul3A_2251 = arith.constant 1001 : i32
      %mul3A_2252 = vector.broadcast %mul3A_2251 : i32 to vector<16xi32>
      %mul3A_2253 = arith.muli %select_n3A_2247, %mul3A_2252 : vector<16xi32>
      %eq3A_2254 = arith.constant -1 : i32
      %eq3A_2255 = vector.broadcast %eq3A_2254 : i32 to vector<16xi32>
      %eq3A_2256 = arith.cmpi eq, %get3A_2250, %eq3A_2255 : vector<16xi32>
      %jit3A_2257 = arith.constant 1000 : i32
      %broadcast_in_dim3A_2258 = vector.broadcast %jit3A_2257 : i32 to vector<16xi32>
      %select_n3A_2259 = arith.select %eq3A_2256, %broadcast_in_dim3A_2258, %get3A_2250 : vector<16xi1>, vector<16xi32>
      %add3A_2260 = arith.addi %mul3A_2253, %select_n3A_2259 : vector<16xi32>
      %swap3A_2261 = arith.index_cast %add3A_2237 : i32 to index
      %swap3A_2262 = tpu.vector_load %arg5[%swap3A_2261] {strides = array<i32>} : memref<13312xi32, #tpu.memory_space<vmem>>, vector<16xi32>,
      %swap3A_2263 = vector.shape_cast %swap3A_2262 : vector<16xi32> to vector<16xi32>
      %swap3A_2264 = vector.shape_cast %add3A_2260 : vector<16xi32> to vector<16xi32>
      tpu.vector_store %arg5[%swap3A_2261], %swap3A_2264 {strides = array<i32>} : memref<13312xi32, #tpu.memory_space<vmem>>, vector<16xi32>,
      %mul3A_2265 = arith.constant 832 : i32
      %mul3A_2266 = arith.muli %scan3A_1644, %mul3A_2265 : i32
      %add3A_2267 = arith.constant 320 : i32
      %add3A_2268 = arith.addi %mul3A_2266, %add3A_2267 : i32
      %add3A_2269 = arith.constant 8 : i32
      %add3A_2270 = vector.broadcast %add3A_2269 : i32 to vector<16xi32>
      %add3A_2271 = arith.addi %iota3A, %add3A_2270 : vector<16xi32>
      %ge3A_2272 = arith.constant 26 : i32
      %ge3A_2273 = vector.broadcast %ge3A_2272 : i32 to vector<16xi32>
      %ge3A_2274 = arith.cmpi sge, %add3A_2271, %ge3A_2273 : vector<16xi32>
      %sub3A_2275 = arith.constant 26 : i32
      %sub3A_2276 = vector.broadcast %sub3A_2275 : i32 to vector<16xi32>
      %sub3A_2277 = arith.subi %add3A_2271, %sub3A_2276 : vector<16xi32>
      %select_n3A_2278 = arith.select %ge3A_2274, %sub3A_2277, %add3A_2271 : vector<16xi1>, vector<16xi32>
      %get3A_2279 = arith.index_cast %add3A_2268 : i32 to index
      %get3A_2280 = tpu.vector_load %arg5[%get3A_2279] {strides = array<i32>} : memref<13312xi32, #tpu.memory_space<vmem>>, vector<16xi32>,
      %get3A_2281 = vector.shape_cast %get3A_2280 : vector<16xi32> to vector<16xi32>
      %mul3A_2282 = arith.constant 1001 : i32
      %mul3A_2283 = vector.broadcast %mul3A_2282 : i32 to vector<16xi32>
      %mul3A_2284 = arith.muli %select_n3A_2278, %mul3A_2283 : vector<16xi32>
      %eq3A_2285 = arith.constant -1 : i32
      %eq3A_2286 = vector.broadcast %eq3A_2285 : i32 to vector<16xi32>
      %eq3A_2287 = arith.cmpi eq, %get3A_2281, %eq3A_2286 : vector<16xi32>
      %jit3A_2288 = arith.constant 1000 : i32
      %broadcast_in_dim3A_2289 = vector.broadcast %jit3A_2288 : i32 to vector<16xi32>
      %select_n3A_2290 = arith.select %eq3A_2287, %broadcast_in_dim3A_2289, %get3A_2281 : vector<16xi1>, vector<16xi32>
      %add3A_2291 = arith.addi %mul3A_2284, %select_n3A_2290 : vector<16xi32>
      %swap3A_2292 = arith.index_cast %add3A_2268 : i32 to index
      %swap3A_2293 = tpu.vector_load %arg5[%swap3A_2292] {strides = array<i32>} : memref<13312xi32, #tpu.memory_space<vmem>>, vector<16xi32>,
      %swap3A_2294 = vector.shape_cast %swap3A_2293 : vector<16xi32> to vector<16xi32>
      %swap3A_2295 = vector.shape_cast %add3A_2291 : vector<16xi32> to vector<16xi32>
      tpu.vector_store %arg5[%swap3A_2292], %swap3A_2295 {strides = array<i32>} : memref<13312xi32, #tpu.memory_space<vmem>>, vector<16xi32>,
      %mul3A_2296 = arith.constant 832 : i32
      %mul3A_2297 = arith.muli %scan3A_1644, %mul3A_2296 : i32
      %add3A_2298 = arith.constant 336 : i32
      %add3A_2299 = arith.addi %mul3A_2297, %add3A_2298 : i32
      %add3A_2300 = arith.constant 24 : i32
      %add3A_2301 = vector.broadcast %add3A_2300 : i32 to vector<16xi32>
      %add3A_2302 = arith.addi %iota3A, %add3A_2301 : vector<16xi32>
      %ge3A_2303 = arith.constant 26 : i32
      %ge3A_2304 = vector.broadcast %ge3A_2303 : i32 to vector<16xi32>
      %ge3A_2305 = arith.cmpi sge, %add3A_2302, %ge3A_2304 : vector<16xi32>
      %sub3A_2306 = arith.constant 26 : i32
      %sub3A_2307 = vector.broadcast %sub3A_2306 : i32 to vector<16xi32>
      %sub3A_2308 = arith.subi %add3A_2302, %sub3A_2307 : vector<16xi32>
      %select_n3A_2309 = arith.select %ge3A_2305, %sub3A_2308, %add3A_2302 : vector<16xi1>, vector<16xi32>
      %get3A_2310 = arith.index_cast %add3A_2299 : i32 to index
      %get3A_2311 = tpu.vector_load %arg5[%get3A_2310] {strides = array<i32>} : memref<13312xi32, #tpu.memory_space<vmem>>, vector<16xi32>,
      %get3A_2312 = vector.shape_cast %get3A_2311 : vector<16xi32> to vector<16xi32>
      %mul3A_2313 = arith.constant 1001 : i32
      %mul3A_2314 = vector.broadcast %mul3A_2313 : i32 to vector<16xi32>
      %mul3A_2315 = arith.muli %select_n3A_2309, %mul3A_2314 : vector<16xi32>
      %eq3A_2316 = arith.constant -1 : i32
      %eq3A_2317 = vector.broadcast %eq3A_2316 : i32 to vector<16xi32>
      %eq3A_2318 = arith.cmpi eq, %get3A_2312, %eq3A_2317 : vector<16xi32>
      %jit3A_2319 = arith.constant 1000 : i32
      %broadcast_in_dim3A_2320 = vector.broadcast %jit3A_2319 : i32 to vector<16xi32>
      %select_n3A_2321 = arith.select %eq3A_2318, %broadcast_in_dim3A_2320, %get3A_2312 : vector<16xi1>, vector<16xi32>
      %add3A_2322 = arith.addi %mul3A_2315, %select_n3A_2321 : vector<16xi32>
      %swap3A_2323 = arith.index_cast %add3A_2299 : i32 to index
      %swap3A_2324 = tpu.vector_load %arg5[%swap3A_2323] {strides = array<i32>} : memref<13312xi32, #tpu.memory_space<vmem>>, vector<16xi32>,
      %swap3A_2325 = vector.shape_cast %swap3A_2324 : vector<16xi32> to vector<16xi32>
      %swap3A_2326 = vector.shape_cast %add3A_2322 : vector<16xi32> to vector<16xi32>
      tpu.vector_store %arg5[%swap3A_2323], %swap3A_2326 {strides = array<i32>} : memref<13312xi32, #tpu.memory_space<vmem>>, vector<16xi32>,
      %mul3A_2327 = arith.constant 832 : i32
      %mul3A_2328 = arith.muli %scan3A_1644, %mul3A_2327 : i32
      %add3A_2329 = arith.constant 352 : i32
      %add3A_2330 = arith.addi %mul3A_2328, %add3A_2329 : i32
      %add3A_2331 = arith.constant 14 : i32
      %add3A_2332 = vector.broadcast %add3A_2331 : i32 to vector<16xi32>
      %add3A_2333 = arith.addi %iota3A, %add3A_2332 : vector<16xi32>
      %ge3A_2334 = arith.constant 26 : i32
      %ge3A_2335 = vector.broadcast %ge3A_2334 : i32 to vector<16xi32>
      %ge3A_2336 = arith.cmpi sge, %add3A_2333, %ge3A_2335 : vector<16xi32>
      %sub3A_2337 = arith.constant 26 : i32
      %sub3A_2338 = vector.broadcast %sub3A_2337 : i32 to vector<16xi32>
      %sub3A_2339 = arith.subi %add3A_2333, %sub3A_2338 : vector<16xi32>
      %select_n3A_2340 = arith.select %ge3A_2336, %sub3A_2339, %add3A_2333 : vector<16xi1>, vector<16xi32>
      %get3A_2341 = arith.index_cast %add3A_2330 : i32 to index
      %get3A_2342 = tpu.vector_load %arg5[%get3A_2341] {strides = array<i32>} : memref<13312xi32, #tpu.memory_space<vmem>>, vector<16xi32>,
      %get3A_2343 = vector.shape_cast %get3A_2342 : vector<16xi32> to vector<16xi32>
      %mul3A_2344 = arith.constant 1001 : i32
      %mul3A_2345 = vector.broadcast %mul3A_2344 : i32 to vector<16xi32>
      %mul3A_2346 = arith.muli %select_n3A_2340, %mul3A_2345 : vector<16xi32>
      %eq3A_2347 = arith.constant -1 : i32
      %eq3A_2348 = vector.broadcast %eq3A_2347 : i32 to vector<16xi32>
      %eq3A_2349 = arith.cmpi eq, %get3A_2343, %eq3A_2348 : vector<16xi32>
      %jit3A_2350 = arith.constant 1000 : i32
      %broadcast_in_dim3A_2351 = vector.broadcast %jit3A_2350 : i32 to vector<16xi32>
      %select_n3A_2352 = arith.select %eq3A_2349, %broadcast_in_dim3A_2351, %get3A_2343 : vector<16xi1>, vector<16xi32>
      %add3A_2353 = arith.addi %mul3A_2346, %select_n3A_2352 : vector<16xi32>
      %swap3A_2354 = arith.index_cast %add3A_2330 : i32 to index
      %swap3A_2355 = tpu.vector_load %arg5[%swap3A_2354] {strides = array<i32>} : memref<13312xi32, #tpu.memory_space<vmem>>, vector<16xi32>,
      %swap3A_2356 = vector.shape_cast %swap3A_2355 : vector<16xi32> to vector<16xi32>
      %swap3A_2357 = vector.shape_cast %add3A_2353 : vector<16xi32> to vector<16xi32>
      tpu.vector_store %arg5[%swap3A_2354], %swap3A_2357 {strides = array<i32>} : memref<13312xi32, #tpu.memory_space<vmem>>, vector<16xi32>,
      %mul3A_2358 = arith.constant 832 : i32
      %mul3A_2359 = arith.muli %scan3A_1644, %mul3A_2358 : i32
      %add3A_2360 = arith.constant 368 : i32
      %add3A_2361 = arith.addi %mul3A_2359, %add3A_2360 : i32
      %add3A_2362 = arith.constant 4 : i32
      %add3A_2363 = vector.broadcast %add3A_2362 : i32 to vector<16xi32>
      %add3A_2364 = arith.addi %iota3A, %add3A_2363 : vector<16xi32>
      %ge3A_2365 = arith.constant 26 : i32
      %ge3A_2366 = vector.broadcast %ge3A_2365 : i32 to vector<16xi32>
      %ge3A_2367 = arith.cmpi sge, %add3A_2364, %ge3A_2366 : vector<16xi32>
      %sub3A_2368 = arith.constant 26 : i32
      %sub3A_2369 = vector.broadcast %sub3A_2368 : i32 to vector<16xi32>
      %sub3A_2370 = arith.subi %add3A_2364, %sub3A_2369 : vector<16xi32>
      %select_n3A_2371 = arith.select %ge3A_2367, %sub3A_2370, %add3A_2364 : vector<16xi1>, vector<16xi32>
      %get3A_2372 = arith.index_cast %add3A_2361 : i32 to index
      %get3A_2373 = tpu.vector_load %arg5[%get3A_2372] {strides = array<i32>} : memref<13312xi32, #tpu.memory_space<vmem>>, vector<16xi32>,
      %get3A_2374 = vector.shape_cast %get3A_2373 : vector<16xi32> to vector<16xi32>
      %mul3A_2375 = arith.constant 1001 : i32
      %mul3A_2376 = vector.broadcast %mul3A_2375 : i32 to vector<16xi32>
      %mul3A_2377 = arith.muli %select_n3A_2371, %mul3A_2376 : vector<16xi32>
      %eq3A_2378 = arith.constant -1 : i32
      %eq3A_2379 = vector.broadcast %eq3A_2378 : i32 to vector<16xi32>
      %eq3A_2380 = arith.cmpi eq, %get3A_2374, %eq3A_2379 : vector<16xi32>
      %jit3A_2381 = arith.constant 1000 : i32
      %broadcast_in_dim3A_2382 = vector.broadcast %jit3A_2381 : i32 to vector<16xi32>
      %select_n3A_2383 = arith.select %eq3A_2380, %broadcast_in_dim3A_2382, %get3A_2374 : vector<16xi1>, vector<16xi32>
      %add3A_2384 = arith.addi %mul3A_2377, %select_n3A_2383 : vector<16xi32>
      %swap3A_2385 = arith.index_cast %add3A_2361 : i32 to index
      %swap3A_2386 = tpu.vector_load %arg5[%swap3A_2385] {strides = array<i32>} : memref<13312xi32, #tpu.memory_space<vmem>>, vector<16xi32>,
      %swap3A_2387 = vector.shape_cast %swap3A_2386 : vector<16xi32> to vector<16xi32>
      %swap3A_2388 = vector.shape_cast %add3A_2384 : vector<16xi32> to vector<16xi32>
      tpu.vector_store %arg5[%swap3A_2385], %swap3A_2388 {strides = array<i32>} : memref<13312xi32, #tpu.memory_space<vmem>>, vector<16xi32>,
      %mul3A_2389 = arith.constant 832 : i32
      %mul3A_2390 = arith.muli %scan3A_1644, %mul3A_2389 : i32
      %add3A_2391 = arith.constant 384 : i32
      %add3A_2392 = arith.addi %mul3A_2390, %add3A_2391 : i32
      %add3A_2393 = arith.constant 20 : i32
      %add3A_2394 = vector.broadcast %add3A_2393 : i32 to vector<16xi32>
      %add3A_2395 = arith.addi %iota3A, %add3A_2394 : vector<16xi32>
      %ge3A_2396 = arith.constant 26 : i32
      %ge3A_2397 = vector.broadcast %ge3A_2396 : i32 to vector<16xi32>
      %ge3A_2398 = arith.cmpi sge, %add3A_2395, %ge3A_2397 : vector<16xi32>
      %sub3A_2399 = arith.constant 26 : i32
      %sub3A_2400 = vector.broadcast %sub3A_2399 : i32 to vector<16xi32>
      %sub3A_2401 = arith.subi %add3A_2395, %sub3A_2400 : vector<16xi32>
      %select_n3A_2402 = arith.select %ge3A_2398, %sub3A_2401, %add3A_2395 : vector<16xi1>, vector<16xi32>
      %get3A_2403 = arith.index_cast %add3A_2392 : i32 to index
      %get3A_2404 = tpu.vector_load %arg5[%get3A_2403] {strides = array<i32>} : memref<13312xi32, #tpu.memory_space<vmem>>, vector<16xi32>,
      %get3A_2405 = vector.shape_cast %get3A_2404 : vector<16xi32> to vector<16xi32>
      %mul3A_2406 = arith.constant 1001 : i32
      %mul3A_2407 = vector.broadcast %mul3A_2406 : i32 to vector<16xi32>
      %mul3A_2408 = arith.muli %select_n3A_2402, %mul3A_2407 : vector<16xi32>
      %eq3A_2409 = arith.constant -1 : i32
      %eq3A_2410 = vector.broadcast %eq3A_2409 : i32 to vector<16xi32>
      %eq3A_2411 = arith.cmpi eq, %get3A_2405, %eq3A_2410 : vector<16xi32>
      %jit3A_2412 = arith.constant 1000 : i32
      %broadcast_in_dim3A_2413 = vector.broadcast %jit3A_2412 : i32 to vector<16xi32>
      %select_n3A_2414 = arith.select %eq3A_2411, %broadcast_in_dim3A_2413, %get3A_2405 : vector<16xi1>, vector<16xi32>
      %add3A_2415 = arith.addi %mul3A_2408, %select_n3A_2414 : vector<16xi32>
      %swap3A_2416 = arith.index_cast %add3A_2392 : i32 to index
      %swap3A_2417 = tpu.vector_load %arg5[%swap3A_2416] {strides = array<i32>} : memref<13312xi32, #tpu.memory_space<vmem>>, vector<16xi32>,
      %swap3A_2418 = vector.shape_cast %swap3A_2417 : vector<16xi32> to vector<16xi32>
      %swap3A_2419 = vector.shape_cast %add3A_2415 : vector<16xi32> to vector<16xi32>
      tpu.vector_store %arg5[%swap3A_2416], %swap3A_2419 {strides = array<i32>} : memref<13312xi32, #tpu.memory_space<vmem>>, vector<16xi32>,
      %mul3A_2420 = arith.constant 832 : i32
      %mul3A_2421 = arith.muli %scan3A_1644, %mul3A_2420 : i32
      %add3A_2422 = arith.constant 400 : i32
      %add3A_2423 = arith.addi %mul3A_2421, %add3A_2422 : i32
      %add3A_2424 = arith.constant 10 : i32
      %add3A_2425 = vector.broadcast %add3A_2424 : i32 to vector<16xi32>
      %add3A_2426 = arith.addi %iota3A, %add3A_2425 : vector<16xi32>
      %ge3A_2427 = arith.constant 26 : i32
      %ge3A_2428 = vector.broadcast %ge3A_2427 : i32 to vector<16xi32>
      %ge3A_2429 = arith.cmpi sge, %add3A_2426, %ge3A_2428 : vector<16xi32>
      %sub3A_2430 = arith.constant 26 : i32
      %sub3A_2431 = vector.broadcast %sub3A_2430 : i32 to vector<16xi32>
      %sub3A_2432 = arith.subi %add3A_2426, %sub3A_2431 : vector<16xi32>
      %select_n3A_2433 = arith.select %ge3A_2429, %sub3A_2432, %add3A_2426 : vector<16xi1>, vector<16xi32>
      %get3A_2434 = arith.index_cast %add3A_2423 : i32 to index
      %get3A_2435 = tpu.vector_load %arg5[%get3A_2434] {strides = array<i32>} : memref<13312xi32, #tpu.memory_space<vmem>>, vector<16xi32>,
      %get3A_2436 = vector.shape_cast %get3A_2435 : vector<16xi32> to vector<16xi32>
      %mul3A_2437 = arith.constant 1001 : i32
      %mul3A_2438 = vector.broadcast %mul3A_2437 : i32 to vector<16xi32>
      %mul3A_2439 = arith.muli %select_n3A_2433, %mul3A_2438 : vector<16xi32>
      %eq3A_2440 = arith.constant -1 : i32
      %eq3A_2441 = vector.broadcast %eq3A_2440 : i32 to vector<16xi32>
      %eq3A_2442 = arith.cmpi eq, %get3A_2436, %eq3A_2441 : vector<16xi32>
      %jit3A_2443 = arith.constant 1000 : i32
      %broadcast_in_dim3A_2444 = vector.broadcast %jit3A_2443 : i32 to vector<16xi32>
      %select_n3A_2445 = arith.select %eq3A_2442, %broadcast_in_dim3A_2444, %get3A_2436 : vector<16xi1>, vector<16xi32>
      %add3A_2446 = arith.addi %mul3A_2439, %select_n3A_2445 : vector<16xi32>
      %swap3A_2447 = arith.index_cast %add3A_2423 : i32 to index
      %swap3A_2448 = tpu.vector_load %arg5[%swap3A_2447] {strides = array<i32>} : memref<13312xi32, #tpu.memory_space<vmem>>, vector<16xi32>,
      %swap3A_2449 = vector.shape_cast %swap3A_2448 : vector<16xi32> to vector<16xi32>
      %swap3A_2450 = vector.shape_cast %add3A_2446 : vector<16xi32> to vector<16xi32>
      tpu.vector_store %arg5[%swap3A_2447], %swap3A_2450 {strides = array<i32>} : memref<13312xi32, #tpu.memory_space<vmem>>, vector<16xi32>,
      %mul3A_2451 = arith.constant 832 : i32
      %mul3A_2452 = arith.muli %scan3A_1644, %mul3A_2451 : i32
      %add3A_2453 = arith.constant 416 : i32
      %add3A_2454 = arith.addi %mul3A_2452, %add3A_2453 : i32
      %add3A_2455 = arith.constant 0 : i32
      %add3A_2456 = vector.broadcast %add3A_2455 : i32 to vector<16xi32>
      %add3A_2457 = arith.addi %iota3A, %add3A_2456 : vector<16xi32>
      %ge3A_2458 = arith.constant 26 : i32
      %ge3A_2459 = vector.broadcast %ge3A_2458 : i32 to vector<16xi32>
      %ge3A_2460 = arith.cmpi sge, %add3A_2457, %ge3A_2459 : vector<16xi32>
      %sub3A_2461 = arith.constant 26 : i32
      %sub3A_2462 = vector.broadcast %sub3A_2461 : i32 to vector<16xi32>
      %sub3A_2463 = arith.subi %add3A_2457, %sub3A_2462 : vector<16xi32>
      %select_n3A_2464 = arith.select %ge3A_2460, %sub3A_2463, %add3A_2457 : vector<16xi1>, vector<16xi32>
      %get3A_2465 = arith.index_cast %add3A_2454 : i32 to index
      %get3A_2466 = tpu.vector_load %arg5[%get3A_2465] {strides = array<i32>} : memref<13312xi32, #tpu.memory_space<vmem>>, vector<16xi32>,
      %get3A_2467 = vector.shape_cast %get3A_2466 : vector<16xi32> to vector<16xi32>
      %mul3A_2468 = arith.constant 1001 : i32
      %mul3A_2469 = vector.broadcast %mul3A_2468 : i32 to vector<16xi32>
      %mul3A_2470 = arith.muli %select_n3A_2464, %mul3A_2469 : vector<16xi32>
      %eq3A_2471 = arith.constant -1 : i32
      %eq3A_2472 = vector.broadcast %eq3A_2471 : i32 to vector<16xi32>
      %eq3A_2473 = arith.cmpi eq, %get3A_2467, %eq3A_2472 : vector<16xi32>
      %jit3A_2474 = arith.constant 1000 : i32
      %broadcast_in_dim3A_2475 = vector.broadcast %jit3A_2474 : i32 to vector<16xi32>
      %select_n3A_2476 = arith.select %eq3A_2473, %broadcast_in_dim3A_2475, %get3A_2467 : vector<16xi1>, vector<16xi32>
      %add3A_2477 = arith.addi %mul3A_2470, %select_n3A_2476 : vector<16xi32>
      %swap3A_2478 = arith.index_cast %add3A_2454 : i32 to index
      %swap3A_2479 = tpu.vector_load %arg5[%swap3A_2478] {strides = array<i32>} : memref<13312xi32, #tpu.memory_space<vmem>>, vector<16xi32>,
      %swap3A_2480 = vector.shape_cast %swap3A_2479 : vector<16xi32> to vector<16xi32>
      %swap3A_2481 = vector.shape_cast %add3A_2477 : vector<16xi32> to vector<16xi32>
      tpu.vector_store %arg5[%swap3A_2478], %swap3A_2481 {strides = array<i32>} : memref<13312xi32, #tpu.memory_space<vmem>>, vector<16xi32>,
      %mul3A_2482 = arith.constant 832 : i32
      %mul3A_2483 = arith.muli %scan3A_1644, %mul3A_2482 : i32
      %add3A_2484 = arith.constant 432 : i32
      %add3A_2485 = arith.addi %mul3A_2483, %add3A_2484 : i32
      %add3A_2486 = arith.constant 16 : i32
      %add3A_2487 = vector.broadcast %add3A_2486 : i32 to vector<16xi32>
      %add3A_2488 = arith.addi %iota3A, %add3A_2487 : vector<16xi32>
      %ge3A_2489 = arith.constant 26 : i32
      %ge3A_2490 = vector.broadcast %ge3A_2489 : i32 to vector<16xi32>
      %ge3A_2491 = arith.cmpi sge, %add3A_2488, %ge3A_2490 : vector<16xi32>
      %sub3A_2492 = arith.constant 26 : i32
      %sub3A_2493 = vector.broadcast %sub3A_2492 : i32 to vector<16xi32>
      %sub3A_2494 = arith.subi %add3A_2488, %sub3A_2493 : vector<16xi32>
      %select_n3A_2495 = arith.select %ge3A_2491, %sub3A_2494, %add3A_2488 : vector<16xi1>, vector<16xi32>
      %get3A_2496 = arith.index_cast %add3A_2485 : i32 to index
      %get3A_2497 = tpu.vector_load %arg5[%get3A_2496] {strides = array<i32>} : memref<13312xi32, #tpu.memory_space<vmem>>, vector<16xi32>,
      %get3A_2498 = vector.shape_cast %get3A_2497 : vector<16xi32> to vector<16xi32>
      %mul3A_2499 = arith.constant 1001 : i32
      %mul3A_2500 = vector.broadcast %mul3A_2499 : i32 to vector<16xi32>
      %mul3A_2501 = arith.muli %select_n3A_2495, %mul3A_2500 : vector<16xi32>
      %eq3A_2502 = arith.constant -1 : i32
      %eq3A_2503 = vector.broadcast %eq3A_2502 : i32 to vector<16xi32>
      %eq3A_2504 = arith.cmpi eq, %get3A_2498, %eq3A_2503 : vector<16xi32>
      %jit3A_2505 = arith.constant 1000 : i32
      %broadcast_in_dim3A_2506 = vector.broadcast %jit3A_2505 : i32 to vector<16xi32>
      %select_n3A_2507 = arith.select %eq3A_2504, %broadcast_in_dim3A_2506, %get3A_2498 : vector<16xi1>, vector<16xi32>
      %add3A_2508 = arith.addi %mul3A_2501, %select_n3A_2507 : vector<16xi32>
      %swap3A_2509 = arith.index_cast %add3A_2485 : i32 to index
      %swap3A_2510 = tpu.vector_load %arg5[%swap3A_2509] {strides = array<i32>} : memref<13312xi32, #tpu.memory_space<vmem>>, vector<16xi32>,
      %swap3A_2511 = vector.shape_cast %swap3A_2510 : vector<16xi32> to vector<16xi32>
      %swap3A_2512 = vector.shape_cast %add3A_2508 : vector<16xi32> to vector<16xi32>
      tpu.vector_store %arg5[%swap3A_2509], %swap3A_2512 {strides = array<i32>} : memref<13312xi32, #tpu.memory_space<vmem>>, vector<16xi32>,
      %mul3A_2513 = arith.constant 832 : i32
      %mul3A_2514 = arith.muli %scan3A_1644, %mul3A_2513 : i32
      %add3A_2515 = arith.constant 448 : i32
      %add3A_2516 = arith.addi %mul3A_2514, %add3A_2515 : i32
      %add3A_2517 = arith.constant 6 : i32
      %add3A_2518 = vector.broadcast %add3A_2517 : i32 to vector<16xi32>
      %add3A_2519 = arith.addi %iota3A, %add3A_2518 : vector<16xi32>
      %ge3A_2520 = arith.constant 26 : i32
      %ge3A_2521 = vector.broadcast %ge3A_2520 : i32 to vector<16xi32>
      %ge3A_2522 = arith.cmpi sge, %add3A_2519, %ge3A_2521 : vector<16xi32>
      %sub3A_2523 = arith.constant 26 : i32
      %sub3A_2524 = vector.broadcast %sub3A_2523 : i32 to vector<16xi32>
      %sub3A_2525 = arith.subi %add3A_2519, %sub3A_2524 : vector<16xi32>
      %select_n3A_2526 = arith.select %ge3A_2522, %sub3A_2525, %add3A_2519 : vector<16xi1>, vector<16xi32>
      %get3A_2527 = arith.index_cast %add3A_2516 : i32 to index
      %get3A_2528 = tpu.vector_load %arg5[%get3A_2527] {strides = array<i32>} : memref<13312xi32, #tpu.memory_space<vmem>>, vector<16xi32>,
      %get3A_2529 = vector.shape_cast %get3A_2528 : vector<16xi32> to vector<16xi32>
      %mul3A_2530 = arith.constant 1001 : i32
      %mul3A_2531 = vector.broadcast %mul3A_2530 : i32 to vector<16xi32>
      %mul3A_2532 = arith.muli %select_n3A_2526, %mul3A_2531 : vector<16xi32>
      %eq3A_2533 = arith.constant -1 : i32
      %eq3A_2534 = vector.broadcast %eq3A_2533 : i32 to vector<16xi32>
      %eq3A_2535 = arith.cmpi eq, %get3A_2529, %eq3A_2534 : vector<16xi32>
      %jit3A_2536 = arith.constant 1000 : i32
      %broadcast_in_dim3A_2537 = vector.broadcast %jit3A_2536 : i32 to vector<16xi32>
      %select_n3A_2538 = arith.select %eq3A_2535, %broadcast_in_dim3A_2537, %get3A_2529 : vector<16xi1>, vector<16xi32>
      %add3A_2539 = arith.addi %mul3A_2532, %select_n3A_2538 : vector<16xi32>
      %swap3A_2540 = arith.index_cast %add3A_2516 : i32 to index
      %swap3A_2541 = tpu.vector_load %arg5[%swap3A_2540] {strides = array<i32>} : memref<13312xi32, #tpu.memory_space<vmem>>, vector<16xi32>,
      %swap3A_2542 = vector.shape_cast %swap3A_2541 : vector<16xi32> to vector<16xi32>
      %swap3A_2543 = vector.shape_cast %add3A_2539 : vector<16xi32> to vector<16xi32>
      tpu.vector_store %arg5[%swap3A_2540], %swap3A_2543 {strides = array<i32>} : memref<13312xi32, #tpu.memory_space<vmem>>, vector<16xi32>,
      %mul3A_2544 = arith.constant 832 : i32
      %mul3A_2545 = arith.muli %scan3A_1644, %mul3A_2544 : i32
      %add3A_2546 = arith.constant 464 : i32
      %add3A_2547 = arith.addi %mul3A_2545, %add3A_2546 : i32
      %add3A_2548 = arith.constant 22 : i32
      %add3A_2549 = vector.broadcast %add3A_2548 : i32 to vector<16xi32>
      %add3A_2550 = arith.addi %iota3A, %add3A_2549 : vector<16xi32>
      %ge3A_2551 = arith.constant 26 : i32
      %ge3A_2552 = vector.broadcast %ge3A_2551 : i32 to vector<16xi32>
      %ge3A_2553 = arith.cmpi sge, %add3A_2550, %ge3A_2552 : vector<16xi32>
      %sub3A_2554 = arith.constant 26 : i32
      %sub3A_2555 = vector.broadcast %sub3A_2554 : i32 to vector<16xi32>
      %sub3A_2556 = arith.subi %add3A_2550, %sub3A_2555 : vector<16xi32>
      %select_n3A_2557 = arith.select %ge3A_2553, %sub3A_2556, %add3A_2550 : vector<16xi1>, vector<16xi32>
      %get3A_2558 = arith.index_cast %add3A_2547 : i32 to index
      %get3A_2559 = tpu.vector_load %arg5[%get3A_2558] {strides = array<i32>} : memref<13312xi32, #tpu.memory_space<vmem>>, vector<16xi32>,
      %get3A_2560 = vector.shape_cast %get3A_2559 : vector<16xi32> to vector<16xi32>
      %mul3A_2561 = arith.constant 1001 : i32
      %mul3A_2562 = vector.broadcast %mul3A_2561 : i32 to vector<16xi32>
      %mul3A_2563 = arith.muli %select_n3A_2557, %mul3A_2562 : vector<16xi32>
      %eq3A_2564 = arith.constant -1 : i32
      %eq3A_2565 = vector.broadcast %eq3A_2564 : i32 to vector<16xi32>
      %eq3A_2566 = arith.cmpi eq, %get3A_2560, %eq3A_2565 : vector<16xi32>
      %jit3A_2567 = arith.constant 1000 : i32
      %broadcast_in_dim3A_2568 = vector.broadcast %jit3A_2567 : i32 to vector<16xi32>
      %select_n3A_2569 = arith.select %eq3A_2566, %broadcast_in_dim3A_2568, %get3A_2560 : vector<16xi1>, vector<16xi32>
      %add3A_2570 = arith.addi %mul3A_2563, %select_n3A_2569 : vector<16xi32>
      %swap3A_2571 = arith.index_cast %add3A_2547 : i32 to index
      %swap3A_2572 = tpu.vector_load %arg5[%swap3A_2571] {strides = array<i32>} : memref<13312xi32, #tpu.memory_space<vmem>>, vector<16xi32>,
      %swap3A_2573 = vector.shape_cast %swap3A_2572 : vector<16xi32> to vector<16xi32>
      %swap3A_2574 = vector.shape_cast %add3A_2570 : vector<16xi32> to vector<16xi32>
      tpu.vector_store %arg5[%swap3A_2571], %swap3A_2574 {strides = array<i32>} : memref<13312xi32, #tpu.memory_space<vmem>>, vector<16xi32>,
      %mul3A_2575 = arith.constant 832 : i32
      %mul3A_2576 = arith.muli %scan3A_1644, %mul3A_2575 : i32
      %add3A_2577 = arith.constant 480 : i32
      %add3A_2578 = arith.addi %mul3A_2576, %add3A_2577 : i32
      %add3A_2579 = arith.constant 12 : i32
      %add3A_2580 = vector.broadcast %add3A_2579 : i32 to vector<16xi32>
      %add3A_2581 = arith.addi %iota3A, %add3A_2580 : vector<16xi32>
      %ge3A_2582 = arith.constant 26 : i32
      %ge3A_2583 = vector.broadcast %ge3A_2582 : i32 to vector<16xi32>
      %ge3A_2584 = arith.cmpi sge, %add3A_2581, %ge3A_2583 : vector<16xi32>
      %sub3A_2585 = arith.constant 26 : i32
      %sub3A_2586 = vector.broadcast %sub3A_2585 : i32 to vector<16xi32>
      %sub3A_2587 = arith.subi %add3A_2581, %sub3A_2586 : vector<16xi32>
      %select_n3A_2588 = arith.select %ge3A_2584, %sub3A_2587, %add3A_2581 : vector<16xi1>, vector<16xi32>
      %get3A_2589 = arith.index_cast %add3A_2578 : i32 to index
      %get3A_2590 = tpu.vector_load %arg5[%get3A_2589] {strides = array<i32>} : memref<13312xi32, #tpu.memory_space<vmem>>, vector<16xi32>,
      %get3A_2591 = vector.shape_cast %get3A_2590 : vector<16xi32> to vector<16xi32>
      %mul3A_2592 = arith.constant 1001 : i32
      %mul3A_2593 = vector.broadcast %mul3A_2592 : i32 to vector<16xi32>
      %mul3A_2594 = arith.muli %select_n3A_2588, %mul3A_2593 : vector<16xi32>
      %eq3A_2595 = arith.constant -1 : i32
      %eq3A_2596 = vector.broadcast %eq3A_2595 : i32 to vector<16xi32>
      %eq3A_2597 = arith.cmpi eq, %get3A_2591, %eq3A_2596 : vector<16xi32>
      %jit3A_2598 = arith.constant 1000 : i32
      %broadcast_in_dim3A_2599 = vector.broadcast %jit3A_2598 : i32 to vector<16xi32>
      %select_n3A_2600 = arith.select %eq3A_2597, %broadcast_in_dim3A_2599, %get3A_2591 : vector<16xi1>, vector<16xi32>
      %add3A_2601 = arith.addi %mul3A_2594, %select_n3A_2600 : vector<16xi32>
      %swap3A_2602 = arith.index_cast %add3A_2578 : i32 to index
      %swap3A_2603 = tpu.vector_load %arg5[%swap3A_2602] {strides = array<i32>} : memref<13312xi32, #tpu.memory_space<vmem>>, vector<16xi32>,
      %swap3A_2604 = vector.shape_cast %swap3A_2603 : vector<16xi32> to vector<16xi32>
      %swap3A_2605 = vector.shape_cast %add3A_2601 : vector<16xi32> to vector<16xi32>
      tpu.vector_store %arg5[%swap3A_2602], %swap3A_2605 {strides = array<i32>} : memref<13312xi32, #tpu.memory_space<vmem>>, vector<16xi32>,
      %mul3A_2606 = arith.constant 832 : i32
      %mul3A_2607 = arith.muli %scan3A_1644, %mul3A_2606 : i32
      %add3A_2608 = arith.constant 496 : i32
      %add3A_2609 = arith.addi %mul3A_2607, %add3A_2608 : i32
      %add3A_2610 = arith.constant 2 : i32
      %add3A_2611 = vector.broadcast %add3A_2610 : i32 to vector<16xi32>
      %add3A_2612 = arith.addi %iota3A, %add3A_2611 : vector<16xi32>
      %ge3A_2613 = arith.constant 26 : i32
      %ge3A_2614 = vector.broadcast %ge3A_2613 : i32 to vector<16xi32>
      %ge3A_2615 = arith.cmpi sge, %add3A_2612, %ge3A_2614 : vector<16xi32>
      %sub3A_2616 = arith.constant 26 : i32
      %sub3A_2617 = vector.broadcast %sub3A_2616 : i32 to vector<16xi32>
      %sub3A_2618 = arith.subi %add3A_2612, %sub3A_2617 : vector<16xi32>
      %select_n3A_2619 = arith.select %ge3A_2615, %sub3A_2618, %add3A_2612 : vector<16xi1>, vector<16xi32>
      %get3A_2620 = arith.index_cast %add3A_2609 : i32 to index
      %get3A_2621 = tpu.vector_load %arg5[%get3A_2620] {strides = array<i32>} : memref<13312xi32, #tpu.memory_space<vmem>>, vector<16xi32>,
      %get3A_2622 = vector.shape_cast %get3A_2621 : vector<16xi32> to vector<16xi32>
      %mul3A_2623 = arith.constant 1001 : i32
      %mul3A_2624 = vector.broadcast %mul3A_2623 : i32 to vector<16xi32>
      %mul3A_2625 = arith.muli %select_n3A_2619, %mul3A_2624 : vector<16xi32>
      %eq3A_2626 = arith.constant -1 : i32
      %eq3A_2627 = vector.broadcast %eq3A_2626 : i32 to vector<16xi32>
      %eq3A_2628 = arith.cmpi eq, %get3A_2622, %eq3A_2627 : vector<16xi32>
      %jit3A_2629 = arith.constant 1000 : i32
      %broadcast_in_dim3A_2630 = vector.broadcast %jit3A_2629 : i32 to vector<16xi32>
      %select_n3A_2631 = arith.select %eq3A_2628, %broadcast_in_dim3A_2630, %get3A_2622 : vector<16xi1>, vector<16xi32>
      %add3A_2632 = arith.addi %mul3A_2625, %select_n3A_2631 : vector<16xi32>
      %swap3A_2633 = arith.index_cast %add3A_2609 : i32 to index
      %swap3A_2634 = tpu.vector_load %arg5[%swap3A_2633] {strides = array<i32>} : memref<13312xi32, #tpu.memory_space<vmem>>, vector<16xi32>,
      %swap3A_2635 = vector.shape_cast %swap3A_2634 : vector<16xi32> to vector<16xi32>
      %swap3A_2636 = vector.shape_cast %add3A_2632 : vector<16xi32> to vector<16xi32>
      tpu.vector_store %arg5[%swap3A_2633], %swap3A_2636 {strides = array<i32>} : memref<13312xi32, #tpu.memory_space<vmem>>, vector<16xi32>,
      %mul3A_2637 = arith.constant 832 : i32
      %mul3A_2638 = arith.muli %scan3A_1644, %mul3A_2637 : i32
      %add3A_2639 = arith.constant 512 : i32
      %add3A_2640 = arith.addi %mul3A_2638, %add3A_2639 : i32
      %add3A_2641 = arith.constant 18 : i32
      %add3A_2642 = vector.broadcast %add3A_2641 : i32 to vector<16xi32>
      %add3A_2643 = arith.addi %iota3A, %add3A_2642 : vector<16xi32>
      %ge3A_2644 = arith.constant 26 : i32
      %ge3A_2645 = vector.broadcast %ge3A_2644 : i32 to vector<16xi32>
      %ge3A_2646 = arith.cmpi sge, %add3A_2643, %ge3A_2645 : vector<16xi32>
      %sub3A_2647 = arith.constant 26 : i32
      %sub3A_2648 = vector.broadcast %sub3A_2647 : i32 to vector<16xi32>
      %sub3A_2649 = arith.subi %add3A_2643, %sub3A_2648 : vector<16xi32>
      %select_n3A_2650 = arith.select %ge3A_2646, %sub3A_2649, %add3A_2643 : vector<16xi1>, vector<16xi32>
      %get3A_2651 = arith.index_cast %add3A_2640 : i32 to index
      %get3A_2652 = tpu.vector_load %arg5[%get3A_2651] {strides = array<i32>} : memref<13312xi32, #tpu.memory_space<vmem>>, vector<16xi32>,
      %get3A_2653 = vector.shape_cast %get3A_2652 : vector<16xi32> to vector<16xi32>
      %mul3A_2654 = arith.constant 1001 : i32
      %mul3A_2655 = vector.broadcast %mul3A_2654 : i32 to vector<16xi32>
      %mul3A_2656 = arith.muli %select_n3A_2650, %mul3A_2655 : vector<16xi32>
      %eq3A_2657 = arith.constant -1 : i32
      %eq3A_2658 = vector.broadcast %eq3A_2657 : i32 to vector<16xi32>
      %eq3A_2659 = arith.cmpi eq, %get3A_2653, %eq3A_2658 : vector<16xi32>
      %jit3A_2660 = arith.constant 1000 : i32
      %broadcast_in_dim3A_2661 = vector.broadcast %jit3A_2660 : i32 to vector<16xi32>
      %select_n3A_2662 = arith.select %eq3A_2659, %broadcast_in_dim3A_2661, %get3A_2653 : vector<16xi1>, vector<16xi32>
      %add3A_2663 = arith.addi %mul3A_2656, %select_n3A_2662 : vector<16xi32>
      %swap3A_2664 = arith.index_cast %add3A_2640 : i32 to index
      %swap3A_2665 = tpu.vector_load %arg5[%swap3A_2664] {strides = array<i32>} : memref<13312xi32, #tpu.memory_space<vmem>>, vector<16xi32>,
      %swap3A_2666 = vector.shape_cast %swap3A_2665 : vector<16xi32> to vector<16xi32>
      %swap3A_2667 = vector.shape_cast %add3A_2663 : vector<16xi32> to vector<16xi32>
      tpu.vector_store %arg5[%swap3A_2664], %swap3A_2667 {strides = array<i32>} : memref<13312xi32, #tpu.memory_space<vmem>>, vector<16xi32>,
      %mul3A_2668 = arith.constant 832 : i32
      %mul3A_2669 = arith.muli %scan3A_1644, %mul3A_2668 : i32
      %add3A_2670 = arith.constant 528 : i32
      %add3A_2671 = arith.addi %mul3A_2669, %add3A_2670 : i32
      %add3A_2672 = arith.constant 8 : i32
      %add3A_2673 = vector.broadcast %add3A_2672 : i32 to vector<16xi32>
      %add3A_2674 = arith.addi %iota3A, %add3A_2673 : vector<16xi32>
      %ge3A_2675 = arith.constant 26 : i32
      %ge3A_2676 = vector.broadcast %ge3A_2675 : i32 to vector<16xi32>
      %ge3A_2677 = arith.cmpi sge, %add3A_2674, %ge3A_2676 : vector<16xi32>
      %sub3A_2678 = arith.constant 26 : i32
      %sub3A_2679 = vector.broadcast %sub3A_2678 : i32 to vector<16xi32>
      %sub3A_2680 = arith.subi %add3A_2674, %sub3A_2679 : vector<16xi32>
      %select_n3A_2681 = arith.select %ge3A_2677, %sub3A_2680, %add3A_2674 : vector<16xi1>, vector<16xi32>
      %get3A_2682 = arith.index_cast %add3A_2671 : i32 to index
      %get3A_2683 = tpu.vector_load %arg5[%get3A_2682] {strides = array<i32>} : memref<13312xi32, #tpu.memory_space<vmem>>, vector<16xi32>,
      %get3A_2684 = vector.shape_cast %get3A_2683 : vector<16xi32> to vector<16xi32>
      %mul3A_2685 = arith.constant 1001 : i32
      %mul3A_2686 = vector.broadcast %mul3A_2685 : i32 to vector<16xi32>
      %mul3A_2687 = arith.muli %select_n3A_2681, %mul3A_2686 : vector<16xi32>
      %eq3A_2688 = arith.constant -1 : i32
      %eq3A_2689 = vector.broadcast %eq3A_2688 : i32 to vector<16xi32>
      %eq3A_2690 = arith.cmpi eq, %get3A_2684, %eq3A_2689 : vector<16xi32>
      %jit3A_2691 = arith.constant 1000 : i32
      %broadcast_in_dim3A_2692 = vector.broadcast %jit3A_2691 : i32 to vector<16xi32>
      %select_n3A_2693 = arith.select %eq3A_2690, %broadcast_in_dim3A_2692, %get3A_2684 : vector<16xi1>, vector<16xi32>
      %add3A_2694 = arith.addi %mul3A_2687, %select_n3A_2693 : vector<16xi32>
      %swap3A_2695 = arith.index_cast %add3A_2671 : i32 to index
      %swap3A_2696 = tpu.vector_load %arg5[%swap3A_2695] {strides = array<i32>} : memref<13312xi32, #tpu.memory_space<vmem>>, vector<16xi32>,
      %swap3A_2697 = vector.shape_cast %swap3A_2696 : vector<16xi32> to vector<16xi32>
      %swap3A_2698 = vector.shape_cast %add3A_2694 : vector<16xi32> to vector<16xi32>
      tpu.vector_store %arg5[%swap3A_2695], %swap3A_2698 {strides = array<i32>} : memref<13312xi32, #tpu.memory_space<vmem>>, vector<16xi32>,
      %mul3A_2699 = arith.constant 832 : i32
      %mul3A_2700 = arith.muli %scan3A_1644, %mul3A_2699 : i32
      %add3A_2701 = arith.constant 544 : i32
      %add3A_2702 = arith.addi %mul3A_2700, %add3A_2701 : i32
      %add3A_2703 = arith.constant 24 : i32
      %add3A_2704 = vector.broadcast %add3A_2703 : i32 to vector<16xi32>
      %add3A_2705 = arith.addi %iota3A, %add3A_2704 : vector<16xi32>
      %ge3A_2706 = arith.constant 26 : i32
      %ge3A_2707 = vector.broadcast %ge3A_2706 : i32 to vector<16xi32>
      %ge3A_2708 = arith.cmpi sge, %add3A_2705, %ge3A_2707 : vector<16xi32>
      %sub3A_2709 = arith.constant 26 : i32
      %sub3A_2710 = vector.broadcast %sub3A_2709 : i32 to vector<16xi32>
      %sub3A_2711 = arith.subi %add3A_2705, %sub3A_2710 : vector<16xi32>
      %select_n3A_2712 = arith.select %ge3A_2708, %sub3A_2711, %add3A_2705 : vector<16xi1>, vector<16xi32>
      %get3A_2713 = arith.index_cast %add3A_2702 : i32 to index
      %get3A_2714 = tpu.vector_load %arg5[%get3A_2713] {strides = array<i32>} : memref<13312xi32, #tpu.memory_space<vmem>>, vector<16xi32>,
      %get3A_2715 = vector.shape_cast %get3A_2714 : vector<16xi32> to vector<16xi32>
      %mul3A_2716 = arith.constant 1001 : i32
      %mul3A_2717 = vector.broadcast %mul3A_2716 : i32 to vector<16xi32>
      %mul3A_2718 = arith.muli %select_n3A_2712, %mul3A_2717 : vector<16xi32>
      %eq3A_2719 = arith.constant -1 : i32
      %eq3A_2720 = vector.broadcast %eq3A_2719 : i32 to vector<16xi32>
      %eq3A_2721 = arith.cmpi eq, %get3A_2715, %eq3A_2720 : vector<16xi32>
      %jit3A_2722 = arith.constant 1000 : i32
      %broadcast_in_dim3A_2723 = vector.broadcast %jit3A_2722 : i32 to vector<16xi32>
      %select_n3A_2724 = arith.select %eq3A_2721, %broadcast_in_dim3A_2723, %get3A_2715 : vector<16xi1>, vector<16xi32>
      %add3A_2725 = arith.addi %mul3A_2718, %select_n3A_2724 : vector<16xi32>
      %swap3A_2726 = arith.index_cast %add3A_2702 : i32 to index
      %swap3A_2727 = tpu.vector_load %arg5[%swap3A_2726] {strides = array<i32>} : memref<13312xi32, #tpu.memory_space<vmem>>, vector<16xi32>,
      %swap3A_2728 = vector.shape_cast %swap3A_2727 : vector<16xi32> to vector<16xi32>
      %swap3A_2729 = vector.shape_cast %add3A_2725 : vector<16xi32> to vector<16xi32>
      tpu.vector_store %arg5[%swap3A_2726], %swap3A_2729 {strides = array<i32>} : memref<13312xi32, #tpu.memory_space<vmem>>, vector<16xi32>,
      %mul3A_2730 = arith.constant 832 : i32
      %mul3A_2731 = arith.muli %scan3A_1644, %mul3A_2730 : i32
      %add3A_2732 = arith.constant 560 : i32
      %add3A_2733 = arith.addi %mul3A_2731, %add3A_2732 : i32
      %add3A_2734 = arith.constant 14 : i32
      %add3A_2735 = vector.broadcast %add3A_2734 : i32 to vector<16xi32>
      %add3A_2736 = arith.addi %iota3A, %add3A_2735 : vector<16xi32>
      %ge3A_2737 = arith.constant 26 : i32
      %ge3A_2738 = vector.broadcast %ge3A_2737 : i32 to vector<16xi32>
      %ge3A_2739 = arith.cmpi sge, %add3A_2736, %ge3A_2738 : vector<16xi32>
      %sub3A_2740 = arith.constant 26 : i32
      %sub3A_2741 = vector.broadcast %sub3A_2740 : i32 to vector<16xi32>
      %sub3A_2742 = arith.subi %add3A_2736, %sub3A_2741 : vector<16xi32>
      %select_n3A_2743 = arith.select %ge3A_2739, %sub3A_2742, %add3A_2736 : vector<16xi1>, vector<16xi32>
      %get3A_2744 = arith.index_cast %add3A_2733 : i32 to index
      %get3A_2745 = tpu.vector_load %arg5[%get3A_2744] {strides = array<i32>} : memref<13312xi32, #tpu.memory_space<vmem>>, vector<16xi32>,
      %get3A_2746 = vector.shape_cast %get3A_2745 : vector<16xi32> to vector<16xi32>
      %mul3A_2747 = arith.constant 1001 : i32
      %mul3A_2748 = vector.broadcast %mul3A_2747 : i32 to vector<16xi32>
      %mul3A_2749 = arith.muli %select_n3A_2743, %mul3A_2748 : vector<16xi32>
      %eq3A_2750 = arith.constant -1 : i32
      %eq3A_2751 = vector.broadcast %eq3A_2750 : i32 to vector<16xi32>
      %eq3A_2752 = arith.cmpi eq, %get3A_2746, %eq3A_2751 : vector<16xi32>
      %jit3A_2753 = arith.constant 1000 : i32
      %broadcast_in_dim3A_2754 = vector.broadcast %jit3A_2753 : i32 to vector<16xi32>
      %select_n3A_2755 = arith.select %eq3A_2752, %broadcast_in_dim3A_2754, %get3A_2746 : vector<16xi1>, vector<16xi32>
      %add3A_2756 = arith.addi %mul3A_2749, %select_n3A_2755 : vector<16xi32>
      %swap3A_2757 = arith.index_cast %add3A_2733 : i32 to index
      %swap3A_2758 = tpu.vector_load %arg5[%swap3A_2757] {strides = array<i32>} : memref<13312xi32, #tpu.memory_space<vmem>>, vector<16xi32>,
      %swap3A_2759 = vector.shape_cast %swap3A_2758 : vector<16xi32> to vector<16xi32>
      %swap3A_2760 = vector.shape_cast %add3A_2756 : vector<16xi32> to vector<16xi32>
      tpu.vector_store %arg5[%swap3A_2757], %swap3A_2760 {strides = array<i32>} : memref<13312xi32, #tpu.memory_space<vmem>>, vector<16xi32>,
      %mul3A_2761 = arith.constant 832 : i32
      %mul3A_2762 = arith.muli %scan3A_1644, %mul3A_2761 : i32
      %add3A_2763 = arith.constant 576 : i32
      %add3A_2764 = arith.addi %mul3A_2762, %add3A_2763 : i32
      %add3A_2765 = arith.constant 4 : i32
      %add3A_2766 = vector.broadcast %add3A_2765 : i32 to vector<16xi32>
      %add3A_2767 = arith.addi %iota3A, %add3A_2766 : vector<16xi32>
      %ge3A_2768 = arith.constant 26 : i32
      %ge3A_2769 = vector.broadcast %ge3A_2768 : i32 to vector<16xi32>
      %ge3A_2770 = arith.cmpi sge, %add3A_2767, %ge3A_2769 : vector<16xi32>
      %sub3A_2771 = arith.constant 26 : i32
      %sub3A_2772 = vector.broadcast %sub3A_2771 : i32 to vector<16xi32>
      %sub3A_2773 = arith.subi %add3A_2767, %sub3A_2772 : vector<16xi32>
      %select_n3A_2774 = arith.select %ge3A_2770, %sub3A_2773, %add3A_2767 : vector<16xi1>, vector<16xi32>
      %get3A_2775 = arith.index_cast %add3A_2764 : i32 to index
      %get3A_2776 = tpu.vector_load %arg5[%get3A_2775] {strides = array<i32>} : memref<13312xi32, #tpu.memory_space<vmem>>, vector<16xi32>,
      %get3A_2777 = vector.shape_cast %get3A_2776 : vector<16xi32> to vector<16xi32>
      %mul3A_2778 = arith.constant 1001 : i32
      %mul3A_2779 = vector.broadcast %mul3A_2778 : i32 to vector<16xi32>
      %mul3A_2780 = arith.muli %select_n3A_2774, %mul3A_2779 : vector<16xi32>
      %eq3A_2781 = arith.constant -1 : i32
      %eq3A_2782 = vector.broadcast %eq3A_2781 : i32 to vector<16xi32>
      %eq3A_2783 = arith.cmpi eq, %get3A_2777, %eq3A_2782 : vector<16xi32>
      %jit3A_2784 = arith.constant 1000 : i32
      %broadcast_in_dim3A_2785 = vector.broadcast %jit3A_2784 : i32 to vector<16xi32>
      %select_n3A_2786 = arith.select %eq3A_2783, %broadcast_in_dim3A_2785, %get3A_2777 : vector<16xi1>, vector<16xi32>
      %add3A_2787 = arith.addi %mul3A_2780, %select_n3A_2786 : vector<16xi32>
      %swap3A_2788 = arith.index_cast %add3A_2764 : i32 to index
      %swap3A_2789 = tpu.vector_load %arg5[%swap3A_2788] {strides = array<i32>} : memref<13312xi32, #tpu.memory_space<vmem>>, vector<16xi32>,
      %swap3A_2790 = vector.shape_cast %swap3A_2789 : vector<16xi32> to vector<16xi32>
      %swap3A_2791 = vector.shape_cast %add3A_2787 : vector<16xi32> to vector<16xi32>
      tpu.vector_store %arg5[%swap3A_2788], %swap3A_2791 {strides = array<i32>} : memref<13312xi32, #tpu.memory_space<vmem>>, vector<16xi32>,
      %mul3A_2792 = arith.constant 832 : i32
      %mul3A_2793 = arith.muli %scan3A_1644, %mul3A_2792 : i32
      %add3A_2794 = arith.constant 592 : i32
      %add3A_2795 = arith.addi %mul3A_2793, %add3A_2794 : i32
      %add3A_2796 = arith.constant 20 : i32
      %add3A_2797 = vector.broadcast %add3A_2796 : i32 to vector<16xi32>
      %add3A_2798 = arith.addi %iota3A, %add3A_2797 : vector<16xi32>
      %ge3A_2799 = arith.constant 26 : i32
      %ge3A_2800 = vector.broadcast %ge3A_2799 : i32 to vector<16xi32>
      %ge3A_2801 = arith.cmpi sge, %add3A_2798, %ge3A_2800 : vector<16xi32>
      %sub3A_2802 = arith.constant 26 : i32
      %sub3A_2803 = vector.broadcast %sub3A_2802 : i32 to vector<16xi32>
      %sub3A_2804 = arith.subi %add3A_2798, %sub3A_2803 : vector<16xi32>
      %select_n3A_2805 = arith.select %ge3A_2801, %sub3A_2804, %add3A_2798 : vector<16xi1>, vector<16xi32>
      %get3A_2806 = arith.index_cast %add3A_2795 : i32 to index
      %get3A_2807 = tpu.vector_load %arg5[%get3A_2806] {strides = array<i32>} : memref<13312xi32, #tpu.memory_space<vmem>>, vector<16xi32>,
      %get3A_2808 = vector.shape_cast %get3A_2807 : vector<16xi32> to vector<16xi32>
      %mul3A_2809 = arith.constant 1001 : i32
      %mul3A_2810 = vector.broadcast %mul3A_2809 : i32 to vector<16xi32>
      %mul3A_2811 = arith.muli %select_n3A_2805, %mul3A_2810 : vector<16xi32>
      %eq3A_2812 = arith.constant -1 : i32
      %eq3A_2813 = vector.broadcast %eq3A_2812 : i32 to vector<16xi32>
      %eq3A_2814 = arith.cmpi eq, %get3A_2808, %eq3A_2813 : vector<16xi32>
      %jit3A_2815 = arith.constant 1000 : i32
      %broadcast_in_dim3A_2816 = vector.broadcast %jit3A_2815 : i32 to vector<16xi32>
      %select_n3A_2817 = arith.select %eq3A_2814, %broadcast_in_dim3A_2816, %get3A_2808 : vector<16xi1>, vector<16xi32>
      %add3A_2818 = arith.addi %mul3A_2811, %select_n3A_2817 : vector<16xi32>
      %swap3A_2819 = arith.index_cast %add3A_2795 : i32 to index
      %swap3A_2820 = tpu.vector_load %arg5[%swap3A_2819] {strides = array<i32>} : memref<13312xi32, #tpu.memory_space<vmem>>, vector<16xi32>,
      %swap3A_2821 = vector.shape_cast %swap3A_2820 : vector<16xi32> to vector<16xi32>
      %swap3A_2822 = vector.shape_cast %add3A_2818 : vector<16xi32> to vector<16xi32>
      tpu.vector_store %arg5[%swap3A_2819], %swap3A_2822 {strides = array<i32>} : memref<13312xi32, #tpu.memory_space<vmem>>, vector<16xi32>,
      %mul3A_2823 = arith.constant 832 : i32
      %mul3A_2824 = arith.muli %scan3A_1644, %mul3A_2823 : i32
      %add3A_2825 = arith.constant 608 : i32
      %add3A_2826 = arith.addi %mul3A_2824, %add3A_2825 : i32
      %add3A_2827 = arith.constant 10 : i32
      %add3A_2828 = vector.broadcast %add3A_2827 : i32 to vector<16xi32>
      %add3A_2829 = arith.addi %iota3A, %add3A_2828 : vector<16xi32>
      %ge3A_2830 = arith.constant 26 : i32
      %ge3A_2831 = vector.broadcast %ge3A_2830 : i32 to vector<16xi32>
      %ge3A_2832 = arith.cmpi sge, %add3A_2829, %ge3A_2831 : vector<16xi32>
      %sub3A_2833 = arith.constant 26 : i32
      %sub3A_2834 = vector.broadcast %sub3A_2833 : i32 to vector<16xi32>
      %sub3A_2835 = arith.subi %add3A_2829, %sub3A_2834 : vector<16xi32>
      %select_n3A_2836 = arith.select %ge3A_2832, %sub3A_2835, %add3A_2829 : vector<16xi1>, vector<16xi32>
      %get3A_2837 = arith.index_cast %add3A_2826 : i32 to index
      %get3A_2838 = tpu.vector_load %arg5[%get3A_2837] {strides = array<i32>} : memref<13312xi32, #tpu.memory_space<vmem>>, vector<16xi32>,
      %get3A_2839 = vector.shape_cast %get3A_2838 : vector<16xi32> to vector<16xi32>
      %mul3A_2840 = arith.constant 1001 : i32
      %mul3A_2841 = vector.broadcast %mul3A_2840 : i32 to vector<16xi32>
      %mul3A_2842 = arith.muli %select_n3A_2836, %mul3A_2841 : vector<16xi32>
      %eq3A_2843 = arith.constant -1 : i32
      %eq3A_2844 = vector.broadcast %eq3A_2843 : i32 to vector<16xi32>
      %eq3A_2845 = arith.cmpi eq, %get3A_2839, %eq3A_2844 : vector<16xi32>
      %jit3A_2846 = arith.constant 1000 : i32
      %broadcast_in_dim3A_2847 = vector.broadcast %jit3A_2846 : i32 to vector<16xi32>
      %select_n3A_2848 = arith.select %eq3A_2845, %broadcast_in_dim3A_2847, %get3A_2839 : vector<16xi1>, vector<16xi32>
      %add3A_2849 = arith.addi %mul3A_2842, %select_n3A_2848 : vector<16xi32>
      %swap3A_2850 = arith.index_cast %add3A_2826 : i32 to index
      %swap3A_2851 = tpu.vector_load %arg5[%swap3A_2850] {strides = array<i32>} : memref<13312xi32, #tpu.memory_space<vmem>>, vector<16xi32>,
      %swap3A_2852 = vector.shape_cast %swap3A_2851 : vector<16xi32> to vector<16xi32>
      %swap3A_2853 = vector.shape_cast %add3A_2849 : vector<16xi32> to vector<16xi32>
      tpu.vector_store %arg5[%swap3A_2850], %swap3A_2853 {strides = array<i32>} : memref<13312xi32, #tpu.memory_space<vmem>>, vector<16xi32>,
      %mul3A_2854 = arith.constant 832 : i32
      %mul3A_2855 = arith.muli %scan3A_1644, %mul3A_2854 : i32
      %add3A_2856 = arith.constant 624 : i32
      %add3A_2857 = arith.addi %mul3A_2855, %add3A_2856 : i32
      %add3A_2858 = arith.constant 0 : i32
      %add3A_2859 = vector.broadcast %add3A_2858 : i32 to vector<16xi32>
      %add3A_2860 = arith.addi %iota3A, %add3A_2859 : vector<16xi32>
      %ge3A_2861 = arith.constant 26 : i32
      %ge3A_2862 = vector.broadcast %ge3A_2861 : i32 to vector<16xi32>
      %ge3A_2863 = arith.cmpi sge, %add3A_2860, %ge3A_2862 : vector<16xi32>
      %sub3A_2864 = arith.constant 26 : i32
      %sub3A_2865 = vector.broadcast %sub3A_2864 : i32 to vector<16xi32>
      %sub3A_2866 = arith.subi %add3A_2860, %sub3A_2865 : vector<16xi32>
      %select_n3A_2867 = arith.select %ge3A_2863, %sub3A_2866, %add3A_2860 : vector<16xi1>, vector<16xi32>
      %get3A_2868 = arith.index_cast %add3A_2857 : i32 to index
      %get3A_2869 = tpu.vector_load %arg5[%get3A_2868] {strides = array<i32>} : memref<13312xi32, #tpu.memory_space<vmem>>, vector<16xi32>,
      %get3A_2870 = vector.shape_cast %get3A_2869 : vector<16xi32> to vector<16xi32>
      %mul3A_2871 = arith.constant 1001 : i32
      %mul3A_2872 = vector.broadcast %mul3A_2871 : i32 to vector<16xi32>
      %mul3A_2873 = arith.muli %select_n3A_2867, %mul3A_2872 : vector<16xi32>
      %eq3A_2874 = arith.constant -1 : i32
      %eq3A_2875 = vector.broadcast %eq3A_2874 : i32 to vector<16xi32>
      %eq3A_2876 = arith.cmpi eq, %get3A_2870, %eq3A_2875 : vector<16xi32>
      %jit3A_2877 = arith.constant 1000 : i32
      %broadcast_in_dim3A_2878 = vector.broadcast %jit3A_2877 : i32 to vector<16xi32>
      %select_n3A_2879 = arith.select %eq3A_2876, %broadcast_in_dim3A_2878, %get3A_2870 : vector<16xi1>, vector<16xi32>
      %add3A_2880 = arith.addi %mul3A_2873, %select_n3A_2879 : vector<16xi32>
      %swap3A_2881 = arith.index_cast %add3A_2857 : i32 to index
      %swap3A_2882 = tpu.vector_load %arg5[%swap3A_2881] {strides = array<i32>} : memref<13312xi32, #tpu.memory_space<vmem>>, vector<16xi32>,
      %swap3A_2883 = vector.shape_cast %swap3A_2882 : vector<16xi32> to vector<16xi32>
      %swap3A_2884 = vector.shape_cast %add3A_2880 : vector<16xi32> to vector<16xi32>
      tpu.vector_store %arg5[%swap3A_2881], %swap3A_2884 {strides = array<i32>} : memref<13312xi32, #tpu.memory_space<vmem>>, vector<16xi32>,
      %mul3A_2885 = arith.constant 832 : i32
      %mul3A_2886 = arith.muli %scan3A_1644, %mul3A_2885 : i32
      %add3A_2887 = arith.constant 640 : i32
      %add3A_2888 = arith.addi %mul3A_2886, %add3A_2887 : i32
      %add3A_2889 = arith.constant 16 : i32
      %add3A_2890 = vector.broadcast %add3A_2889 : i32 to vector<16xi32>
      %add3A_2891 = arith.addi %iota3A, %add3A_2890 : vector<16xi32>
      %ge3A_2892 = arith.constant 26 : i32
      %ge3A_2893 = vector.broadcast %ge3A_2892 : i32 to vector<16xi32>
      %ge3A_2894 = arith.cmpi sge, %add3A_2891, %ge3A_2893 : vector<16xi32>
      %sub3A_2895 = arith.constant 26 : i32
      %sub3A_2896 = vector.broadcast %sub3A_2895 : i32 to vector<16xi32>
      %sub3A_2897 = arith.subi %add3A_2891, %sub3A_2896 : vector<16xi32>
      %select_n3A_2898 = arith.select %ge3A_2894, %sub3A_2897, %add3A_2891 : vector<16xi1>, vector<16xi32>
      %get3A_2899 = arith.index_cast %add3A_2888 : i32 to index
      %get3A_2900 = tpu.vector_load %arg5[%get3A_2899] {strides = array<i32>} : memref<13312xi32, #tpu.memory_space<vmem>>, vector<16xi32>,
      %get3A_2901 = vector.shape_cast %get3A_2900 : vector<16xi32> to vector<16xi32>
      %mul3A_2902 = arith.constant 1001 : i32
      %mul3A_2903 = vector.broadcast %mul3A_2902 : i32 to vector<16xi32>
      %mul3A_2904 = arith.muli %select_n3A_2898, %mul3A_2903 : vector<16xi32>
      %eq3A_2905 = arith.constant -1 : i32
      %eq3A_2906 = vector.broadcast %eq3A_2905 : i32 to vector<16xi32>
      %eq3A_2907 = arith.cmpi eq, %get3A_2901, %eq3A_2906 : vector<16xi32>
      %jit3A_2908 = arith.constant 1000 : i32
      %broadcast_in_dim3A_2909 = vector.broadcast %jit3A_2908 : i32 to vector<16xi32>
      %select_n3A_2910 = arith.select %eq3A_2907, %broadcast_in_dim3A_2909, %get3A_2901 : vector<16xi1>, vector<16xi32>
      %add3A_2911 = arith.addi %mul3A_2904, %select_n3A_2910 : vector<16xi32>
      %swap3A_2912 = arith.index_cast %add3A_2888 : i32 to index
      %swap3A_2913 = tpu.vector_load %arg5[%swap3A_2912] {strides = array<i32>} : memref<13312xi32, #tpu.memory_space<vmem>>, vector<16xi32>,
      %swap3A_2914 = vector.shape_cast %swap3A_2913 : vector<16xi32> to vector<16xi32>
      %swap3A_2915 = vector.shape_cast %add3A_2911 : vector<16xi32> to vector<16xi32>
      tpu.vector_store %arg5[%swap3A_2912], %swap3A_2915 {strides = array<i32>} : memref<13312xi32, #tpu.memory_space<vmem>>, vector<16xi32>,
      %mul3A_2916 = arith.constant 832 : i32
      %mul3A_2917 = arith.muli %scan3A_1644, %mul3A_2916 : i32
      %add3A_2918 = arith.constant 656 : i32
      %add3A_2919 = arith.addi %mul3A_2917, %add3A_2918 : i32
      %add3A_2920 = arith.constant 6 : i32
      %add3A_2921 = vector.broadcast %add3A_2920 : i32 to vector<16xi32>
      %add3A_2922 = arith.addi %iota3A, %add3A_2921 : vector<16xi32>
      %ge3A_2923 = arith.constant 26 : i32
      %ge3A_2924 = vector.broadcast %ge3A_2923 : i32 to vector<16xi32>
      %ge3A_2925 = arith.cmpi sge, %add3A_2922, %ge3A_2924 : vector<16xi32>
      %sub3A_2926 = arith.constant 26 : i32
      %sub3A_2927 = vector.broadcast %sub3A_2926 : i32 to vector<16xi32>
      %sub3A_2928 = arith.subi %add3A_2922, %sub3A_2927 : vector<16xi32>
      %select_n3A_2929 = arith.select %ge3A_2925, %sub3A_2928, %add3A_2922 : vector<16xi1>, vector<16xi32>
      %get3A_2930 = arith.index_cast %add3A_2919 : i32 to index
      %get3A_2931 = tpu.vector_load %arg5[%get3A_2930] {strides = array<i32>} : memref<13312xi32, #tpu.memory_space<vmem>>, vector<16xi32>,
      %get3A_2932 = vector.shape_cast %get3A_2931 : vector<16xi32> to vector<16xi32>
      %mul3A_2933 = arith.constant 1001 : i32
      %mul3A_2934 = vector.broadcast %mul3A_2933 : i32 to vector<16xi32>
      %mul3A_2935 = arith.muli %select_n3A_2929, %mul3A_2934 : vector<16xi32>
      %eq3A_2936 = arith.constant -1 : i32
      %eq3A_2937 = vector.broadcast %eq3A_2936 : i32 to vector<16xi32>
      %eq3A_2938 = arith.cmpi eq, %get3A_2932, %eq3A_2937 : vector<16xi32>
      %jit3A_2939 = arith.constant 1000 : i32
      %broadcast_in_dim3A_2940 = vector.broadcast %jit3A_2939 : i32 to vector<16xi32>
      %select_n3A_2941 = arith.select %eq3A_2938, %broadcast_in_dim3A_2940, %get3A_2932 : vector<16xi1>, vector<16xi32>
      %add3A_2942 = arith.addi %mul3A_2935, %select_n3A_2941 : vector<16xi32>
      %swap3A_2943 = arith.index_cast %add3A_2919 : i32 to index
      %swap3A_2944 = tpu.vector_load %arg5[%swap3A_2943] {strides = array<i32>} : memref<13312xi32, #tpu.memory_space<vmem>>, vector<16xi32>,
      %swap3A_2945 = vector.shape_cast %swap3A_2944 : vector<16xi32> to vector<16xi32>
      %swap3A_2946 = vector.shape_cast %add3A_2942 : vector<16xi32> to vector<16xi32>
      tpu.vector_store %arg5[%swap3A_2943], %swap3A_2946 {strides = array<i32>} : memref<13312xi32, #tpu.memory_space<vmem>>, vector<16xi32>,
      %mul3A_2947 = arith.constant 832 : i32
      %mul3A_2948 = arith.muli %scan3A_1644, %mul3A_2947 : i32
      %add3A_2949 = arith.constant 672 : i32
      %add3A_2950 = arith.addi %mul3A_2948, %add3A_2949 : i32
      %add3A_2951 = arith.constant 22 : i32
      %add3A_2952 = vector.broadcast %add3A_2951 : i32 to vector<16xi32>
      %add3A_2953 = arith.addi %iota3A, %add3A_2952 : vector<16xi32>
      %ge3A_2954 = arith.constant 26 : i32
      %ge3A_2955 = vector.broadcast %ge3A_2954 : i32 to vector<16xi32>
      %ge3A_2956 = arith.cmpi sge, %add3A_2953, %ge3A_2955 : vector<16xi32>
      %sub3A_2957 = arith.constant 26 : i32
      %sub3A_2958 = vector.broadcast %sub3A_2957 : i32 to vector<16xi32>
      %sub3A_2959 = arith.subi %add3A_2953, %sub3A_2958 : vector<16xi32>
      %select_n3A_2960 = arith.select %ge3A_2956, %sub3A_2959, %add3A_2953 : vector<16xi1>, vector<16xi32>
      %get3A_2961 = arith.index_cast %add3A_2950 : i32 to index
      %get3A_2962 = tpu.vector_load %arg5[%get3A_2961] {strides = array<i32>} : memref<13312xi32, #tpu.memory_space<vmem>>, vector<16xi32>,
      %get3A_2963 = vector.shape_cast %get3A_2962 : vector<16xi32> to vector<16xi32>
      %mul3A_2964 = arith.constant 1001 : i32
      %mul3A_2965 = vector.broadcast %mul3A_2964 : i32 to vector<16xi32>
      %mul3A_2966 = arith.muli %select_n3A_2960, %mul3A_2965 : vector<16xi32>
      %eq3A_2967 = arith.constant -1 : i32
      %eq3A_2968 = vector.broadcast %eq3A_2967 : i32 to vector<16xi32>
      %eq3A_2969 = arith.cmpi eq, %get3A_2963, %eq3A_2968 : vector<16xi32>
      %jit3A_2970 = arith.constant 1000 : i32
      %broadcast_in_dim3A_2971 = vector.broadcast %jit3A_2970 : i32 to vector<16xi32>
      %select_n3A_2972 = arith.select %eq3A_2969, %broadcast_in_dim3A_2971, %get3A_2963 : vector<16xi1>, vector<16xi32>
      %add3A_2973 = arith.addi %mul3A_2966, %select_n3A_2972 : vector<16xi32>
      %swap3A_2974 = arith.index_cast %add3A_2950 : i32 to index
      %swap3A_2975 = tpu.vector_load %arg5[%swap3A_2974] {strides = array<i32>} : memref<13312xi32, #tpu.memory_space<vmem>>, vector<16xi32>,
      %swap3A_2976 = vector.shape_cast %swap3A_2975 : vector<16xi32> to vector<16xi32>
      %swap3A_2977 = vector.shape_cast %add3A_2973 : vector<16xi32> to vector<16xi32>
      tpu.vector_store %arg5[%swap3A_2974], %swap3A_2977 {strides = array<i32>} : memref<13312xi32, #tpu.memory_space<vmem>>, vector<16xi32>,
      %mul3A_2978 = arith.constant 832 : i32
      %mul3A_2979 = arith.muli %scan3A_1644, %mul3A_2978 : i32
      %add3A_2980 = arith.constant 688 : i32
      %add3A_2981 = arith.addi %mul3A_2979, %add3A_2980 : i32
      %add3A_2982 = arith.constant 12 : i32
      %add3A_2983 = vector.broadcast %add3A_2982 : i32 to vector<16xi32>
      %add3A_2984 = arith.addi %iota3A, %add3A_2983 : vector<16xi32>
      %ge3A_2985 = arith.constant 26 : i32
      %ge3A_2986 = vector.broadcast %ge3A_2985 : i32 to vector<16xi32>
      %ge3A_2987 = arith.cmpi sge, %add3A_2984, %ge3A_2986 : vector<16xi32>
      %sub3A_2988 = arith.constant 26 : i32
      %sub3A_2989 = vector.broadcast %sub3A_2988 : i32 to vector<16xi32>
      %sub3A_2990 = arith.subi %add3A_2984, %sub3A_2989 : vector<16xi32>
      %select_n3A_2991 = arith.select %ge3A_2987, %sub3A_2990, %add3A_2984 : vector<16xi1>, vector<16xi32>
      %get3A_2992 = arith.index_cast %add3A_2981 : i32 to index
      %get3A_2993 = tpu.vector_load %arg5[%get3A_2992] {strides = array<i32>} : memref<13312xi32, #tpu.memory_space<vmem>>, vector<16xi32>,
      %get3A_2994 = vector.shape_cast %get3A_2993 : vector<16xi32> to vector<16xi32>
      %mul3A_2995 = arith.constant 1001 : i32
      %mul3A_2996 = vector.broadcast %mul3A_2995 : i32 to vector<16xi32>
      %mul3A_2997 = arith.muli %select_n3A_2991, %mul3A_2996 : vector<16xi32>
      %eq3A_2998 = arith.constant -1 : i32
      %eq3A_2999 = vector.broadcast %eq3A_2998 : i32 to vector<16xi32>
      %eq3A_3000 = arith.cmpi eq, %get3A_2994, %eq3A_2999 : vector<16xi32>
      %jit3A_3001 = arith.constant 1000 : i32
      %broadcast_in_dim3A_3002 = vector.broadcast %jit3A_3001 : i32 to vector<16xi32>
      %select_n3A_3003 = arith.select %eq3A_3000, %broadcast_in_dim3A_3002, %get3A_2994 : vector<16xi1>, vector<16xi32>
      %add3A_3004 = arith.addi %mul3A_2997, %select_n3A_3003 : vector<16xi32>
      %swap3A_3005 = arith.index_cast %add3A_2981 : i32 to index
      %swap3A_3006 = tpu.vector_load %arg5[%swap3A_3005] {strides = array<i32>} : memref<13312xi32, #tpu.memory_space<vmem>>, vector<16xi32>,
      %swap3A_3007 = vector.shape_cast %swap3A_3006 : vector<16xi32> to vector<16xi32>
      %swap3A_3008 = vector.shape_cast %add3A_3004 : vector<16xi32> to vector<16xi32>
      tpu.vector_store %arg5[%swap3A_3005], %swap3A_3008 {strides = array<i32>} : memref<13312xi32, #tpu.memory_space<vmem>>, vector<16xi32>,
      %mul3A_3009 = arith.constant 832 : i32
      %mul3A_3010 = arith.muli %scan3A_1644, %mul3A_3009 : i32
      %add3A_3011 = arith.constant 704 : i32
      %add3A_3012 = arith.addi %mul3A_3010, %add3A_3011 : i32
      %add3A_3013 = arith.constant 2 : i32
      %add3A_3014 = vector.broadcast %add3A_3013 : i32 to vector<16xi32>
      %add3A_3015 = arith.addi %iota3A, %add3A_3014 : vector<16xi32>
      %ge3A_3016 = arith.constant 26 : i32
      %ge3A_3017 = vector.broadcast %ge3A_3016 : i32 to vector<16xi32>
      %ge3A_3018 = arith.cmpi sge, %add3A_3015, %ge3A_3017 : vector<16xi32>
      %sub3A_3019 = arith.constant 26 : i32
      %sub3A_3020 = vector.broadcast %sub3A_3019 : i32 to vector<16xi32>
      %sub3A_3021 = arith.subi %add3A_3015, %sub3A_3020 : vector<16xi32>
      %select_n3A_3022 = arith.select %ge3A_3018, %sub3A_3021, %add3A_3015 : vector<16xi1>, vector<16xi32>
      %get3A_3023 = arith.index_cast %add3A_3012 : i32 to index
      %get3A_3024 = tpu.vector_load %arg5[%get3A_3023] {strides = array<i32>} : memref<13312xi32, #tpu.memory_space<vmem>>, vector<16xi32>,
      %get3A_3025 = vector.shape_cast %get3A_3024 : vector<16xi32> to vector<16xi32>
      %mul3A_3026 = arith.constant 1001 : i32
      %mul3A_3027 = vector.broadcast %mul3A_3026 : i32 to vector<16xi32>
      %mul3A_3028 = arith.muli %select_n3A_3022, %mul3A_3027 : vector<16xi32>
      %eq3A_3029 = arith.constant -1 : i32
      %eq3A_3030 = vector.broadcast %eq3A_3029 : i32 to vector<16xi32>
      %eq3A_3031 = arith.cmpi eq, %get3A_3025, %eq3A_3030 : vector<16xi32>
      %jit3A_3032 = arith.constant 1000 : i32
      %broadcast_in_dim3A_3033 = vector.broadcast %jit3A_3032 : i32 to vector<16xi32>
      %select_n3A_3034 = arith.select %eq3A_3031, %broadcast_in_dim3A_3033, %get3A_3025 : vector<16xi1>, vector<16xi32>
      %add3A_3035 = arith.addi %mul3A_3028, %select_n3A_3034 : vector<16xi32>
      %swap3A_3036 = arith.index_cast %add3A_3012 : i32 to index
      %swap3A_3037 = tpu.vector_load %arg5[%swap3A_3036] {strides = array<i32>} : memref<13312xi32, #tpu.memory_space<vmem>>, vector<16xi32>,
      %swap3A_3038 = vector.shape_cast %swap3A_3037 : vector<16xi32> to vector<16xi32>
      %swap3A_3039 = vector.shape_cast %add3A_3035 : vector<16xi32> to vector<16xi32>
      tpu.vector_store %arg5[%swap3A_3036], %swap3A_3039 {strides = array<i32>} : memref<13312xi32, #tpu.memory_space<vmem>>, vector<16xi32>,
      %mul3A_3040 = arith.constant 832 : i32
      %mul3A_3041 = arith.muli %scan3A_1644, %mul3A_3040 : i32
      %add3A_3042 = arith.constant 720 : i32
      %add3A_3043 = arith.addi %mul3A_3041, %add3A_3042 : i32
      %add3A_3044 = arith.constant 18 : i32
      %add3A_3045 = vector.broadcast %add3A_3044 : i32 to vector<16xi32>
      %add3A_3046 = arith.addi %iota3A, %add3A_3045 : vector<16xi32>
      %ge3A_3047 = arith.constant 26 : i32
      %ge3A_3048 = vector.broadcast %ge3A_3047 : i32 to vector<16xi32>
      %ge3A_3049 = arith.cmpi sge, %add3A_3046, %ge3A_3048 : vector<16xi32>
      %sub3A_3050 = arith.constant 26 : i32
      %sub3A_3051 = vector.broadcast %sub3A_3050 : i32 to vector<16xi32>
      %sub3A_3052 = arith.subi %add3A_3046, %sub3A_3051 : vector<16xi32>
      %select_n3A_3053 = arith.select %ge3A_3049, %sub3A_3052, %add3A_3046 : vector<16xi1>, vector<16xi32>
      %get3A_3054 = arith.index_cast %add3A_3043 : i32 to index
      %get3A_3055 = tpu.vector_load %arg5[%get3A_3054] {strides = array<i32>} : memref<13312xi32, #tpu.memory_space<vmem>>, vector<16xi32>,
      %get3A_3056 = vector.shape_cast %get3A_3055 : vector<16xi32> to vector<16xi32>
      %mul3A_3057 = arith.constant 1001 : i32
      %mul3A_3058 = vector.broadcast %mul3A_3057 : i32 to vector<16xi32>
      %mul3A_3059 = arith.muli %select_n3A_3053, %mul3A_3058 : vector<16xi32>
      %eq3A_3060 = arith.constant -1 : i32
      %eq3A_3061 = vector.broadcast %eq3A_3060 : i32 to vector<16xi32>
      %eq3A_3062 = arith.cmpi eq, %get3A_3056, %eq3A_3061 : vector<16xi32>
      %jit3A_3063 = arith.constant 1000 : i32
      %broadcast_in_dim3A_3064 = vector.broadcast %jit3A_3063 : i32 to vector<16xi32>
      %select_n3A_3065 = arith.select %eq3A_3062, %broadcast_in_dim3A_3064, %get3A_3056 : vector<16xi1>, vector<16xi32>
      %add3A_3066 = arith.addi %mul3A_3059, %select_n3A_3065 : vector<16xi32>
      %swap3A_3067 = arith.index_cast %add3A_3043 : i32 to index
      %swap3A_3068 = tpu.vector_load %arg5[%swap3A_3067] {strides = array<i32>} : memref<13312xi32, #tpu.memory_space<vmem>>, vector<16xi32>,
      %swap3A_3069 = vector.shape_cast %swap3A_3068 : vector<16xi32> to vector<16xi32>
      %swap3A_3070 = vector.shape_cast %add3A_3066 : vector<16xi32> to vector<16xi32>
      tpu.vector_store %arg5[%swap3A_3067], %swap3A_3070 {strides = array<i32>} : memref<13312xi32, #tpu.memory_space<vmem>>, vector<16xi32>,
      %mul3A_3071 = arith.constant 832 : i32
      %mul3A_3072 = arith.muli %scan3A_1644, %mul3A_3071 : i32
      %add3A_3073 = arith.constant 736 : i32
      %add3A_3074 = arith.addi %mul3A_3072, %add3A_3073 : i32
      %add3A_3075 = arith.constant 8 : i32
      %add3A_3076 = vector.broadcast %add3A_3075 : i32 to vector<16xi32>
      %add3A_3077 = arith.addi %iota3A, %add3A_3076 : vector<16xi32>
      %ge3A_3078 = arith.constant 26 : i32
      %ge3A_3079 = vector.broadcast %ge3A_3078 : i32 to vector<16xi32>
      %ge3A_3080 = arith.cmpi sge, %add3A_3077, %ge3A_3079 : vector<16xi32>
      %sub3A_3081 = arith.constant 26 : i32
      %sub3A_3082 = vector.broadcast %sub3A_3081 : i32 to vector<16xi32>
      %sub3A_3083 = arith.subi %add3A_3077, %sub3A_3082 : vector<16xi32>
      %select_n3A_3084 = arith.select %ge3A_3080, %sub3A_3083, %add3A_3077 : vector<16xi1>, vector<16xi32>
      %get3A_3085 = arith.index_cast %add3A_3074 : i32 to index
      %get3A_3086 = tpu.vector_load %arg5[%get3A_3085] {strides = array<i32>} : memref<13312xi32, #tpu.memory_space<vmem>>, vector<16xi32>,
      %get3A_3087 = vector.shape_cast %get3A_3086 : vector<16xi32> to vector<16xi32>
      %mul3A_3088 = arith.constant 1001 : i32
      %mul3A_3089 = vector.broadcast %mul3A_3088 : i32 to vector<16xi32>
      %mul3A_3090 = arith.muli %select_n3A_3084, %mul3A_3089 : vector<16xi32>
      %eq3A_3091 = arith.constant -1 : i32
      %eq3A_3092 = vector.broadcast %eq3A_3091 : i32 to vector<16xi32>
      %eq3A_3093 = arith.cmpi eq, %get3A_3087, %eq3A_3092 : vector<16xi32>
      %jit3A_3094 = arith.constant 1000 : i32
      %broadcast_in_dim3A_3095 = vector.broadcast %jit3A_3094 : i32 to vector<16xi32>
      %select_n3A_3096 = arith.select %eq3A_3093, %broadcast_in_dim3A_3095, %get3A_3087 : vector<16xi1>, vector<16xi32>
      %add3A_3097 = arith.addi %mul3A_3090, %select_n3A_3096 : vector<16xi32>
      %swap3A_3098 = arith.index_cast %add3A_3074 : i32 to index
      %swap3A_3099 = tpu.vector_load %arg5[%swap3A_3098] {strides = array<i32>} : memref<13312xi32, #tpu.memory_space<vmem>>, vector<16xi32>,
      %swap3A_3100 = vector.shape_cast %swap3A_3099 : vector<16xi32> to vector<16xi32>
      %swap3A_3101 = vector.shape_cast %add3A_3097 : vector<16xi32> to vector<16xi32>
      tpu.vector_store %arg5[%swap3A_3098], %swap3A_3101 {strides = array<i32>} : memref<13312xi32, #tpu.memory_space<vmem>>, vector<16xi32>,
      %mul3A_3102 = arith.constant 832 : i32
      %mul3A_3103 = arith.muli %scan3A_1644, %mul3A_3102 : i32
      %add3A_3104 = arith.constant 752 : i32
      %add3A_3105 = arith.addi %mul3A_3103, %add3A_3104 : i32
      %add3A_3106 = arith.constant 24 : i32
      %add3A_3107 = vector.broadcast %add3A_3106 : i32 to vector<16xi32>
      %add3A_3108 = arith.addi %iota3A, %add3A_3107 : vector<16xi32>
      %ge3A_3109 = arith.constant 26 : i32
      %ge3A_3110 = vector.broadcast %ge3A_3109 : i32 to vector<16xi32>
      %ge3A_3111 = arith.cmpi sge, %add3A_3108, %ge3A_3110 : vector<16xi32>
      %sub3A_3112 = arith.constant 26 : i32
      %sub3A_3113 = vector.broadcast %sub3A_3112 : i32 to vector<16xi32>
      %sub3A_3114 = arith.subi %add3A_3108, %sub3A_3113 : vector<16xi32>
      %select_n3A_3115 = arith.select %ge3A_3111, %sub3A_3114, %add3A_3108 : vector<16xi1>, vector<16xi32>
      %get3A_3116 = arith.index_cast %add3A_3105 : i32 to index
      %get3A_3117 = tpu.vector_load %arg5[%get3A_3116] {strides = array<i32>} : memref<13312xi32, #tpu.memory_space<vmem>>, vector<16xi32>,
      %get3A_3118 = vector.shape_cast %get3A_3117 : vector<16xi32> to vector<16xi32>
      %mul3A_3119 = arith.constant 1001 : i32
      %mul3A_3120 = vector.broadcast %mul3A_3119 : i32 to vector<16xi32>
      %mul3A_3121 = arith.muli %select_n3A_3115, %mul3A_3120 : vector<16xi32>
      %eq3A_3122 = arith.constant -1 : i32
      %eq3A_3123 = vector.broadcast %eq3A_3122 : i32 to vector<16xi32>
      %eq3A_3124 = arith.cmpi eq, %get3A_3118, %eq3A_3123 : vector<16xi32>
      %jit3A_3125 = arith.constant 1000 : i32
      %broadcast_in_dim3A_3126 = vector.broadcast %jit3A_3125 : i32 to vector<16xi32>
      %select_n3A_3127 = arith.select %eq3A_3124, %broadcast_in_dim3A_3126, %get3A_3118 : vector<16xi1>, vector<16xi32>
      %add3A_3128 = arith.addi %mul3A_3121, %select_n3A_3127 : vector<16xi32>
      %swap3A_3129 = arith.index_cast %add3A_3105 : i32 to index
      %swap3A_3130 = tpu.vector_load %arg5[%swap3A_3129] {strides = array<i32>} : memref<13312xi32, #tpu.memory_space<vmem>>, vector<16xi32>,
      %swap3A_3131 = vector.shape_cast %swap3A_3130 : vector<16xi32> to vector<16xi32>
      %swap3A_3132 = vector.shape_cast %add3A_3128 : vector<16xi32> to vector<16xi32>
      tpu.vector_store %arg5[%swap3A_3129], %swap3A_3132 {strides = array<i32>} : memref<13312xi32, #tpu.memory_space<vmem>>, vector<16xi32>,
      %mul3A_3133 = arith.constant 832 : i32
      %mul3A_3134 = arith.muli %scan3A_1644, %mul3A_3133 : i32
      %add3A_3135 = arith.constant 768 : i32
      %add3A_3136 = arith.addi %mul3A_3134, %add3A_3135 : i32
      %add3A_3137 = arith.constant 14 : i32
      %add3A_3138 = vector.broadcast %add3A_3137 : i32 to vector<16xi32>
      %add3A_3139 = arith.addi %iota3A, %add3A_3138 : vector<16xi32>
      %ge3A_3140 = arith.constant 26 : i32
      %ge3A_3141 = vector.broadcast %ge3A_3140 : i32 to vector<16xi32>
      %ge3A_3142 = arith.cmpi sge, %add3A_3139, %ge3A_3141 : vector<16xi32>
      %sub3A_3143 = arith.constant 26 : i32
      %sub3A_3144 = vector.broadcast %sub3A_3143 : i32 to vector<16xi32>
      %sub3A_3145 = arith.subi %add3A_3139, %sub3A_3144 : vector<16xi32>
      %select_n3A_3146 = arith.select %ge3A_3142, %sub3A_3145, %add3A_3139 : vector<16xi1>, vector<16xi32>
      %get3A_3147 = arith.index_cast %add3A_3136 : i32 to index
      %get3A_3148 = tpu.vector_load %arg5[%get3A_3147] {strides = array<i32>} : memref<13312xi32, #tpu.memory_space<vmem>>, vector<16xi32>,
      %get3A_3149 = vector.shape_cast %get3A_3148 : vector<16xi32> to vector<16xi32>
      %mul3A_3150 = arith.constant 1001 : i32
      %mul3A_3151 = vector.broadcast %mul3A_3150 : i32 to vector<16xi32>
      %mul3A_3152 = arith.muli %select_n3A_3146, %mul3A_3151 : vector<16xi32>
      %eq3A_3153 = arith.constant -1 : i32
      %eq3A_3154 = vector.broadcast %eq3A_3153 : i32 to vector<16xi32>
      %eq3A_3155 = arith.cmpi eq, %get3A_3149, %eq3A_3154 : vector<16xi32>
      %jit3A_3156 = arith.constant 1000 : i32
      %broadcast_in_dim3A_3157 = vector.broadcast %jit3A_3156 : i32 to vector<16xi32>
      %select_n3A_3158 = arith.select %eq3A_3155, %broadcast_in_dim3A_3157, %get3A_3149 : vector<16xi1>, vector<16xi32>
      %add3A_3159 = arith.addi %mul3A_3152, %select_n3A_3158 : vector<16xi32>
      %swap3A_3160 = arith.index_cast %add3A_3136 : i32 to index
      %swap3A_3161 = tpu.vector_load %arg5[%swap3A_3160] {strides = array<i32>} : memref<13312xi32, #tpu.memory_space<vmem>>, vector<16xi32>,
      %swap3A_3162 = vector.shape_cast %swap3A_3161 : vector<16xi32> to vector<16xi32>
      %swap3A_3163 = vector.shape_cast %add3A_3159 : vector<16xi32> to vector<16xi32>
      tpu.vector_store %arg5[%swap3A_3160], %swap3A_3163 {strides = array<i32>} : memref<13312xi32, #tpu.memory_space<vmem>>, vector<16xi32>,
      %mul3A_3164 = arith.constant 832 : i32
      %mul3A_3165 = arith.muli %scan3A_1644, %mul3A_3164 : i32
      %add3A_3166 = arith.constant 784 : i32
      %add3A_3167 = arith.addi %mul3A_3165, %add3A_3166 : i32
      %add3A_3168 = arith.constant 4 : i32
      %add3A_3169 = vector.broadcast %add3A_3168 : i32 to vector<16xi32>
      %add3A_3170 = arith.addi %iota3A, %add3A_3169 : vector<16xi32>
      %ge3A_3171 = arith.constant 26 : i32
      %ge3A_3172 = vector.broadcast %ge3A_3171 : i32 to vector<16xi32>
      %ge3A_3173 = arith.cmpi sge, %add3A_3170, %ge3A_3172 : vector<16xi32>
      %sub3A_3174 = arith.constant 26 : i32
      %sub3A_3175 = vector.broadcast %sub3A_3174 : i32 to vector<16xi32>
      %sub3A_3176 = arith.subi %add3A_3170, %sub3A_3175 : vector<16xi32>
      %select_n3A_3177 = arith.select %ge3A_3173, %sub3A_3176, %add3A_3170 : vector<16xi1>, vector<16xi32>
      %get3A_3178 = arith.index_cast %add3A_3167 : i32 to index
      %get3A_3179 = tpu.vector_load %arg5[%get3A_3178] {strides = array<i32>} : memref<13312xi32, #tpu.memory_space<vmem>>, vector<16xi32>,
      %get3A_3180 = vector.shape_cast %get3A_3179 : vector<16xi32> to vector<16xi32>
      %mul3A_3181 = arith.constant 1001 : i32
      %mul3A_3182 = vector.broadcast %mul3A_3181 : i32 to vector<16xi32>
      %mul3A_3183 = arith.muli %select_n3A_3177, %mul3A_3182 : vector<16xi32>
      %eq3A_3184 = arith.constant -1 : i32
      %eq3A_3185 = vector.broadcast %eq3A_3184 : i32 to vector<16xi32>
      %eq3A_3186 = arith.cmpi eq, %get3A_3180, %eq3A_3185 : vector<16xi32>
      %jit3A_3187 = arith.constant 1000 : i32
      %broadcast_in_dim3A_3188 = vector.broadcast %jit3A_3187 : i32 to vector<16xi32>
      %select_n3A_3189 = arith.select %eq3A_3186, %broadcast_in_dim3A_3188, %get3A_3180 : vector<16xi1>, vector<16xi32>
      %add3A_3190 = arith.addi %mul3A_3183, %select_n3A_3189 : vector<16xi32>
      %swap3A_3191 = arith.index_cast %add3A_3167 : i32 to index
      %swap3A_3192 = tpu.vector_load %arg5[%swap3A_3191] {strides = array<i32>} : memref<13312xi32, #tpu.memory_space<vmem>>, vector<16xi32>,
      %swap3A_3193 = vector.shape_cast %swap3A_3192 : vector<16xi32> to vector<16xi32>
      %swap3A_3194 = vector.shape_cast %add3A_3190 : vector<16xi32> to vector<16xi32>
      tpu.vector_store %arg5[%swap3A_3191], %swap3A_3194 {strides = array<i32>} : memref<13312xi32, #tpu.memory_space<vmem>>, vector<16xi32>,
      %mul3A_3195 = arith.constant 832 : i32
      %mul3A_3196 = arith.muli %scan3A_1644, %mul3A_3195 : i32
      %add3A_3197 = arith.constant 800 : i32
      %add3A_3198 = arith.addi %mul3A_3196, %add3A_3197 : i32
      %add3A_3199 = arith.constant 20 : i32
      %add3A_3200 = vector.broadcast %add3A_3199 : i32 to vector<16xi32>
      %add3A_3201 = arith.addi %iota3A, %add3A_3200 : vector<16xi32>
      %ge3A_3202 = arith.constant 26 : i32
      %ge3A_3203 = vector.broadcast %ge3A_3202 : i32 to vector<16xi32>
      %ge3A_3204 = arith.cmpi sge, %add3A_3201, %ge3A_3203 : vector<16xi32>
      %sub3A_3205 = arith.constant 26 : i32
      %sub3A_3206 = vector.broadcast %sub3A_3205 : i32 to vector<16xi32>
      %sub3A_3207 = arith.subi %add3A_3201, %sub3A_3206 : vector<16xi32>
      %select_n3A_3208 = arith.select %ge3A_3204, %sub3A_3207, %add3A_3201 : vector<16xi1>, vector<16xi32>
      %get3A_3209 = arith.index_cast %add3A_3198 : i32 to index
      %get3A_3210 = tpu.vector_load %arg5[%get3A_3209] {strides = array<i32>} : memref<13312xi32, #tpu.memory_space<vmem>>, vector<16xi32>,
      %get3A_3211 = vector.shape_cast %get3A_3210 : vector<16xi32> to vector<16xi32>
      %mul3A_3212 = arith.constant 1001 : i32
      %mul3A_3213 = vector.broadcast %mul3A_3212 : i32 to vector<16xi32>
      %mul3A_3214 = arith.muli %select_n3A_3208, %mul3A_3213 : vector<16xi32>
      %eq3A_3215 = arith.constant -1 : i32
      %eq3A_3216 = vector.broadcast %eq3A_3215 : i32 to vector<16xi32>
      %eq3A_3217 = arith.cmpi eq, %get3A_3211, %eq3A_3216 : vector<16xi32>
      %jit3A_3218 = arith.constant 1000 : i32
      %broadcast_in_dim3A_3219 = vector.broadcast %jit3A_3218 : i32 to vector<16xi32>
      %select_n3A_3220 = arith.select %eq3A_3217, %broadcast_in_dim3A_3219, %get3A_3211 : vector<16xi1>, vector<16xi32>
      %add3A_3221 = arith.addi %mul3A_3214, %select_n3A_3220 : vector<16xi32>
      %swap3A_3222 = arith.index_cast %add3A_3198 : i32 to index
      %swap3A_3223 = tpu.vector_load %arg5[%swap3A_3222] {strides = array<i32>} : memref<13312xi32, #tpu.memory_space<vmem>>, vector<16xi32>,
      %swap3A_3224 = vector.shape_cast %swap3A_3223 : vector<16xi32> to vector<16xi32>
      %swap3A_3225 = vector.shape_cast %add3A_3221 : vector<16xi32> to vector<16xi32>
      tpu.vector_store %arg5[%swap3A_3222], %swap3A_3225 {strides = array<i32>} : memref<13312xi32, #tpu.memory_space<vmem>>, vector<16xi32>,
      %mul3A_3226 = arith.constant 832 : i32
      %mul3A_3227 = arith.muli %scan3A_1644, %mul3A_3226 : i32
      %add3A_3228 = arith.constant 816 : i32
      %add3A_3229 = arith.addi %mul3A_3227, %add3A_3228 : i32
      %add3A_3230 = arith.constant 10 : i32
      %add3A_3231 = vector.broadcast %add3A_3230 : i32 to vector<16xi32>
      %add3A_3232 = arith.addi %iota3A, %add3A_3231 : vector<16xi32>
      %ge3A_3233 = arith.constant 26 : i32
      %ge3A_3234 = vector.broadcast %ge3A_3233 : i32 to vector<16xi32>
      %ge3A_3235 = arith.cmpi sge, %add3A_3232, %ge3A_3234 : vector<16xi32>
      %sub3A_3236 = arith.constant 26 : i32
      %sub3A_3237 = vector.broadcast %sub3A_3236 : i32 to vector<16xi32>
      %sub3A_3238 = arith.subi %add3A_3232, %sub3A_3237 : vector<16xi32>
      %select_n3A_3239 = arith.select %ge3A_3235, %sub3A_3238, %add3A_3232 : vector<16xi1>, vector<16xi32>
      %get3A_3240 = arith.index_cast %add3A_3229 : i32 to index
      %get3A_3241 = tpu.vector_load %arg5[%get3A_3240] {strides = array<i32>} : memref<13312xi32, #tpu.memory_space<vmem>>, vector<16xi32>,
      %get3A_3242 = vector.shape_cast %get3A_3241 : vector<16xi32> to vector<16xi32>
      %mul3A_3243 = arith.constant 1001 : i32
      %mul3A_3244 = vector.broadcast %mul3A_3243 : i32 to vector<16xi32>
      %mul3A_3245 = arith.muli %select_n3A_3239, %mul3A_3244 : vector<16xi32>
      %eq3A_3246 = arith.constant -1 : i32
      %eq3A_3247 = vector.broadcast %eq3A_3246 : i32 to vector<16xi32>
      %eq3A_3248 = arith.cmpi eq, %get3A_3242, %eq3A_3247 : vector<16xi32>
      %jit3A_3249 = arith.constant 1000 : i32
      %broadcast_in_dim3A_3250 = vector.broadcast %jit3A_3249 : i32 to vector<16xi32>
      %select_n3A_3251 = arith.select %eq3A_3248, %broadcast_in_dim3A_3250, %get3A_3242 : vector<16xi1>, vector<16xi32>
      %add3A_3252 = arith.addi %mul3A_3245, %select_n3A_3251 : vector<16xi32>
      %swap3A_3253 = arith.index_cast %add3A_3229 : i32 to index
      %swap3A_3254 = tpu.vector_load %arg5[%swap3A_3253] {strides = array<i32>} : memref<13312xi32, #tpu.memory_space<vmem>>, vector<16xi32>,
      %swap3A_3255 = vector.shape_cast %swap3A_3254 : vector<16xi32> to vector<16xi32>
      %swap3A_3256 = vector.shape_cast %add3A_3252 : vector<16xi32> to vector<16xi32>
      tpu.vector_store %arg5[%swap3A_3253], %swap3A_3256 {strides = array<i32>} : memref<13312xi32, #tpu.memory_space<vmem>>, vector<16xi32>,
      %mul3A_3257 = arith.constant 4 : i32
      %mul3A_3258 = arith.muli %scan3A_1644, %mul3A_3257 : i32
      %add3A_3259 = arith.constant 0 : i32
      %add3A_3260 = arith.addi %mul3A_3258, %add3A_3259 : i32
      %sub3A_3261 = arith.constant 4 : i32
      %sub3A_3262 = arith.subi %add3A_3260, %sub3A_3261 : i32
      %mul3A_3263 = arith.constant 8 : i32
      %mul3A_3264 = arith.muli %sub3A_3262, %mul3A_3263 : i32
      %add3A_3265 = arith.addi %mul3A_4, %mul3A_3264 : i32
      %dma_wait3A_3266 = arith.constant 0 : i32
      %dma_wait3A_3267 = arith.constant 0 : i32
      %dma_wait3A_3268 = tpu.memref_slice %arg6[%dma_wait3A_3266, %dma_wait3A_3267] : memref<832x128xf32, #tpu.memory_space<vmem>> -> memref<208x128xf32, #tpu.memory_space<vmem>>
      %dma_wait3A_3269 = tpu.memref_reshape %dma_wait3A_3268 : memref<208x128xf32, #tpu.memory_space<vmem>> -> memref<8x3328xf32, #tpu.memory_space<vmem>>
      %dma_wait3A_3270 = arith.constant 0 : i32
      %dma_wait3A_3271 = tpu.memref_slice %arg4[%add3A_3265, %dma_wait3A_3270] : memref<16384x3328xf32, #tpu.memory_space<hbm>> -> memref<8x3328xf32, #tpu.memory_space<hbm>>
      %dma_wait3A_3272 = arith.constant 0 : i32
      %dma_wait3A_3273 = tpu.memref_slice %arg4[%add3A_3265, %dma_wait3A_3272] : memref<16384x3328xf32, #tpu.memory_space<hbm>> -> memref<8x3328xf32, #tpu.memory_space<hbm>>
      %dma_wait3A_3274 = arith.constant 0 : i32
      %dma_wait3A_3275 = arith.constant 0 : i32
      %dma_wait3A_3276 = tpu.memref_slice %arg6[%dma_wait3A_3274, %dma_wait3A_3275] : memref<832x128xf32, #tpu.memory_space<vmem>> -> memref<208x128xf32, #tpu.memory_space<vmem>>
      %dma_wait3A_3277 = tpu.memref_reshape %dma_wait3A_3276 : memref<208x128xf32, #tpu.memory_space<vmem>> -> memref<8x3328xf32, #tpu.memory_space<vmem>>
      tpu.wait_dma2 semaphore(%arg11 : memref<!tpu.dma_semaphore, #tpu.memory_space<semaphore_mem>>) src(%dma_wait3A_3277 : memref<8x3328xf32, #tpu.memory_space<vmem>>) dst(%dma_wait3A_3273 : memref<8x3328xf32, #tpu.memory_space<hbm>>)
      %mul3A_3278 = arith.constant 2 : i32
      %mul3A_3279 = arith.muli %mul3A_3278, %add3A_3260 : i32
      %mul3A_3280 = arith.constant 104 : i32
      %mul3A_3281 = arith.muli %mul3A_3279, %mul3A_3280 : i32
      %mul3A_3282 = arith.constant 2 : i32
      %mul3A_3283 = arith.muli %mul3A_3282, %add3A_3260 : i32
      %add3A_3284 = arith.constant 1 : i32
      %add3A_3285 = arith.addi %mul3A_3283, %add3A_3284 : i32
      %mul3A_3286 = arith.constant 104 : i32
      %mul3A_3287 = arith.muli %add3A_3285, %mul3A_3286 : i32
      %dma_start3A_3288 = arith.constant 0 : i32
      %dma_start3A_3289 = arith.constant 0 : i32
      %dma_start3A_3290 = tpu.memref_slice %arg6[%dma_start3A_3288, %dma_start3A_3289] : memref<832x128xf32, #tpu.memory_space<vmem>> -> memref<104x128xf32, #tpu.memory_space<vmem>>
      %dma_start3A_3291 = tpu.memref_slice %arg5[%mul3A_3281] : memref<13312xi32, #tpu.memory_space<vmem>> -> memref<104xi32, #tpu.memory_space<vmem>>
      %dma_start3A_3292 = arith.constant 0 : i32
      %dma_start3A_3293 = arith.constant 0 : i32
      %dma_start3A_3294 = tpu.memref_slice %arg2[%dma_start3A_3292, %dma_start3A_3293] : memref<26026x128xf32, #tpu.memory_space<hbm>> -> memref<26026x128xf32, #tpu.memory_space<hbm>>
      tpu.enqueue_indirect_dma source(%dma_start3A_3294 : memref<26026x128xf32, #tpu.memory_space<hbm>>) target(%dma_start3A_3290 : memref<104x128xf32, #tpu.memory_space<vmem>>) offsets(%dma_start3A_3291 : memref<104xi32, #tpu.memory_space<vmem>>) semaphore(%arg7 : memref<!tpu.dma_semaphore, #tpu.memory_space<semaphore_mem>>)
      %dma_start3A_3295 = arith.constant 104 : i32
      %dma_start3A_3296 = arith.constant 0 : i32
      %dma_start3A_3297 = tpu.memref_slice %arg6[%dma_start3A_3295, %dma_start3A_3296] : memref<832x128xf32, #tpu.memory_space<vmem>> -> memref<104x128xf32, #tpu.memory_space<vmem>>
      %dma_start3A_3298 = tpu.memref_slice %arg5[%mul3A_3287] : memref<13312xi32, #tpu.memory_space<vmem>> -> memref<104xi32, #tpu.memory_space<vmem>>
      %dma_start3A_3299 = arith.constant 0 : i32
      %dma_start3A_3300 = arith.constant 0 : i32
      %dma_start3A_3301 = tpu.memref_slice %arg2[%dma_start3A_3299, %dma_start3A_3300] : memref<26026x128xf32, #tpu.memory_space<hbm>> -> memref<26026x128xf32, #tpu.memory_space<hbm>>
      tpu.enqueue_indirect_dma source(%dma_start3A_3301 : memref<26026x128xf32, #tpu.memory_space<hbm>>) target(%dma_start3A_3297 : memref<104x128xf32, #tpu.memory_space<vmem>>) offsets(%dma_start3A_3298 : memref<104xi32, #tpu.memory_space<vmem>>) semaphore(%arg7 : memref<!tpu.dma_semaphore, #tpu.memory_space<semaphore_mem>>)
      %sub3A_3302 = arith.constant 3 : i32
      %sub3A_3303 = arith.subi %add3A_3260, %sub3A_3302 : i32
      %mul3A_3304 = arith.constant 2 : i32
      %mul3A_3305 = arith.muli %mul3A_3304, %sub3A_3303 : i32
      %mul3A_3306 = arith.constant 104 : i32
      %mul3A_3307 = arith.muli %mul3A_3305, %mul3A_3306 : i32
      %mul3A_3308 = arith.constant 2 : i32
      %mul3A_3309 = arith.muli %mul3A_3308, %sub3A_3303 : i32
      %add3A_3310 = arith.constant 1 : i32
      %add3A_3311 = arith.addi %mul3A_3309, %add3A_3310 : i32
      %mul3A_3312 = arith.constant 104 : i32
      %mul3A_3313 = arith.muli %add3A_3311, %mul3A_3312 : i32
      %dma_wait3A_3314 = arith.constant 208 : i32
      %dma_wait3A_3315 = arith.constant 0 : i32
      %dma_wait3A_3316 = tpu.memref_slice %arg6[%dma_wait3A_3314, %dma_wait3A_3315] : memref<832x128xf32, #tpu.memory_space<vmem>> -> memref<104x128xf32, #tpu.memory_space<vmem>>
      %dma_wait3A_3317 = tpu.memref_slice %arg5[%mul3A_3307] : memref<13312xi32, #tpu.memory_space<vmem>> -> memref<104xi32, #tpu.memory_space<vmem>>
      %dma_wait3A_3318 = arith.constant 0 : i32
      %dma_wait3A_3319 = arith.constant 0 : i32
      %dma_wait3A_3320 = tpu.memref_slice %arg2[%dma_wait3A_3318, %dma_wait3A_3319] : memref<26026x128xf32, #tpu.memory_space<hbm>> -> memref<26026x128xf32, #tpu.memory_space<hbm>>
      tpu.wait_indirect_dma semaphore(%arg8 : memref<!tpu.dma_semaphore, #tpu.memory_space<semaphore_mem>>) src(%dma_wait3A_3320 : memref<26026x128xf32, #tpu.memory_space<hbm>>) dst(%dma_wait3A_3316 : memref<104x128xf32, #tpu.memory_space<vmem>>)
      %dma_wait3A_3321 = arith.constant 312 : i32
      %dma_wait3A_3322 = arith.constant 0 : i32
      %dma_wait3A_3323 = tpu.memref_slice %arg6[%dma_wait3A_3321, %dma_wait3A_3322] : memref<832x128xf32, #tpu.memory_space<vmem>> -> memref<104x128xf32, #tpu.memory_space<vmem>>
      %dma_wait3A_3324 = tpu.memref_slice %arg5[%mul3A_3313] : memref<13312xi32, #tpu.memory_space<vmem>> -> memref<104xi32, #tpu.memory_space<vmem>>
      %dma_wait3A_3325 = arith.constant 0 : i32
      %dma_wait3A_3326 = arith.constant 0 : i32
      %dma_wait3A_3327 = tpu.memref_slice %arg2[%dma_wait3A_3325, %dma_wait3A_3326] : memref<26026x128xf32, #tpu.memory_space<hbm>> -> memref<26026x128xf32, #tpu.memory_space<hbm>>
      tpu.wait_indirect_dma semaphore(%arg8 : memref<!tpu.dma_semaphore, #tpu.memory_space<semaphore_mem>>) src(%dma_wait3A_3327 : memref<26026x128xf32, #tpu.memory_space<hbm>>) dst(%dma_wait3A_3323 : memref<104x128xf32, #tpu.memory_space<vmem>>)
      %sub3A_3328 = arith.constant 3 : i32
      %sub3A_3329 = arith.subi %add3A_3260, %sub3A_3328 : i32
      %mul3A_3330 = arith.constant 8 : i32
      %mul3A_3331 = arith.muli %sub3A_3329, %mul3A_3330 : i32
      %add3A_3332 = arith.addi %mul3A_4, %mul3A_3331 : i32
      %dma_start3A_3333 = arith.constant 208 : i32
      %dma_start3A_3334 = arith.constant 0 : i32
      %dma_start3A_3335 = tpu.memref_slice %arg6[%dma_start3A_3333, %dma_start3A_3334] : memref<832x128xf32, #tpu.memory_space<vmem>> -> memref<208x128xf32, #tpu.memory_space<vmem>>
      %dma_start3A_3336 = tpu.memref_reshape %dma_start3A_3335 : memref<208x128xf32, #tpu.memory_space<vmem>> -> memref<8x3328xf32, #tpu.memory_space<vmem>>
      %dma_start3A_3337 = arith.constant 0 : i32
      %dma_start3A_3338 = tpu.memref_slice %arg4[%add3A_3332, %dma_start3A_3337] : memref<16384x3328xf32, #tpu.memory_space<hbm>> -> memref<8x3328xf32, #tpu.memory_space<hbm>>
      %dma_start3A_3339 = arith.constant 0 : i32
      %dma_start3A_3340 = tpu.memref_slice %arg4[%add3A_3332, %dma_start3A_3339] : memref<16384x3328xf32, #tpu.memory_space<hbm>> -> memref<8x3328xf32, #tpu.memory_space<hbm>>
      %dma_start3A_3341 = arith.constant 208 : i32
      %dma_start3A_3342 = arith.constant 0 : i32
      %dma_start3A_3343 = tpu.memref_slice %arg6[%dma_start3A_3341, %dma_start3A_3342] : memref<832x128xf32, #tpu.memory_space<vmem>> -> memref<208x128xf32, #tpu.memory_space<vmem>>
      %dma_start3A_3344 = tpu.memref_reshape %dma_start3A_3343 : memref<208x128xf32, #tpu.memory_space<vmem>> -> memref<8x3328xf32, #tpu.memory_space<vmem>>
      tpu.enqueue_dma source(%dma_start3A_3344 : memref<8x3328xf32, #tpu.memory_space<vmem>>) target(%dma_start3A_3340 : memref<8x3328xf32, #tpu.memory_space<hbm>>) target_semaphore(%arg12 : memref<!tpu.dma_semaphore, #tpu.memory_space<semaphore_mem>>)
      %mul3A_3345 = arith.constant 4 : i32
      %mul3A_3346 = arith.muli %scan3A_1644, %mul3A_3345 : i32
      %add3A_3347 = arith.constant 1 : i32
      %add3A_3348 = arith.addi %mul3A_3346, %add3A_3347 : i32
      %sub3A_3349 = arith.constant 4 : i32
      %sub3A_3350 = arith.subi %add3A_3348, %sub3A_3349 : i32
      %mul3A_3351 = arith.constant 8 : i32
      %mul3A_3352 = arith.muli %sub3A_3350, %mul3A_3351 : i32
      %add3A_3353 = arith.addi %mul3A_4, %mul3A_3352 : i32
      %dma_wait3A_3354 = arith.constant 208 : i32
      %dma_wait3A_3355 = arith.constant 0 : i32
      %dma_wait3A_3356 = tpu.memref_slice %arg6[%dma_wait3A_3354, %dma_wait3A_3355] : memref<832x128xf32, #tpu.memory_space<vmem>> -> memref<208x128xf32, #tpu.memory_space<vmem>>
      %dma_wait3A_3357 = tpu.memref_reshape %dma_wait3A_3356 : memref<208x128xf32, #tpu.memory_space<vmem>> -> memref<8x3328xf32, #tpu.memory_space<vmem>>
      %dma_wait3A_3358 = arith.constant 0 : i32
      %dma_wait3A_3359 = tpu.memref_slice %arg4[%add3A_3353, %dma_wait3A_3358] : memref<16384x3328xf32, #tpu.memory_space<hbm>> -> memref<8x3328xf32, #tpu.memory_space<hbm>>
      %dma_wait3A_3360 = arith.constant 0 : i32
      %dma_wait3A_3361 = tpu.memref_slice %arg4[%add3A_3353, %dma_wait3A_3360] : memref<16384x3328xf32, #tpu.memory_space<hbm>> -> memref<8x3328xf32, #tpu.memory_space<hbm>>
      %dma_wait3A_3362 = arith.constant 208 : i32
      %dma_wait3A_3363 = arith.constant 0 : i32
      %dma_wait3A_3364 = tpu.memref_slice %arg6[%dma_wait3A_3362, %dma_wait3A_3363] : memref<832x128xf32, #tpu.memory_space<vmem>> -> memref<208x128xf32, #tpu.memory_space<vmem>>
      %dma_wait3A_3365 = tpu.memref_reshape %dma_wait3A_3364 : memref<208x128xf32, #tpu.memory_space<vmem>> -> memref<8x3328xf32, #tpu.memory_space<vmem>>
      tpu.wait_dma2 semaphore(%arg12 : memref<!tpu.dma_semaphore, #tpu.memory_space<semaphore_mem>>) src(%dma_wait3A_3365 : memref<8x3328xf32, #tpu.memory_space<vmem>>) dst(%dma_wait3A_3361 : memref<8x3328xf32, #tpu.memory_space<hbm>>)
      %mul3A_3366 = arith.constant 2 : i32
      %mul3A_3367 = arith.muli %mul3A_3366, %add3A_3348 : i32
      %mul3A_3368 = arith.constant 104 : i32
      %mul3A_3369 = arith.muli %mul3A_3367, %mul3A_3368 : i32
      %mul3A_3370 = arith.constant 2 : i32
      %mul3A_3371 = arith.muli %mul3A_3370, %add3A_3348 : i32
      %add3A_3372 = arith.constant 1 : i32
      %add3A_3373 = arith.addi %mul3A_3371, %add3A_3372 : i32
      %mul3A_3374 = arith.constant 104 : i32
      %mul3A_3375 = arith.muli %add3A_3373, %mul3A_3374 : i32
      %dma_start3A_3376 = arith.constant 208 : i32
      %dma_start3A_3377 = arith.constant 0 : i32
      %dma_start3A_3378 = tpu.memref_slice %arg6[%dma_start3A_3376, %dma_start3A_3377] : memref<832x128xf32, #tpu.memory_space<vmem>> -> memref<104x128xf32, #tpu.memory_space<vmem>>
      %dma_start3A_3379 = tpu.memref_slice %arg5[%mul3A_3369] : memref<13312xi32, #tpu.memory_space<vmem>> -> memref<104xi32, #tpu.memory_space<vmem>>
      %dma_start3A_3380 = arith.constant 0 : i32
      %dma_start3A_3381 = arith.constant 0 : i32
      %dma_start3A_3382 = tpu.memref_slice %arg2[%dma_start3A_3380, %dma_start3A_3381] : memref<26026x128xf32, #tpu.memory_space<hbm>> -> memref<26026x128xf32, #tpu.memory_space<hbm>>
      tpu.enqueue_indirect_dma source(%dma_start3A_3382 : memref<26026x128xf32, #tpu.memory_space<hbm>>) target(%dma_start3A_3378 : memref<104x128xf32, #tpu.memory_space<vmem>>) offsets(%dma_start3A_3379 : memref<104xi32, #tpu.memory_space<vmem>>) semaphore(%arg8 : memref<!tpu.dma_semaphore, #tpu.memory_space<semaphore_mem>>)
      %dma_start3A_3383 = arith.constant 312 : i32
      %dma_start3A_3384 = arith.constant 0 : i32
      %dma_start3A_3385 = tpu.memref_slice %arg6[%dma_start3A_3383, %dma_start3A_3384] : memref<832x128xf32, #tpu.memory_space<vmem>> -> memref<104x128xf32, #tpu.memory_space<vmem>>
      %dma_start3A_3386 = tpu.memref_slice %arg5[%mul3A_3375] : memref<13312xi32, #tpu.memory_space<vmem>> -> memref<104xi32, #tpu.memory_space<vmem>>
      %dma_start3A_3387 = arith.constant 0 : i32
      %dma_start3A_3388 = arith.constant 0 : i32
      %dma_start3A_3389 = tpu.memref_slice %arg2[%dma_start3A_3387, %dma_start3A_3388] : memref<26026x128xf32, #tpu.memory_space<hbm>> -> memref<26026x128xf32, #tpu.memory_space<hbm>>
      tpu.enqueue_indirect_dma source(%dma_start3A_3389 : memref<26026x128xf32, #tpu.memory_space<hbm>>) target(%dma_start3A_3385 : memref<104x128xf32, #tpu.memory_space<vmem>>) offsets(%dma_start3A_3386 : memref<104xi32, #tpu.memory_space<vmem>>) semaphore(%arg8 : memref<!tpu.dma_semaphore, #tpu.memory_space<semaphore_mem>>)
      %sub3A_3390 = arith.constant 3 : i32
      %sub3A_3391 = arith.subi %add3A_3348, %sub3A_3390 : i32
      %mul3A_3392 = arith.constant 2 : i32
      %mul3A_3393 = arith.muli %mul3A_3392, %sub3A_3391 : i32
      %mul3A_3394 = arith.constant 104 : i32
      %mul3A_3395 = arith.muli %mul3A_3393, %mul3A_3394 : i32
      %mul3A_3396 = arith.constant 2 : i32
      %mul3A_3397 = arith.muli %mul3A_3396, %sub3A_3391 : i32
      %add3A_3398 = arith.constant 1 : i32
      %add3A_3399 = arith.addi %mul3A_3397, %add3A_3398 : i32
      %mul3A_3400 = arith.constant 104 : i32
      %mul3A_3401 = arith.muli %add3A_3399, %mul3A_3400 : i32
      %dma_wait3A_3402 = arith.constant 416 : i32
      %dma_wait3A_3403 = arith.constant 0 : i32
      %dma_wait3A_3404 = tpu.memref_slice %arg6[%dma_wait3A_3402, %dma_wait3A_3403] : memref<832x128xf32, #tpu.memory_space<vmem>> -> memref<104x128xf32, #tpu.memory_space<vmem>>
      %dma_wait3A_3405 = tpu.memref_slice %arg5[%mul3A_3395] : memref<13312xi32, #tpu.memory_space<vmem>> -> memref<104xi32, #tpu.memory_space<vmem>>
      %dma_wait3A_3406 = arith.constant 0 : i32
      %dma_wait3A_3407 = arith.constant 0 : i32
      %dma_wait3A_3408 = tpu.memref_slice %arg2[%dma_wait3A_3406, %dma_wait3A_3407] : memref<26026x128xf32, #tpu.memory_space<hbm>> -> memref<26026x128xf32, #tpu.memory_space<hbm>>
      tpu.wait_indirect_dma semaphore(%arg9 : memref<!tpu.dma_semaphore, #tpu.memory_space<semaphore_mem>>) src(%dma_wait3A_3408 : memref<26026x128xf32, #tpu.memory_space<hbm>>) dst(%dma_wait3A_3404 : memref<104x128xf32, #tpu.memory_space<vmem>>)
      %dma_wait3A_3409 = arith.constant 520 : i32
      %dma_wait3A_3410 = arith.constant 0 : i32
      %dma_wait3A_3411 = tpu.memref_slice %arg6[%dma_wait3A_3409, %dma_wait3A_3410] : memref<832x128xf32, #tpu.memory_space<vmem>> -> memref<104x128xf32, #tpu.memory_space<vmem>>
      %dma_wait3A_3412 = tpu.memref_slice %arg5[%mul3A_3401] : memref<13312xi32, #tpu.memory_space<vmem>> -> memref<104xi32, #tpu.memory_space<vmem>>
      %dma_wait3A_3413 = arith.constant 0 : i32
      %dma_wait3A_3414 = arith.constant 0 : i32
      %dma_wait3A_3415 = tpu.memref_slice %arg2[%dma_wait3A_3413, %dma_wait3A_3414] : memref<26026x128xf32, #tpu.memory_space<hbm>> -> memref<26026x128xf32, #tpu.memory_space<hbm>>
      tpu.wait_indirect_dma semaphore(%arg9 : memref<!tpu.dma_semaphore, #tpu.memory_space<semaphore_mem>>) src(%dma_wait3A_3415 : memref<26026x128xf32, #tpu.memory_space<hbm>>) dst(%dma_wait3A_3411 : memref<104x128xf32, #tpu.memory_space<vmem>>)
      %sub3A_3416 = arith.constant 3 : i32
      %sub3A_3417 = arith.subi %add3A_3348, %sub3A_3416 : i32
      %mul3A_3418 = arith.constant 8 : i32
      %mul3A_3419 = arith.muli %sub3A_3417, %mul3A_3418 : i32
      %add3A_3420 = arith.addi %mul3A_4, %mul3A_3419 : i32
      %dma_start3A_3421 = arith.constant 416 : i32
      %dma_start3A_3422 = arith.constant 0 : i32
      %dma_start3A_3423 = tpu.memref_slice %arg6[%dma_start3A_3421, %dma_start3A_3422] : memref<832x128xf32, #tpu.memory_space<vmem>> -> memref<208x128xf32, #tpu.memory_space<vmem>>
      %dma_start3A_3424 = tpu.memref_reshape %dma_start3A_3423 : memref<208x128xf32, #tpu.memory_space<vmem>> -> memref<8x3328xf32, #tpu.memory_space<vmem>>
      %dma_start3A_3425 = arith.constant 0 : i32
      %dma_start3A_3426 = tpu.memref_slice %arg4[%add3A_3420, %dma_start3A_3425] : memref<16384x3328xf32, #tpu.memory_space<hbm>> -> memref<8x3328xf32, #tpu.memory_space<hbm>>
      %dma_start3A_3427 = arith.constant 0 : i32
      %dma_start3A_3428 = tpu.memref_slice %arg4[%add3A_3420, %dma_start3A_3427] : memref<16384x3328xf32, #tpu.memory_space<hbm>> -> memref<8x3328xf32, #tpu.memory_space<hbm>>
      %dma_start3A_3429 = arith.constant 416 : i32
      %dma_start3A_3430 = arith.constant 0 : i32
      %dma_start3A_3431 = tpu.memref_slice %arg6[%dma_start3A_3429, %dma_start3A_3430] : memref<832x128xf32, #tpu.memory_space<vmem>> -> memref<208x128xf32, #tpu.memory_space<vmem>>
      %dma_start3A_3432 = tpu.memref_reshape %dma_start3A_3431 : memref<208x128xf32, #tpu.memory_space<vmem>> -> memref<8x3328xf32, #tpu.memory_space<vmem>>
      tpu.enqueue_dma source(%dma_start3A_3432 : memref<8x3328xf32, #tpu.memory_space<vmem>>) target(%dma_start3A_3428 : memref<8x3328xf32, #tpu.memory_space<hbm>>) target_semaphore(%arg13 : memref<!tpu.dma_semaphore, #tpu.memory_space<semaphore_mem>>)
      %mul3A_3433 = arith.constant 4 : i32
      %mul3A_3434 = arith.muli %scan3A_1644, %mul3A_3433 : i32
      %add3A_3435 = arith.constant 2 : i32
      %add3A_3436 = arith.addi %mul3A_3434, %add3A_3435 : i32
      %sub3A_3437 = arith.constant 4 : i32
      %sub3A_3438 = arith.subi %add3A_3436, %sub3A_3437 : i32
      %mul3A_3439 = arith.constant 8 : i32
      %mul3A_3440 = arith.muli %sub3A_3438, %mul3A_3439 : i32
      %add3A_3441 = arith.addi %mul3A_4, %mul3A_3440 : i32
      %dma_wait3A_3442 = arith.constant 416 : i32
      %dma_wait3A_3443 = arith.constant 0 : i32
      %dma_wait3A_3444 = tpu.memref_slice %arg6[%dma_wait3A_3442, %dma_wait3A_3443] : memref<832x128xf32, #tpu.memory_space<vmem>> -> memref<208x128xf32, #tpu.memory_space<vmem>>
      %dma_wait3A_3445 = tpu.memref_reshape %dma_wait3A_3444 : memref<208x128xf32, #tpu.memory_space<vmem>> -> memref<8x3328xf32, #tpu.memory_space<vmem>>
      %dma_wait3A_3446 = arith.constant 0 : i32
      %dma_wait3A_3447 = tpu.memref_slice %arg4[%add3A_3441, %dma_wait3A_3446] : memref<16384x3328xf32, #tpu.memory_space<hbm>> -> memref<8x3328xf32, #tpu.memory_space<hbm>>
      %dma_wait3A_3448 = arith.constant 0 : i32
      %dma_wait3A_3449 = tpu.memref_slice %arg4[%add3A_3441, %dma_wait3A_3448] : memref<16384x3328xf32, #tpu.memory_space<hbm>> -> memref<8x3328xf32, #tpu.memory_space<hbm>>
      %dma_wait3A_3450 = arith.constant 416 : i32
      %dma_wait3A_3451 = arith.constant 0 : i32
      %dma_wait3A_3452 = tpu.memref_slice %arg6[%dma_wait3A_3450, %dma_wait3A_3451] : memref<832x128xf32, #tpu.memory_space<vmem>> -> memref<208x128xf32, #tpu.memory_space<vmem>>
      %dma_wait3A_3453 = tpu.memref_reshape %dma_wait3A_3452 : memref<208x128xf32, #tpu.memory_space<vmem>> -> memref<8x3328xf32, #tpu.memory_space<vmem>>
      tpu.wait_dma2 semaphore(%arg13 : memref<!tpu.dma_semaphore, #tpu.memory_space<semaphore_mem>>) src(%dma_wait3A_3453 : memref<8x3328xf32, #tpu.memory_space<vmem>>) dst(%dma_wait3A_3449 : memref<8x3328xf32, #tpu.memory_space<hbm>>)
      %mul3A_3454 = arith.constant 2 : i32
      %mul3A_3455 = arith.muli %mul3A_3454, %add3A_3436 : i32
      %mul3A_3456 = arith.constant 104 : i32
      %mul3A_3457 = arith.muli %mul3A_3455, %mul3A_3456 : i32
      %mul3A_3458 = arith.constant 2 : i32
      %mul3A_3459 = arith.muli %mul3A_3458, %add3A_3436 : i32
      %add3A_3460 = arith.constant 1 : i32
      %add3A_3461 = arith.addi %mul3A_3459, %add3A_3460 : i32
      %mul3A_3462 = arith.constant 104 : i32
      %mul3A_3463 = arith.muli %add3A_3461, %mul3A_3462 : i32
      %dma_start3A_3464 = arith.constant 416 : i32
      %dma_start3A_3465 = arith.constant 0 : i32
      %dma_start3A_3466 = tpu.memref_slice %arg6[%dma_start3A_3464, %dma_start3A_3465] : memref<832x128xf32, #tpu.memory_space<vmem>> -> memref<104x128xf32, #tpu.memory_space<vmem>>
      %dma_start3A_3467 = tpu.memref_slice %arg5[%mul3A_3457] : memref<13312xi32, #tpu.memory_space<vmem>> -> memref<104xi32, #tpu.memory_space<vmem>>
      %dma_start3A_3468 = arith.constant 0 : i32
      %dma_start3A_3469 = arith.constant 0 : i32
      %dma_start3A_3470 = tpu.memref_slice %arg2[%dma_start3A_3468, %dma_start3A_3469] : memref<26026x128xf32, #tpu.memory_space<hbm>> -> memref<26026x128xf32, #tpu.memory_space<hbm>>
      tpu.enqueue_indirect_dma source(%dma_start3A_3470 : memref<26026x128xf32, #tpu.memory_space<hbm>>) target(%dma_start3A_3466 : memref<104x128xf32, #tpu.memory_space<vmem>>) offsets(%dma_start3A_3467 : memref<104xi32, #tpu.memory_space<vmem>>) semaphore(%arg9 : memref<!tpu.dma_semaphore, #tpu.memory_space<semaphore_mem>>)
      %dma_start3A_3471 = arith.constant 520 : i32
      %dma_start3A_3472 = arith.constant 0 : i32
      %dma_start3A_3473 = tpu.memref_slice %arg6[%dma_start3A_3471, %dma_start3A_3472] : memref<832x128xf32, #tpu.memory_space<vmem>> -> memref<104x128xf32, #tpu.memory_space<vmem>>
      %dma_start3A_3474 = tpu.memref_slice %arg5[%mul3A_3463] : memref<13312xi32, #tpu.memory_space<vmem>> -> memref<104xi32, #tpu.memory_space<vmem>>
      %dma_start3A_3475 = arith.constant 0 : i32
      %dma_start3A_3476 = arith.constant 0 : i32
      %dma_start3A_3477 = tpu.memref_slice %arg2[%dma_start3A_3475, %dma_start3A_3476] : memref<26026x128xf32, #tpu.memory_space<hbm>> -> memref<26026x128xf32, #tpu.memory_space<hbm>>
      tpu.enqueue_indirect_dma source(%dma_start3A_3477 : memref<26026x128xf32, #tpu.memory_space<hbm>>) target(%dma_start3A_3473 : memref<104x128xf32, #tpu.memory_space<vmem>>) offsets(%dma_start3A_3474 : memref<104xi32, #tpu.memory_space<vmem>>) semaphore(%arg9 : memref<!tpu.dma_semaphore, #tpu.memory_space<semaphore_mem>>)
      %sub3A_3478 = arith.constant 3 : i32
      %sub3A_3479 = arith.subi %add3A_3436, %sub3A_3478 : i32
      %mul3A_3480 = arith.constant 2 : i32
      %mul3A_3481 = arith.muli %mul3A_3480, %sub3A_3479 : i32
      %mul3A_3482 = arith.constant 104 : i32
      %mul3A_3483 = arith.muli %mul3A_3481, %mul3A_3482 : i32
      %mul3A_3484 = arith.constant 2 : i32
      %mul3A_3485 = arith.muli %mul3A_3484, %sub3A_3479 : i32
      %add3A_3486 = arith.constant 1 : i32
      %add3A_3487 = arith.addi %mul3A_3485, %add3A_3486 : i32
      %mul3A_3488 = arith.constant 104 : i32
      %mul3A_3489 = arith.muli %add3A_3487, %mul3A_3488 : i32
      %dma_wait3A_3490 = arith.constant 624 : i32
      %dma_wait3A_3491 = arith.constant 0 : i32
      %dma_wait3A_3492 = tpu.memref_slice %arg6[%dma_wait3A_3490, %dma_wait3A_3491] : memref<832x128xf32, #tpu.memory_space<vmem>> -> memref<104x128xf32, #tpu.memory_space<vmem>>
      %dma_wait3A_3493 = tpu.memref_slice %arg5[%mul3A_3483] : memref<13312xi32, #tpu.memory_space<vmem>> -> memref<104xi32, #tpu.memory_space<vmem>>
      %dma_wait3A_3494 = arith.constant 0 : i32
      %dma_wait3A_3495 = arith.constant 0 : i32
      %dma_wait3A_3496 = tpu.memref_slice %arg2[%dma_wait3A_3494, %dma_wait3A_3495] : memref<26026x128xf32, #tpu.memory_space<hbm>> -> memref<26026x128xf32, #tpu.memory_space<hbm>>
      tpu.wait_indirect_dma semaphore(%arg10 : memref<!tpu.dma_semaphore, #tpu.memory_space<semaphore_mem>>) src(%dma_wait3A_3496 : memref<26026x128xf32, #tpu.memory_space<hbm>>) dst(%dma_wait3A_3492 : memref<104x128xf32, #tpu.memory_space<vmem>>)
      %dma_wait3A_3497 = arith.constant 728 : i32
      %dma_wait3A_3498 = arith.constant 0 : i32
      %dma_wait3A_3499 = tpu.memref_slice %arg6[%dma_wait3A_3497, %dma_wait3A_3498] : memref<832x128xf32, #tpu.memory_space<vmem>> -> memref<104x128xf32, #tpu.memory_space<vmem>>
      %dma_wait3A_3500 = tpu.memref_slice %arg5[%mul3A_3489] : memref<13312xi32, #tpu.memory_space<vmem>> -> memref<104xi32, #tpu.memory_space<vmem>>
      %dma_wait3A_3501 = arith.constant 0 : i32
      %dma_wait3A_3502 = arith.constant 0 : i32
      %dma_wait3A_3503 = tpu.memref_slice %arg2[%dma_wait3A_3501, %dma_wait3A_3502] : memref<26026x128xf32, #tpu.memory_space<hbm>> -> memref<26026x128xf32, #tpu.memory_space<hbm>>
      tpu.wait_indirect_dma semaphore(%arg10 : memref<!tpu.dma_semaphore, #tpu.memory_space<semaphore_mem>>) src(%dma_wait3A_3503 : memref<26026x128xf32, #tpu.memory_space<hbm>>) dst(%dma_wait3A_3499 : memref<104x128xf32, #tpu.memory_space<vmem>>)
      %sub3A_3504 = arith.constant 3 : i32
      %sub3A_3505 = arith.subi %add3A_3436, %sub3A_3504 : i32
      %mul3A_3506 = arith.constant 8 : i32
      %mul3A_3507 = arith.muli %sub3A_3505, %mul3A_3506 : i32
      %add3A_3508 = arith.addi %mul3A_4, %mul3A_3507 : i32
      %dma_start3A_3509 = arith.constant 624 : i32
      %dma_start3A_3510 = arith.constant 0 : i32
      %dma_start3A_3511 = tpu.memref_slice %arg6[%dma_start3A_3509, %dma_start3A_3510] : memref<832x128xf32, #tpu.memory_space<vmem>> -> memref<208x128xf32, #tpu.memory_space<vmem>>
      %dma_start3A_3512 = tpu.memref_reshape %dma_start3A_3511 : memref<208x128xf32, #tpu.memory_space<vmem>> -> memref<8x3328xf32, #tpu.memory_space<vmem>>
      %dma_start3A_3513 = arith.constant 0 : i32
      %dma_start3A_3514 = tpu.memref_slice %arg4[%add3A_3508, %dma_start3A_3513] : memref<16384x3328xf32, #tpu.memory_space<hbm>> -> memref<8x3328xf32, #tpu.memory_space<hbm>>
      %dma_start3A_3515 = arith.constant 0 : i32
      %dma_start3A_3516 = tpu.memref_slice %arg4[%add3A_3508, %dma_start3A_3515] : memref<16384x3328xf32, #tpu.memory_space<hbm>> -> memref<8x3328xf32, #tpu.memory_space<hbm>>
      %dma_start3A_3517 = arith.constant 624 : i32
      %dma_start3A_3518 = arith.constant 0 : i32
      %dma_start3A_3519 = tpu.memref_slice %arg6[%dma_start3A_3517, %dma_start3A_3518] : memref<832x128xf32, #tpu.memory_space<vmem>> -> memref<208x128xf32, #tpu.memory_space<vmem>>
      %dma_start3A_3520 = tpu.memref_reshape %dma_start3A_3519 : memref<208x128xf32, #tpu.memory_space<vmem>> -> memref<8x3328xf32, #tpu.memory_space<vmem>>
      tpu.enqueue_dma source(%dma_start3A_3520 : memref<8x3328xf32, #tpu.memory_space<vmem>>) target(%dma_start3A_3516 : memref<8x3328xf32, #tpu.memory_space<hbm>>) target_semaphore(%arg14 : memref<!tpu.dma_semaphore, #tpu.memory_space<semaphore_mem>>)
      %mul3A_3521 = arith.constant 4 : i32
      %mul3A_3522 = arith.muli %scan3A_1644, %mul3A_3521 : i32
      %add3A_3523 = arith.constant 3 : i32
      %add3A_3524 = arith.addi %mul3A_3522, %add3A_3523 : i32
      %sub3A_3525 = arith.constant 4 : i32
      %sub3A_3526 = arith.subi %add3A_3524, %sub3A_3525 : i32
      %mul3A_3527 = arith.constant 8 : i32
      %mul3A_3528 = arith.muli %sub3A_3526, %mul3A_3527 : i32
      %add3A_3529 = arith.addi %mul3A_4, %mul3A_3528 : i32
      %dma_wait3A_3530 = arith.constant 624 : i32
      %dma_wait3A_3531 = arith.constant 0 : i32
      %dma_wait3A_3532 = tpu.memref_slice %arg6[%dma_wait3A_3530, %dma_wait3A_3531] : memref<832x128xf32, #tpu.memory_space<vmem>> -> memref<208x128xf32, #tpu.memory_space<vmem>>
      %dma_wait3A_3533 = tpu.memref_reshape %dma_wait3A_3532 : memref<208x128xf32, #tpu.memory_space<vmem>> -> memref<8x3328xf32, #tpu.memory_space<vmem>>
      %dma_wait3A_3534 = arith.constant 0 : i32
      %dma_wait3A_3535 = tpu.memref_slice %arg4[%add3A_3529, %dma_wait3A_3534] : memref<16384x3328xf32, #tpu.memory_space<hbm>> -> memref<8x3328xf32, #tpu.memory_space<hbm>>
      %dma_wait3A_3536 = arith.constant 0 : i32
      %dma_wait3A_3537 = tpu.memref_slice %arg4[%add3A_3529, %dma_wait3A_3536] : memref<16384x3328xf32, #tpu.memory_space<hbm>> -> memref<8x3328xf32, #tpu.memory_space<hbm>>
      %dma_wait3A_3538 = arith.constant 624 : i32
      %dma_wait3A_3539 = arith.constant 0 : i32
      %dma_wait3A_3540 = tpu.memref_slice %arg6[%dma_wait3A_3538, %dma_wait3A_3539] : memref<832x128xf32, #tpu.memory_space<vmem>> -> memref<208x128xf32, #tpu.memory_space<vmem>>
      %dma_wait3A_3541 = tpu.memref_reshape %dma_wait3A_3540 : memref<208x128xf32, #tpu.memory_space<vmem>> -> memref<8x3328xf32, #tpu.memory_space<vmem>>
      tpu.wait_dma2 semaphore(%arg14 : memref<!tpu.dma_semaphore, #tpu.memory_space<semaphore_mem>>) src(%dma_wait3A_3541 : memref<8x3328xf32, #tpu.memory_space<vmem>>) dst(%dma_wait3A_3537 : memref<8x3328xf32, #tpu.memory_space<hbm>>)
      %mul3A_3542 = arith.constant 2 : i32
      %mul3A_3543 = arith.muli %mul3A_3542, %add3A_3524 : i32
      %mul3A_3544 = arith.constant 104 : i32
      %mul3A_3545 = arith.muli %mul3A_3543, %mul3A_3544 : i32
      %mul3A_3546 = arith.constant 2 : i32
      %mul3A_3547 = arith.muli %mul3A_3546, %add3A_3524 : i32
      %add3A_3548 = arith.constant 1 : i32
      %add3A_3549 = arith.addi %mul3A_3547, %add3A_3548 : i32
      %mul3A_3550 = arith.constant 104 : i32
      %mul3A_3551 = arith.muli %add3A_3549, %mul3A_3550 : i32
      %dma_start3A_3552 = arith.constant 624 : i32
      %dma_start3A_3553 = arith.constant 0 : i32
      %dma_start3A_3554 = tpu.memref_slice %arg6[%dma_start3A_3552, %dma_start3A_3553] : memref<832x128xf32, #tpu.memory_space<vmem>> -> memref<104x128xf32, #tpu.memory_space<vmem>>
      %dma_start3A_3555 = tpu.memref_slice %arg5[%mul3A_3545] : memref<13312xi32, #tpu.memory_space<vmem>> -> memref<104xi32, #tpu.memory_space<vmem>>
      %dma_start3A_3556 = arith.constant 0 : i32
      %dma_start3A_3557 = arith.constant 0 : i32
      %dma_start3A_3558 = tpu.memref_slice %arg2[%dma_start3A_3556, %dma_start3A_3557] : memref<26026x128xf32, #tpu.memory_space<hbm>> -> memref<26026x128xf32, #tpu.memory_space<hbm>>
      tpu.enqueue_indirect_dma source(%dma_start3A_3558 : memref<26026x128xf32, #tpu.memory_space<hbm>>) target(%dma_start3A_3554 : memref<104x128xf32, #tpu.memory_space<vmem>>) offsets(%dma_start3A_3555 : memref<104xi32, #tpu.memory_space<vmem>>) semaphore(%arg10 : memref<!tpu.dma_semaphore, #tpu.memory_space<semaphore_mem>>)
      %dma_start3A_3559 = arith.constant 728 : i32
      %dma_start3A_3560 = arith.constant 0 : i32
      %dma_start3A_3561 = tpu.memref_slice %arg6[%dma_start3A_3559, %dma_start3A_3560] : memref<832x128xf32, #tpu.memory_space<vmem>> -> memref<104x128xf32, #tpu.memory_space<vmem>>
      %dma_start3A_3562 = tpu.memref_slice %arg5[%mul3A_3551] : memref<13312xi32, #tpu.memory_space<vmem>> -> memref<104xi32, #tpu.memory_space<vmem>>
      %dma_start3A_3563 = arith.constant 0 : i32
      %dma_start3A_3564 = arith.constant 0 : i32
      %dma_start3A_3565 = tpu.memref_slice %arg2[%dma_start3A_3563, %dma_start3A_3564] : memref<26026x128xf32, #tpu.memory_space<hbm>> -> memref<26026x128xf32, #tpu.memory_space<hbm>>
      tpu.enqueue_indirect_dma source(%dma_start3A_3565 : memref<26026x128xf32, #tpu.memory_space<hbm>>) target(%dma_start3A_3561 : memref<104x128xf32, #tpu.memory_space<vmem>>) offsets(%dma_start3A_3562 : memref<104xi32, #tpu.memory_space<vmem>>) semaphore(%arg10 : memref<!tpu.dma_semaphore, #tpu.memory_space<semaphore_mem>>)
      %sub3A_3566 = arith.constant 3 : i32
      %sub3A_3567 = arith.subi %add3A_3524, %sub3A_3566 : i32
      %mul3A_3568 = arith.constant 2 : i32
      %mul3A_3569 = arith.muli %mul3A_3568, %sub3A_3567 : i32
      %mul3A_3570 = arith.constant 104 : i32
      %mul3A_3571 = arith.muli %mul3A_3569, %mul3A_3570 : i32
      %mul3A_3572 = arith.constant 2 : i32
      %mul3A_3573 = arith.muli %mul3A_3572, %sub3A_3567 : i32
      %add3A_3574 = arith.constant 1 : i32
      %add3A_3575 = arith.addi %mul3A_3573, %add3A_3574 : i32
      %mul3A_3576 = arith.constant 104 : i32
      %mul3A_3577 = arith.muli %add3A_3575, %mul3A_3576 : i32
      %dma_wait3A_3578 = arith.constant 0 : i32
      %dma_wait3A_3579 = arith.constant 0 : i32
      %dma_wait3A_3580 = tpu.memref_slice %arg6[%dma_wait3A_3578, %dma_wait3A_3579] : memref<832x128xf32, #tpu.memory_space<vmem>> -> memref<104x128xf32, #tpu.memory_space<vmem>>
      %dma_wait3A_3581 = tpu.memref_slice %arg5[%mul3A_3571] : memref<13312xi32, #tpu.memory_space<vmem>> -> memref<104xi32, #tpu.memory_space<vmem>>
      %dma_wait3A_3582 = arith.constant 0 : i32
      %dma_wait3A_3583 = arith.constant 0 : i32
      %dma_wait3A_3584 = tpu.memref_slice %arg2[%dma_wait3A_3582, %dma_wait3A_3583] : memref<26026x128xf32, #tpu.memory_space<hbm>> -> memref<26026x128xf32, #tpu.memory_space<hbm>>
      tpu.wait_indirect_dma semaphore(%arg7 : memref<!tpu.dma_semaphore, #tpu.memory_space<semaphore_mem>>) src(%dma_wait3A_3584 : memref<26026x128xf32, #tpu.memory_space<hbm>>) dst(%dma_wait3A_3580 : memref<104x128xf32, #tpu.memory_space<vmem>>)
      %dma_wait3A_3585 = arith.constant 104 : i32
      %dma_wait3A_3586 = arith.constant 0 : i32
      %dma_wait3A_3587 = tpu.memref_slice %arg6[%dma_wait3A_3585, %dma_wait3A_3586] : memref<832x128xf32, #tpu.memory_space<vmem>> -> memref<104x128xf32, #tpu.memory_space<vmem>>
      %dma_wait3A_3588 = tpu.memref_slice %arg5[%mul3A_3577] : memref<13312xi32, #tpu.memory_space<vmem>> -> memref<104xi32, #tpu.memory_space<vmem>>
      %dma_wait3A_3589 = arith.constant 0 : i32
      %dma_wait3A_3590 = arith.constant 0 : i32
      %dma_wait3A_3591 = tpu.memref_slice %arg2[%dma_wait3A_3589, %dma_wait3A_3590] : memref<26026x128xf32, #tpu.memory_space<hbm>> -> memref<26026x128xf32, #tpu.memory_space<hbm>>
      tpu.wait_indirect_dma semaphore(%arg7 : memref<!tpu.dma_semaphore, #tpu.memory_space<semaphore_mem>>) src(%dma_wait3A_3591 : memref<26026x128xf32, #tpu.memory_space<hbm>>) dst(%dma_wait3A_3587 : memref<104x128xf32, #tpu.memory_space<vmem>>)
      %sub3A_3592 = arith.constant 3 : i32
      %sub3A_3593 = arith.subi %add3A_3524, %sub3A_3592 : i32
      %mul3A_3594 = arith.constant 8 : i32
      %mul3A_3595 = arith.muli %sub3A_3593, %mul3A_3594 : i32
      %add3A_3596 = arith.addi %mul3A_4, %mul3A_3595 : i32
      %dma_start3A_3597 = arith.constant 0 : i32
      %dma_start3A_3598 = arith.constant 0 : i32
      %dma_start3A_3599 = tpu.memref_slice %arg6[%dma_start3A_3597, %dma_start3A_3598] : memref<832x128xf32, #tpu.memory_space<vmem>> -> memref<208x128xf32, #tpu.memory_space<vmem>>
      %dma_start3A_3600 = tpu.memref_reshape %dma_start3A_3599 : memref<208x128xf32, #tpu.memory_space<vmem>> -> memref<8x3328xf32, #tpu.memory_space<vmem>>
      %dma_start3A_3601 = arith.constant 0 : i32
      %dma_start3A_3602 = tpu.memref_slice %arg4[%add3A_3596, %dma_start3A_3601] : memref<16384x3328xf32, #tpu.memory_space<hbm>> -> memref<8x3328xf32, #tpu.memory_space<hbm>>
      %dma_start3A_3603 = arith.constant 0 : i32
      %dma_start3A_3604 = tpu.memref_slice %arg4[%add3A_3596, %dma_start3A_3603] : memref<16384x3328xf32, #tpu.memory_space<hbm>> -> memref<8x3328xf32, #tpu.memory_space<hbm>>
      %dma_start3A_3605 = arith.constant 0 : i32
      %dma_start3A_3606 = arith.constant 0 : i32
      %dma_start3A_3607 = tpu.memref_slice %arg6[%dma_start3A_3605, %dma_start3A_3606] : memref<832x128xf32, #tpu.memory_space<vmem>> -> memref<208x128xf32, #tpu.memory_space<vmem>>
      %dma_start3A_3608 = tpu.memref_reshape %dma_start3A_3607 : memref<208x128xf32, #tpu.memory_space<vmem>> -> memref<8x3328xf32, #tpu.memory_space<vmem>>
      tpu.enqueue_dma source(%dma_start3A_3608 : memref<8x3328xf32, #tpu.memory_space<vmem>>) target(%dma_start3A_3604 : memref<8x3328xf32, #tpu.memory_space<hbm>>) target_semaphore(%arg11 : memref<!tpu.dma_semaphore, #tpu.memory_space<semaphore_mem>>)
    }
    %scan3A_1497 = arith.constant 15 : i32
    %dma_wait3A_1498 = arith.constant 208 : i32
    %dma_wait3A_1499 = arith.constant 0 : i32
    %dma_wait3A_1500 = tpu.memref_slice %arg6[%dma_wait3A_1498, %dma_wait3A_1499] : memref<832x128xf32, #tpu.memory_space<vmem>> -> memref<104x128xf32, #tpu.memory_space<vmem>>
    %dma_wait3A_1501 = arith.constant 12688 : i32
    %dma_wait3A_1502 = tpu.memref_slice %arg5[%dma_wait3A_1501] : memref<13312xi32, #tpu.memory_space<vmem>> -> memref<104xi32, #tpu.memory_space<vmem>>
    %dma_wait3A_1503 = arith.constant 0 : i32
    %dma_wait3A_1504 = arith.constant 0 : i32
    %dma_wait3A_1505 = tpu.memref_slice %arg2[%dma_wait3A_1503, %dma_wait3A_1504] : memref<26026x128xf32, #tpu.memory_space<hbm>> -> memref<26026x128xf32, #tpu.memory_space<hbm>>
    tpu.wait_indirect_dma semaphore(%arg8 : memref<!tpu.dma_semaphore, #tpu.memory_space<semaphore_mem>>) src(%dma_wait3A_1505 : memref<26026x128xf32, #tpu.memory_space<hbm>>) dst(%dma_wait3A_1500 : memref<104x128xf32, #tpu.memory_space<vmem>>)
    %dma_wait3A_1506 = arith.constant 312 : i32
    %dma_wait3A_1507 = arith.constant 0 : i32
    %dma_wait3A_1508 = tpu.memref_slice %arg6[%dma_wait3A_1506, %dma_wait3A_1507] : memref<832x128xf32, #tpu.memory_space<vmem>> -> memref<104x128xf32, #tpu.memory_space<vmem>>
    %dma_wait3A_1509 = arith.constant 12792 : i32
    %dma_wait3A_1510 = tpu.memref_slice %arg5[%dma_wait3A_1509] : memref<13312xi32, #tpu.memory_space<vmem>> -> memref<104xi32, #tpu.memory_space<vmem>>
    %dma_wait3A_1511 = arith.constant 0 : i32
    %dma_wait3A_1512 = arith.constant 0 : i32
    %dma_wait3A_1513 = tpu.memref_slice %arg2[%dma_wait3A_1511, %dma_wait3A_1512] : memref<26026x128xf32, #tpu.memory_space<hbm>> -> memref<26026x128xf32, #tpu.memory_space<hbm>>
    tpu.wait_indirect_dma semaphore(%arg8 : memref<!tpu.dma_semaphore, #tpu.memory_space<semaphore_mem>>) src(%dma_wait3A_1513 : memref<26026x128xf32, #tpu.memory_space<hbm>>) dst(%dma_wait3A_1508 : memref<104x128xf32, #tpu.memory_space<vmem>>)
    %add3A_1514 = arith.constant 488 : i32
    %add3A_1515 = arith.addi %mul3A_4, %add3A_1514 : i32
    %dma_start3A_1516 = arith.constant 208 : i32
    %dma_start3A_1517 = arith.constant 0 : i32
    %dma_start3A_1518 = tpu.memref_slice %arg6[%dma_start3A_1516, %dma_start3A_1517] : memref<832x128xf32, #tpu.memory_space<vmem>> -> memref<208x128xf32, #tpu.memory_space<vmem>>
    %dma_start3A_1519 = tpu.memref_reshape %dma_start3A_1518 : memref<208x128xf32, #tpu.memory_space<vmem>> -> memref<8x3328xf32, #tpu.memory_space<vmem>>
    %dma_start3A_1520 = arith.constant 0 : i32
    %dma_start3A_1521 = tpu.memref_slice %arg4[%add3A_1515, %dma_start3A_1520] : memref<16384x3328xf32, #tpu.memory_space<hbm>> -> memref<8x3328xf32, #tpu.memory_space<hbm>>
    %dma_start3A_1522 = arith.constant 0 : i32
    %dma_start3A_1523 = tpu.memref_slice %arg4[%add3A_1515, %dma_start3A_1522] : memref<16384x3328xf32, #tpu.memory_space<hbm>> -> memref<8x3328xf32, #tpu.memory_space<hbm>>
    %dma_start3A_1524 = arith.constant 208 : i32
    %dma_start3A_1525 = arith.constant 0 : i32
    %dma_start3A_1526 = tpu.memref_slice %arg6[%dma_start3A_1524, %dma_start3A_1525] : memref<832x128xf32, #tpu.memory_space<vmem>> -> memref<208x128xf32, #tpu.memory_space<vmem>>
    %dma_start3A_1527 = tpu.memref_reshape %dma_start3A_1526 : memref<208x128xf32, #tpu.memory_space<vmem>> -> memref<8x3328xf32, #tpu.memory_space<vmem>>
    tpu.enqueue_dma source(%dma_start3A_1527 : memref<8x3328xf32, #tpu.memory_space<vmem>>) target(%dma_start3A_1523 : memref<8x3328xf32, #tpu.memory_space<hbm>>) target_semaphore(%arg12 : memref<!tpu.dma_semaphore, #tpu.memory_space<semaphore_mem>>)
    %dma_wait3A_1528 = arith.constant 416 : i32
    %dma_wait3A_1529 = arith.constant 0 : i32
    %dma_wait3A_1530 = tpu.memref_slice %arg6[%dma_wait3A_1528, %dma_wait3A_1529] : memref<832x128xf32, #tpu.memory_space<vmem>> -> memref<104x128xf32, #tpu.memory_space<vmem>>
    %dma_wait3A_1531 = arith.constant 12896 : i32
    %dma_wait3A_1532 = tpu.memref_slice %arg5[%dma_wait3A_1531] : memref<13312xi32, #tpu.memory_space<vmem>> -> memref<104xi32, #tpu.memory_space<vmem>>
    %dma_wait3A_1533 = arith.constant 0 : i32
    %dma_wait3A_1534 = arith.constant 0 : i32
    %dma_wait3A_1535 = tpu.memref_slice %arg2[%dma_wait3A_1533, %dma_wait3A_1534] : memref<26026x128xf32, #tpu.memory_space<hbm>> -> memref<26026x128xf32, #tpu.memory_space<hbm>>
    tpu.wait_indirect_dma semaphore(%arg9 : memref<!tpu.dma_semaphore, #tpu.memory_space<semaphore_mem>>) src(%dma_wait3A_1535 : memref<26026x128xf32, #tpu.memory_space<hbm>>) dst(%dma_wait3A_1530 : memref<104x128xf32, #tpu.memory_space<vmem>>)
    %dma_wait3A_1536 = arith.constant 520 : i32
    %dma_wait3A_1537 = arith.constant 0 : i32
    %dma_wait3A_1538 = tpu.memref_slice %arg6[%dma_wait3A_1536, %dma_wait3A_1537] : memref<832x128xf32, #tpu.memory_space<vmem>> -> memref<104x128xf32, #tpu.memory_space<vmem>>
    %dma_wait3A_1539 = arith.constant 13000 : i32
    %dma_wait3A_1540 = tpu.memref_slice %arg5[%dma_wait3A_1539] : memref<13312xi32, #tpu.memory_space<vmem>> -> memref<104xi32, #tpu.memory_space<vmem>>
    %dma_wait3A_1541 = arith.constant 0 : i32
    %dma_wait3A_1542 = arith.constant 0 : i32
    %dma_wait3A_1543 = tpu.memref_slice %arg2[%dma_wait3A_1541, %dma_wait3A_1542] : memref<26026x128xf32, #tpu.memory_space<hbm>> -> memref<26026x128xf32, #tpu.memory_space<hbm>>
    tpu.wait_indirect_dma semaphore(%arg9 : memref<!tpu.dma_semaphore, #tpu.memory_space<semaphore_mem>>) src(%dma_wait3A_1543 : memref<26026x128xf32, #tpu.memory_space<hbm>>) dst(%dma_wait3A_1538 : memref<104x128xf32, #tpu.memory_space<vmem>>)
    %add3A_1544 = arith.constant 496 : i32
    %add3A_1545 = arith.addi %mul3A_4, %add3A_1544 : i32
    %dma_start3A_1546 = arith.constant 416 : i32
    %dma_start3A_1547 = arith.constant 0 : i32
    %dma_start3A_1548 = tpu.memref_slice %arg6[%dma_start3A_1546, %dma_start3A_1547] : memref<832x128xf32, #tpu.memory_space<vmem>> -> memref<208x128xf32, #tpu.memory_space<vmem>>
    %dma_start3A_1549 = tpu.memref_reshape %dma_start3A_1548 : memref<208x128xf32, #tpu.memory_space<vmem>> -> memref<8x3328xf32, #tpu.memory_space<vmem>>
    %dma_start3A_1550 = arith.constant 0 : i32
    %dma_start3A_1551 = tpu.memref_slice %arg4[%add3A_1545, %dma_start3A_1550] : memref<16384x3328xf32, #tpu.memory_space<hbm>> -> memref<8x3328xf32, #tpu.memory_space<hbm>>
    %dma_start3A_1552 = arith.constant 0 : i32
    %dma_start3A_1553 = tpu.memref_slice %arg4[%add3A_1545, %dma_start3A_1552] : memref<16384x3328xf32, #tpu.memory_space<hbm>> -> memref<8x3328xf32, #tpu.memory_space<hbm>>
    %dma_start3A_1554 = arith.constant 416 : i32
    %dma_start3A_1555 = arith.constant 0 : i32
    %dma_start3A_1556 = tpu.memref_slice %arg6[%dma_start3A_1554, %dma_start3A_1555] : memref<832x128xf32, #tpu.memory_space<vmem>> -> memref<208x128xf32, #tpu.memory_space<vmem>>
    %dma_start3A_1557 = tpu.memref_reshape %dma_start3A_1556 : memref<208x128xf32, #tpu.memory_space<vmem>> -> memref<8x3328xf32, #tpu.memory_space<vmem>>
    tpu.enqueue_dma source(%dma_start3A_1557 : memref<8x3328xf32, #tpu.memory_space<vmem>>) target(%dma_start3A_1553 : memref<8x3328xf32, #tpu.memory_space<hbm>>) target_semaphore(%arg13 : memref<!tpu.dma_semaphore, #tpu.memory_space<semaphore_mem>>)
    %dma_wait3A_1558 = arith.constant 624 : i32
    %dma_wait3A_1559 = arith.constant 0 : i32
    %dma_wait3A_1560 = tpu.memref_slice %arg6[%dma_wait3A_1558, %dma_wait3A_1559] : memref<832x128xf32, #tpu.memory_space<vmem>> -> memref<104x128xf32, #tpu.memory_space<vmem>>
    %dma_wait3A_1561 = arith.constant 13104 : i32
    %dma_wait3A_1562 = tpu.memref_slice %arg5[%dma_wait3A_1561] : memref<13312xi32, #tpu.memory_space<vmem>> -> memref<104xi32, #tpu.memory_space<vmem>>
    %dma_wait3A_1563 = arith.constant 0 : i32
    %dma_wait3A_1564 = arith.constant 0 : i32
    %dma_wait3A_1565 = tpu.memref_slice %arg2[%dma_wait3A_1563, %dma_wait3A_1564] : memref<26026x128xf32, #tpu.memory_space<hbm>> -> memref<26026x128xf32, #tpu.memory_space<hbm>>
    tpu.wait_indirect_dma semaphore(%arg10 : memref<!tpu.dma_semaphore, #tpu.memory_space<semaphore_mem>>) src(%dma_wait3A_1565 : memref<26026x128xf32, #tpu.memory_space<hbm>>) dst(%dma_wait3A_1560 : memref<104x128xf32, #tpu.memory_space<vmem>>)
    %dma_wait3A_1566 = arith.constant 728 : i32
    %dma_wait3A_1567 = arith.constant 0 : i32
    %dma_wait3A_1568 = tpu.memref_slice %arg6[%dma_wait3A_1566, %dma_wait3A_1567] : memref<832x128xf32, #tpu.memory_space<vmem>> -> memref<104x128xf32, #tpu.memory_space<vmem>>
    %dma_wait3A_1569 = arith.constant 13208 : i32
    %dma_wait3A_1570 = tpu.memref_slice %arg5[%dma_wait3A_1569] : memref<13312xi32, #tpu.memory_space<vmem>> -> memref<104xi32, #tpu.memory_space<vmem>>
    %dma_wait3A_1571 = arith.constant 0 : i32
    %dma_wait3A_1572 = arith.constant 0 : i32
    %dma_wait3A_1573 = tpu.memref_slice %arg2[%dma_wait3A_1571, %dma_wait3A_1572] : memref<26026x128xf32, #tpu.memory_space<hbm>> -> memref<26026x128xf32, #tpu.memory_space<hbm>>
    tpu.wait_indirect_dma semaphore(%arg10 : memref<!tpu.dma_semaphore, #tpu.memory_space<semaphore_mem>>) src(%dma_wait3A_1573 : memref<26026x128xf32, #tpu.memory_space<hbm>>) dst(%dma_wait3A_1568 : memref<104x128xf32, #tpu.memory_space<vmem>>)
    %add3A_1574 = arith.constant 504 : i32
    %add3A_1575 = arith.addi %mul3A_4, %add3A_1574 : i32
    %dma_start3A_1576 = arith.constant 624 : i32
    %dma_start3A_1577 = arith.constant 0 : i32
    %dma_start3A_1578 = tpu.memref_slice %arg6[%dma_start3A_1576, %dma_start3A_1577] : memref<832x128xf32, #tpu.memory_space<vmem>> -> memref<208x128xf32, #tpu.memory_space<vmem>>
    %dma_start3A_1579 = tpu.memref_reshape %dma_start3A_1578 : memref<208x128xf32, #tpu.memory_space<vmem>> -> memref<8x3328xf32, #tpu.memory_space<vmem>>
    %dma_start3A_1580 = arith.constant 0 : i32
    %dma_start3A_1581 = tpu.memref_slice %arg4[%add3A_1575, %dma_start3A_1580] : memref<16384x3328xf32, #tpu.memory_space<hbm>> -> memref<8x3328xf32, #tpu.memory_space<hbm>>
    %dma_start3A_1582 = arith.constant 0 : i32
    %dma_start3A_1583 = tpu.memref_slice %arg4[%add3A_1575, %dma_start3A_1582] : memref<16384x3328xf32, #tpu.memory_space<hbm>> -> memref<8x3328xf32, #tpu.memory_space<hbm>>
    %dma_start3A_1584 = arith.constant 624 : i32
    %dma_start3A_1585 = arith.constant 0 : i32
    %dma_start3A_1586 = tpu.memref_slice %arg6[%dma_start3A_1584, %dma_start3A_1585] : memref<832x128xf32, #tpu.memory_space<vmem>> -> memref<208x128xf32, #tpu.memory_space<vmem>>
    %dma_start3A_1587 = tpu.memref_reshape %dma_start3A_1586 : memref<208x128xf32, #tpu.memory_space<vmem>> -> memref<8x3328xf32, #tpu.memory_space<vmem>>
    tpu.enqueue_dma source(%dma_start3A_1587 : memref<8x3328xf32, #tpu.memory_space<vmem>>) target(%dma_start3A_1583 : memref<8x3328xf32, #tpu.memory_space<hbm>>) target_semaphore(%arg14 : memref<!tpu.dma_semaphore, #tpu.memory_space<semaphore_mem>>)
    %add3A_1588 = arith.constant 480 : i32
    %add3A_1589 = arith.addi %mul3A_4, %add3A_1588 : i32
    %dma_wait3A_1590 = arith.constant 0 : i32
    %dma_wait3A_1591 = arith.constant 0 : i32
    %dma_wait3A_1592 = tpu.memref_slice %arg6[%dma_wait3A_1590, %dma_wait3A_1591] : memref<832x128xf32, #tpu.memory_space<vmem>> -> memref<208x128xf32, #tpu.memory_space<vmem>>
    %dma_wait3A_1593 = tpu.memref_reshape %dma_wait3A_1592 : memref<208x128xf32, #tpu.memory_space<vmem>> -> memref<8x3328xf32, #tpu.memory_space<vmem>>
    %dma_wait3A_1594 = arith.constant 0 : i32
    %dma_wait3A_1595 = tpu.memref_slice %arg4[%add3A_1589, %dma_wait3A_1594] : memref<16384x3328xf32, #tpu.memory_space<hbm>> -> memref<8x3328xf32, #tpu.memory_space<hbm>>
    %dma_wait3A_1596 = arith.constant 0 : i32
    %dma_wait3A_1597 = tpu.memref_slice %arg4[%add3A_1589, %dma_wait3A_1596] : memref<16384x3328xf32, #tpu.memory_space<hbm>> -> memref<8x3328xf32, #tpu.memory_space<hbm>>
    %dma_wait3A_1598 = arith.constant 0 : i32
    %dma_wait3A_1599 = arith.constant 0 : i32
    %dma_wait3A_1600 = tpu.memref_slice %arg6[%dma_wait3A_1598, %dma_wait3A_1599] : memref<832x128xf32, #tpu.memory_space<vmem>> -> memref<208x128xf32, #tpu.memory_space<vmem>>
    %dma_wait3A_1601 = tpu.memref_reshape %dma_wait3A_1600 : memref<208x128xf32, #tpu.memory_space<vmem>> -> memref<8x3328xf32, #tpu.memory_space<vmem>>
    tpu.wait_dma2 semaphore(%arg11 : memref<!tpu.dma_semaphore, #tpu.memory_space<semaphore_mem>>) src(%dma_wait3A_1601 : memref<8x3328xf32, #tpu.memory_space<vmem>>) dst(%dma_wait3A_1597 : memref<8x3328xf32, #tpu.memory_space<hbm>>)
    %add3A_1602 = arith.constant 488 : i32
    %add3A_1603 = arith.addi %mul3A_4, %add3A_1602 : i32
    %dma_wait3A_1604 = arith.constant 208 : i32
    %dma_wait3A_1605 = arith.constant 0 : i32
    %dma_wait3A_1606 = tpu.memref_slice %arg6[%dma_wait3A_1604, %dma_wait3A_1605] : memref<832x128xf32, #tpu.memory_space<vmem>> -> memref<208x128xf32, #tpu.memory_space<vmem>>
    %dma_wait3A_1607 = tpu.memref_reshape %dma_wait3A_1606 : memref<208x128xf32, #tpu.memory_space<vmem>> -> memref<8x3328xf32, #tpu.memory_space<vmem>>
    %dma_wait3A_1608 = arith.constant 0 : i32
    %dma_wait3A_1609 = tpu.memref_slice %arg4[%add3A_1603, %dma_wait3A_1608] : memref<16384x3328xf32, #tpu.memory_space<hbm>> -> memref<8x3328xf32, #tpu.memory_space<hbm>>
    %dma_wait3A_1610 = arith.constant 0 : i32
    %dma_wait3A_1611 = tpu.memref_slice %arg4[%add3A_1603, %dma_wait3A_1610] : memref<16384x3328xf32, #tpu.memory_space<hbm>> -> memref<8x3328xf32, #tpu.memory_space<hbm>>
    %dma_wait3A_1612 = arith.constant 208 : i32
    %dma_wait3A_1613 = arith.constant 0 : i32
    %dma_wait3A_1614 = tpu.memref_slice %arg6[%dma_wait3A_1612, %dma_wait3A_1613] : memref<832x128xf32, #tpu.memory_space<vmem>> -> memref<208x128xf32, #tpu.memory_space<vmem>>
    %dma_wait3A_1615 = tpu.memref_reshape %dma_wait3A_1614 : memref<208x128xf32, #tpu.memory_space<vmem>> -> memref<8x3328xf32, #tpu.memory_space<vmem>>
    tpu.wait_dma2 semaphore(%arg12 : memref<!tpu.dma_semaphore, #tpu.memory_space<semaphore_mem>>) src(%dma_wait3A_1615 : memref<8x3328xf32, #tpu.memory_space<vmem>>) dst(%dma_wait3A_1611 : memref<8x3328xf32, #tpu.memory_space<hbm>>)
    %add3A_1616 = arith.constant 496 : i32
    %add3A_1617 = arith.addi %mul3A_4, %add3A_1616 : i32
    %dma_wait3A_1618 = arith.constant 416 : i32
    %dma_wait3A_1619 = arith.constant 0 : i32
    %dma_wait3A_1620 = tpu.memref_slice %arg6[%dma_wait3A_1618, %dma_wait3A_1619] : memref<832x128xf32, #tpu.memory_space<vmem>> -> memref<208x128xf32, #tpu.memory_space<vmem>>
    %dma_wait3A_1621 = tpu.memref_reshape %dma_wait3A_1620 : memref<208x128xf32, #tpu.memory_space<vmem>> -> memref<8x3328xf32, #tpu.memory_space<vmem>>
    %dma_wait3A_1622 = arith.constant 0 : i32
    %dma_wait3A_1623 = tpu.memref_slice %arg4[%add3A_1617, %dma_wait3A_1622] : memref<16384x3328xf32, #tpu.memory_space<hbm>> -> memref<8x3328xf32, #tpu.memory_space<hbm>>
    %dma_wait3A_1624 = arith.constant 0 : i32
    %dma_wait3A_1625 = tpu.memref_slice %arg4[%add3A_1617, %dma_wait3A_1624] : memref<16384x3328xf32, #tpu.memory_space<hbm>> -> memref<8x3328xf32, #tpu.memory_space<hbm>>
    %dma_wait3A_1626 = arith.constant 416 : i32
    %dma_wait3A_1627 = arith.constant 0 : i32
    %dma_wait3A_1628 = tpu.memref_slice %arg6[%dma_wait3A_1626, %dma_wait3A_1627] : memref<832x128xf32, #tpu.memory_space<vmem>> -> memref<208x128xf32, #tpu.memory_space<vmem>>
    %dma_wait3A_1629 = tpu.memref_reshape %dma_wait3A_1628 : memref<208x128xf32, #tpu.memory_space<vmem>> -> memref<8x3328xf32, #tpu.memory_space<vmem>>
    tpu.wait_dma2 semaphore(%arg13 : memref<!tpu.dma_semaphore, #tpu.memory_space<semaphore_mem>>) src(%dma_wait3A_1629 : memref<8x3328xf32, #tpu.memory_space<vmem>>) dst(%dma_wait3A_1625 : memref<8x3328xf32, #tpu.memory_space<hbm>>)
    %add3A_1630 = arith.constant 504 : i32
    %add3A_1631 = arith.addi %mul3A_4, %add3A_1630 : i32
    %dma_wait3A_1632 = arith.constant 624 : i32
    %dma_wait3A_1633 = arith.constant 0 : i32
    %dma_wait3A_1634 = tpu.memref_slice %arg6[%dma_wait3A_1632, %dma_wait3A_1633] : memref<832x128xf32, #tpu.memory_space<vmem>> -> memref<208x128xf32, #tpu.memory_space<vmem>>
    %dma_wait3A_1635 = tpu.memref_reshape %dma_wait3A_1634 : memref<208x128xf32, #tpu.memory_space<vmem>> -> memref<8x3328xf32, #tpu.memory_space<vmem>>
    %dma_wait3A_1636 = arith.constant 0 : i32
    %dma_wait3A_1637 = tpu.memref_slice %arg4[%add3A_1631, %dma_wait3A_1636] : memref<16384x3328xf32, #tpu.memory_space<hbm>> -> memref<8x3328xf32, #tpu.memory_space<hbm>>
    %dma_wait3A_1638 = arith.constant 0 : i32
    %dma_wait3A_1639 = tpu.memref_slice %arg4[%add3A_1631, %dma_wait3A_1638] : memref<16384x3328xf32, #tpu.memory_space<hbm>> -> memref<8x3328xf32, #tpu.memory_space<hbm>>
    %dma_wait3A_1640 = arith.constant 624 : i32
    %dma_wait3A_1641 = arith.constant 0 : i32
    %dma_wait3A_1642 = tpu.memref_slice %arg6[%dma_wait3A_1640, %dma_wait3A_1641] : memref<832x128xf32, #tpu.memory_space<vmem>> -> memref<208x128xf32, #tpu.memory_space<vmem>>
    %dma_wait3A_1643 = tpu.memref_reshape %dma_wait3A_1642 : memref<208x128xf32, #tpu.memory_space<vmem>> -> memref<8x3328xf32, #tpu.memory_space<vmem>>
    tpu.wait_dma2 semaphore(%arg14 : memref<!tpu.dma_semaphore, #tpu.memory_space<semaphore_mem>>) src(%dma_wait3A_1643 : memref<8x3328xf32, #tpu.memory_space<vmem>>) dst(%dma_wait3A_1639 : memref<8x3328xf32, #tpu.memory_space<hbm>>)
    return
  }
}

</mosaic_0001>

<sc_bundles>
// kernel: kernel.3.cloned.1.call-start
scs
__scs_entry_jumppad:
0x0: {  	(pc) =	sbr.rel $0x88, $3  }
0x1: {  	(tag) =	ssettag $0x0;
	lr =	simm.s32 $0x1  }
0x2: {  	[smem:$0x3F9F] =	sst lr;
	_ =	strace $0xD0000000  }
0x3: {  	_ = 	snop  }
0x4: {  	_ = 	snop  }
0x5: {  	_ = 	snop  }
0x6: {  	_ = 	snop  }
0x7: {  	_ = 	snop  }
__scs_overlays_trampoline_lowered:
0x8: {  	[smem:$0x3FAE] =	sst s0  }
0x9: {  	[smem:$0x3FAF] =	sst s1  }
0xa: {  	[smem:$0x3FB0] =	sst s2  }
0xb: {  	[smem:$0x3FB1] =	sst s3  }
0xc: {  	[smem:$0x3FB2] =	sst s4  }
0xd: {  	[smem:$0x3FB3] =	sst s5  }
0xe: {  	[smem:$0x3FB4] =	sst s6  }
0xf: {  	[smem:$0x3FB5] =	sst s7  }
0x10: {  	[smem:$0x3FB6] =	sst s8  }
0x11: {  	[smem:$0x3FB7] =	sst s9;
	s0 =	simm.s32 @!p0 $0x0  }
0x12: {  	s1 =	sld [smem:$0x3F9D];
	s0 =	simm.s32 @p0 $0x1  }
0x13: {  	[smem:$0x3FB8] =	sst s0;
	s0 =	simm.s32 @!p1 $0x0  }
0x14: {  	s2 =	sld [smem:$0x3F9C];
	s0 =	simm.s32 @p1 $0x1  }
0x15: {  	[smem:$0x3FB9] =	sst s0;
	s0 =	simm.s32 @!p2 $0x0  }
0x16: {  	s3 =	sld [smem:$0x3FDB];
	s0 =	simm.s32 @p2 $0x1  }
0x17: {  	s4 =	simm.s32 $0x1BF5;
	[smem:$0x3FBB] =	sst s0  }
0x18: {  	s0 =	sld [smem:$0x3F9E];
	_ =	swait.ge [sflag:s4], $0x0  }
0x19: {  	s7 =	sld [smem:$0x3F9F]  }
0x1a: {  	s8 =	sadd.s32 $0xFFFFE003, lr  }
0x1b: {  	s9 =	sadd.s32 $0xFFFFFEF7, lr;
	s5 =	simm.s32 $0xFFFFFFFF;
	p2 =	slt.u32 s8, $0xFFFFF086  }
0x1c: {  	p1 =	slt.u32 s9, $0xF7A;
	s5 =	simm.s32 @!p2 $0x0  }
0x1d: {  	s5 =	simm.s32 @p1 $0x1;
	p0 =	seq.s32 s7, s2  }
0x1e: {  	s7 =	smul.u32 @!p0 $0xF7A, s2;
	p2 =	seq.s32 @!p0 s5, $0x0  }
0x1f: {  	s9 =	smul.u32 $0xF7A, s1;
	s8 =	simm.s32 @!p0 $0x1BF5;
	p2 =	por !p2, p0  }
0x20: {  	[sflag:s8] =	ssyncset.s32 @!p0 $0xFFFFF086;
	s6 =	sadd.s32 @!p0 s3, s7;
	s7 =	simm.s32 @!p0 $0x108  }
0x21: {  	s3 =	sadd.s32 s3, s9;
	s6 =	sadd.s32 @!p0 $0x88, s6;
	s7 =	simm.s32 @p2 $0x1082  }
0x22: {  	[simem:s7], [sflag:s8] =	dma.local @!p0 [hbm:s6], $0xF7A  }
0x23: {  	s9 =	sor.u32 $0xD0000000, s2;
	s6 =	simm.s32 $0x108;
	_ =	swait.ge @!p0 [sflag:s8], $0x0  }
0x24: {  	s3 =	sadd.s32 $0x88, s3;
	s6 =	simm.s32 @!p1 $0x1082;
	[sflag:s4] =	ssyncset.s32 $0xFFFFF086  }
0x25: {  	[simem:s6], [sflag:s4] =	dma.local [hbm:s3], $0xF7A  }
0x26: {  	[smem:$0x3F9F] =	sst s1;
	(tag) =	ssettag s2;
	_ =	strace s9  }
0x27: {  	s1 =	sld [smem:$0x3FAF]  }
0x28: {  	s2 =	sld [smem:$0x3FB0]  }
0x29: {  	s4 =	sld [smem:$0x3FB2]  }
0x2a: {  	p0 =	seq.s32 s5, $0x0;
	s5 =	sld [smem:$0x3FB3]  }
0x2b: {  	s6 =	sld [smem:$0x3FB4]  }
0x2c: {  	s7 =	sld [smem:$0x3FB5]  }
0x2d: {  	s3 =	simm.s32 $0x108;
	s8 =	sld [smem:$0x3FB6]  }
0x2e: {  	s3 =	simm.s32 @!p0 $0x1082;
	s9 =	sld [smem:$0x3FB7]  }
0x2f: {  	lr =	sadd.s32 s0, s3;
	s0 =	sld [smem:$0x3FAE]  }
0x30: {  	s3 =	sld [smem:$0x3FB1]  }
0x31: {  	[smem:$0x3FBA] =	sst s10  }
0x32: {  	s10 =	sld [smem:$0x3FB8];
	_ =	sdelay $0x3  }
0x33: {  	p0 =	seq.s32 s10, $0x1;
	s10 =	sld [smem:$0x3FBA];
	_ =	sdelay $0x3  }
0x34: {  	[smem:$0x3FBA] =	sst s10  }
0x35: {  	s10 =	sld [smem:$0x3FB9];
	_ =	sdelay $0x3  }
0x36: {  	p1 =	seq.s32 s10, $0x1;
	s10 =	sld [smem:$0x3FBA];
	_ =	sdelay $0x3  }
0x37: {  	[smem:$0x3FBA] =	sst s10  }
0x38: {  	s10 =	sld [smem:$0x3FBB]  }
0x39: {  	_ = 	snop;
	(pc) =	sbr.ind lr, $3  }
0x3a: {  	_ = 	snop  }
0x3b: {  	_ = 	snop  }
0x3c: {  	p2 =	seq.s32 s10, $0x1;
	s10 =	sld [smem:$0x3FBA]  }
0x3d: {  	_ =	shalt  }
0x3e: {  	_ =	shalt  }
0x3f: {  	_ =	shalt  }
0x40: {  	_ =	shalt  }
0x41: {  	_ =	shalt  }
0x42: {  	_ =	shalt  }
0x43: {  	_ =	shalt  }
0x44: {  	_ =	shalt  }
0x45: {  	_ =	shalt  }
0x46: {  	_ =	shalt  }
0x47: {  	_ =	shalt  }
0x48: {  	_ =	shalt  }
0x49: {  	_ =	shalt  }
0x4a: {  	_ =	shalt  }
0x4b: {  	_ =	shalt  }
0x4c: {  	_ =	shalt  }
0x4d: {  	_ =	shalt  }
0x4e: {  	_ =	shalt  }
0x4f: {  	_ =	shalt  }
0x50: {  	_ =	shalt  }
0x51: {  	_ =	shalt  }
0x52: {  	_ =	shalt  }
0x53: {  	_ =	shalt  }
0x54: {  	_ =	shalt  }
0x55: {  	_ =	shalt  }
0x56: {  	_ =	shalt  }
0x57: {  	_ =	shalt  }
0x58: {  	_ =	shalt  }
0x59: {  	_ =	shalt  }
0x5a: {  	_ =	shalt  }
0x5b: {  	_ =	shalt  }
0x5c: {  	_ =	shalt  }
0x5d: {  	_ =	shalt  }
0x5e: {  	_ =	shalt  }
0x5f: {  	_ =	shalt  }
0x60: {  	_ =	shalt  }
0x61: {  	_ =	shalt  }
0x62: {  	_ =	shalt  }
0x63: {  	_ =	shalt  }
0x64: {  	_ =	shalt  }
0x65: {  	_ =	shalt  }
0x66: {  	_ =	shalt  }
0x67: {  	_ =	shalt  }
0x68: {  	_ =	shalt  }
0x69: {  	_ =	shalt  }
0x6a: {  	_ =	shalt  }
0x6b: {  	_ =	shalt  }
0x6c: {  	_ =	shalt  }
0x6d: {  	_ =	shalt  }
0x6e: {  	_ =	shalt  }
0x6f: {  	_ =	shalt  }
0x70: {  	_ =	shalt  }
0x71: {  	_ =	shalt  }
0x72: {  	_ =	shalt  }
0x73: {  	_ =	shalt  }
0x74: {  	_ =	shalt  }
0x75: {  	_ =	shalt  }
0x76: {  	_ =	shalt  }
0x77: {  	_ =	shalt  }
0x78: {  	_ =	shalt  }
0x79: {  	_ =	shalt  }
0x7a: {  	_ =	shalt  }
0x7b: {  	_ =	shalt  }
0x7c: {  	_ =	shalt  }
0x7d: {  	_ =	shalt  }
0x7e: {  	_ =	shalt  }
0x7f: {  	_ =	shalt  }
0x80: {  	_ =	shalt  }
0x81: {  	_ =	shalt  }
0x82: {  	_ =	shalt  }
0x83: {  	_ =	shalt  }
0x84: {  	_ =	shalt  }
0x85: {  	_ =	shalt  }
0x86: {  	_ =	shalt  }
0x87: {  	_ =	shalt  }
.Lfunc_end0:
.L_simem_size_0:
called_computation_lowered:
.L_overlay_start_0:
0x88: {  	s2 =	sld [smem:$0x3FD9]  }
0x89: {  	s3 =	sld [smem:$0x3FFE];
	_ =	sdelay $0x1  }
0x8a: {  	s1 =	srdreg.scid  }
0x8b: {  	s0 =	sand.u32 $0x1, s1  }
0x8c: {  	s17 =	sshll.u32 s0, $0xA;
	s2 =	sadd.s32 s3, s2  }
0x8d: {  	s2 =	sadd.s32 s2, s17  }
0x8e: {  	[smem:$0x3FC6] =	sst s2  }
0x8f: {  	_ = 	snop  }
0x90: {  	s2 =	sld [smem:$0x3FD0];
	(tm) =	ssettm $0x1  }
0x91: {  	s18 =	sld [smem:$0x3FFB];
	_ =	sdelay $0x3  }
0x92: {  	_ =	strace s18  }
0x93: {  	s3 =	sld [smem:$0x3FFC];
	_ =	sdelay $0x3  }
0x94: {  	_ =	strace s3  }
0x95: {  	s3 =	sld [smem:$0x3FFD];
	_ =	sdelay $0x3  }
0x96: {  	_ =	strace s3  }
0x97: {  	_ =	strace $0x8FFFFFFF  }
0x98: {  	s19 =	sld [smem:$0x3FDB];
	_ =	sdelay $0x1  }
0x99: {  	s4 =	simm.s32 $_scs_section_size  }
0x9a: {  	s5 =	simm.s32 $_size__tile_overlayer_lowered;
	s6 =	simm.s32 $_tile_overlayer_lowered  }
0x9b: {  	s22 =	simm.s32 $0x1BFF;
	s21 =	sshll.u32 s6, $0x1;
	s3 =	sadd.s32 s4, s19  }
0x9c: {  	s7 =	simm.s32 $0x0;
	s20 =	sshll.u32 s5, $0x1;
	s5 =	sadd.s32 s21, s3  }
0x9d: {  	[timem:s7], [sflag:s22] =	dma.local [hbm:s5], s20  }
0x9e: {  	_ =	swait.ge [sflag:s22], s20  }
0x9f: {  	s4 =	ssub.s32 $0x0, s20;
	[sflag:s22] =	ssyncset.done $0x0  }
0xa0: {  	[sflag:s22] =	ssyncadd.s32 s4;
	_ =	sdelay $0x1  }
0xa1: {  	s23 =	simm.s32 $0x1B8B  }
0xa2: {  	_ =	swait.ge [sflag:s23], $0x1  }
0xa3: {  	[sflag:s23] =	ssyncset.done $0x0  }
0xa4: {  	s25 =	simm.s32 $0x1B8E;
	s24 =	sld [smem:$0x3FFE];
	[sflag:s23] =	ssyncadd.s32 $0xFFFFFFFF  }
0xa5: {  	s26 =	simm.s32 $execute0_lowered;
	[smem:$0x3FD2] =	sst s25  }
0xa6: {  	s5 =	sshll.u32 s26, $0x1;
	_ =	strace $0x80000046;
	[dreg:$0x1] =	wrdreg $0xFFFFFFFF  }
0xa7: {  	s28 =	simm.s32 $_size_execute0_lowered;
	s3 =	sadd.s32 s3, s5;
	[dreg:$0x0] =	wrdreg $0x0  }
0xa8: {  	s5 =	sshll.u32 s28, $0x1;
	[dreg:$0x2] =	wrdreg s3  }
0xa9: {  	[dreg:$0x3] =	wrdreg s5  }
0xaa: {  	[dreg:$0x4] =	wrdreg $0xC0  }
0xab: {  	_ =	task [dreg:s7], $0x5FFFF  }
0xac: {  	[dreg:$0x1] =	wrdreg $0xFFFFFFFF  }
0xad: {  	[dreg:$0x0] =	wrdreg $0x60  }
0xae: {  	[dreg:$0x2] =	wrdreg s24  }
0xaf: {  	[dreg:$0x3] =	wrdreg s2  }
0xb0: {  	[dreg:$0x4] =	wrdreg $0x9  }
0xb1: {  	_ =	task.clear_ibuf [dreg:s7], $0x5FFFF;
	_ =	strace $0x90000046  }
0xb2: {  	s29 =	simm.s32 $0x9;
	_ =	strace $0x80000048  }
0xb3: {  	_ =	swait.ge [sflag:s29], $0x1  }
0xb4: {  	[sflag:s29] =	ssyncadd.s32 $0xFFFFFFFF  }
0xb5: {  	_ =	strace $0x90000048  }
0xb6: {  	_ =	sfence  }
0xb7: {  	s30 =	sld [smem:$0x0];
	_ =	sdelay $0x2  }
0xb8: {  	s31 =	sshll.u32 s1, $0xD;
	s1 =	sshrl.u32 s1, $0x2  }
0xb9: {  	s3 =	sand.u32 $0x4000, s31;
	s1 =	sadd.s32 s1, s30  }
0xba: {  	s0 =	sor.u32 s3, s0;
	s1 =	sshll.u32 s1, $0x11  }
0xbb: {  	s0 =	sor.u32 s1, s0  }
0xbc: {  	s0 =	sadd.s32 $0x8F2B, s0  }
0xbd: {  	[sflag:s0] =	ssyncadd.remote.s32 $0x1  }
0xbe: {  	_ =	sfence.sel $0xFFFF  }
0xbf: {  	[dreg:$0x0] =	wrdreg $0xFFFFFFFF;
	(pc) =	sbr.abs _section_cstart, $3  }
0xc0: {  	[dreg:$0x1] =	wrdreg $0xFFFFFFFF  }
0xc1: {  	_ =	task.clear_ibuf [dreg:s7], $0x2FFFF;
	_ =	strace $0x9FFFFFFF  }
0xc2: {  	(tm) =	ssettm $0x7FFFFFFF  }
0xc3: {  	_ =	shalt  }
tec
execute0_lowered:
.L_overlay_start_1:
0x0: {  	(tag) =	ssettag $0x1  }
0x1: {  	v0 =	vlaneseq.u32;
	vm14 =	vcmask $0x300;
	v1 =	vimm.s32 $0x138D  }
0x2: {  	vm13 =	vcmask $0x704;
	vm12 =	vcmask $0xB08;
	v2 =	vimm.s32 $0x1775  }
0x3: {  	vm11 =	vcmask $0xF0C;
	vm10 =	vcmask $0x1310;
	vm9 =	vcmask $0x1714  }
0x4: {  	vm8 =	vcmask $0x1B18;
	vm7 =	vcmask $0x1F1C;
	vm6 =	vcmask $0x2320  }
0x5: {  	vm5 =	vcmask $0x2724;
	vm4 =	vcmask $0x2B28;
	vm3 =	vcmask $0x2F2C  }
0x6: {  	vm2 =	vcmask $0x3330;
	vm0 =	vcmask $0x3734;
	vm1 =	vcmask $0x3B38  }
0x7: {  	v5 =	vimm.s32 $0x2B03;
	v7 =	vimm.s32 $0x2EEB;
	v8 =	vimm.s32 $0x3E9  }
0x8: {  	v9 =	vimm.s32 $0x7D1;
	v10 =	vimm.s32 $0x1B5F;
	v11 =	vimm.s32 $0x1F47  }
0x9: {  	v15 =	vimm.s32 $0x32D5;
	v17 =	vimm.s32 $0x36BD;
	v18 =	vimm.s32 $0xBBB  }
0xa: {  	v19 =	vimm.s32 $0xFA3;
	v20 =	vimm.s32 $0x2331;
	v21 =	vimm.s32 $0x2719  }
0xb: {  	v0 =	vmul.u32 $0x3E9, v0;
	v1 =	vsel vm14, $0x3E90, v1;
	v2 =	vsel vm14, $0x4278, v2  }
0xc: {  	v5 =	vsel vm14, $0x5606, v5;
	v7 =	vsel vm14, $0x59EE, v7;
	v8 =	vsel vm14, $0x2EEC, v8  }
0xd: {  	v9 =	vsel vm14, $0x32D4, v9;
	v10 =	vsel vm14, $0x4662, v10;
	v11 =	vsel vm14, $0x4A4A, v11  }
0xe: {  	v16 =	vsel vm14, $0x5DD8, v15;
	v17 =	vsel vm14, $0x61C0, v17;
	v18 =	vsel vm14, $0x36BE, v18  }
0xf: {  	v19 =	vsel vm14, $0x3AA6, v19;
	v20 =	vsel vm14, $0x4E34, v20;
	v21 =	vsel vm14, $0x521C, v21  }
0x10: {  	v1 =	vsel vm13, $0x4279, v1;
	v2 =	vsel vm13, $0x4661, v2;
	v6 =	vsel vm13, $0x59EF, v5  }
0x11: {  	v7 =	vsel vm13, $0x5DD7, v7;
	v8 =	vsel vm13, $0x32D5, v8;
	v9 =	vsel vm13, $0x36BD, v9  }
0x12: {  	v10 =	vsel vm13, $0x4A4B, v10;
	v11 =	vsel vm13, $0x4E33, v11;
	v16 =	vsel vm13, $0x61C1, v16  }
0x13: {  	v17 =	vsel vm13, $0x65A9, v17;
	v18 =	vsel vm13, $0x3AA7, v18;
	v19 =	vsel vm13, $0x3E8F, v19  }
0x14: {  	v20 =	vsel vm13, $0x521D, v20;
	v21 =	vsel vm13, $0x5605, v21;
	v1 =	vsel vm12, $0x4662, v1  }
0x15: {  	v2 =	vsel vm12, $0x4A4A, v2;
	v5 =	vadd.s32 $0x1B5E, v0;
	v6 =	vsel vm12, $0x5DD8, v6  }
0x16: {  	v7 =	vsel vm12, $0x61C0, v7;
	v8 =	vsel vm12, $0x36BE, v8;
	v9 =	vsel vm12, $0x3AA6, v9  }
0x17: {  	v10 =	vsel vm12, $0x4E34, v10;
	v11 =	vsel vm12, $0x521C, v11;
	v14 =	vadd.s32 $0x1F48, v0  }
0x18: {  	v15 =	vadd.s32 $0x2330, v0;
	v16 =	vsel vm12, $0x0, v16;
	v17 =	vsel vm12, $0x3E8, v17  }
0x19: {  	v18 =	vsel vm12, $0x3E90, v18;
	v19 =	vsel vm12, $0x4278, v19;
	v20 =	vsel vm12, $0x5606, v20  }
0x1a: {  	v21 =	vsel vm12, $0x59EE, v21;
	v24 =	vadd.s32 $0x271A, v0;
	v25 =	vadd.s32 $0x2B02, v0  }
0x1b: {  	v1 =	vsel vm11, $0x4A4B, v1;
	v2 =	vsel vm11, $0x4E33, v2;
	v6 =	vsel vm11, $0x61C1, v6  }
0x1c: {  	v7 =	vsel vm11, $0x65A9, v7;
	v8 =	vsel vm11, $0x3AA7, v8;
	v9 =	vsel vm11, $0x3E8F, v9  }
0x1d: {  	v10 =	vsel vm11, $0x521D, v10;
	v11 =	vsel vm11, $0x5605, v11;
	v16 =	vsel vm11, $0x3E9, v16  }
0x1e: {  	v17 =	vsel vm11, $0x7D1, v17;
	v18 =	vsel vm11, $0x4279, v18;
	v19 =	vsel vm11, $0x4661, v19  }
0x1f: {  	v20 =	vsel vm11, $0x59EF, v20;
	v21 =	vsel vm11, $0x5DD7, v21;
	v1 =	vsel vm10, $0x4E34, v1  }
0x20: {  	v2 =	vsel vm10, $0x521C, v2;
	v6 =	vsel vm10, $0x0, v6;
	v7 =	vsel vm10, $0x3E8, v7  }
0x21: {  	v8 =	vsel vm10, $0x3E90, v8;
	v9 =	vsel vm10, $0x4278, v9;
	v10 =	vsel vm10, $0x5606, v10  }
0x22: {  	v11 =	vsel vm10, $0x59EE, v11;
	v16 =	vsel vm10, $0x7D2, v16;
	v17 =	vsel vm10, $0xBBA, v17  }
0x23: {  	v18 =	vsel vm10, $0x4662, v18;
	v19 =	vsel vm10, $0x4A4A, v19;
	v20 =	vsel vm10, $0x5DD8, v20  }
0x24: {  	v21 =	vsel vm10, $0x61C0, v21;
	v1 =	vsel vm9, $0x521D, v1;
	v2 =	vsel vm9, $0x5605, v2  }
0x25: {  	v6 =	vsel vm9, $0x3E9, v6;
	v7 =	vsel vm9, $0x7D1, v7;
	v8 =	vsel vm9, $0x4279, v8  }
0x26: {  	v9 =	vsel vm9, $0x4661, v9;
	v10 =	vsel vm9, $0x59EF, v10;
	v11 =	vsel vm9, $0x5DD7, v11  }
0x27: {  	v16 =	vsel vm9, $0xBBB, v16;
	v17 =	vsel vm9, $0xFA3, v17;
	v18 =	vsel vm9, $0x4A4B, v18  }
0x28: {  	v19 =	vsel vm9, $0x4E33, v19;
	v20 =	vsel vm9, $0x61C1, v20;
	v21 =	vsel vm9, $0x65A9, v21  }
0x29: {  	v1 =	vsel vm8, $0x5606, v1;
	v2 =	vsel vm8, $0x59EE, v2;
	v6 =	vsel vm8, $0x7D2, v6  }
0x2a: {  	v7 =	vsel vm8, $0xBBA, v7;
	v8 =	vsel vm8, $0x4662, v8;
	v9 =	vsel vm8, $0x4A4A, v9  }
0x2b: {  	v10 =	vsel vm8, $0x5DD8, v10;
	v11 =	vsel vm8, $0x61C0, v11;
	v16 =	vsel vm8, $0xFA4, v16  }
0x2c: {  	v17 =	vsel vm8, $0x138C, v17;
	v18 =	vsel vm8, $0x4E34, v18;
	v19 =	vsel vm8, $0x521C, v19  }
0x2d: {  	v20 =	vsel vm8, $0x0, v20;
	v21 =	vsel vm8, $0x3E8, v21;
	v1 =	vsel vm7, $0x59EF, v1  }
0x2e: {  	v2 =	vsel vm7, $0x5DD7, v2;
	v6 =	vsel vm7, $0xBBB, v6;
	v7 =	vsel vm7, $0xFA3, v7  }
0x2f: {  	v8 =	vsel vm7, $0x4A4B, v8;
	v9 =	vsel vm7, $0x4E33, v9;
	v10 =	vsel vm7, $0x61C1, v10  }
0x30: {  	v11 =	vsel vm7, $0x65A9, v11;
	v16 =	vsel vm7, $0x138D, v16;
	v17 =	vsel vm7, $0x1775, v17  }
0x31: {  	v18 =	vsel vm7, $0x521D, v18;
	v19 =	vsel vm7, $0x5605, v19;
	v20 =	vsel vm7, $0x3E9, v20  }
0x32: {  	v21 =	vsel vm7, $0x7D1, v21;
	v1 =	vsel vm6, $0x5DD8, v1;
	v2 =	vsel vm6, $0x61C0, v2  }
0x33: {  	v6 =	vsel vm6, $0xFA4, v6;
	v7 =	vsel vm6, $0x138C, v7;
	v8 =	vsel vm6, $0x4E34, v8  }
0x34: {  	v9 =	vsel vm6, $0x521C, v9;
	v10 =	vsel vm6, $0x0, v10;
	v11 =	vsel vm6, $0x3E8, v11  }
0x35: {  	v16 =	vsel vm6, $0x1776, v16;
	v17 =	vsel vm6, $0x1B5E, v17;
	v18 =	vsel vm6, $0x5606, v18  }
0x36: {  	v19 =	vsel vm6, $0x59EE, v19;
	v20 =	vsel vm6, $0x7D2, v20;
	v21 =	vsel vm6, $0xBBA, v21  }
0x37: {  	v1 =	vsel vm5, $0x61C1, v1;
	v2 =	vsel vm5, $0x65A9, v2;
	v6 =	vsel vm5, $0x138D, v6  }
0x38: {  	v7 =	vsel vm5, $0x1775, v7;
	v8 =	vsel vm5, $0x521D, v8;
	v9 =	vsel vm5, $0x5605, v9  }
0x39: {  	s1 =	rddreg [dreg:$0x0];
	v10 =	vsel vm5, $0x3E9, v10;
	v11 =	vsel vm5, $0x7D1, v11;
	v16 =	vsel vm5, $0x1B5F, v16  }
0x3a: {  	s2 =	srdreg.scid;
	s8 =	stileid.u32;
	v17 =	vsel vm5, $0x1F47, v17;
	v18 =	vsel vm5, $0x59EF, v18;
	v19 =	vsel vm5, $0x5DD7, v19  }
0x3b: {  	s0 =	rddreg [dreg:$0x1];
	s5 =	simm.s32 $0x0;
	s15 =	simm.s32 $0x68;
	v20 =	vsel vm5, $0xBBB, v20;
	v21 =	vsel vm5, $0xFA3, v21;
	v1 =	vsel vm4, $0x0, v1  }
0x3c: {  	s28 =	simm.s32 $0x13800;
	s30 =	simm.s32 $0x16C00;
	s13 =	simm.s32 $0x1A000;
	v2 =	vsel vm4, $0x3E8, v2;
	v6 =	vsel vm4, $0x1776, v6;
	v7 =	vsel vm4, $0x1B5E, v7  }
0x3d: {  	s31 =	simm.s32 $0x1;
	s11 =	simm.s32 $0x4100;
	s10 =	simm.s32 $0x4E00;
	v8 =	vsel vm4, $0x5606, v8;
	v9 =	vsel vm4, $0x59EE, v9;
	v10 =	vsel vm4, $0x7D2, v10  }
0x3e: {  	s12 =	simm.s32 $0x5B00;
	s14 =	simm.s32 $0x8200;
	s29 =	simm.s32 $0x4;
	v11 =	vsel vm4, $0xBBA, v11;
	v16 =	vsel vm4, $0x1F48, v16;
	v17 =	vsel vm4, $0x2330, v17  }
0x3f: {  	s9 =	simm.s32 $0x0;
	s2 =	sand.u32 $0x1, s2;
	s3 =	sshll.u32 s8, $0x1;
	v18 =	vsel vm4, $0x5DD8, v18;
	v19 =	vsel vm4, $0x61C0, v19;
	v20 =	vsel vm4, $0xFA4, v20  }
0x40: {  	[smem:$0x7FF] =	sst s5;
	s8 =	sshll.u32 s8, $0xA;
	s4 =	sor.u32 s2, s3;
	v21 =	vsel vm4, $0x138C, v21;
	v1 =	vsel vm3, $0x3E9, v1;
	v2 =	vsel vm3, $0x7D1, v2  }
0x41: {  	_ =	strace $0x80000047;
	s6 =	ssub.s32 $0x2, s2;
	s16 =	smul.u32 $0x680, s4;
	v6 =	vsel vm3, $0x1B5F, v6;
	v7 =	vsel vm3, $0x1F47, v7;
	v8 =	vsel vm3, $0x59EF, v8  }
0x42: {  	s3 =	sadd.s32 $0xD600, s1;
	s2 =	sshll.u32 s2, $0x9;
	s7 =	smul.u32 $0x34000, s4;
	v9 =	vsel vm3, $0x5DD7, v9;
	v12 =	vsel vm3, $0xBBB, v10;
	v10 =	vadd.s32 $0x7D2, v0  }
0x43: {  	s17 =	sshrl.u32 s6, $0x1;
	s4 =	smul.u32 $0x1A0000, s4;
	s2 =	sor.u32 s2, s8;
	v13 =	vsel vm3, $0xFA3, v11;
	v11 =	vadd.s32 $0xBBA, v0;
	v16 =	vsel vm3, $0x2331, v16  }
0x44: {  	s5 =	ssub.s32 s6, s17;
	s19 =	sor.u32 $0x18, s2;
	s20 =	sor.u32 $0x10, s2;
	v17 =	vsel vm3, $0x2719, v17;
	v18 =	vsel vm3, $0x61C1, v18;
	v19 =	vsel vm3, $0x65A9, v19  }
0x45: {  	s21 =	sor.u32 $0x8, s2;
	s2 =	sor.u32 $0x20, s2;
	s17 =	simm.s32 $0x6800;
	v20 =	vsel vm3, $0x138D, v20;
	v21 =	vsel vm3, $0x1775, v21;
	v3 =	vsel vm2, $0x7D2, v1  }
0x46: {  	s1 =	sadd.s32 s16, s1;
	s18 =	sadd.s32 s0, s7;
	s4 =	sshrl.u32 s4, $0x3;
	v1 =	vadd.s32 $0x3E8, v0;
	v4 =	vsel vm2, $0xBBA, v2;
	v6 =	vsel vm2, $0x1F48, v6  }
0x47: {  	s6 =	sshrl.u32 s20, $0x3;
	s7 =	sshrl.u32 s21, $0x3;
	s2 =	sshrl.u32 s2, $0x3;
	v7 =	vsel vm2, $0x2330, v7;
	v8 =	vsel vm2, $0x5DD8, v8;
	v9 =	vsel vm2, $0x61C0, v9  }
0x48: {  	s24 =	smax.u32 s5, $0x1;
	s16 =	simm.s32 $0x3400;
	s21 =	simm.s32 $0x9C00;
	v12 =	vsel vm2, $0xFA4, v12;
	v13 =	vsel vm2, $0x138C, v13;
	v16 =	vsel vm2, $0x271A, v16  }
0x49: {  	s5 =	simm.s32 $0x6;
	s1 =	sadd.s32 $0x600, s1;
	s6 =	smul.u32 $0xD00, s6;
	v17 =	vsel vm2, $0x2B02, v17;
	v18 =	vsel vm2, $0x0, v18;
	v19 =	vsel vm2, $0x3E8, v19  }
0x4a: {  	[dreg:$0x4] =	wrdreg s18;
	s4 =	sadd.s32 s0, s4;
	s7 =	smul.u32 $0xD00, s7;
	v22 =	vsel vm2, $0x1776, v20;
	v20 =	vadd.s32 $0xFA4, v0;
	v23 =	vsel vm2, $0x1B5E, v21  }
0x4b: {  	s2 =	smul.u32 $0xD00, s2;
	[dreg:$0x8] =	wrdreg s24;
	s18 =	simm.s32 $0x7500;
	v21 =	vadd.s32 $0x138C, v0;
	v3 =	vsel vm0, $0xBBB, v3;
	v6 =	vsel vm0, $0x2331, v6  }
0x4c: {  	[dreg:$0x3] =	wrdreg s1;
	s1 =	sshrl.u32 s19, $0x3;
	s22 =	sadd.s32 $0x31900, s4;
	v7 =	vsel vm0, $0x2719, v7;
	v8 =	vsel vm0, $0x61C1, v8;
	v9 =	vsel vm0, $0x65A9, v9  }
0x4d: {  	s23 =	sadd.s32 $0x32600, s4;
	s4 =	sadd.s32 $0x33300, s4;
	[dreg:$0x5] =	wrdreg s22;
	v12 =	vsel vm0, $0x138D, v12;
	v13 =	vsel vm0, $0x1775, v13;
	v16 =	vsel vm0, $0x2B03, v16  }
0x4e: {  	s19 =	simm.s32 $0x8F00;
	s1 =	smul.u32 $0xD00, s1;
	[dreg:$0x6] =	wrdreg s23;
	v17 =	vsel vm0, $0x2EEB, v17;
	v18 =	vsel vm0, $0x3E9, v18;
	v19 =	vsel vm0, $0x7D1, v19  }
0x4f: {  	[dreg:$0x7] =	wrdreg s4;
	s25 =	sadd.s32 s6, s0;
	s26 =	sadd.s32 s7, s0;
	v22 =	vsel vm0, $0x1B5F, v22;
	v23 =	vsel vm0, $0x1F47, v23;
	v2 =	vsel vm1, $0xFA4, v3  }
0x50: {  	s23 =	simm.s32 $0xD000;
	s4 =	simm.s32 $0x2;
	[dreg:$0xa] =	wrdreg s25;
	v3 =	vsel vm0, $0xFA3, v4;
	v4 =	vadd.s32 $0x1776, v0;
	v6 =	vsel vm1, $0x271A, v6  }
0x51: {  	s6 =	simm.s32 $0x3;
	s7 =	simm.s32 $0x8;
	[dreg:$0xb] =	wrdreg s26;
	v7 =	vsel vm1, $0x2B02, v7;
	v8 =	vsel vm1, $0x0, v8;
	v9 =	vsel vm1, $0x3E8, v9  }
0x52: {  	s25 =	simm.s32 $0x10400;
	s26 =	simm.s32 $0x7;
	s1 =	sadd.s32 s1, s0;
	v12 =	vsel vm1, $0x1776, v12;
	v13 =	vsel vm1, $0x1B5E, v13;
	v16 =	vsel vm1, $0x2EEC, v16  }
0x53: {  	s0 =	sadd.s32 s2, s0;
	s2 =	simm.s32 $0x5;
	[dreg:$0x9] =	wrdreg s1;
	v17 =	vsel vm1, $0x32D4, v17;
	v18 =	vsel vm1, $0x7D2, v18;
	v19 =	vsel vm1, $0xBBA, v19  }
0x54: {  	[dreg:$0xc] =	wrdreg s0;
	s1 =	simm.s32 $0x80;
	s0 =	simm.s32 $0x400;
	v22 =	vsel vm1, $0x1F48, v22;
	v23 =	vsel vm1, $0x2330, v23;
	v3 =	vsel vm1, $0x138C, v3  }
.LBB2_1:
0x55: {  	[dreg:$0xd] =	wrdreg s9  }
0x56: {  	s8 =	simm.s32 $0x0;
	s22 =	rddreg [dreg:$0x3];
	s24 =	simm.s32 $0x9  }
0x57: {  	[tilespmem:s8], [sflag:$0x9] =	stream.linear.gather [hbm4b:s22+s8], $0x3400, $0x38;
	[tilespmem:$0x1D400] =	vst v63  }
0x58: {  	_ =	swait.ge [sflag:s24], $0x3400  }
0x59: {  	[sflag:s24] =	ssyncset.done $0x0  }
0x5a: {  	[sflag:s24] =	ssyncadd.s32 $0xFFFFCC00  }
0x5b: {  	v26 =	vld [tilespmem:$0x0]  }
0x5c: {  	v27 =	vld [tilespmem:$0x10]  }
0x5d: {  	v28 =	vld [tilespmem:$0x20]  }
0x5e: {  	v29 =	vld [tilespmem:$0x30]  }
0x5f: {  	v30 =	vld [tilespmem:$0x40]  }
0x60: {  	v31 =	vld [tilespmem:$0x50];
	vm0 =	veq.s32 v26, $0xFFFFFFFF;
	v26 =	vadd.s32 v0, v26  }
0x61: {  	v32 =	vld [tilespmem:$0x60];
	vm13 =	veq.s32 v27, $0xFFFFFFFF;
	v27 =	vadd.s32 v2, v27;
	v26 =	vsel vm0, v1, v26  }
0x62: {  	v47 =	vld [tilespmem:$0x70];
	vm14 =	veq.s32 v28, $0xFFFFFFFF;
	[tilespmem:$0x0] =	vst v26;
	v26 =	vsel vm13, v3, v27;
	v27 =	vadd.s32 v4, v28  }
0x63: {  	v48 =	vld [tilespmem:$0x80];
	vm15 =	veq.s32 v29, $0xFFFFFFFF;
	[tilespmem:$0x10] =	vst v26;
	v26 =	vsel vm14, v5, v27;
	v27 =	vadd.s32 v6, v29  }
0x64: {  	v49 =	vld [tilespmem:$0x90];
	vm4 =	veq.s32 v30, $0xFFFFFFFF;
	[tilespmem:$0x20] =	vst v26;
	v26 =	vsel vm15, v7, v27;
	v27 =	vadd.s32 v8, v30  }
0x65: {  	v50 =	vld [tilespmem:$0xA0];
	vm5 =	veq.s32 v31, $0xFFFFFFFF;
	[tilespmem:$0x30] =	vst v26;
	v26 =	vsel vm4, v9, v27;
	v27 =	vadd.s32 v10, v31  }
0x66: {  	v51 =	vld [tilespmem:$0xB0];
	vm6 =	veq.s32 v32, $0xFFFFFFFF;
	[tilespmem:$0x40] =	vst v26;
	v26 =	vsel vm5, v11, v27;
	v27 =	vadd.s32 v12, v32  }
0x67: {  	v52 =	vld [tilespmem:$0xC0];
	vm7 =	veq.s32 v47, $0xFFFFFFFF;
	[tilespmem:$0x50] =	vst v26;
	v26 =	vsel vm6, v13, v27;
	v27 =	vadd.s32 v14, v47  }
0x68: {  	v53 =	vld [tilespmem:$0xD0];
	vm8 =	veq.s32 v48, $0xFFFFFFFF;
	[tilespmem:$0x60] =	vst v26;
	v26 =	vsel vm7, v15, v27;
	v27 =	vadd.s32 v16, v48  }
0x69: {  	v54 =	vld [tilespmem:$0xE0];
	vm9 =	veq.s32 v49, $0xFFFFFFFF;
	[tilespmem:$0x70] =	vst v26;
	v26 =	vsel vm8, v17, v27;
	v27 =	vadd.s32 v18, v49  }
0x6a: {  	v55 =	vld [tilespmem:$0xF0];
	vm10 =	veq.s32 v50, $0xFFFFFFFF;
	[tilespmem:$0x80] =	vst v26;
	v26 =	vsel vm9, v19, v27;
	v27 =	vadd.s32 v20, v50  }
0x6b: {  	v56 =	vld [tilespmem:$0x100];
	vm11 =	veq.s32 v51, $0xFFFFFFFF;
	[tilespmem:$0x90] =	vst v26;
	v26 =	vsel vm10, v21, v27;
	v27 =	vadd.s32 v22, v51  }
0x6c: {  	v57 =	vld [tilespmem:$0x110];
	vm12 =	veq.s32 v52, $0xFFFFFFFF;
	[tilespmem:$0xA0] =	vst v26;
	v26 =	vsel vm11, v23, v27;
	v27 =	vadd.s32 v24, v52  }
0x6d: {  	v58 =	vld [tilespmem:$0x120];
	vm13 =	veq.s32 v53, $0xFFFFFFFF;
	[tilespmem:$0xB0] =	vst v26;
	v26 =	vsel vm12, v25, v27;
	v27 =	vadd.s32 v0, v53  }
0x6e: {  	v59 =	vld [tilespmem:$0x130];
	vm14 =	veq.s32 v54, $0xFFFFFFFF;
	[tilespmem:$0xC0] =	vst v26;
	v26 =	vsel vm13, v1, v27;
	v27 =	vadd.s32 v2, v54  }
0x6f: {  	v60 =	vld [tilespmem:$0x140];
	vm15 =	veq.s32 v55, $0xFFFFFFFF;
	[tilespmem:$0xD0] =	vst v26;
	v26 =	vsel vm14, v3, v27;
	v27 =	vadd.s32 v4, v55  }
0x70: {  	v61 =	vld [tilespmem:$0x150];
	vm4 =	veq.s32 v56, $0xFFFFFFFF;
	[tilespmem:$0xE0] =	vst v26;
	v26 =	vsel vm15, v5, v27;
	v27 =	vadd.s32 v6, v56  }
0x71: {  	v62 =	vld [tilespmem:$0x160];
	vm5 =	veq.s32 v57, $0xFFFFFFFF;
	[tilespmem:$0xF0] =	vst v26;
	v26 =	vsel vm4, v7, v27;
	v27 =	vadd.s32 v8, v57  }
0x72: {  	v63 =	vld [tilespmem:$0x170];
	vm6 =	veq.s32 v58, $0xFFFFFFFF;
	[tilespmem:$0x100] =	vst v26;
	v26 =	vsel vm5, v9, v27;
	v27 =	vadd.s32 v10, v58  }
0x73: {  	v36 =	vld [tilespmem:$0x180];
	vm7 =	veq.s32 v59, $0xFFFFFFFF;
	[tilespmem:$0x110] =	vst v26;
	v26 =	vsel vm6, v11, v27;
	v27 =	vadd.s32 v12, v59  }
0x74: {  	v37 =	vld [tilespmem:$0x190];
	vm8 =	veq.s32 v60, $0xFFFFFFFF;
	[tilespmem:$0x120] =	vst v26;
	v26 =	vsel vm7, v13, v27;
	v27 =	vadd.s32 v14, v60  }
0x75: {  	v38 =	vld [tilespmem:$0x1A0];
	vm9 =	veq.s32 v61, $0xFFFFFFFF;
	[tilespmem:$0x130] =	vst v26;
	v26 =	vsel vm8, v15, v27;
	v27 =	vadd.s32 v16, v61  }
0x76: {  	v39 =	vld [tilespmem:$0x1B0];
	vm10 =	veq.s32 v62, $0xFFFFFFFF;
	[tilespmem:$0x140] =	vst v26;
	v26 =	vsel vm9, v17, v27;
	v27 =	vadd.s32 v18, v62  }
0x77: {  	v40 =	vld [tilespmem:$0x1C0];
	vm11 =	veq.s32 v63, $0xFFFFFFFF;
	[tilespmem:$0x150] =	vst v26;
	v26 =	vsel vm10, v19, v27;
	v27 =	vadd.s32 v20, v63  }
0x78: {  	v41 =	vld [tilespmem:$0x1D0];
	vm12 =	veq.s32 v36, $0xFFFFFFFF;
	[tilespmem:$0x160] =	vst v26;
	v26 =	vsel vm11, v21, v27;
	v27 =	vadd.s32 v22, v36  }
0x79: {  	v42 =	vld [tilespmem:$0x1E0];
	vm13 =	veq.s32 v37, $0xFFFFFFFF;
	[tilespmem:$0x170] =	vst v26;
	v26 =	vsel vm12, v23, v27;
	v27 =	vadd.s32 v24, v37  }
0x7a: {  	v43 =	vld [tilespmem:$0x1F0];
	vm14 =	veq.s32 v38, $0xFFFFFFFF;
	[tilespmem:$0x180] =	vst v26;
	v26 =	vsel vm13, v25, v27;
	v27 =	vadd.s32 v0, v38  }
0x7b: {  	v44 =	vld [tilespmem:$0x200];
	vm15 =	veq.s32 v39, $0xFFFFFFFF;
	[tilespmem:$0x190] =	vst v26;
	v26 =	vsel vm14, v1, v27;
	v27 =	vadd.s32 v2, v39  }
0x7c: {  	v45 =	vld [tilespmem:$0x210];
	vm4 =	veq.s32 v40, $0xFFFFFFFF;
	[tilespmem:$0x1A0] =	vst v26;
	v26 =	vsel vm15, v3, v27;
	v27 =	vadd.s32 v4, v40  }
0x7d: {  	v46 =	vld [tilespmem:$0x220];
	vm5 =	veq.s32 v41, $0xFFFFFFFF;
	[tilespmem:$0x1B0] =	vst v26;
	v26 =	vsel vm4, v5, v27;
	v27 =	vadd.s32 v6, v41  }
0x7e: {  	v47 =	vld [tilespmem:$0x230];
	vm6 =	veq.s32 v42, $0xFFFFFFFF;
	[tilespmem:$0x1C0] =	vst v26;
	v26 =	vsel vm5, v7, v27;
	v27 =	vadd.s32 v8, v42  }
0x7f: {  	v48 =	vld [tilespmem:$0x240];
	vm7 =	veq.s32 v43, $0xFFFFFFFF;
	[tilespmem:$0x1D0] =	vst v26;
	v26 =	vsel vm6, v9, v27;
	v27 =	vadd.s32 v10, v43  }
0x80: {  	v49 =	vld [tilespmem:$0x250];
	vm8 =	veq.s32 v44, $0xFFFFFFFF;
	[tilespmem:$0x1E0] =	vst v26;
	v26 =	vsel vm7, v11, v27;
	v27 =	vadd.s32 v12, v44  }
0x81: {  	v50 =	vld [tilespmem:$0x260];
	vm9 =	veq.s32 v45, $0xFFFFFFFF;
	[tilespmem:$0x1F0] =	vst v26;
	v26 =	vsel vm8, v13, v27;
	v27 =	vadd.s32 v14, v45  }
0x82: {  	v51 =	vld [tilespmem:$0x270];
	vm10 =	veq.s32 v46, $0xFFFFFFFF;
	[tilespmem:$0x200] =	vst v26;
	v26 =	vsel vm9, v15, v27;
	v27 =	vadd.s32 v16, v46  }
0x83: {  	v52 =	vld [tilespmem:$0x280];
	vm11 =	veq.s32 v47, $0xFFFFFFFF;
	[tilespmem:$0x210] =	vst v26;
	v26 =	vsel vm10, v17, v27;
	v27 =	vadd.s32 v18, v47  }
0x84: {  	v53 =	vld [tilespmem:$0x290];
	vm12 =	veq.s32 v48, $0xFFFFFFFF;
	[tilespmem:$0x220] =	vst v26;
	v26 =	vsel vm11, v19, v27;
	v27 =	vadd.s32 v20, v48  }
0x85: {  	v54 =	vld [tilespmem:$0x2A0];
	vm13 =	veq.s32 v49, $0xFFFFFFFF;
	[tilespmem:$0x230] =	vst v26;
	v26 =	vsel vm12, v21, v27;
	v27 =	vadd.s32 v22, v49  }
0x86: {  	v55 =	vld [tilespmem:$0x2B0];
	vm14 =	veq.s32 v50, $0xFFFFFFFF;
	[tilespmem:$0x240] =	vst v26;
	v26 =	vsel vm13, v23, v27;
	v27 =	vadd.s32 v24, v50  }
0x87: {  	v56 =	vld [tilespmem:$0x2C0];
	vm15 =	veq.s32 v51, $0xFFFFFFFF;
	[tilespmem:$0x250] =	vst v26;
	v26 =	vsel vm14, v25, v27;
	v27 =	vadd.s32 v0, v51  }
0x88: {  	v57 =	vld [tilespmem:$0x2D0];
	vm4 =	veq.s32 v52, $0xFFFFFFFF;
	[tilespmem:$0x260] =	vst v26;
	v26 =	vsel vm15, v1, v27;
	v27 =	vadd.s32 v2, v52  }
0x89: {  	v58 =	vld [tilespmem:$0x2E0];
	vm5 =	veq.s32 v53, $0xFFFFFFFF;
	[tilespmem:$0x270] =	vst v26;
	v26 =	vsel vm4, v3, v27;
	v27 =	vadd.s32 v4, v53  }
0x8a: {  	v59 =	vld [tilespmem:$0x2F0];
	vm6 =	veq.s32 v54, $0xFFFFFFFF;
	[tilespmem:$0x280] =	vst v26;
	v26 =	vsel vm5, v5, v27;
	v27 =	vadd.s32 v6, v54  }
0x8b: {  	v60 =	vld [tilespmem:$0x300];
	vm7 =	veq.s32 v55, $0xFFFFFFFF;
	[tilespmem:$0x290] =	vst v26;
	v26 =	vsel vm6, v7, v27;
	v27 =	vadd.s32 v8, v55  }
0x8c: {  	v61 =	vld [tilespmem:$0x310];
	vm8 =	veq.s32 v56, $0xFFFFFFFF;
	[tilespmem:$0x2A0] =	vst v26;
	v26 =	vsel vm7, v9, v27;
	v27 =	vadd.s32 v10, v56  }
0x8d: {  	v62 =	vld [tilespmem:$0x320];
	vm9 =	veq.s32 v57, $0xFFFFFFFF;
	[tilespmem:$0x2B0] =	vst v26;
	v26 =	vsel vm8, v11, v27;
	v27 =	vadd.s32 v12, v57  }
0x8e: {  	v63 =	vld [tilespmem:$0x330];
	vm10 =	veq.s32 v58, $0xFFFFFFFF;
	[tilespmem:$0x2C0] =	vst v26;
	v26 =	vsel vm9, v13, v27;
	v27 =	vadd.s32 v14, v58  }
0x8f: {  	vm11 =	veq.s32 v59, $0xFFFFFFFF;
	[tilespmem:$0x2D0] =	vst v26;
	v26 =	vsel vm10, v15, v27;
	v27 =	vadd.s32 v16, v59  }
0x90: {  	vm12 =	veq.s32 v60, $0xFFFFFFFF;
	[tilespmem:$0x2E0] =	vst v26;
	v26 =	vsel vm11, v17, v27;
	v27 =	vadd.s32 v18, v60  }
0x91: {  	vm13 =	veq.s32 v61, $0xFFFFFFFF;
	[tilespmem:$0x2F0] =	vst v26;
	v26 =	vsel vm12, v19, v27;
	v27 =	vadd.s32 v20, v61  }
0x92: {  	vm14 =	veq.s32 v62, $0xFFFFFFFF;
	[tilespmem:$0x300] =	vst v26;
	v26 =	vsel vm13, v21, v27;
	v27 =	vadd.s32 v22, v62  }
0x93: {  	vm15 =	veq.s32 v63, $0xFFFFFFFF;
	[tilespmem:$0x310] =	vst v26;
	v26 =	vsel vm14, v23, v27;
	v27 =	vadd.s32 v24, v63  }
0x94: {  	[tilespmem:$0x320] =	vst v26;
	v26 =	vsel vm15, v25, v27  }
0x95: {  	[tilespmem:$0x330] =	vst v26  }
0x96: {  	[tilespmem:s16], [sflag:$0x1] =	stream.indirect.gather [hbm4b:s3+s15], $0x80, s8, s15, $0xb8;
	[tilespmem:$0x1D400] =	vst v63  }
0x97: {  	_ = 	snop  }
0x98: {  	[tilespmem:s17], [sflag:$0x1] =	stream.indirect.gather [hbm4b:s3+s15], $0x80, s15, s15, $0xb8;
	[tilespmem:$0x1D400] =	vst v63  }
0x99: {  	s20 =	simm.s32 $0xD0  }
0x9a: {  	[tilespmem:s21], [sflag:$0x2] =	stream.indirect.gather [hbm4b:s3+s15], $0x80, s20, s15, $0xb8;
	[tilespmem:$0x1D400] =	vst v63  }
0x9b: {  	s22 =	simm.s32 $0x138  }
0x9c: {  	[tilespmem:s23], [sflag:$0x2] =	stream.indirect.gather [hbm4b:s3+s15], $0x80, s22, s15, $0xb8;
	[tilespmem:$0x1D400] =	vst v63  }
0x9d: {  	s24 =	simm.s32 $0x1A0  }
0x9e: {  	[tilespmem:s25], [sflag:$0x3] =	stream.indirect.gather [hbm4b:s3+s15], $0x80, s24, s15, $0xb8;
	[tilespmem:$0x1D400] =	vst v63  }
0x9f: {  	s25 =	simm.s32 $0x208  }
0xa0: {  	[tilespmem:s28], [sflag:$0x3] =	stream.indirect.gather [hbm4b:s3+s15], $0x80, s25, s15, $0xb8;
	[tilespmem:$0x1D400] =	vst v63  }
0xa1: {  	s28 =	simm.s32 $0x270  }
0xa2: {  	[tilespmem:s30], [sflag:$0x4] =	stream.indirect.gather [hbm4b:s3+s15], $0x80, s28, s15, $0xb8;
	[tilespmem:$0x1D400] =	vst v63  }
0xa3: {  	s9 =	simm.s32 $0x2D8  }
0xa4: {  	[tilespmem:s13], [sflag:$0x4] =	stream.indirect.gather [hbm4b:s3+s15], $0x80, s9, s15, $0xb8;
	[tilespmem:$0x1D400] =	vst v63  }
0xa5: {  	_ =	swait.ge [sflag:s31], $0x3400  }
0xa6: {  	[sflag:s31] =	ssyncset.done $0x0  }
0xa7: {  	[sflag:s31] =	ssyncadd.s32 $0xFFFFCC00  }
0xa8: {  	_ =	swait.ge [sflag:s31], $0x3400  }
0xa9: {  	[sflag:s31] =	ssyncset.done $0x0  }
0xaa: {  	s20 =	rddreg [dreg:$0x4];
	[sflag:s31] =	ssyncadd.s32 $0xFFFFCC00  }
0xab: {  	[hbm4b:s20+s1] =	stream.strided.scatter [tilespmem:s16], [sflag:$0x5], $0xD00, s0, s1, $0x38;
	[tilespmem:$0x1D400] =	vst v63  }
0xac: {  	s21 =	sadd.s32 $0x10, s20  }
0xad: {  	[hbm4b:s21+s1] =	stream.strided.scatter [tilespmem:s11], [sflag:$0x5], $0xD00, s0, s1, $0x38;
	[tilespmem:$0x1D400] =	vst v63  }
0xae: {  	s22 =	sadd.s32 $0x20, s20  }
0xaf: {  	[hbm4b:s22+s1] =	stream.strided.scatter [tilespmem:s10], [sflag:$0x5], $0xD00, s0, s1, $0x38;
	[tilespmem:$0x1D400] =	vst v63  }
0xb0: {  	s23 =	sadd.s32 $0x30, s20  }
0xb1: {  	[hbm4b:s23+s1] =	stream.strided.scatter [tilespmem:s12], [sflag:$0x5], $0xD00, s0, s1, $0x38;
	[tilespmem:$0x1D400] =	vst v63  }
0xb2: {  	s24 =	sadd.s32 $0x40, s20;
	s25 =	sadd.s32 $0x50, s20  }
0xb3: {  	[hbm4b:s24+s1] =	stream.strided.scatter [tilespmem:s17], [sflag:$0x5], $0xD00, s0, s1, $0x38;
	[tilespmem:$0x1D400] =	vst v63  }
0xb4: {  	s28 =	sadd.s32 $0x60, s20;
	s30 =	sadd.s32 $0x70, s20;
	s20 =	rddreg [dreg:$0xb]  }
0xb5: {  	[hbm4b:s25+s1] =	stream.strided.scatter [tilespmem:s18], [sflag:$0x5], $0xD00, s0, s1, $0x38;
	[tilespmem:$0x1D400] =	vst v63  }
0xb6: {  	s8 =	simm.s32 $0x340;
	s9 =	simm.s32 $0x0;
	s22 =	rddreg [dreg:$0xa]  }
0xb7: {  	[hbm4b:s28+s1] =	stream.strided.scatter [tilespmem:s14], [sflag:$0x5], $0xD00, s0, s1, $0x38;
	[tilespmem:$0x1D400] =	vst v63  }
0xb8: {  	s12 =	simm.s32 $0x4E00;
	s24 =	rddreg [dreg:$0x9];
	s17 =	simm.s32 $0x3400  }
0xb9: {  	[hbm4b:s30+s1] =	stream.strided.scatter [tilespmem:s19], [sflag:$0x5], $0xD00, s0, s1, $0x38;
	[tilespmem:$0x1D400] =	vst v63  }
0xba: {  	s18 =	rddreg [dreg:$0xc];
	s14 =	simm.s32 $0x7500;
	s19 =	simm.s32 $0x6800  }
.LBB2_2:
0xbb: {  	s10 =	sshra.s32 s9, $0x2  }
0xbc: {  	v26 =	vld [tilespmem:s10+$0x340]  }
0xbd: {  	v27 =	vld [tilespmem:s10+$0x350]  }
0xbe: {  	v28 =	vld [tilespmem:s10+$0x360]  }
0xbf: {  	v29 =	vld [tilespmem:s10+$0x370]  }
0xc0: {  	v30 =	vld [tilespmem:s10+$0x380]  }
0xc1: {  	v31 =	vld [tilespmem:s10+$0x390];
	vm0 =	veq.s32 v26, $0xFFFFFFFF;
	v26 =	vadd.s32 v0, v26  }
0xc2: {  	v32 =	vld [tilespmem:s10+$0x3A0];
	vm13 =	veq.s32 v27, $0xFFFFFFFF;
	v27 =	vadd.s32 v2, v27;
	v26 =	vsel vm0, v1, v26  }
0xc3: {  	v37 =	vld [tilespmem:s10+$0x3B0];
	vm14 =	veq.s32 v28, $0xFFFFFFFF;
	[tilespmem:s10+$0x340] =	vst v26;
	v26 =	vsel vm13, v3, v27;
	v27 =	vadd.s32 v4, v28  }
0xc4: {  	vm15 =	veq.s32 v29, $0xFFFFFFFF;
	[tilespmem:s10+$0x350] =	vst v26;
	v26 =	vsel vm14, v5, v27;
	v27 =	vadd.s32 v6, v29  }
0xc5: {  	vm4 =	veq.s32 v30, $0xFFFFFFFF;
	[tilespmem:s10+$0x360] =	vst v26;
	v26 =	vsel vm15, v7, v27;
	v27 =	vadd.s32 v8, v30  }
0xc6: {  	vm5 =	veq.s32 v31, $0xFFFFFFFF;
	[tilespmem:s10+$0x370] =	vst v26;
	v26 =	vsel vm4, v9, v27;
	v27 =	vadd.s32 v10, v31  }
0xc7: {  	vm6 =	veq.s32 v32, $0xFFFFFFFF;
	[tilespmem:s10+$0x380] =	vst v26;
	v26 =	vsel vm5, v11, v27;
	v27 =	vadd.s32 v12, v32  }
0xc8: {  	vm7 =	veq.s32 v37, $0xFFFFFFFF;
	[tilespmem:s10+$0x390] =	vst v26;
	v26 =	vsel vm6, v13, v27;
	v27 =	vadd.s32 v14, v37  }
0xc9: {  	[tilespmem:s10+$0x3A0] =	vst v26;
	v26 =	vsel vm7, v15, v27  }
0xca: {  	s11 =	sand.u32 $0x3FC0, s8;
	[tilespmem:s10+$0x3B0] =	vst v26  }
0xcb: {  	v26 =	vld [tilespmem:s11+$0x80];
	_ =	sdelay $0x4  }
0xcc: {  	vm8 =	veq.s32 v26, $0xFFFFFFFF;
	v26 =	vadd.s32 v16, v26  }
0xcd: {  	v26 =	vsel vm8, v17, v26  }
0xce: {  	[tilespmem:s11+$0x80] =	vst v26  }
0xcf: {  	v26 =	vld [tilespmem:s10+$0x3D0]  }
0xd0: {  	v27 =	vld [tilespmem:s10+$0x3E0]  }
0xd1: {  	v38 =	vld [tilespmem:s10+$0x3F0]  }
0xd2: {  	v39 =	vld [tilespmem:s10+$0x400]  }
0xd3: {  	v40 =	vld [tilespmem:s10+$0x410]  }
0xd4: {  	v41 =	vld [tilespmem:s10+$0x420];
	vm9 =	veq.s32 v26, $0xFFFFFFFF;
	v26 =	vadd.s32 v18, v26  }
0xd5: {  	v42 =	vld [tilespmem:s10+$0x430];
	vm10 =	veq.s32 v27, $0xFFFFFFFF;
	v27 =	vadd.s32 v20, v27;
	v26 =	vsel vm9, v19, v26  }
0xd6: {  	vm11 =	veq.s32 v38, $0xFFFFFFFF;
	[tilespmem:s10+$0x3D0] =	vst v26;
	v26 =	vsel vm10, v21, v27;
	v27 =	vadd.s32 v22, v38  }
0xd7: {  	vm12 =	veq.s32 v39, $0xFFFFFFFF;
	[tilespmem:s10+$0x3E0] =	vst v26;
	v26 =	vsel vm11, v23, v27;
	v27 =	vadd.s32 v24, v39  }
0xd8: {  	vm13 =	veq.s32 v40, $0xFFFFFFFF;
	[tilespmem:s10+$0x3F0] =	vst v26;
	v26 =	vsel vm12, v25, v27;
	v27 =	vadd.s32 v0, v40  }
0xd9: {  	vm14 =	veq.s32 v41, $0xFFFFFFFF;
	[tilespmem:s10+$0x400] =	vst v26;
	v26 =	vsel vm13, v1, v27;
	v27 =	vadd.s32 v2, v41  }
0xda: {  	vm15 =	veq.s32 v42, $0xFFFFFFFF;
	[tilespmem:s10+$0x410] =	vst v26;
	v26 =	vsel vm14, v3, v27;
	v27 =	vadd.s32 v4, v42  }
0xdb: {  	[tilespmem:s10+$0x420] =	vst v26;
	v26 =	vsel vm15, v5, v27  }
0xdc: {  	[tilespmem:s10+$0x430] =	vst v26  }
0xdd: {  	v26 =	vld [tilespmem:s11+$0x100];
	_ =	sdelay $0x4  }
0xde: {  	vm4 =	veq.s32 v26, $0xFFFFFFFF;
	v26 =	vadd.s32 v6, v26  }
0xdf: {  	v26 =	vsel vm4, v7, v26  }
0xe0: {  	[tilespmem:s11+$0x100] =	vst v26  }
0xe1: {  	v26 =	vld [tilespmem:s10+$0x450]  }
0xe2: {  	v27 =	vld [tilespmem:s10+$0x460]  }
0xe3: {  	v43 =	vld [tilespmem:s10+$0x470]  }
0xe4: {  	v44 =	vld [tilespmem:s10+$0x480]  }
0xe5: {  	v45 =	vld [tilespmem:s10+$0x490]  }
0xe6: {  	v46 =	vld [tilespmem:s10+$0x4A0];
	vm5 =	veq.s32 v26, $0xFFFFFFFF;
	v26 =	vadd.s32 v8, v26  }
0xe7: {  	v47 =	vld [tilespmem:s10+$0x4B0];
	vm6 =	veq.s32 v27, $0xFFFFFFFF;
	v27 =	vadd.s32 v10, v27;
	v26 =	vsel vm5, v9, v26  }
0xe8: {  	vm7 =	veq.s32 v43, $0xFFFFFFFF;
	[tilespmem:s10+$0x450] =	vst v26;
	v26 =	vsel vm6, v11, v27;
	v27 =	vadd.s32 v12, v43  }
0xe9: {  	vm8 =	veq.s32 v44, $0xFFFFFFFF;
	[tilespmem:s10+$0x460] =	vst v26;
	v26 =	vsel vm7, v13, v27;
	v27 =	vadd.s32 v14, v44  }
0xea: {  	vm9 =	veq.s32 v45, $0xFFFFFFFF;
	[tilespmem:s10+$0x470] =	vst v26;
	v26 =	vsel vm8, v15, v27;
	v27 =	vadd.s32 v16, v45  }
0xeb: {  	vm10 =	veq.s32 v46, $0xFFFFFFFF;
	[tilespmem:s10+$0x480] =	vst v26;
	v26 =	vsel vm9, v17, v27;
	v27 =	vadd.s32 v18, v46  }
0xec: {  	vm11 =	veq.s32 v47, $0xFFFFFFFF;
	[tilespmem:s10+$0x490] =	vst v26;
	v26 =	vsel vm10, v19, v27;
	v27 =	vadd.s32 v20, v47  }
0xed: {  	[tilespmem:s10+$0x4A0] =	vst v26;
	v26 =	vsel vm11, v21, v27  }
0xee: {  	[tilespmem:s10+$0x4B0] =	vst v26  }
0xef: {  	v26 =	vld [tilespmem:s11+$0x180];
	_ =	sdelay $0x4  }
0xf0: {  	vm12 =	veq.s32 v26, $0xFFFFFFFF;
	v26 =	vadd.s32 v22, v26  }
0xf1: {  	v26 =	vsel vm12, v23, v26  }
0xf2: {  	[tilespmem:s11+$0x180] =	vst v26  }
0xf3: {  	v26 =	vld [tilespmem:s10+$0x4D0]  }
0xf4: {  	v27 =	vld [tilespmem:s10+$0x4E0]  }
0xf5: {  	v48 =	vld [tilespmem:s10+$0x4F0]  }
0xf6: {  	v49 =	vld [tilespmem:s10+$0x500]  }
0xf7: {  	v50 =	vld [tilespmem:s10+$0x510]  }
0xf8: {  	v51 =	vld [tilespmem:s10+$0x520];
	vm13 =	veq.s32 v26, $0xFFFFFFFF;
	v26 =	vadd.s32 v24, v26  }
0xf9: {  	v52 =	vld [tilespmem:s10+$0x530];
	vm14 =	veq.s32 v27, $0xFFFFFFFF;
	v27 =	vadd.s32 v0, v27;
	v26 =	vsel vm13, v25, v26  }
0xfa: {  	vm15 =	veq.s32 v48, $0xFFFFFFFF;
	[tilespmem:s10+$0x4D0] =	vst v26;
	v26 =	vsel vm14, v1, v27;
	v27 =	vadd.s32 v2, v48  }
0xfb: {  	vm4 =	veq.s32 v49, $0xFFFFFFFF;
	[tilespmem:s10+$0x4E0] =	vst v26;
	v26 =	vsel vm15, v3, v27;
	v27 =	vadd.s32 v4, v49  }
0xfc: {  	vm5 =	veq.s32 v50, $0xFFFFFFFF;
	[tilespmem:s10+$0x4F0] =	vst v26;
	v26 =	vsel vm4, v5, v27;
	v27 =	vadd.s32 v6, v50  }
0xfd: {  	vm6 =	veq.s32 v51, $0xFFFFFFFF;
	[tilespmem:s10+$0x500] =	vst v26;
	v26 =	vsel vm5, v7, v27;
	v27 =	vadd.s32 v8, v51  }
0xfe: {  	vm7 =	veq.s32 v52, $0xFFFFFFFF;
	[tilespmem:s10+$0x510] =	vst v26;
	v26 =	vsel vm6, v9, v27;
	v27 =	vadd.s32 v10, v52  }
0xff: {  	[tilespmem:s10+$0x520] =	vst v26;
	v26 =	vsel vm7, v11, v27  }
0x100: {  	[tilespmem:s10+$0x530] =	vst v26  }
0x101: {  	v26 =	vld [tilespmem:s11+$0x200];
	_ =	sdelay $0x4  }
0x102: {  	vm8 =	veq.s32 v26, $0xFFFFFFFF;
	v26 =	vadd.s32 v12, v26  }
0x103: {  	v26 =	vsel vm8, v13, v26  }
0x104: {  	[tilespmem:s11+$0x200] =	vst v26  }
0x105: {  	v26 =	vld [tilespmem:s10+$0x550]  }
0x106: {  	v27 =	vld [tilespmem:s10+$0x560]  }
0x107: {  	v53 =	vld [tilespmem:s10+$0x570]  }
0x108: {  	v54 =	vld [tilespmem:s10+$0x580]  }
0x109: {  	v55 =	vld [tilespmem:s10+$0x590]  }
0x10a: {  	v56 =	vld [tilespmem:s10+$0x5A0];
	vm9 =	veq.s32 v26, $0xFFFFFFFF;
	v26 =	vadd.s32 v14, v26  }
0x10b: {  	v57 =	vld [tilespmem:s10+$0x5B0];
	vm10 =	veq.s32 v27, $0xFFFFFFFF;
	v27 =	vadd.s32 v16, v27;
	v26 =	vsel vm9, v15, v26  }
0x10c: {  	vm11 =	veq.s32 v53, $0xFFFFFFFF;
	[tilespmem:s10+$0x550] =	vst v26;
	v26 =	vsel vm10, v17, v27;
	v27 =	vadd.s32 v18, v53  }
0x10d: {  	vm12 =	veq.s32 v54, $0xFFFFFFFF;
	[tilespmem:s10+$0x560] =	vst v26;
	v26 =	vsel vm11, v19, v27;
	v27 =	vadd.s32 v20, v54  }
0x10e: {  	vm13 =	veq.s32 v55, $0xFFFFFFFF;
	[tilespmem:s10+$0x570] =	vst v26;
	v26 =	vsel vm12, v21, v27;
	v27 =	vadd.s32 v22, v55  }
0x10f: {  	vm14 =	veq.s32 v56, $0xFFFFFFFF;
	[tilespmem:s10+$0x580] =	vst v26;
	v26 =	vsel vm13, v23, v27;
	v27 =	vadd.s32 v24, v56  }
0x110: {  	vm15 =	veq.s32 v57, $0xFFFFFFFF;
	[tilespmem:s10+$0x590] =	vst v26;
	v26 =	vsel vm14, v25, v27;
	v27 =	vadd.s32 v0, v57  }
0x111: {  	[tilespmem:s10+$0x5A0] =	vst v26;
	v26 =	vsel vm15, v1, v27  }
0x112: {  	[tilespmem:s10+$0x5B0] =	vst v26  }
0x113: {  	v26 =	vld [tilespmem:s11+$0x280];
	_ =	sdelay $0x4  }
0x114: {  	vm4 =	veq.s32 v26, $0xFFFFFFFF;
	v26 =	vadd.s32 v2, v26  }
0x115: {  	v26 =	vsel vm4, v3, v26  }
0x116: {  	[tilespmem:s11+$0x280] =	vst v26  }
0x117: {  	v26 =	vld [tilespmem:s10+$0x5D0]  }
0x118: {  	v27 =	vld [tilespmem:s10+$0x5E0]  }
0x119: {  	v58 =	vld [tilespmem:s10+$0x5F0]  }
0x11a: {  	v59 =	vld [tilespmem:s10+$0x600]  }
0x11b: {  	v60 =	vld [tilespmem:s10+$0x610]  }
0x11c: {  	v61 =	vld [tilespmem:s10+$0x620];
	vm5 =	veq.s32 v26, $0xFFFFFFFF;
	v26 =	vadd.s32 v4, v26  }
0x11d: {  	v62 =	vld [tilespmem:s10+$0x630];
	vm6 =	veq.s32 v27, $0xFFFFFFFF;
	v27 =	vadd.s32 v6, v27;
	v26 =	vsel vm5, v5, v26  }
0x11e: {  	vm7 =	veq.s32 v58, $0xFFFFFFFF;
	[tilespmem:s10+$0x5D0] =	vst v26;
	v26 =	vsel vm6, v7, v27;
	v27 =	vadd.s32 v8, v58  }
0x11f: {  	vm8 =	veq.s32 v59, $0xFFFFFFFF;
	[tilespmem:s10+$0x5E0] =	vst v26;
	v26 =	vsel vm7, v9, v27;
	v27 =	vadd.s32 v10, v59  }
0x120: {  	vm9 =	veq.s32 v60, $0xFFFFFFFF;
	[tilespmem:s10+$0x5F0] =	vst v26;
	v26 =	vsel vm8, v11, v27;
	v27 =	vadd.s32 v12, v60  }
0x121: {  	vm10 =	veq.s32 v61, $0xFFFFFFFF;
	[tilespmem:s10+$0x600] =	vst v26;
	v26 =	vsel vm9, v13, v27;
	v27 =	vadd.s32 v14, v61  }
0x122: {  	vm11 =	veq.s32 v62, $0xFFFFFFFF;
	[tilespmem:s10+$0x610] =	vst v26;
	v26 =	vsel vm10, v15, v27;
	v27 =	vadd.s32 v16, v62  }
0x123: {  	[tilespmem:s10+$0x620] =	vst v26;
	v26 =	vsel vm11, v17, v27  }
0x124: {  	[tilespmem:s10+$0x630] =	vst v26  }
0x125: {  	v26 =	vld [tilespmem:s11+$0x300];
	_ =	sdelay $0x4  }
0x126: {  	vm12 =	veq.s32 v26, $0xFFFFFFFF;
	v26 =	vadd.s32 v18, v26  }
0x127: {  	v26 =	vsel vm12, v19, v26  }
0x128: {  	[tilespmem:s11+$0x300] =	vst v26  }
0x129: {  	v26 =	vld [tilespmem:s10+$0x650]  }
0x12a: {  	v27 =	vld [tilespmem:s10+$0x660]  }
0x12b: {  	v63 =	vld [tilespmem:s10+$0x670];
	_ =	sdelay $0x2  }
0x12c: {  	vm13 =	veq.s32 v26, $0xFFFFFFFF;
	v26 =	vadd.s32 v20, v26  }
0x12d: {  	vm14 =	veq.s32 v27, $0xFFFFFFFF;
	v27 =	vadd.s32 v22, v27;
	v26 =	vsel vm13, v21, v26  }
0x12e: {  	vm15 =	veq.s32 v63, $0xFFFFFFFF;
	[tilespmem:s10+$0x650] =	vst v26;
	v26 =	vsel vm14, v23, v27;
	v27 =	vadd.s32 v24, v63  }
0x12f: {  	[tilespmem:s10+$0x660] =	vst v26;
	v26 =	vsel vm15, v25, v27  }
0x130: {  	[tilespmem:s10+$0x670] =	vst v26  }
0x131: {  	_ =	swait.ge [sflag:s2], $0x6800  }
0x132: {  	[sflag:s2] =	ssyncset.done $0x0  }
0x133: {  	s21 =	sadd.s32 $0x340, s10;
	[sflag:s2] =	ssyncadd.s32 $0xFFFF9800  }
0x134: {  	[tilespmem:s17], [sflag:$0x1] =	stream.indirect.gather [hbm4b:s3+s15], $0x80, s21, s15, $0xb8;
	[tilespmem:$0x1D400] =	vst v63  }
0x135: {  	s23 =	sadd.s32 $0x3A8, s10  }
0x136: {  	[tilespmem:s19], [sflag:$0x1] =	stream.indirect.gather [hbm4b:s3+s15], $0x80, s23, s15, $0xb8;
	[tilespmem:$0x1D400] =	vst v63  }
0x137: {  	_ =	swait.ge [sflag:s4], $0x3400  }
0x138: {  	[sflag:s4] =	ssyncset.done $0x0  }
0x139: {  	[sflag:s4] =	ssyncadd.s32 $0xFFFFCC00  }
0x13a: {  	_ =	swait.ge [sflag:s4], $0x3400  }
0x13b: {  	[sflag:s4] =	ssyncset.done $0x0  }
0x13c: {  	s23 =	simm.s32 $0x9C00;
	[sflag:s4] =	ssyncadd.s32 $0xFFFFCC00  }
0x13d: {  	[hbm4b:s20+s1] =	stream.strided.scatter [tilespmem:s23], [sflag:$0x6], $0xD00, s0, s1, $0x38;
	[tilespmem:$0x1D400] =	vst v63  }
0x13e: {  	s25 =	sadd.s32 $0x10, s20;
	s13 =	simm.s32 $0xA900  }
0x13f: {  	[hbm4b:s25+s1] =	stream.strided.scatter [tilespmem:s13], [sflag:$0x6], $0xD00, s0, s1, $0x38;
	[tilespmem:$0x1D400] =	vst v63  }
0x140: {  	s16 =	simm.s32 $0xB600;
	s13 =	sadd.s32 $0x20, s20  }
0x141: {  	[hbm4b:s13+s1] =	stream.strided.scatter [tilespmem:s16], [sflag:$0x6], $0xD00, s0, s1, $0x38;
	[tilespmem:$0x1D400] =	vst v63  }
0x142: {  	s21 =	sadd.s32 $0x30, s20;
	s25 =	simm.s32 $0xC300  }
0x143: {  	[hbm4b:s21+s1] =	stream.strided.scatter [tilespmem:s25], [sflag:$0x6], $0xD00, s0, s1, $0x38;
	[tilespmem:$0x1D400] =	vst v63  }
0x144: {  	s13 =	sadd.s32 $0x40, s20;
	s25 =	simm.s32 $0xD000  }
0x145: {  	[hbm4b:s13+s1] =	stream.strided.scatter [tilespmem:s25], [sflag:$0x6], $0xD00, s0, s1, $0x38;
	[tilespmem:$0x1D400] =	vst v63  }
0x146: {  	s16 =	sadd.s32 $0x50, s20;
	s21 =	simm.s32 $0xDD00  }
0x147: {  	[hbm4b:s16+s1] =	stream.strided.scatter [tilespmem:s21], [sflag:$0x6], $0xD00, s0, s1, $0x38;
	[tilespmem:$0x1D400] =	vst v63  }
0x148: {  	s16 =	sadd.s32 $0x60, s20;
	s21 =	simm.s32 $0xEA00  }
0x149: {  	[hbm4b:s16+s1] =	stream.strided.scatter [tilespmem:s21], [sflag:$0x6], $0xD00, s0, s1, $0x38;
	[tilespmem:$0x1D400] =	vst v63  }
0x14a: {  	s16 =	sadd.s32 $0x70, s20;
	s21 =	simm.s32 $0xF700  }
0x14b: {  	[hbm4b:s16+s1] =	stream.strided.scatter [tilespmem:s21], [sflag:$0x6], $0xD00, s0, s1, $0x38;
	[tilespmem:$0x1D400] =	vst v63  }
0x14c: {  	_ =	swait.ge [sflag:s5], $0x6800  }
0x14d: {  	[sflag:s5] =	ssyncset.done $0x0  }
0x14e: {  	s16 =	sadd.s32 $0x410, s10;
	[sflag:s5] =	ssyncadd.s32 $0xFFFF9800  }
0x14f: {  	[tilespmem:s23], [sflag:$0x2] =	stream.indirect.gather [hbm4b:s3+s15], $0x80, s16, s15, $0xb8;
	[tilespmem:$0x1D400] =	vst v63  }
0x150: {  	s13 =	sadd.s32 $0x478, s10  }
0x151: {  	[tilespmem:s25], [sflag:$0x2] =	stream.indirect.gather [hbm4b:s3+s15], $0x80, s13, s15, $0xb8;
	[tilespmem:$0x1D400] =	vst v63  }
0x152: {  	_ =	swait.ge [sflag:s6], $0x3400  }
0x153: {  	[sflag:s6] =	ssyncset.done $0x0  }
0x154: {  	[sflag:s6] =	ssyncadd.s32 $0xFFFFCC00  }
0x155: {  	_ =	swait.ge [sflag:s6], $0x3400  }
0x156: {  	[sflag:s6] =	ssyncset.done $0x0  }
0x157: {  	s28 =	simm.s32 $0x10400;
	[sflag:s6] =	ssyncadd.s32 $0xFFFFCC00  }
0x158: {  	[hbm4b:s22+s1] =	stream.strided.scatter [tilespmem:s28], [sflag:$0x7], $0xD00, s0, s1, $0x38;
	[tilespmem:$0x1D400] =	vst v63  }
0x159: {  	s16 =	sadd.s32 $0x10, s22;
	s25 =	simm.s32 $0x11100  }
0x15a: {  	[hbm4b:s16+s1] =	stream.strided.scatter [tilespmem:s25], [sflag:$0x7], $0xD00, s0, s1, $0x38;
	[tilespmem:$0x1D400] =	vst v63  }
0x15b: {  	s16 =	sadd.s32 $0x20, s22;
	s25 =	simm.s32 $0x11E00  }
0x15c: {  	[hbm4b:s16+s1] =	stream.strided.scatter [tilespmem:s25], [sflag:$0x7], $0xD00, s0, s1, $0x38;
	[tilespmem:$0x1D400] =	vst v63  }
0x15d: {  	s16 =	sadd.s32 $0x30, s22;
	s25 =	simm.s32 $0x12B00  }
0x15e: {  	[hbm4b:s16+s1] =	stream.strided.scatter [tilespmem:s25], [sflag:$0x7], $0xD00, s0, s1, $0x38;
	[tilespmem:$0x1D400] =	vst v63  }
0x15f: {  	s30 =	simm.s32 $0x13800;
	s13 =	sadd.s32 $0x40, s22  }
0x160: {  	[hbm4b:s13+s1] =	stream.strided.scatter [tilespmem:s30], [sflag:$0x7], $0xD00, s0, s1, $0x38;
	[tilespmem:$0x1D400] =	vst v63  }
0x161: {  	s16 =	sadd.s32 $0x50, s22;
	s25 =	simm.s32 $0x14500  }
0x162: {  	[hbm4b:s16+s1] =	stream.strided.scatter [tilespmem:s25], [sflag:$0x7], $0xD00, s0, s1, $0x38;
	[tilespmem:$0x1D400] =	vst v63  }
0x163: {  	s16 =	sadd.s32 $0x60, s22;
	s25 =	simm.s32 $0x15200  }
0x164: {  	[hbm4b:s16+s1] =	stream.strided.scatter [tilespmem:s25], [sflag:$0x7], $0xD00, s0, s1, $0x38;
	[tilespmem:$0x1D400] =	vst v63  }
0x165: {  	s16 =	sadd.s32 $0x70, s22;
	s25 =	simm.s32 $0x15F00  }
0x166: {  	[hbm4b:s16+s1] =	stream.strided.scatter [tilespmem:s25], [sflag:$0x7], $0xD00, s0, s1, $0x38;
	[tilespmem:$0x1D400] =	vst v63  }
0x167: {  	_ =	swait.ge [sflag:s26], $0x6800  }
0x168: {  	[sflag:s26] =	ssyncset.done $0x0  }
0x169: {  	s16 =	sadd.s32 $0x4E0, s10;
	[sflag:s26] =	ssyncadd.s32 $0xFFFF9800  }
0x16a: {  	[tilespmem:s28], [sflag:$0x3] =	stream.indirect.gather [hbm4b:s3+s15], $0x80, s16, s15, $0xb8;
	[tilespmem:$0x1D400] =	vst v63  }
0x16b: {  	s13 =	sadd.s32 $0x548, s10  }
0x16c: {  	[tilespmem:s30], [sflag:$0x3] =	stream.indirect.gather [hbm4b:s3+s15], $0x80, s13, s15, $0xb8;
	[tilespmem:$0x1D400] =	vst v63  }
0x16d: {  	_ =	swait.ge [sflag:s29], $0x3400  }
0x16e: {  	[sflag:s29] =	ssyncset.done $0x0  }
0x16f: {  	[sflag:s29] =	ssyncadd.s32 $0xFFFFCC00  }
0x170: {  	_ =	swait.ge [sflag:s29], $0x3400  }
0x171: {  	[sflag:s29] =	ssyncset.done $0x0  }
0x172: {  	s13 =	simm.s32 $0x16C00;
	[sflag:s29] =	ssyncadd.s32 $0xFFFFCC00  }
0x173: {  	[hbm4b:s24+s1] =	stream.strided.scatter [tilespmem:s13], [sflag:$0x8], $0xD00, s0, s1, $0x38;
	[tilespmem:$0x1D400] =	vst v63  }
0x174: {  	s11 =	sadd.s32 $0x10, s24;
	s16 =	simm.s32 $0x17900  }
0x175: {  	[hbm4b:s11+s1] =	stream.strided.scatter [tilespmem:s16], [sflag:$0x8], $0xD00, s0, s1, $0x38;
	[tilespmem:$0x1D400] =	vst v63  }
0x176: {  	s11 =	sadd.s32 $0x20, s24;
	s16 =	simm.s32 $0x18600  }
0x177: {  	[hbm4b:s11+s1] =	stream.strided.scatter [tilespmem:s16], [sflag:$0x8], $0xD00, s0, s1, $0x38;
	[tilespmem:$0x1D400] =	vst v63  }
0x178: {  	s11 =	sadd.s32 $0x30, s24;
	s16 =	simm.s32 $0x19300  }
0x179: {  	[hbm4b:s11+s1] =	stream.strided.scatter [tilespmem:s16], [sflag:$0x8], $0xD00, s0, s1, $0x38;
	[tilespmem:$0x1D400] =	vst v63  }
0x17a: {  	s11 =	sadd.s32 $0x40, s24;
	s16 =	simm.s32 $0x1A000  }
0x17b: {  	[hbm4b:s11+s1] =	stream.strided.scatter [tilespmem:s16], [sflag:$0x8], $0xD00, s0, s1, $0x38;
	[tilespmem:$0x1D400] =	vst v63  }
0x17c: {  	s30 =	simm.s32 $0x1AD00;
	s11 =	sadd.s32 $0x50, s24  }
0x17d: {  	[hbm4b:s11+s1] =	stream.strided.scatter [tilespmem:s30], [sflag:$0x8], $0xD00, s0, s1, $0x38;
	[tilespmem:$0x1D400] =	vst v63  }
0x17e: {  	s11 =	sadd.s32 $0x60, s24;
	s30 =	simm.s32 $0x1BA00  }
0x17f: {  	[hbm4b:s11+s1] =	stream.strided.scatter [tilespmem:s30], [sflag:$0x8], $0xD00, s0, s1, $0x38;
	[tilespmem:$0x1D400] =	vst v63  }
0x180: {  	s11 =	sadd.s32 $0x70, s24;
	s30 =	simm.s32 $0x1C700  }
0x181: {  	[hbm4b:s11+s1] =	stream.strided.scatter [tilespmem:s30], [sflag:$0x8], $0xD00, s0, s1, $0x38;
	[tilespmem:$0x1D400] =	vst v63  }
0x182: {  	_ =	swait.ge [sflag:s7], $0x6800  }
0x183: {  	[sflag:s7] =	ssyncset.done $0x0  }
0x184: {  	s11 =	sadd.s32 $0x5B0, s10;
	[sflag:s7] =	ssyncadd.s32 $0xFFFF9800  }
0x185: {  	[tilespmem:s13], [sflag:$0x4] =	stream.indirect.gather [hbm4b:s3+s15], $0x80, s11, s15, $0xb8;
	[tilespmem:$0x1D400] =	vst v63  }
0x186: {  	s10 =	sadd.s32 $0x618, s10  }
0x187: {  	[tilespmem:s16], [sflag:$0x4] =	stream.indirect.gather [hbm4b:s3+s15], $0x80, s10, s15, $0xb8;
	[tilespmem:$0x1D400] =	vst v63  }
0x188: {  	_ =	swait.ge [sflag:s31], $0x3400  }
0x189: {  	[sflag:s31] =	ssyncset.done $0x0  }
0x18a: {  	[sflag:s31] =	ssyncadd.s32 $0xFFFFCC00  }
0x18b: {  	_ =	swait.ge [sflag:s31], $0x3400  }
0x18c: {  	[sflag:s31] =	ssyncset.done $0x0  }
0x18d: {  	p0 =	sne.s32 s9, $0xB600;
	[sflag:s31] =	ssyncadd.s32 $0xFFFFCC00  }
0x18e: {  	[hbm4b:s18+s1] =	stream.strided.scatter [tilespmem:s17], [sflag:$0x5], $0xD00, s0, s1, $0x38;
	[tilespmem:$0x1D400] =	vst v63  }
0x18f: {  	s8 =	sadd.s32 $0x340, s8;
	s11 =	simm.s32 $0x4100;
	s16 =	sadd.s32 $0x10, s18  }
0x190: {  	[hbm4b:s16+s1] =	stream.strided.scatter [tilespmem:s11], [sflag:$0x5], $0xD00, s0, s1, $0x38;
	[tilespmem:$0x1D400] =	vst v63  }
0x191: {  	s9 =	sadd.s32 $0xD00, s9;
	s20 =	sadd.s32 $0x3400, s20;
	s16 =	sadd.s32 $0x20, s18  }
0x192: {  	[hbm4b:s16+s1] =	stream.strided.scatter [tilespmem:s12], [sflag:$0x5], $0xD00, s0, s1, $0x38;
	[tilespmem:$0x1D400] =	vst v63  }
0x193: {  	s21 =	simm.s32 $0x9C00;
	s10 =	sadd.s32 $0x30, s18;
	s16 =	simm.s32 $0x5B00  }
0x194: {  	[hbm4b:s10+s1] =	stream.strided.scatter [tilespmem:s16], [sflag:$0x5], $0xD00, s0, s1, $0x38;
	[tilespmem:$0x1D400] =	vst v63  }
0x195: {  	s23 =	simm.s32 $0xD000;
	s22 =	sadd.s32 $0x3400, s22;
	s16 =	sadd.s32 $0x40, s18  }
0x196: {  	[hbm4b:s16+s1] =	stream.strided.scatter [tilespmem:s19], [sflag:$0x5], $0xD00, s0, s1, $0x38;
	[tilespmem:$0x1D400] =	vst v63  }
0x197: {  	s25 =	simm.s32 $0x10400;
	s28 =	simm.s32 $0x13800;
	s16 =	sadd.s32 $0x50, s18  }
0x198: {  	[hbm4b:s16+s1] =	stream.strided.scatter [tilespmem:s14], [sflag:$0x5], $0xD00, s0, s1, $0x38;
	[tilespmem:$0x1D400] =	vst v63  }
.Ltmp0:
0x199: {  	s24 =	sadd.s32 $0x3400, s24;
	s30 =	simm.s32 $0x16C00;
	(pc) =	sbr.rel @p0 .LBB2_2-.Ltmp0, $4  }
0x19a: {  	s13 =	simm.s32 $0x1A000;
	s10 =	sadd.s32 $0x60, s18;
	s16 =	simm.s32 $0x8200  }
0x19b: {  	[hbm4b:s10+s1] =	stream.strided.scatter [tilespmem:s16], [sflag:$0x5], $0xD00, s0, s1, $0x38;
	[tilespmem:$0x1D400] =	vst v63  }
0x19c: {  	s10 =	sadd.s32 $0x70, s18;
	s16 =	simm.s32 $0x8F00;
	s18 =	sadd.s32 $0x3400, s18  }
0x19d: {  	[hbm4b:s10+s1] =	stream.strided.scatter [tilespmem:s16], [sflag:$0x5], $0xD00, s0, s1, $0x38;
	[tilespmem:$0x1D400] =	vst v63  }
0x19e: {  	_ =	swait.ge [sflag:s4], $0x3400  }
0x19f: {  	[sflag:s4] =	ssyncset.done $0x0  }
0x1a0: {  	[sflag:s4] =	ssyncadd.s32 $0xFFFFCC00  }
0x1a1: {  	_ =	swait.ge [sflag:s4], $0x3400  }
0x1a2: {  	[sflag:s4] =	ssyncset.done $0x0  }
0x1a3: {  	s9 =	rddreg [dreg:$0x5];
	[sflag:s4] =	ssyncadd.s32 $0xFFFFCC00  }
0x1a4: {  	[hbm4b:s9+s1] =	stream.strided.scatter [tilespmem:s21], [sflag:$0x6], $0xD00, s0, s1, $0x38;
	[tilespmem:$0x1D400] =	vst v63  }
0x1a5: {  	s10 =	simm.s32 $0xA900;
	s8 =	sadd.s32 $0x10, s9  }
0x1a6: {  	[hbm4b:s8+s1] =	stream.strided.scatter [tilespmem:s10], [sflag:$0x6], $0xD00, s0, s1, $0x38;
	[tilespmem:$0x1D400] =	vst v63  }
0x1a7: {  	s14 =	simm.s32 $0xB600;
	s12 =	sadd.s32 $0x20, s9  }
0x1a8: {  	[hbm4b:s12+s1] =	stream.strided.scatter [tilespmem:s14], [sflag:$0x6], $0xD00, s0, s1, $0x38;
	[tilespmem:$0x1D400] =	vst v63  }
0x1a9: {  	s17 =	simm.s32 $0xC300;
	s16 =	sadd.s32 $0x30, s9  }
0x1aa: {  	[hbm4b:s16+s1] =	stream.strided.scatter [tilespmem:s17], [sflag:$0x6], $0xD00, s0, s1, $0x38;
	[tilespmem:$0x1D400] =	vst v63  }
0x1ab: {  	s18 =	sadd.s32 $0x40, s9  }
0x1ac: {  	[hbm4b:s18+s1] =	stream.strided.scatter [tilespmem:s23], [sflag:$0x6], $0xD00, s0, s1, $0x38;
	[tilespmem:$0x1D400] =	vst v63  }
0x1ad: {  	s20 =	simm.s32 $0xDD00;
	s19 =	sadd.s32 $0x50, s9  }
0x1ae: {  	[hbm4b:s19+s1] =	stream.strided.scatter [tilespmem:s20], [sflag:$0x6], $0xD00, s0, s1, $0x38;
	[tilespmem:$0x1D400] =	vst v63  }
0x1af: {  	s24 =	simm.s32 $0xEA00;
	s22 =	sadd.s32 $0x60, s9  }
0x1b0: {  	[hbm4b:s22+s1] =	stream.strided.scatter [tilespmem:s24], [sflag:$0x6], $0xD00, s0, s1, $0x38;
	[tilespmem:$0x1D400] =	vst v63  }
0x1b1: {  	s9 =	sadd.s32 $0x70, s9;
	s10 =	simm.s32 $0xF700  }
0x1b2: {  	[hbm4b:s9+s1] =	stream.strided.scatter [tilespmem:s10], [sflag:$0x6], $0xD00, s0, s1, $0x38;
	[tilespmem:$0x1D400] =	vst v63  }
0x1b3: {  	_ =	swait.ge [sflag:s6], $0x3400  }
0x1b4: {  	[sflag:s6] =	ssyncset.done $0x0  }
0x1b5: {  	[sflag:s6] =	ssyncadd.s32 $0xFFFFCC00  }
0x1b6: {  	_ =	swait.ge [sflag:s6], $0x3400  }
0x1b7: {  	[sflag:s6] =	ssyncset.done $0x0  }
0x1b8: {  	s9 =	rddreg [dreg:$0x6];
	[sflag:s6] =	ssyncadd.s32 $0xFFFFCC00  }
0x1b9: {  	[hbm4b:s9+s1] =	stream.strided.scatter [tilespmem:s25], [sflag:$0x7], $0xD00, s0, s1, $0x38;
	[tilespmem:$0x1D400] =	vst v63  }
0x1ba: {  	s14 =	simm.s32 $0x11100;
	s12 =	sadd.s32 $0x10, s9  }
0x1bb: {  	[hbm4b:s12+s1] =	stream.strided.scatter [tilespmem:s14], [sflag:$0x7], $0xD00, s0, s1, $0x38;
	[tilespmem:$0x1D400] =	vst v63  }
0x1bc: {  	s17 =	simm.s32 $0x11E00;
	s16 =	sadd.s32 $0x20, s9  }
0x1bd: {  	[hbm4b:s16+s1] =	stream.strided.scatter [tilespmem:s17], [sflag:$0x7], $0xD00, s0, s1, $0x38;
	[tilespmem:$0x1D400] =	vst v63  }
0x1be: {  	s19 =	simm.s32 $0x12B00;
	s18 =	sadd.s32 $0x30, s9  }
0x1bf: {  	[hbm4b:s18+s1] =	stream.strided.scatter [tilespmem:s19], [sflag:$0x7], $0xD00, s0, s1, $0x38;
	[tilespmem:$0x1D400] =	vst v63  }
0x1c0: {  	s20 =	sadd.s32 $0x40, s9  }
0x1c1: {  	[hbm4b:s20+s1] =	stream.strided.scatter [tilespmem:s28], [sflag:$0x7], $0xD00, s0, s1, $0x38;
	[tilespmem:$0x1D400] =	vst v63  }
0x1c2: {  	s24 =	simm.s32 $0x14500;
	s22 =	sadd.s32 $0x50, s9  }
0x1c3: {  	[hbm4b:s22+s1] =	stream.strided.scatter [tilespmem:s24], [sflag:$0x7], $0xD00, s0, s1, $0x38;
	[tilespmem:$0x1D400] =	vst v63  }
0x1c4: {  	s10 =	sadd.s32 $0x60, s9;
	s12 =	simm.s32 $0x15200  }
0x1c5: {  	[hbm4b:s10+s1] =	stream.strided.scatter [tilespmem:s12], [sflag:$0x7], $0xD00, s0, s1, $0x38;
	[tilespmem:$0x1D400] =	vst v63  }
0x1c6: {  	s14 =	sadd.s32 $0x70, s9;
	s16 =	simm.s32 $0x15F00  }
0x1c7: {  	[hbm4b:s14+s1] =	stream.strided.scatter [tilespmem:s16], [sflag:$0x7], $0xD00, s0, s1, $0x38;
	[tilespmem:$0x1D400] =	vst v63  }
0x1c8: {  	_ =	swait.ge [sflag:s29], $0x3400  }
0x1c9: {  	[sflag:s29] =	ssyncset.done $0x0  }
0x1ca: {  	[sflag:s29] =	ssyncadd.s32 $0xFFFFCC00  }
0x1cb: {  	_ =	swait.ge [sflag:s29], $0x3400  }
0x1cc: {  	[sflag:s29] =	ssyncset.done $0x0  }
0x1cd: {  	s9 =	rddreg [dreg:$0x7];
	[sflag:s29] =	ssyncadd.s32 $0xFFFFCC00  }
0x1ce: {  	[hbm4b:s9+s1] =	stream.strided.scatter [tilespmem:s30], [sflag:$0x8], $0xD00, s0, s1, $0x38;
	[tilespmem:$0x1D400] =	vst v63  }
0x1cf: {  	s18 =	simm.s32 $0x17900;
	s17 =	sadd.s32 $0x10, s9  }
0x1d0: {  	[hbm4b:s17+s1] =	stream.strided.scatter [tilespmem:s18], [sflag:$0x8], $0xD00, s0, s1, $0x38;
	[tilespmem:$0x1D400] =	vst v63  }
0x1d1: {  	s20 =	simm.s32 $0x18600;
	s19 =	sadd.s32 $0x20, s9  }
0x1d2: {  	[hbm4b:s19+s1] =	stream.strided.scatter [tilespmem:s20], [sflag:$0x8], $0xD00, s0, s1, $0x38;
	[tilespmem:$0x1D400] =	vst v63  }
0x1d3: {  	s24 =	simm.s32 $0x19300;
	s22 =	sadd.s32 $0x30, s9  }
0x1d4: {  	[hbm4b:s22+s1] =	stream.strided.scatter [tilespmem:s24], [sflag:$0x8], $0xD00, s0, s1, $0x38;
	[tilespmem:$0x1D400] =	vst v63  }
0x1d5: {  	s12 =	sadd.s32 $0x40, s9  }
0x1d6: {  	[hbm4b:s12+s1] =	stream.strided.scatter [tilespmem:s13], [sflag:$0x8], $0xD00, s0, s1, $0x38;
	[tilespmem:$0x1D400] =	vst v63  }
0x1d7: {  	s16 =	simm.s32 $0x1AD00;
	s14 =	sadd.s32 $0x50, s9  }
0x1d8: {  	[hbm4b:s14+s1] =	stream.strided.scatter [tilespmem:s16], [sflag:$0x8], $0xD00, s0, s1, $0x38;
	[tilespmem:$0x1D400] =	vst v63  }
0x1d9: {  	s17 =	sadd.s32 $0x60, s9;
	s18 =	simm.s32 $0x1BA00  }
0x1da: {  	[hbm4b:s17+s1] =	stream.strided.scatter [tilespmem:s18], [sflag:$0x8], $0xD00, s0, s1, $0x38;
	[tilespmem:$0x1D400] =	vst v63  }
0x1db: {  	s19 =	sadd.s32 $0x70, s9;
	s20 =	simm.s32 $0x1C700  }
0x1dc: {  	[hbm4b:s19+s1] =	stream.strided.scatter [tilespmem:s20], [sflag:$0x8], $0xD00, s0, s1, $0x38;
	[tilespmem:$0x1D400] =	vst v63  }
0x1dd: {  	_ =	swait.ge [sflag:s2], $0x6800  }
0x1de: {  	[sflag:s2] =	ssyncset.done $0x0  }
0x1df: {  	[sflag:s2] =	ssyncadd.s32 $0xFFFF9800  }
0x1e0: {  	_ =	swait.ge [sflag:s5], $0x6800  }
0x1e1: {  	[sflag:s5] =	ssyncset.done $0x0  }
0x1e2: {  	[sflag:s5] =	ssyncadd.s32 $0xFFFF9800  }
0x1e3: {  	_ =	swait.ge [sflag:s26], $0x6800  }
0x1e4: {  	[sflag:s26] =	ssyncset.done $0x0  }
0x1e5: {  	[sflag:s26] =	ssyncadd.s32 $0xFFFF9800  }
0x1e6: {  	_ =	swait.ge [sflag:s7], $0x6800  }
0x1e7: {  	s22 =	rddreg [dreg:$0xd]  }
0x1e8: {  	s24 =	rddreg [dreg:$0x8];
	s9 =	sadd.s32 $0x1, s22  }
0x1e9: {  	p0 =	sne.s32 s9, s24  }
.Ltmp1:
0x1ea: {  	_ = 	snop;
	(pc) =	sbr.rel @p0 .LBB2_1-.Ltmp1, $4  }
0x1eb: {  	_ = 	snop  }
0x1ec: {  	s10 =	simm.s32 $0x4E00;
	s12 =	simm.s32 $0x5B00;
	s14 =	simm.s32 $0x8200  }
0x1ed: {  	s16 =	simm.s32 $0x3400;
	s18 =	simm.s32 $0x7500;
	[sflag:s7] =	ssyncset.done $0x0  }
0x1ee: {  	s17 =	simm.s32 $0x6800;
	s19 =	simm.s32 $0x8F00;
	[sflag:s7] =	ssyncadd.s32 $0xFFFF9800  }
0x1ef: {  	_ =	sfence.sel $0x180000  }
0x1f0: {  	[bflag:$0x0] =	sbarrier.arrive $0xFFFF  }
0x1f1: {  	_ =	strace $0x90000047  }
0x1f2: {  	s0 =	stileid.u32;
	[bflag:$0x2] =	sbarrier.arrive $0xFFFF  }
0x1f3: {  	p0 =	sne.s32 s0, $0x0;
	s0 =	rddreg [dreg:$0x2]  }
0x1f4: {  	s0 =	sadd.s32 @!p0 $0x100000, s0  }
0x1f5: {  	[sflag:s0] =	ssyncadd.tile.s32 @!p0 $0x1;
	_ =	shalt  }
.Lfunc_end2:
_tile_overlayer_lowered:
.L_overlay_start_2:
0x1f6: {  	(tag) =	ssettag $0x2  }
0x1f7: {  	s0 =	rddreg [dreg:$0x0];
	s2 =	stileid.u32  }
0x1f8: {  	s1 =	rddreg [dreg:$0x1];
	p0 =	sne.s32 s2, $0x0  }
0x1f9: {  	s3 =	rddreg [dreg:$0x2];
	[bflag:$0x3] =	sbarrier.arrive $0xFFFF;
	s2 =	simm.s32 @!p0 $0x1C09  }
0x1fa: {  	[timem:s3], [sflag:s2] =	dma.local @!p0 [hbm:s0], s1  }
0x1fb: {  	s0 =	simm.s32 @!p0 $0x9  }
0x1fc: {  	_ =	swait.ge @!p0 [sflag:s0], s1  }
0x1fd: {  	s1 =	ssub.s32 @!p0 $0x0, s1;
	[sflag:s0] =	ssyncset.done @!p0 $0x0  }
0x1fe: {  	[sflag:s0] =	ssyncadd.s32 @!p0 s1  }
0x1ff: {  	[bflag:$0x3] =	sbarrier.arrive $0xFFFF  }
0x200: {  	_ =	shalt  }

</sc_bundles>
